<compile_context>
chip_gen: v7x
topology: tpu7x:2x2x1
jax: 0.10.2.dev20260603
libtpu: 0.0.44.dev20260713+nightly
codegen_flags: <defaults>
</compile_context>

<pallas_src>
import functools

import jax
import jax.numpy as jnp
from jax import lax
from jax.experimental import pallas as pl
from jax.experimental.pallas import tpu as pltpu
from jax.experimental.pallas import tpu_sc as plsc

NUM_GRAPHS = 1024
N_ROWS = 100000
D = 128
CHUNK = 400
NUM_CHUNKS = N_ROWS // CHUNK
NC = 2
NS = 16
NW = NC * NS
LANES = 16
GROUPS = CHUNK // LANES


def _body(x_hbm, b_hbm, drop_hbm, out_hbm, drop_v, idx_v, buf_v,
          ix_sem, ib_sem, out_sem):
    wid = lax.axis_index("s") * NC + lax.axis_index("c")
    pltpu.sync_copy(drop_hbm, drop_v)

    def base_of(k):
        return (k * NW + wid) * CHUNK

    def start_in(k, b):
        pltpu.async_copy(x_hbm.at[pl.ds(base_of(k), CHUNK)],
                         buf_v.at[pl.ds(b * CHUNK, CHUNK)], ix_sem.at[b])
        pltpu.async_copy(b_hbm.at[pl.ds(base_of(k), CHUNK)],
                         idx_v.at[pl.ds(b * CHUNK, CHUNK)], ib_sem.at[b])

    def wait_in(b):
        pltpu.make_async_copy(x_hbm.at[pl.ds(0, CHUNK)],
                              buf_v.at[pl.ds(b * CHUNK, CHUNK)],
                              ix_sem.at[b]).wait()
        pltpu.make_async_copy(b_hbm.at[pl.ds(0, CHUNK)],
                              idx_v.at[pl.ds(b * CHUNK, CHUNK)],
                              ib_sem.at[b]).wait()

    def start_out(k, b):
        pltpu.async_copy(buf_v.at[pl.ds(b * CHUNK, CHUNK)],
                         out_hbm.at[pl.ds(base_of(k), CHUNK)], out_sem.at[b])

    def wait_out(b):
        pltpu.make_async_copy(buf_v.at[pl.ds(b * CHUNK, CHUNK)],
                              out_hbm.at[pl.ds(0, CHUNK)],
                              out_sem.at[b]).wait()

    def compute(b):
        @plsc.parallel_loop(0, GROUPS)
        def scale_group(g):
            iv = idx_v[pl.ds(b * CHUNK + g * LANES, LANES)]
            mvec = plsc.load_gather(drop_v, [iv])
            for r in range(LANES):
                m = mvec[r]
                for j in range(D // LANES):
                    sl = pl.ds(j * LANES, LANES)
                    row = b * CHUNK + g * LANES + r
                    buf_v[row, sl] = buf_v[row, sl] * m

    n_mine = 7 + jnp.where(wid < NUM_CHUNKS - 7 * NW, 1, 0)

    start_in(0, 0)

    def chunk_step(k, _):
        b = k & 1
        wait_in(b)

        @pl.when(jnp.logical_and(k + 1 < n_mine, k >= 1))
        def _wait_prev_out():
            wait_out(1 - b)

        @pl.when(k + 1 < n_mine)
        def _prefetch_next():
            start_in(k + 1, 1 - b)

        compute(b)
        start_out(k, b)
        return 0

    lax.fori_loop(0, n_mine, chunk_step, 0)
    wait_out(0)
    wait_out(1)


def kernel(x, batch):
    drop = jnp.ones((NUM_GRAPHS,), x.dtype)
    batch32 = batch.astype(jnp.int32)
    mesh = plsc.VectorSubcoreMesh(core_axis_name="c", subcore_axis_name="s")
    run = functools.partial(
        pl.kernel,
        mesh=mesh,
        out_type=jax.ShapeDtypeStruct((N_ROWS, D), x.dtype),
        compiler_params=pltpu.CompilerParams(needs_layout_passes=False),
        scratch_types=[
            pltpu.VMEM((NUM_GRAPHS,), jnp.float32),
            pltpu.VMEM((2 * CHUNK,), jnp.int32),
            pltpu.VMEM((2 * CHUNK, D), jnp.float32),
            pltpu.SemaphoreType.DMA((2,)),
            pltpu.SemaphoreType.DMA((2,)),
            pltpu.SemaphoreType.DMA((2,)),
        ],
    )(_body)
    return run(x, batch32, drop)

# --- scband reference (transcript-rebuilt; emitter-appended) ---
"""Pipeline reference for scband-graph-drop-path-71554155151594 (READ-ONLY COPY).

The authoritative reference and input builder live on the scoring server;
editing this copy changes nothing except your own understanding.
"""

import jax, jax.numpy as jnp
import numpy as np

DROP_PROB = 0.1
TRAINING = False  # torch nn.Module defaults to training=True only after .train(); harness evals module as constructed; we mirror eval-mode determinism

NUM_GRAPHS_BOUND = 1024  # exclusive upper bound of graph ids drawn in setup_inputs

def drop_path(x, drop_prob=0.0, training=False, key=None):
    if drop_prob == 0.0 or not training:
        return x
    keep_prob = 1.0 - drop_prob
    shape = (x.shape[0],) + (1,) * (x.ndim - 1)
    random_tensor = keep_prob + jax.random.uniform(key, shape, dtype=x.dtype)
    random_tensor = jnp.floor(random_tensor)
    return (x / keep_prob) * random_tensor

def setup_inputs(seed: int = 0) -> dict:
    key = jax.random.key(seed)
    k1, k2 = jax.random.split(key)
    x = jax.random.normal(k1, (100000, 128), dtype=jnp.float32)
    batch = jnp.sort(jax.random.randint(k2, (100000,), 0, 1024, dtype=jnp.int64))
    return {"x": x, "batch": batch}

def reference(x, batch):
    shape = (NUM_GRAPHS_BOUND,) + (1,) * (x.ndim - 1)
    ones = jnp.ones(shape, dtype=x.dtype)
    drop = drop_path(ones, DROP_PROB, TRAINING)
    # gather per-node drop mask by graph id, then elementwise scale
    return x * drop[batch]

if __name__ == "__main__":
    import jax
    _d = setup_inputs()
    print(jax.jit(kernel)(*tuple(_d.values())))

</pallas_src>

<mosaic_0001>
#map = affine_map<(d0, d1) -> (0, 0)>
#map1 = affine_map<(d0, d1) -> (0)>
module attributes {stable_mosaic.version = 14 : i64} {
  func.func @_body(%arg0: i32, %arg1: i32, %arg2: memref<100000x128xf32, #tpu.memory_space<hbm>>, %arg3: memref<100000xi32, #tpu.memory_space<hbm>>, %arg4: memref<1024xf32, #tpu.memory_space<hbm>>, %arg5: memref<100000x128xf32, #tpu.memory_space<hbm>>, %arg6: memref<1024xf32, #tpu.memory_space<vmem>>, %arg7: memref<800xi32, #tpu.memory_space<vmem>>, %arg8: memref<800x128xf32, #tpu.memory_space<vmem>>, %arg9: memref<2x!tpu.dma_semaphore, #tpu.memory_space<semaphore_mem>>, %arg10: memref<2x!tpu.dma_semaphore, #tpu.memory_space<semaphore_mem>>, %arg11: memref<2x!tpu.dma_semaphore, #tpu.memory_space<semaphore_mem>>) attributes {dimension_semantics = [#tpu.dimension_semantics<core_parallel>, #tpu.dimension_semantics<subcore_parallel>], iteration_bounds = array<i64: 2, 16>, scalar_prefetch = 0 : i64, scratch_operands = 6 : i64, tpu.core_type = #tpu.core_type<sc_vector_subcore>, window_params = [{transform_indices = #map}, {transform_indices = #map1}, {transform_indices = #map1}, {transform_indices = #map}]} {
    %mul3A = arith.constant 2 : i32
    %mul3A_0 = arith.muli %arg1, %mul3A : i32
    %add3A = arith.addi %mul3A_0, %arg0 : i32
    "tpu.region"() ({
      %run_scoped3A = tpu.sem_alloc : memref<!tpu.dma_semaphore, #tpu.memory_space<semaphore_mem>>
      tpu.enqueue_dma source(%arg4 : memref<1024xf32, #tpu.memory_space<hbm>>) target(%arg6 : memref<1024xf32, #tpu.memory_space<vmem>>) target_semaphore(%run_scoped3A : memref<!tpu.dma_semaphore, #tpu.memory_space<semaphore_mem>>)
      tpu.wait_dma2 semaphore(%run_scoped3A : memref<!tpu.dma_semaphore, #tpu.memory_space<semaphore_mem>>) src(%arg4 : memref<1024xf32, #tpu.memory_space<hbm>>) dst(%arg6 : memref<1024xf32, #tpu.memory_space<vmem>>)
      tpu.yield
    }) : () -> ()
    %lt3A = arith.constant 26 : i32
    %lt3A_1 = arith.cmpi slt, %add3A, %lt3A : i32
    %jit3A = arith.constant 1 : i32
    %jit3A_2 = arith.constant 0 : i32
    %select_n3A = arith.select %lt3A_1, %jit3A, %jit3A_2 : i32
    %add3A_3 = arith.constant 7 : i32
    %add3A_4 = arith.addi %add3A_3, %select_n3A : i32
    %add3A_5 = arith.constant 0 : i32
    %add3A_6 = arith.addi %add3A_5, %add3A : i32
    %mul3A_7 = arith.constant 400 : i32
    %mul3A_8 = arith.muli %add3A_6, %mul3A_7 : i32
    %dma_start3A = arith.constant 0 : i32
    %dma_start3A_9 = arith.constant 0 : i32
    %dma_start3A_10 = arith.constant 0 : i32
    %dma_start3A_11 = tpu.memref_slice %arg8[%dma_start3A_9, %dma_start3A_10] : memref<800x128xf32, #tpu.memory_space<vmem>> -> memref<400x128xf32, #tpu.memory_space<vmem>>
    %dma_start3A_12 = arith.constant 0 : i32
    %dma_start3A_13 = tpu.memref_slice %arg2[%mul3A_8, %dma_start3A_12] : memref<100000x128xf32, #tpu.memory_space<hbm>> -> memref<400x128xf32, #tpu.memory_space<hbm>>
    %dma_start3A_14 = tpu.memref_slice %arg9[%dma_start3A] : memref<2x!tpu.dma_semaphore, #tpu.memory_space<semaphore_mem>> -> memref<1x!tpu.dma_semaphore, #tpu.memory_space<semaphore_mem>>
    %dma_start3A_15 = tpu.memref_squeeze %dma_start3A_14 : memref<1x!tpu.dma_semaphore, #tpu.memory_space<semaphore_mem>> -> memref<!tpu.dma_semaphore, #tpu.memory_space<semaphore_mem>>
    %dma_start3A_16 = arith.constant 0 : i32
    %dma_start3A_17 = arith.constant 0 : i32
    %dma_start3A_18 = tpu.memref_slice %arg8[%dma_start3A_16, %dma_start3A_17] : memref<800x128xf32, #tpu.memory_space<vmem>> -> memref<400x128xf32, #tpu.memory_space<vmem>>
    %dma_start3A_19 = arith.constant 0 : i32
    %dma_start3A_20 = tpu.memref_slice %arg2[%mul3A_8, %dma_start3A_19] : memref<100000x128xf32, #tpu.memory_space<hbm>> -> memref<400x128xf32, #tpu.memory_space<hbm>>
    tpu.enqueue_dma source(%dma_start3A_20 : memref<400x128xf32, #tpu.memory_space<hbm>>) target(%dma_start3A_18 : memref<400x128xf32, #tpu.memory_space<vmem>>) target_semaphore(%dma_start3A_15 : memref<!tpu.dma_semaphore, #tpu.memory_space<semaphore_mem>>)
    %add3A_21 = arith.constant 0 : i32
    %add3A_22 = arith.addi %add3A_21, %add3A : i32
    %mul3A_23 = arith.constant 400 : i32
    %mul3A_24 = arith.muli %add3A_22, %mul3A_23 : i32
    %dma_start3A_25 = arith.constant 0 : i32
    %dma_start3A_26 = arith.constant 0 : i32
    %dma_start3A_27 = tpu.memref_slice %arg7[%dma_start3A_26] : memref<800xi32, #tpu.memory_space<vmem>> -> memref<400xi32, #tpu.memory_space<vmem>>
    %dma_start3A_28 = tpu.memref_slice %arg3[%mul3A_24] : memref<100000xi32, #tpu.memory_space<hbm>> -> memref<400xi32, #tpu.memory_space<hbm>>
    %dma_start3A_29 = tpu.memref_slice %arg10[%dma_start3A_25] : memref<2x!tpu.dma_semaphore, #tpu.memory_space<semaphore_mem>> -> memref<1x!tpu.dma_semaphore, #tpu.memory_space<semaphore_mem>>
    %dma_start3A_30 = tpu.memref_squeeze %dma_start3A_29 : memref<1x!tpu.dma_semaphore, #tpu.memory_space<semaphore_mem>> -> memref<!tpu.dma_semaphore, #tpu.memory_space<semaphore_mem>>
    %dma_start3A_31 = arith.constant 0 : i32
    %dma_start3A_32 = tpu.memref_slice %arg7[%dma_start3A_31] : memref<800xi32, #tpu.memory_space<vmem>> -> memref<400xi32, #tpu.memory_space<vmem>>
    %dma_start3A_33 = tpu.memref_slice %arg3[%mul3A_24] : memref<100000xi32, #tpu.memory_space<hbm>> -> memref<400xi32, #tpu.memory_space<hbm>>
    tpu.enqueue_dma source(%dma_start3A_33 : memref<400xi32, #tpu.memory_space<hbm>>) target(%dma_start3A_32 : memref<400xi32, #tpu.memory_space<vmem>>) target_semaphore(%dma_start3A_30 : memref<!tpu.dma_semaphore, #tpu.memory_space<semaphore_mem>>)
    %while3A = arith.constant 0 : i32
    %while3A_34 = arith.constant 0 : i32
    %while3A_35 = arith.subi %add3A_4, %while3A : i32
    %while3A_36 = arith.addi %while3A, %while3A_35 : i32
    %while3A_37 = arith.constant 1 : i32
    %while3A_38 = arith.divsi %while3A_35, %while3A_37 : i32
    %while3A_39 = arith.muli %while3A_38, %while3A_37 : i32
    %while3A_40 = arith.addi %while3A, %while3A_39 : i32
    %while3A_41 = arith.constant 1 : i32
    %while3A_42 = scf.for %while3A_74 = %while3A to %while3A_40 step %while3A_41 iter_args(%while3A_75 = %while3A_34) -> (i32)  : i32 {
      %and3A = arith.constant 1 : i32
      %and3A_76 = arith.andi %while3A_74, %and3A : i32
      %mul3A_77 = arith.constant 400 : i32
      %mul3A_78 = arith.muli %and3A_76, %mul3A_77 : i32
      %dma_wait3A_79 = arith.constant 0 : i32
      %dma_wait3A_80 = tpu.memref_slice %arg8[%mul3A_78, %dma_wait3A_79] : memref<800x128xf32, #tpu.memory_space<vmem>> -> memref<400x128xf32, #tpu.memory_space<vmem>>
      %dma_wait3A_81 = arith.constant 0 : i32
      %dma_wait3A_82 = arith.constant 0 : i32
      %dma_wait3A_83 = tpu.memref_slice %arg2[%dma_wait3A_81, %dma_wait3A_82] : memref<100000x128xf32, #tpu.memory_space<hbm>> -> memref<400x128xf32, #tpu.memory_space<hbm>>
      %dma_wait3A_84 = tpu.memref_slice %arg9[%and3A_76] : memref<2x!tpu.dma_semaphore, #tpu.memory_space<semaphore_mem>> -> memref<1x!tpu.dma_semaphore, #tpu.memory_space<semaphore_mem>>
      %dma_wait3A_85 = tpu.memref_squeeze %dma_wait3A_84 : memref<1x!tpu.dma_semaphore, #tpu.memory_space<semaphore_mem>> -> memref<!tpu.dma_semaphore, #tpu.memory_space<semaphore_mem>>
      %dma_wait3A_86 = arith.constant 0 : i32
      %dma_wait3A_87 = tpu.memref_slice %arg8[%mul3A_78, %dma_wait3A_86] : memref<800x128xf32, #tpu.memory_space<vmem>> -> memref<400x128xf32, #tpu.memory_space<vmem>>
      %dma_wait3A_88 = arith.constant 0 : i32
      %dma_wait3A_89 = arith.constant 0 : i32
      %dma_wait3A_90 = tpu.memref_slice %arg2[%dma_wait3A_88, %dma_wait3A_89] : memref<100000x128xf32, #tpu.memory_space<hbm>> -> memref<400x128xf32, #tpu.memory_space<hbm>>
      tpu.wait_dma2 semaphore(%dma_wait3A_85 : memref<!tpu.dma_semaphore, #tpu.memory_space<semaphore_mem>>) src(%dma_wait3A_90 : memref<400x128xf32, #tpu.memory_space<hbm>>) dst(%dma_wait3A_87 : memref<400x128xf32, #tpu.memory_space<vmem>>)
      %mul3A_91 = arith.constant 400 : i32
      %mul3A_92 = arith.muli %and3A_76, %mul3A_91 : i32
      %dma_wait3A_93 = tpu.memref_slice %arg7[%mul3A_92] : memref<800xi32, #tpu.memory_space<vmem>> -> memref<400xi32, #tpu.memory_space<vmem>>
      %dma_wait3A_94 = arith.constant 0 : i32
      %dma_wait3A_95 = tpu.memref_slice %arg3[%dma_wait3A_94] : memref<100000xi32, #tpu.memory_space<hbm>> -> memref<400xi32, #tpu.memory_space<hbm>>
      %dma_wait3A_96 = tpu.memref_slice %arg10[%and3A_76] : memref<2x!tpu.dma_semaphore, #tpu.memory_space<semaphore_mem>> -> memref<1x!tpu.dma_semaphore, #tpu.memory_space<semaphore_mem>>
      %dma_wait3A_97 = tpu.memref_squeeze %dma_wait3A_96 : memref<1x!tpu.dma_semaphore, #tpu.memory_space<semaphore_mem>> -> memref<!tpu.dma_semaphore, #tpu.memory_space<semaphore_mem>>
      %dma_wait3A_98 = tpu.memref_slice %arg7[%mul3A_92] : memref<800xi32, #tpu.memory_space<vmem>> -> memref<400xi32, #tpu.memory_space<vmem>>
      %dma_wait3A_99 = arith.constant 0 : i32
      %dma_wait3A_100 = tpu.memref_slice %arg3[%dma_wait3A_99] : memref<100000xi32, #tpu.memory_space<hbm>> -> memref<400xi32, #tpu.memory_space<hbm>>
      tpu.wait_dma2 semaphore(%dma_wait3A_97 : memref<!tpu.dma_semaphore, #tpu.memory_space<semaphore_mem>>) src(%dma_wait3A_100 : memref<400xi32, #tpu.memory_space<hbm>>) dst(%dma_wait3A_98 : memref<400xi32, #tpu.memory_space<vmem>>)
      %add3A_101 = arith.constant 1 : i32
      %add3A_102 = arith.addi %while3A_74, %add3A_101 : i32
      %lt3A_103 = arith.cmpi slt, %add3A_102, %add3A_4 : i32
      %ge3A = arith.constant 1 : i32
      %ge3A_104 = arith.cmpi sge, %while3A_74, %ge3A : i32
      %and3A_105 = arith.andi %lt3A_103, %ge3A_104 : i1
      %convert_element_type3A = arith.extui %and3A_105 : i1 to i32
      %cond3A = arith.constant 0 : i32
      %cond3A_106 = arith.cmpi ne, %convert_element_type3A, %cond3A : i32
      scf.if %cond3A_106 {
        %sub3A = arith.constant 1 : i32
        %sub3A_133 = arith.subi %sub3A, %and3A_76 : i32
        %mul3A_134 = arith.constant 400 : i32
        %mul3A_135 = arith.muli %sub3A_133, %mul3A_134 : i32
        %dma_wait3A_136 = arith.constant 0 : i32
        %dma_wait3A_137 = tpu.memref_slice %arg8[%mul3A_135, %dma_wait3A_136] : memref<800x128xf32, #tpu.memory_space<vmem>> -> memref<400x128xf32, #tpu.memory_space<vmem>>
        %dma_wait3A_138 = arith.constant 0 : i32
        %dma_wait3A_139 = arith.constant 0 : i32
        %dma_wait3A_140 = tpu.memref_slice %arg5[%dma_wait3A_138, %dma_wait3A_139] : memref<100000x128xf32, #tpu.memory_space<hbm>> -> memref<400x128xf32, #tpu.memory_space<hbm>>
        %dma_wait3A_141 = tpu.memref_slice %arg11[%sub3A_133] : memref<2x!tpu.dma_semaphore, #tpu.memory_space<semaphore_mem>> -> memref<1x!tpu.dma_semaphore, #tpu.memory_space<semaphore_mem>>
        %dma_wait3A_142 = tpu.memref_squeeze %dma_wait3A_141 : memref<1x!tpu.dma_semaphore, #tpu.memory_space<semaphore_mem>> -> memref<!tpu.dma_semaphore, #tpu.memory_space<semaphore_mem>>
        %dma_wait3A_143 = arith.constant 0 : i32
        %dma_wait3A_144 = arith.constant 0 : i32
        %dma_wait3A_145 = tpu.memref_slice %arg5[%dma_wait3A_143, %dma_wait3A_144] : memref<100000x128xf32, #tpu.memory_space<hbm>> -> memref<400x128xf32, #tpu.memory_space<hbm>>
        %dma_wait3A_146 = arith.constant 0 : i32
        %dma_wait3A_147 = tpu.memref_slice %arg8[%mul3A_135, %dma_wait3A_146] : memref<800x128xf32, #tpu.memory_space<vmem>> -> memref<400x128xf32, #tpu.memory_space<vmem>>
        tpu.wait_dma2 semaphore(%dma_wait3A_142 : memref<!tpu.dma_semaphore, #tpu.memory_space<semaphore_mem>>) src(%dma_wait3A_147 : memref<400x128xf32, #tpu.memory_space<vmem>>) dst(%dma_wait3A_145 : memref<400x128xf32, #tpu.memory_space<hbm>>)
      } else {
      }
      %add3A_107 = arith.constant 1 : i32
      %add3A_108 = arith.addi %while3A_74, %add3A_107 : i32
      %lt3A_109 = arith.cmpi slt, %add3A_108, %add3A_4 : i32
      %convert_element_type3A_110 = arith.extui %lt3A_109 : i1 to i32
      %cond3A_111 = arith.constant 0 : i32
      %cond3A_112 = arith.cmpi ne, %convert_element_type3A_110, %cond3A_111 : i32
      scf.if %cond3A_112 {
        %add3A_133 = arith.constant 1 : i32
        %add3A_134 = arith.addi %while3A_74, %add3A_133 : i32
        %sub3A = arith.constant 1 : i32
        %sub3A_135 = arith.subi %sub3A, %and3A_76 : i32
        %mul3A_136 = arith.constant 32 : i32
        %mul3A_137 = arith.muli %add3A_134, %mul3A_136 : i32
        %add3A_138 = arith.addi %mul3A_137, %add3A : i32
        %mul3A_139 = arith.constant 400 : i32
        %mul3A_140 = arith.muli %add3A_138, %mul3A_139 : i32
        %mul3A_141 = arith.constant 400 : i32
        %mul3A_142 = arith.muli %sub3A_135, %mul3A_141 : i32
        %dma_start3A_143 = arith.constant 0 : i32
        %dma_start3A_144 = tpu.memref_slice %arg8[%mul3A_142, %dma_start3A_143] : memref<800x128xf32, #tpu.memory_space<vmem>> -> memref<400x128xf32, #tpu.memory_space<vmem>>
        %dma_start3A_145 = arith.constant 0 : i32
        %dma_start3A_146 = tpu.memref_slice %arg2[%mul3A_140, %dma_start3A_145] : memref<100000x128xf32, #tpu.memory_space<hbm>> -> memref<400x128xf32, #tpu.memory_space<hbm>>
        %dma_start3A_147 = tpu.memref_slice %arg9[%sub3A_135] : memref<2x!tpu.dma_semaphore, #tpu.memory_space<semaphore_mem>> -> memref<1x!tpu.dma_semaphore, #tpu.memory_space<semaphore_mem>>
        %dma_start3A_148 = tpu.memref_squeeze %dma_start3A_147 : memref<1x!tpu.dma_semaphore, #tpu.memory_space<semaphore_mem>> -> memref<!tpu.dma_semaphore, #tpu.memory_space<semaphore_mem>>
        %dma_start3A_149 = arith.constant 0 : i32
        %dma_start3A_150 = tpu.memref_slice %arg8[%mul3A_142, %dma_start3A_149] : memref<800x128xf32, #tpu.memory_space<vmem>> -> memref<400x128xf32, #tpu.memory_space<vmem>>
        %dma_start3A_151 = arith.constant 0 : i32
        %dma_start3A_152 = tpu.memref_slice %arg2[%mul3A_140, %dma_start3A_151] : memref<100000x128xf32, #tpu.memory_space<hbm>> -> memref<400x128xf32, #tpu.memory_space<hbm>>
        tpu.enqueue_dma source(%dma_start3A_152 : memref<400x128xf32, #tpu.memory_space<hbm>>) target(%dma_start3A_150 : memref<400x128xf32, #tpu.memory_space<vmem>>) target_semaphore(%dma_start3A_148 : memref<!tpu.dma_semaphore, #tpu.memory_space<semaphore_mem>>)
        %mul3A_153 = arith.constant 32 : i32
        %mul3A_154 = arith.muli %add3A_134, %mul3A_153 : i32
        %add3A_155 = arith.addi %mul3A_154, %add3A : i32
        %mul3A_156 = arith.constant 400 : i32
        %mul3A_157 = arith.muli %add3A_155, %mul3A_156 : i32
        %mul3A_158 = arith.constant 400 : i32
        %mul3A_159 = arith.muli %sub3A_135, %mul3A_158 : i32
        %dma_start3A_160 = tpu.memref_slice %arg7[%mul3A_159] : memref<800xi32, #tpu.memory_space<vmem>> -> memref<400xi32, #tpu.memory_space<vmem>>
        %dma_start3A_161 = tpu.memref_slice %arg3[%mul3A_157] : memref<100000xi32, #tpu.memory_space<hbm>> -> memref<400xi32, #tpu.memory_space<hbm>>
        %dma_start3A_162 = tpu.memref_slice %arg10[%sub3A_135] : memref<2x!tpu.dma_semaphore, #tpu.memory_space<semaphore_mem>> -> memref<1x!tpu.dma_semaphore, #tpu.memory_space<semaphore_mem>>
        %dma_start3A_163 = tpu.memref_squeeze %dma_start3A_162 : memref<1x!tpu.dma_semaphore, #tpu.memory_space<semaphore_mem>> -> memref<!tpu.dma_semaphore, #tpu.memory_space<semaphore_mem>>
        %dma_start3A_164 = tpu.memref_slice %arg7[%mul3A_159] : memref<800xi32, #tpu.memory_space<vmem>> -> memref<400xi32, #tpu.memory_space<vmem>>
        %dma_start3A_165 = tpu.memref_slice %arg3[%mul3A_157] : memref<100000xi32, #tpu.memory_space<hbm>> -> memref<400xi32, #tpu.memory_space<hbm>>
        tpu.enqueue_dma source(%dma_start3A_165 : memref<400xi32, #tpu.memory_space<hbm>>) target(%dma_start3A_164 : memref<400xi32, #tpu.memory_space<vmem>>) target_semaphore(%dma_start3A_163 : memref<!tpu.dma_semaphore, #tpu.memory_space<semaphore_mem>>)
      } else {
      }
      %parallel_loop3A = arith.constant 0 : i32
      %parallel_loop3A_113 = arith.constant 25 : i32
      %parallel_loop3A_114 = arith.constant 1 : i32
      scf.for %parallel_loop3A_133 = %parallel_loop3A to %parallel_loop3A_113 step %parallel_loop3A_114  : i32 {
        %parallel_loop3A_134 = arith.constant 400 : i32
        %parallel_loop3A_135 = arith.muli %and3A_76, %parallel_loop3A_134 : i32
        %parallel_loop3A_136 = arith.constant 16 : i32
        %parallel_loop3A_137 = arith.muli %parallel_loop3A_133, %parallel_loop3A_136 : i32
        %parallel_loop3A_138 = arith.addi %parallel_loop3A_135, %parallel_loop3A_137 : i32
        %parallel_loop3A_139 = arith.index_cast %parallel_loop3A_138 : i32 to index
        %parallel_loop3A_140 = tpu.vector_load %arg7[%parallel_loop3A_139] {strides = array<i32>} : memref<800xi32, #tpu.memory_space<vmem>>, vector<16xi32>,
        %parallel_loop3A_141 = tpu.vector_load_idx %arg6[%parallel_loop3A_140] : memref<1024xf32, #tpu.memory_space<vmem>>[vector<16xi32>], vector<16xf32>,
        %parallel_loop3A_142 = vector.extract_strided_slice %parallel_loop3A_141 {offsets = [0], sizes = [1], strides = [1]} : vector<16xf32> to vector<1xf32>
        %parallel_loop3A_143 = vector.extract %parallel_loop3A_142[0] : f32 from vector<1xf32>
        %parallel_loop3A_144 = arith.constant 400 : i32
        %parallel_loop3A_145 = arith.muli %and3A_76, %parallel_loop3A_144 : i32
        %parallel_loop3A_146 = arith.constant 16 : i32
        %parallel_loop3A_147 = arith.muli %parallel_loop3A_133, %parallel_loop3A_146 : i32
        %parallel_loop3A_148 = arith.addi %parallel_loop3A_145, %parallel_loop3A_147 : i32
        %parallel_loop3A_149 = arith.constant 0 : i32
        %parallel_loop3A_150 = arith.addi %parallel_loop3A_148, %parallel_loop3A_149 : i32
        %parallel_loop3A_151 = arith.index_cast %parallel_loop3A_150 : i32 to index
        %parallel_loop3A_152 = arith.constant 0 : index
        %parallel_loop3A_153 = tpu.vector_load %arg8[%parallel_loop3A_151, %parallel_loop3A_152] {strides = array<i32>} : memref<800x128xf32, #tpu.memory_space<vmem>>, vector<16xf32>,
        %parallel_loop3A_154 = vector.broadcast %parallel_loop3A_143 : f32 to vector<16xf32>
        %parallel_loop3A_155 = arith.mulf %parallel_loop3A_153, %parallel_loop3A_154 : vector<16xf32>
        %parallel_loop3A_156 = arith.index_cast %parallel_loop3A_150 : i32 to index
        %parallel_loop3A_157 = arith.constant 0 : index
        %parallel_loop3A_158 = tpu.vector_load %arg8[%parallel_loop3A_156, %parallel_loop3A_157] {strides = array<i32>} : memref<800x128xf32, #tpu.memory_space<vmem>>, vector<16xf32>,
        tpu.vector_store %arg8[%parallel_loop3A_156, %parallel_loop3A_157], %parallel_loop3A_155 {strides = array<i32>} : memref<800x128xf32, #tpu.memory_space<vmem>>, vector<16xf32>,
        %parallel_loop3A_159 = arith.constant 400 : i32
        %parallel_loop3A_160 = arith.muli %and3A_76, %parallel_loop3A_159 : i32
        %parallel_loop3A_161 = arith.constant 16 : i32
        %parallel_loop3A_162 = arith.muli %parallel_loop3A_133, %parallel_loop3A_161 : i32
        %parallel_loop3A_163 = arith.addi %parallel_loop3A_160, %parallel_loop3A_162 : i32
        %parallel_loop3A_164 = arith.constant 0 : i32
        %parallel_loop3A_165 = arith.addi %parallel_loop3A_163, %parallel_loop3A_164 : i32
        %parallel_loop3A_166 = arith.index_cast %parallel_loop3A_165 : i32 to index
        %parallel_loop3A_167 = arith.constant 16 : index
        %parallel_loop3A_168 = tpu.vector_load %arg8[%parallel_loop3A_166, %parallel_loop3A_167] {strides = array<i32>} : memref<800x128xf32, #tpu.memory_space<vmem>>, vector<16xf32>,
        %parallel_loop3A_169 = vector.broadcast %parallel_loop3A_143 : f32 to vector<16xf32>
        %parallel_loop3A_170 = arith.mulf %parallel_loop3A_168, %parallel_loop3A_169 : vector<16xf32>
        %parallel_loop3A_171 = arith.index_cast %parallel_loop3A_165 : i32 to index
        %parallel_loop3A_172 = arith.constant 16 : index
        %parallel_loop3A_173 = tpu.vector_load %arg8[%parallel_loop3A_171, %parallel_loop3A_172] {strides = array<i32>} : memref<800x128xf32, #tpu.memory_space<vmem>>, vector<16xf32>,
        tpu.vector_store %arg8[%parallel_loop3A_171, %parallel_loop3A_172], %parallel_loop3A_170 {strides = array<i32>} : memref<800x128xf32, #tpu.memory_space<vmem>>, vector<16xf32>,
        %parallel_loop3A_174 = arith.constant 400 : i32
        %parallel_loop3A_175 = arith.muli %and3A_76, %parallel_loop3A_174 : i32
        %parallel_loop3A_176 = arith.constant 16 : i32
        %parallel_loop3A_177 = arith.muli %parallel_loop3A_133, %parallel_loop3A_176 : i32
        %parallel_loop3A_178 = arith.addi %parallel_loop3A_175, %parallel_loop3A_177 : i32
        %parallel_loop3A_179 = arith.constant 0 : i32
        %parallel_loop3A_180 = arith.addi %parallel_loop3A_178, %parallel_loop3A_179 : i32
        %parallel_loop3A_181 = arith.index_cast %parallel_loop3A_180 : i32 to index
        %parallel_loop3A_182 = arith.constant 32 : index
        %parallel_loop3A_183 = tpu.vector_load %arg8[%parallel_loop3A_181, %parallel_loop3A_182] {strides = array<i32>} : memref<800x128xf32, #tpu.memory_space<vmem>>, vector<16xf32>,
        %parallel_loop3A_184 = vector.broadcast %parallel_loop3A_143 : f32 to vector<16xf32>
        %parallel_loop3A_185 = arith.mulf %parallel_loop3A_183, %parallel_loop3A_184 : vector<16xf32>
        %parallel_loop3A_186 = arith.index_cast %parallel_loop3A_180 : i32 to index
        %parallel_loop3A_187 = arith.constant 32 : index
        %parallel_loop3A_188 = tpu.vector_load %arg8[%parallel_loop3A_186, %parallel_loop3A_187] {strides = array<i32>} : memref<800x128xf32, #tpu.memory_space<vmem>>, vector<16xf32>,
        tpu.vector_store %arg8[%parallel_loop3A_186, %parallel_loop3A_187], %parallel_loop3A_185 {strides = array<i32>} : memref<800x128xf32, #tpu.memory_space<vmem>>, vector<16xf32>,
        %parallel_loop3A_189 = arith.constant 400 : i32
        %parallel_loop3A_190 = arith.muli %and3A_76, %parallel_loop3A_189 : i32
        %parallel_loop3A_191 = arith.constant 16 : i32
        %parallel_loop3A_192 = arith.muli %parallel_loop3A_133, %parallel_loop3A_191 : i32
        %parallel_loop3A_193 = arith.addi %parallel_loop3A_190, %parallel_loop3A_192 : i32
        %parallel_loop3A_194 = arith.constant 0 : i32
        %parallel_loop3A_195 = arith.addi %parallel_loop3A_193, %parallel_loop3A_194 : i32
        %parallel_loop3A_196 = arith.index_cast %parallel_loop3A_195 : i32 to index
        %parallel_loop3A_197 = arith.constant 48 : index
        %parallel_loop3A_198 = tpu.vector_load %arg8[%parallel_loop3A_196, %parallel_loop3A_197] {strides = array<i32>} : memref<800x128xf32, #tpu.memory_space<vmem>>, vector<16xf32>,
        %parallel_loop3A_199 = vector.broadcast %parallel_loop3A_143 : f32 to vector<16xf32>
        %parallel_loop3A_200 = arith.mulf %parallel_loop3A_198, %parallel_loop3A_199 : vector<16xf32>
        %parallel_loop3A_201 = arith.index_cast %parallel_loop3A_195 : i32 to index
        %parallel_loop3A_202 = arith.constant 48 : index
        %parallel_loop3A_203 = tpu.vector_load %arg8[%parallel_loop3A_201, %parallel_loop3A_202] {strides = array<i32>} : memref<800x128xf32, #tpu.memory_space<vmem>>, vector<16xf32>,
        tpu.vector_store %arg8[%parallel_loop3A_201, %parallel_loop3A_202], %parallel_loop3A_200 {strides = array<i32>} : memref<800x128xf32, #tpu.memory_space<vmem>>, vector<16xf32>,
        %parallel_loop3A_204 = arith.constant 400 : i32
        %parallel_loop3A_205 = arith.muli %and3A_76, %parallel_loop3A_204 : i32
        %parallel_loop3A_206 = arith.constant 16 : i32
        %parallel_loop3A_207 = arith.muli %parallel_loop3A_133, %parallel_loop3A_206 : i32
        %parallel_loop3A_208 = arith.addi %parallel_loop3A_205, %parallel_loop3A_207 : i32
        %parallel_loop3A_209 = arith.constant 0 : i32
        %parallel_loop3A_210 = arith.addi %parallel_loop3A_208, %parallel_loop3A_209 : i32
        %parallel_loop3A_211 = arith.index_cast %parallel_loop3A_210 : i32 to index
        %parallel_loop3A_212 = arith.constant 64 : index
        %parallel_loop3A_213 = tpu.vector_load %arg8[%parallel_loop3A_211, %parallel_loop3A_212] {strides = array<i32>} : memref<800x128xf32, #tpu.memory_space<vmem>>, vector<16xf32>,
        %parallel_loop3A_214 = vector.broadcast %parallel_loop3A_143 : f32 to vector<16xf32>
        %parallel_loop3A_215 = arith.mulf %parallel_loop3A_213, %parallel_loop3A_214 : vector<16xf32>
        %parallel_loop3A_216 = arith.index_cast %parallel_loop3A_210 : i32 to index
        %parallel_loop3A_217 = arith.constant 64 : index
        %parallel_loop3A_218 = tpu.vector_load %arg8[%parallel_loop3A_216, %parallel_loop3A_217] {strides = array<i32>} : memref<800x128xf32, #tpu.memory_space<vmem>>, vector<16xf32>,
        tpu.vector_store %arg8[%parallel_loop3A_216, %parallel_loop3A_217], %parallel_loop3A_215 {strides = array<i32>} : memref<800x128xf32, #tpu.memory_space<vmem>>, vector<16xf32>,
        %parallel_loop3A_219 = arith.constant 400 : i32
        %parallel_loop3A_220 = arith.muli %and3A_76, %parallel_loop3A_219 : i32
        %parallel_loop3A_221 = arith.constant 16 : i32
        %parallel_loop3A_222 = arith.muli %parallel_loop3A_133, %parallel_loop3A_221 : i32
        %parallel_loop3A_223 = arith.addi %parallel_loop3A_220, %parallel_loop3A_222 : i32
        %parallel_loop3A_224 = arith.constant 0 : i32
        %parallel_loop3A_225 = arith.addi %parallel_loop3A_223, %parallel_loop3A_224 : i32
        %parallel_loop3A_226 = arith.index_cast %parallel_loop3A_225 : i32 to index
        %parallel_loop3A_227 = arith.constant 80 : index
        %parallel_loop3A_228 = tpu.vector_load %arg8[%parallel_loop3A_226, %parallel_loop3A_227] {strides = array<i32>} : memref<800x128xf32, #tpu.memory_space<vmem>>, vector<16xf32>,
        %parallel_loop3A_229 = vector.broadcast %parallel_loop3A_143 : f32 to vector<16xf32>
        %parallel_loop3A_230 = arith.mulf %parallel_loop3A_228, %parallel_loop3A_229 : vector<16xf32>
        %parallel_loop3A_231 = arith.index_cast %parallel_loop3A_225 : i32 to index
        %parallel_loop3A_232 = arith.constant 80 : index
        %parallel_loop3A_233 = tpu.vector_load %arg8[%parallel_loop3A_231, %parallel_loop3A_232] {strides = array<i32>} : memref<800x128xf32, #tpu.memory_space<vmem>>, vector<16xf32>,
        tpu.vector_store %arg8[%parallel_loop3A_231, %parallel_loop3A_232], %parallel_loop3A_230 {strides = array<i32>} : memref<800x128xf32, #tpu.memory_space<vmem>>, vector<16xf32>,
        %parallel_loop3A_234 = arith.constant 400 : i32
        %parallel_loop3A_235 = arith.muli %and3A_76, %parallel_loop3A_234 : i32
        %parallel_loop3A_236 = arith.constant 16 : i32
        %parallel_loop3A_237 = arith.muli %parallel_loop3A_133, %parallel_loop3A_236 : i32
        %parallel_loop3A_238 = arith.addi %parallel_loop3A_235, %parallel_loop3A_237 : i32
        %parallel_loop3A_239 = arith.constant 0 : i32
        %parallel_loop3A_240 = arith.addi %parallel_loop3A_238, %parallel_loop3A_239 : i32
        %parallel_loop3A_241 = arith.index_cast %parallel_loop3A_240 : i32 to index
        %parallel_loop3A_242 = arith.constant 96 : index
        %parallel_loop3A_243 = tpu.vector_load %arg8[%parallel_loop3A_241, %parallel_loop3A_242] {strides = array<i32>} : memref<800x128xf32, #tpu.memory_space<vmem>>, vector<16xf32>,
        %parallel_loop3A_244 = vector.broadcast %parallel_loop3A_143 : f32 to vector<16xf32>
        %parallel_loop3A_245 = arith.mulf %parallel_loop3A_243, %parallel_loop3A_244 : vector<16xf32>
        %parallel_loop3A_246 = arith.index_cast %parallel_loop3A_240 : i32 to index
        %parallel_loop3A_247 = arith.constant 96 : index
        %parallel_loop3A_248 = tpu.vector_load %arg8[%parallel_loop3A_246, %parallel_loop3A_247] {strides = array<i32>} : memref<800x128xf32, #tpu.memory_space<vmem>>, vector<16xf32>,
        tpu.vector_store %arg8[%parallel_loop3A_246, %parallel_loop3A_247], %parallel_loop3A_245 {strides = array<i32>} : memref<800x128xf32, #tpu.memory_space<vmem>>, vector<16xf32>,
        %parallel_loop3A_249 = arith.constant 400 : i32
        %parallel_loop3A_250 = arith.muli %and3A_76, %parallel_loop3A_249 : i32
        %parallel_loop3A_251 = arith.constant 16 : i32
        %parallel_loop3A_252 = arith.muli %parallel_loop3A_133, %parallel_loop3A_251 : i32
        %parallel_loop3A_253 = arith.addi %parallel_loop3A_250, %parallel_loop3A_252 : i32
        %parallel_loop3A_254 = arith.constant 0 : i32
        %parallel_loop3A_255 = arith.addi %parallel_loop3A_253, %parallel_loop3A_254 : i32
        %parallel_loop3A_256 = arith.index_cast %parallel_loop3A_255 : i32 to index
        %parallel_loop3A_257 = arith.constant 112 : index
        %parallel_loop3A_258 = tpu.vector_load %arg8[%parallel_loop3A_256, %parallel_loop3A_257] {strides = array<i32>} : memref<800x128xf32, #tpu.memory_space<vmem>>, vector<16xf32>,
        %parallel_loop3A_259 = vector.broadcast %parallel_loop3A_143 : f32 to vector<16xf32>
        %parallel_loop3A_260 = arith.mulf %parallel_loop3A_258, %parallel_loop3A_259 : vector<16xf32>
        %parallel_loop3A_261 = arith.index_cast %parallel_loop3A_255 : i32 to index
        %parallel_loop3A_262 = arith.constant 112 : index
        %parallel_loop3A_263 = tpu.vector_load %arg8[%parallel_loop3A_261, %parallel_loop3A_262] {strides = array<i32>} : memref<800x128xf32, #tpu.memory_space<vmem>>, vector<16xf32>,
        tpu.vector_store %arg8[%parallel_loop3A_261, %parallel_loop3A_262], %parallel_loop3A_260 {strides = array<i32>} : memref<800x128xf32, #tpu.memory_space<vmem>>, vector<16xf32>,
        %parallel_loop3A_264 = vector.extract_strided_slice %parallel_loop3A_141 {offsets = [1], sizes = [1], strides = [1]} : vector<16xf32> to vector<1xf32>
        %parallel_loop3A_265 = vector.extract %parallel_loop3A_264[0] : f32 from vector<1xf32>
        %parallel_loop3A_266 = arith.constant 400 : i32
        %parallel_loop3A_267 = arith.muli %and3A_76, %parallel_loop3A_266 : i32
        %parallel_loop3A_268 = arith.constant 16 : i32
        %parallel_loop3A_269 = arith.muli %parallel_loop3A_133, %parallel_loop3A_268 : i32
        %parallel_loop3A_270 = arith.addi %parallel_loop3A_267, %parallel_loop3A_269 : i32
        %parallel_loop3A_271 = arith.constant 1 : i32
        %parallel_loop3A_272 = arith.addi %parallel_loop3A_270, %parallel_loop3A_271 : i32
        %parallel_loop3A_273 = arith.index_cast %parallel_loop3A_272 : i32 to index
        %parallel_loop3A_274 = arith.constant 0 : index
        %parallel_loop3A_275 = tpu.vector_load %arg8[%parallel_loop3A_273, %parallel_loop3A_274] {strides = array<i32>} : memref<800x128xf32, #tpu.memory_space<vmem>>, vector<16xf32>,
        %parallel_loop3A_276 = vector.broadcast %parallel_loop3A_265 : f32 to vector<16xf32>
        %parallel_loop3A_277 = arith.mulf %parallel_loop3A_275, %parallel_loop3A_276 : vector<16xf32>
        %parallel_loop3A_278 = arith.index_cast %parallel_loop3A_272 : i32 to index
        %parallel_loop3A_279 = arith.constant 0 : index
        %parallel_loop3A_280 = tpu.vector_load %arg8[%parallel_loop3A_278, %parallel_loop3A_279] {strides = array<i32>} : memref<800x128xf32, #tpu.memory_space<vmem>>, vector<16xf32>,
        tpu.vector_store %arg8[%parallel_loop3A_278, %parallel_loop3A_279], %parallel_loop3A_277 {strides = array<i32>} : memref<800x128xf32, #tpu.memory_space<vmem>>, vector<16xf32>,
        %parallel_loop3A_281 = arith.constant 400 : i32
        %parallel_loop3A_282 = arith.muli %and3A_76, %parallel_loop3A_281 : i32
        %parallel_loop3A_283 = arith.constant 16 : i32
        %parallel_loop3A_284 = arith.muli %parallel_loop3A_133, %parallel_loop3A_283 : i32
        %parallel_loop3A_285 = arith.addi %parallel_loop3A_282, %parallel_loop3A_284 : i32
        %parallel_loop3A_286 = arith.constant 1 : i32
        %parallel_loop3A_287 = arith.addi %parallel_loop3A_285, %parallel_loop3A_286 : i32
        %parallel_loop3A_288 = arith.index_cast %parallel_loop3A_287 : i32 to index
        %parallel_loop3A_289 = arith.constant 16 : index
        %parallel_loop3A_290 = tpu.vector_load %arg8[%parallel_loop3A_288, %parallel_loop3A_289] {strides = array<i32>} : memref<800x128xf32, #tpu.memory_space<vmem>>, vector<16xf32>,
        %parallel_loop3A_291 = vector.broadcast %parallel_loop3A_265 : f32 to vector<16xf32>
        %parallel_loop3A_292 = arith.mulf %parallel_loop3A_290, %parallel_loop3A_291 : vector<16xf32>
        %parallel_loop3A_293 = arith.index_cast %parallel_loop3A_287 : i32 to index
        %parallel_loop3A_294 = arith.constant 16 : index
        %parallel_loop3A_295 = tpu.vector_load %arg8[%parallel_loop3A_293, %parallel_loop3A_294] {strides = array<i32>} : memref<800x128xf32, #tpu.memory_space<vmem>>, vector<16xf32>,
        tpu.vector_store %arg8[%parallel_loop3A_293, %parallel_loop3A_294], %parallel_loop3A_292 {strides = array<i32>} : memref<800x128xf32, #tpu.memory_space<vmem>>, vector<16xf32>,
        %parallel_loop3A_296 = arith.constant 400 : i32
        %parallel_loop3A_297 = arith.muli %and3A_76, %parallel_loop3A_296 : i32
        %parallel_loop3A_298 = arith.constant 16 : i32
        %parallel_loop3A_299 = arith.muli %parallel_loop3A_133, %parallel_loop3A_298 : i32
        %parallel_loop3A_300 = arith.addi %parallel_loop3A_297, %parallel_loop3A_299 : i32
        %parallel_loop3A_301 = arith.constant 1 : i32
        %parallel_loop3A_302 = arith.addi %parallel_loop3A_300, %parallel_loop3A_301 : i32
        %parallel_loop3A_303 = arith.index_cast %parallel_loop3A_302 : i32 to index
        %parallel_loop3A_304 = arith.constant 32 : index
        %parallel_loop3A_305 = tpu.vector_load %arg8[%parallel_loop3A_303, %parallel_loop3A_304] {strides = array<i32>} : memref<800x128xf32, #tpu.memory_space<vmem>>, vector<16xf32>,
        %parallel_loop3A_306 = vector.broadcast %parallel_loop3A_265 : f32 to vector<16xf32>
        %parallel_loop3A_307 = arith.mulf %parallel_loop3A_305, %parallel_loop3A_306 : vector<16xf32>
        %parallel_loop3A_308 = arith.index_cast %parallel_loop3A_302 : i32 to index
        %parallel_loop3A_309 = arith.constant 32 : index
        %parallel_loop3A_310 = tpu.vector_load %arg8[%parallel_loop3A_308, %parallel_loop3A_309] {strides = array<i32>} : memref<800x128xf32, #tpu.memory_space<vmem>>, vector<16xf32>,
        tpu.vector_store %arg8[%parallel_loop3A_308, %parallel_loop3A_309], %parallel_loop3A_307 {strides = array<i32>} : memref<800x128xf32, #tpu.memory_space<vmem>>, vector<16xf32>,
        %parallel_loop3A_311 = arith.constant 400 : i32
        %parallel_loop3A_312 = arith.muli %and3A_76, %parallel_loop3A_311 : i32
        %parallel_loop3A_313 = arith.constant 16 : i32
        %parallel_loop3A_314 = arith.muli %parallel_loop3A_133, %parallel_loop3A_313 : i32
        %parallel_loop3A_315 = arith.addi %parallel_loop3A_312, %parallel_loop3A_314 : i32
        %parallel_loop3A_316 = arith.constant 1 : i32
        %parallel_loop3A_317 = arith.addi %parallel_loop3A_315, %parallel_loop3A_316 : i32
        %parallel_loop3A_318 = arith.index_cast %parallel_loop3A_317 : i32 to index
        %parallel_loop3A_319 = arith.constant 48 : index
        %parallel_loop3A_320 = tpu.vector_load %arg8[%parallel_loop3A_318, %parallel_loop3A_319] {strides = array<i32>} : memref<800x128xf32, #tpu.memory_space<vmem>>, vector<16xf32>,
        %parallel_loop3A_321 = vector.broadcast %parallel_loop3A_265 : f32 to vector<16xf32>
        %parallel_loop3A_322 = arith.mulf %parallel_loop3A_320, %parallel_loop3A_321 : vector<16xf32>
        %parallel_loop3A_323 = arith.index_cast %parallel_loop3A_317 : i32 to index
        %parallel_loop3A_324 = arith.constant 48 : index
        %parallel_loop3A_325 = tpu.vector_load %arg8[%parallel_loop3A_323, %parallel_loop3A_324] {strides = array<i32>} : memref<800x128xf32, #tpu.memory_space<vmem>>, vector<16xf32>,
        tpu.vector_store %arg8[%parallel_loop3A_323, %parallel_loop3A_324], %parallel_loop3A_322 {strides = array<i32>} : memref<800x128xf32, #tpu.memory_space<vmem>>, vector<16xf32>,
        %parallel_loop3A_326 = arith.constant 400 : i32
        %parallel_loop3A_327 = arith.muli %and3A_76, %parallel_loop3A_326 : i32
        %parallel_loop3A_328 = arith.constant 16 : i32
        %parallel_loop3A_329 = arith.muli %parallel_loop3A_133, %parallel_loop3A_328 : i32
        %parallel_loop3A_330 = arith.addi %parallel_loop3A_327, %parallel_loop3A_329 : i32
        %parallel_loop3A_331 = arith.constant 1 : i32
        %parallel_loop3A_332 = arith.addi %parallel_loop3A_330, %parallel_loop3A_331 : i32
        %parallel_loop3A_333 = arith.index_cast %parallel_loop3A_332 : i32 to index
        %parallel_loop3A_334 = arith.constant 64 : index
        %parallel_loop3A_335 = tpu.vector_load %arg8[%parallel_loop3A_333, %parallel_loop3A_334] {strides = array<i32>} : memref<800x128xf32, #tpu.memory_space<vmem>>, vector<16xf32>,
        %parallel_loop3A_336 = vector.broadcast %parallel_loop3A_265 : f32 to vector<16xf32>
        %parallel_loop3A_337 = arith.mulf %parallel_loop3A_335, %parallel_loop3A_336 : vector<16xf32>
        %parallel_loop3A_338 = arith.index_cast %parallel_loop3A_332 : i32 to index
        %parallel_loop3A_339 = arith.constant 64 : index
        %parallel_loop3A_340 = tpu.vector_load %arg8[%parallel_loop3A_338, %parallel_loop3A_339] {strides = array<i32>} : memref<800x128xf32, #tpu.memory_space<vmem>>, vector<16xf32>,
        tpu.vector_store %arg8[%parallel_loop3A_338, %parallel_loop3A_339], %parallel_loop3A_337 {strides = array<i32>} : memref<800x128xf32, #tpu.memory_space<vmem>>, vector<16xf32>,
        %parallel_loop3A_341 = arith.constant 400 : i32
        %parallel_loop3A_342 = arith.muli %and3A_76, %parallel_loop3A_341 : i32
        %parallel_loop3A_343 = arith.constant 16 : i32
        %parallel_loop3A_344 = arith.muli %parallel_loop3A_133, %parallel_loop3A_343 : i32
        %parallel_loop3A_345 = arith.addi %parallel_loop3A_342, %parallel_loop3A_344 : i32
        %parallel_loop3A_346 = arith.constant 1 : i32
        %parallel_loop3A_347 = arith.addi %parallel_loop3A_345, %parallel_loop3A_346 : i32
        %parallel_loop3A_348 = arith.index_cast %parallel_loop3A_347 : i32 to index
        %parallel_loop3A_349 = arith.constant 80 : index
        %parallel_loop3A_350 = tpu.vector_load %arg8[%parallel_loop3A_348, %parallel_loop3A_349] {strides = array<i32>} : memref<800x128xf32, #tpu.memory_space<vmem>>, vector<16xf32>,
        %parallel_loop3A_351 = vector.broadcast %parallel_loop3A_265 : f32 to vector<16xf32>
        %parallel_loop3A_352 = arith.mulf %parallel_loop3A_350, %parallel_loop3A_351 : vector<16xf32>
        %parallel_loop3A_353 = arith.index_cast %parallel_loop3A_347 : i32 to index
        %parallel_loop3A_354 = arith.constant 80 : index
        %parallel_loop3A_355 = tpu.vector_load %arg8[%parallel_loop3A_353, %parallel_loop3A_354] {strides = array<i32>} : memref<800x128xf32, #tpu.memory_space<vmem>>, vector<16xf32>,
        tpu.vector_store %arg8[%parallel_loop3A_353, %parallel_loop3A_354], %parallel_loop3A_352 {strides = array<i32>} : memref<800x128xf32, #tpu.memory_space<vmem>>, vector<16xf32>,
        %parallel_loop3A_356 = arith.constant 400 : i32
        %parallel_loop3A_357 = arith.muli %and3A_76, %parallel_loop3A_356 : i32
        %parallel_loop3A_358 = arith.constant 16 : i32
        %parallel_loop3A_359 = arith.muli %parallel_loop3A_133, %parallel_loop3A_358 : i32
        %parallel_loop3A_360 = arith.addi %parallel_loop3A_357, %parallel_loop3A_359 : i32
        %parallel_loop3A_361 = arith.constant 1 : i32
        %parallel_loop3A_362 = arith.addi %parallel_loop3A_360, %parallel_loop3A_361 : i32
        %parallel_loop3A_363 = arith.index_cast %parallel_loop3A_362 : i32 to index
        %parallel_loop3A_364 = arith.constant 96 : index
        %parallel_loop3A_365 = tpu.vector_load %arg8[%parallel_loop3A_363, %parallel_loop3A_364] {strides = array<i32>} : memref<800x128xf32, #tpu.memory_space<vmem>>, vector<16xf32>,
        %parallel_loop3A_366 = vector.broadcast %parallel_loop3A_265 : f32 to vector<16xf32>
        %parallel_loop3A_367 = arith.mulf %parallel_loop3A_365, %parallel_loop3A_366 : vector<16xf32>
        %parallel_loop3A_368 = arith.index_cast %parallel_loop3A_362 : i32 to index
        %parallel_loop3A_369 = arith.constant 96 : index
        %parallel_loop3A_370 = tpu.vector_load %arg8[%parallel_loop3A_368, %parallel_loop3A_369] {strides = array<i32>} : memref<800x128xf32, #tpu.memory_space<vmem>>, vector<16xf32>,
        tpu.vector_store %arg8[%parallel_loop3A_368, %parallel_loop3A_369], %parallel_loop3A_367 {strides = array<i32>} : memref<800x128xf32, #tpu.memory_space<vmem>>, vector<16xf32>,
        %parallel_loop3A_371 = arith.constant 400 : i32
        %parallel_loop3A_372 = arith.muli %and3A_76, %parallel_loop3A_371 : i32
        %parallel_loop3A_373 = arith.constant 16 : i32
        %parallel_loop3A_374 = arith.muli %parallel_loop3A_133, %parallel_loop3A_373 : i32
        %parallel_loop3A_375 = arith.addi %parallel_loop3A_372, %parallel_loop3A_374 : i32
        %parallel_loop3A_376 = arith.constant 1 : i32
        %parallel_loop3A_377 = arith.addi %parallel_loop3A_375, %parallel_loop3A_376 : i32
        %parallel_loop3A_378 = arith.index_cast %parallel_loop3A_377 : i32 to index
        %parallel_loop3A_379 = arith.constant 112 : index
        %parallel_loop3A_380 = tpu.vector_load %arg8[%parallel_loop3A_378, %parallel_loop3A_379] {strides = array<i32>} : memref<800x128xf32, #tpu.memory_space<vmem>>, vector<16xf32>,
        %parallel_loop3A_381 = vector.broadcast %parallel_loop3A_265 : f32 to vector<16xf32>
        %parallel_loop3A_382 = arith.mulf %parallel_loop3A_380, %parallel_loop3A_381 : vector<16xf32>
        %parallel_loop3A_383 = arith.index_cast %parallel_loop3A_377 : i32 to index
        %parallel_loop3A_384 = arith.constant 112 : index
        %parallel_loop3A_385 = tpu.vector_load %arg8[%parallel_loop3A_383, %parallel_loop3A_384] {strides = array<i32>} : memref<800x128xf32, #tpu.memory_space<vmem>>, vector<16xf32>,
        tpu.vector_store %arg8[%parallel_loop3A_383, %parallel_loop3A_384], %parallel_loop3A_382 {strides = array<i32>} : memref<800x128xf32, #tpu.memory_space<vmem>>, vector<16xf32>,
        %parallel_loop3A_386 = vector.extract_strided_slice %parallel_loop3A_141 {offsets = [2], sizes = [1], strides = [1]} : vector<16xf32> to vector<1xf32>
        %parallel_loop3A_387 = vector.extract %parallel_loop3A_386[0] : f32 from vector<1xf32>
        %parallel_loop3A_388 = arith.constant 400 : i32
        %parallel_loop3A_389 = arith.muli %and3A_76, %parallel_loop3A_388 : i32
        %parallel_loop3A_390 = arith.constant 16 : i32
        %parallel_loop3A_391 = arith.muli %parallel_loop3A_133, %parallel_loop3A_390 : i32
        %parallel_loop3A_392 = arith.addi %parallel_loop3A_389, %parallel_loop3A_391 : i32
        %parallel_loop3A_393 = arith.constant 2 : i32
        %parallel_loop3A_394 = arith.addi %parallel_loop3A_392, %parallel_loop3A_393 : i32
        %parallel_loop3A_395 = arith.index_cast %parallel_loop3A_394 : i32 to index
        %parallel_loop3A_396 = arith.constant 0 : index
        %parallel_loop3A_397 = tpu.vector_load %arg8[%parallel_loop3A_395, %parallel_loop3A_396] {strides = array<i32>} : memref<800x128xf32, #tpu.memory_space<vmem>>, vector<16xf32>,
        %parallel_loop3A_398 = vector.broadcast %parallel_loop3A_387 : f32 to vector<16xf32>
        %parallel_loop3A_399 = arith.mulf %parallel_loop3A_397, %parallel_loop3A_398 : vector<16xf32>
        %parallel_loop3A_400 = arith.index_cast %parallel_loop3A_394 : i32 to index
        %parallel_loop3A_401 = arith.constant 0 : index
        %parallel_loop3A_402 = tpu.vector_load %arg8[%parallel_loop3A_400, %parallel_loop3A_401] {strides = array<i32>} : memref<800x128xf32, #tpu.memory_space<vmem>>, vector<16xf32>,
        tpu.vector_store %arg8[%parallel_loop3A_400, %parallel_loop3A_401], %parallel_loop3A_399 {strides = array<i32>} : memref<800x128xf32, #tpu.memory_space<vmem>>, vector<16xf32>,
        %parallel_loop3A_403 = arith.constant 400 : i32
        %parallel_loop3A_404 = arith.muli %and3A_76, %parallel_loop3A_403 : i32
        %parallel_loop3A_405 = arith.constant 16 : i32
        %parallel_loop3A_406 = arith.muli %parallel_loop3A_133, %parallel_loop3A_405 : i32
        %parallel_loop3A_407 = arith.addi %parallel_loop3A_404, %parallel_loop3A_406 : i32
        %parallel_loop3A_408 = arith.constant 2 : i32
        %parallel_loop3A_409 = arith.addi %parallel_loop3A_407, %parallel_loop3A_408 : i32
        %parallel_loop3A_410 = arith.index_cast %parallel_loop3A_409 : i32 to index
        %parallel_loop3A_411 = arith.constant 16 : index
        %parallel_loop3A_412 = tpu.vector_load %arg8[%parallel_loop3A_410, %parallel_loop3A_411] {strides = array<i32>} : memref<800x128xf32, #tpu.memory_space<vmem>>, vector<16xf32>,
        %parallel_loop3A_413 = vector.broadcast %parallel_loop3A_387 : f32 to vector<16xf32>
        %parallel_loop3A_414 = arith.mulf %parallel_loop3A_412, %parallel_loop3A_413 : vector<16xf32>
        %parallel_loop3A_415 = arith.index_cast %parallel_loop3A_409 : i32 to index
        %parallel_loop3A_416 = arith.constant 16 : index
        %parallel_loop3A_417 = tpu.vector_load %arg8[%parallel_loop3A_415, %parallel_loop3A_416] {strides = array<i32>} : memref<800x128xf32, #tpu.memory_space<vmem>>, vector<16xf32>,
        tpu.vector_store %arg8[%parallel_loop3A_415, %parallel_loop3A_416], %parallel_loop3A_414 {strides = array<i32>} : memref<800x128xf32, #tpu.memory_space<vmem>>, vector<16xf32>,
        %parallel_loop3A_418 = arith.constant 400 : i32
        %parallel_loop3A_419 = arith.muli %and3A_76, %parallel_loop3A_418 : i32
        %parallel_loop3A_420 = arith.constant 16 : i32
        %parallel_loop3A_421 = arith.muli %parallel_loop3A_133, %parallel_loop3A_420 : i32
        %parallel_loop3A_422 = arith.addi %parallel_loop3A_419, %parallel_loop3A_421 : i32
        %parallel_loop3A_423 = arith.constant 2 : i32
        %parallel_loop3A_424 = arith.addi %parallel_loop3A_422, %parallel_loop3A_423 : i32
        %parallel_loop3A_425 = arith.index_cast %parallel_loop3A_424 : i32 to index
        %parallel_loop3A_426 = arith.constant 32 : index
        %parallel_loop3A_427 = tpu.vector_load %arg8[%parallel_loop3A_425, %parallel_loop3A_426] {strides = array<i32>} : memref<800x128xf32, #tpu.memory_space<vmem>>, vector<16xf32>,
        %parallel_loop3A_428 = vector.broadcast %parallel_loop3A_387 : f32 to vector<16xf32>
        %parallel_loop3A_429 = arith.mulf %parallel_loop3A_427, %parallel_loop3A_428 : vector<16xf32>
        %parallel_loop3A_430 = arith.index_cast %parallel_loop3A_424 : i32 to index
        %parallel_loop3A_431 = arith.constant 32 : index
        %parallel_loop3A_432 = tpu.vector_load %arg8[%parallel_loop3A_430, %parallel_loop3A_431] {strides = array<i32>} : memref<800x128xf32, #tpu.memory_space<vmem>>, vector<16xf32>,
        tpu.vector_store %arg8[%parallel_loop3A_430, %parallel_loop3A_431], %parallel_loop3A_429 {strides = array<i32>} : memref<800x128xf32, #tpu.memory_space<vmem>>, vector<16xf32>,
        %parallel_loop3A_433 = arith.constant 400 : i32
        %parallel_loop3A_434 = arith.muli %and3A_76, %parallel_loop3A_433 : i32
        %parallel_loop3A_435 = arith.constant 16 : i32
        %parallel_loop3A_436 = arith.muli %parallel_loop3A_133, %parallel_loop3A_435 : i32
        %parallel_loop3A_437 = arith.addi %parallel_loop3A_434, %parallel_loop3A_436 : i32
        %parallel_loop3A_438 = arith.constant 2 : i32
        %parallel_loop3A_439 = arith.addi %parallel_loop3A_437, %parallel_loop3A_438 : i32
        %parallel_loop3A_440 = arith.index_cast %parallel_loop3A_439 : i32 to index
        %parallel_loop3A_441 = arith.constant 48 : index
        %parallel_loop3A_442 = tpu.vector_load %arg8[%parallel_loop3A_440, %parallel_loop3A_441] {strides = array<i32>} : memref<800x128xf32, #tpu.memory_space<vmem>>, vector<16xf32>,
        %parallel_loop3A_443 = vector.broadcast %parallel_loop3A_387 : f32 to vector<16xf32>
        %parallel_loop3A_444 = arith.mulf %parallel_loop3A_442, %parallel_loop3A_443 : vector<16xf32>
        %parallel_loop3A_445 = arith.index_cast %parallel_loop3A_439 : i32 to index
        %parallel_loop3A_446 = arith.constant 48 : index
        %parallel_loop3A_447 = tpu.vector_load %arg8[%parallel_loop3A_445, %parallel_loop3A_446] {strides = array<i32>} : memref<800x128xf32, #tpu.memory_space<vmem>>, vector<16xf32>,
        tpu.vector_store %arg8[%parallel_loop3A_445, %parallel_loop3A_446], %parallel_loop3A_444 {strides = array<i32>} : memref<800x128xf32, #tpu.memory_space<vmem>>, vector<16xf32>,
        %parallel_loop3A_448 = arith.constant 400 : i32
        %parallel_loop3A_449 = arith.muli %and3A_76, %parallel_loop3A_448 : i32
        %parallel_loop3A_450 = arith.constant 16 : i32
        %parallel_loop3A_451 = arith.muli %parallel_loop3A_133, %parallel_loop3A_450 : i32
        %parallel_loop3A_452 = arith.addi %parallel_loop3A_449, %parallel_loop3A_451 : i32
        %parallel_loop3A_453 = arith.constant 2 : i32
        %parallel_loop3A_454 = arith.addi %parallel_loop3A_452, %parallel_loop3A_453 : i32
        %parallel_loop3A_455 = arith.index_cast %parallel_loop3A_454 : i32 to index
        %parallel_loop3A_456 = arith.constant 64 : index
        %parallel_loop3A_457 = tpu.vector_load %arg8[%parallel_loop3A_455, %parallel_loop3A_456] {strides = array<i32>} : memref<800x128xf32, #tpu.memory_space<vmem>>, vector<16xf32>,
        %parallel_loop3A_458 = vector.broadcast %parallel_loop3A_387 : f32 to vector<16xf32>
        %parallel_loop3A_459 = arith.mulf %parallel_loop3A_457, %parallel_loop3A_458 : vector<16xf32>
        %parallel_loop3A_460 = arith.index_cast %parallel_loop3A_454 : i32 to index
        %parallel_loop3A_461 = arith.constant 64 : index
        %parallel_loop3A_462 = tpu.vector_load %arg8[%parallel_loop3A_460, %parallel_loop3A_461] {strides = array<i32>} : memref<800x128xf32, #tpu.memory_space<vmem>>, vector<16xf32>,
        tpu.vector_store %arg8[%parallel_loop3A_460, %parallel_loop3A_461], %parallel_loop3A_459 {strides = array<i32>} : memref<800x128xf32, #tpu.memory_space<vmem>>, vector<16xf32>,
        %parallel_loop3A_463 = arith.constant 400 : i32
        %parallel_loop3A_464 = arith.muli %and3A_76, %parallel_loop3A_463 : i32
        %parallel_loop3A_465 = arith.constant 16 : i32
        %parallel_loop3A_466 = arith.muli %parallel_loop3A_133, %parallel_loop3A_465 : i32
        %parallel_loop3A_467 = arith.addi %parallel_loop3A_464, %parallel_loop3A_466 : i32
        %parallel_loop3A_468 = arith.constant 2 : i32
        %parallel_loop3A_469 = arith.addi %parallel_loop3A_467, %parallel_loop3A_468 : i32
        %parallel_loop3A_470 = arith.index_cast %parallel_loop3A_469 : i32 to index
        %parallel_loop3A_471 = arith.constant 80 : index
        %parallel_loop3A_472 = tpu.vector_load %arg8[%parallel_loop3A_470, %parallel_loop3A_471] {strides = array<i32>} : memref<800x128xf32, #tpu.memory_space<vmem>>, vector<16xf32>,
        %parallel_loop3A_473 = vector.broadcast %parallel_loop3A_387 : f32 to vector<16xf32>
        %parallel_loop3A_474 = arith.mulf %parallel_loop3A_472, %parallel_loop3A_473 : vector<16xf32>
        %parallel_loop3A_475 = arith.index_cast %parallel_loop3A_469 : i32 to index
        %parallel_loop3A_476 = arith.constant 80 : index
        %parallel_loop3A_477 = tpu.vector_load %arg8[%parallel_loop3A_475, %parallel_loop3A_476] {strides = array<i32>} : memref<800x128xf32, #tpu.memory_space<vmem>>, vector<16xf32>,
        tpu.vector_store %arg8[%parallel_loop3A_475, %parallel_loop3A_476], %parallel_loop3A_474 {strides = array<i32>} : memref<800x128xf32, #tpu.memory_space<vmem>>, vector<16xf32>,
        %parallel_loop3A_478 = arith.constant 400 : i32
        %parallel_loop3A_479 = arith.muli %and3A_76, %parallel_loop3A_478 : i32
        %parallel_loop3A_480 = arith.constant 16 : i32
        %parallel_loop3A_481 = arith.muli %parallel_loop3A_133, %parallel_loop3A_480 : i32
        %parallel_loop3A_482 = arith.addi %parallel_loop3A_479, %parallel_loop3A_481 : i32
        %parallel_loop3A_483 = arith.constant 2 : i32
        %parallel_loop3A_484 = arith.addi %parallel_loop3A_482, %parallel_loop3A_483 : i32
        %parallel_loop3A_485 = arith.index_cast %parallel_loop3A_484 : i32 to index
        %parallel_loop3A_486 = arith.constant 96 : index
        %parallel_loop3A_487 = tpu.vector_load %arg8[%parallel_loop3A_485, %parallel_loop3A_486] {strides = array<i32>} : memref<800x128xf32, #tpu.memory_space<vmem>>, vector<16xf32>,
        %parallel_loop3A_488 = vector.broadcast %parallel_loop3A_387 : f32 to vector<16xf32>
        %parallel_loop3A_489 = arith.mulf %parallel_loop3A_487, %parallel_loop3A_488 : vector<16xf32>
        %parallel_loop3A_490 = arith.index_cast %parallel_loop3A_484 : i32 to index
        %parallel_loop3A_491 = arith.constant 96 : index
        %parallel_loop3A_492 = tpu.vector_load %arg8[%parallel_loop3A_490, %parallel_loop3A_491] {strides = array<i32>} : memref<800x128xf32, #tpu.memory_space<vmem>>, vector<16xf32>,
        tpu.vector_store %arg8[%parallel_loop3A_490, %parallel_loop3A_491], %parallel_loop3A_489 {strides = array<i32>} : memref<800x128xf32, #tpu.memory_space<vmem>>, vector<16xf32>,
        %parallel_loop3A_493 = arith.constant 400 : i32
        %parallel_loop3A_494 = arith.muli %and3A_76, %parallel_loop3A_493 : i32
        %parallel_loop3A_495 = arith.constant 16 : i32
        %parallel_loop3A_496 = arith.muli %parallel_loop3A_133, %parallel_loop3A_495 : i32
        %parallel_loop3A_497 = arith.addi %parallel_loop3A_494, %parallel_loop3A_496 : i32
        %parallel_loop3A_498 = arith.constant 2 : i32
        %parallel_loop3A_499 = arith.addi %parallel_loop3A_497, %parallel_loop3A_498 : i32
        %parallel_loop3A_500 = arith.index_cast %parallel_loop3A_499 : i32 to index
        %parallel_loop3A_501 = arith.constant 112 : index
        %parallel_loop3A_502 = tpu.vector_load %arg8[%parallel_loop3A_500, %parallel_loop3A_501] {strides = array<i32>} : memref<800x128xf32, #tpu.memory_space<vmem>>, vector<16xf32>,
        %parallel_loop3A_503 = vector.broadcast %parallel_loop3A_387 : f32 to vector<16xf32>
        %parallel_loop3A_504 = arith.mulf %parallel_loop3A_502, %parallel_loop3A_503 : vector<16xf32>
        %parallel_loop3A_505 = arith.index_cast %parallel_loop3A_499 : i32 to index
        %parallel_loop3A_506 = arith.constant 112 : index
        %parallel_loop3A_507 = tpu.vector_load %arg8[%parallel_loop3A_505, %parallel_loop3A_506] {strides = array<i32>} : memref<800x128xf32, #tpu.memory_space<vmem>>, vector<16xf32>,
        tpu.vector_store %arg8[%parallel_loop3A_505, %parallel_loop3A_506], %parallel_loop3A_504 {strides = array<i32>} : memref<800x128xf32, #tpu.memory_space<vmem>>, vector<16xf32>,
        %parallel_loop3A_508 = vector.extract_strided_slice %parallel_loop3A_141 {offsets = [3], sizes = [1], strides = [1]} : vector<16xf32> to vector<1xf32>
        %parallel_loop3A_509 = vector.extract %parallel_loop3A_508[0] : f32 from vector<1xf32>
        %parallel_loop3A_510 = arith.constant 400 : i32
        %parallel_loop3A_511 = arith.muli %and3A_76, %parallel_loop3A_510 : i32
        %parallel_loop3A_512 = arith.constant 16 : i32
        %parallel_loop3A_513 = arith.muli %parallel_loop3A_133, %parallel_loop3A_512 : i32
        %parallel_loop3A_514 = arith.addi %parallel_loop3A_511, %parallel_loop3A_513 : i32
        %parallel_loop3A_515 = arith.constant 3 : i32
        %parallel_loop3A_516 = arith.addi %parallel_loop3A_514, %parallel_loop3A_515 : i32
        %parallel_loop3A_517 = arith.index_cast %parallel_loop3A_516 : i32 to index
        %parallel_loop3A_518 = arith.constant 0 : index
        %parallel_loop3A_519 = tpu.vector_load %arg8[%parallel_loop3A_517, %parallel_loop3A_518] {strides = array<i32>} : memref<800x128xf32, #tpu.memory_space<vmem>>, vector<16xf32>,
        %parallel_loop3A_520 = vector.broadcast %parallel_loop3A_509 : f32 to vector<16xf32>
        %parallel_loop3A_521 = arith.mulf %parallel_loop3A_519, %parallel_loop3A_520 : vector<16xf32>
        %parallel_loop3A_522 = arith.index_cast %parallel_loop3A_516 : i32 to index
        %parallel_loop3A_523 = arith.constant 0 : index
        %parallel_loop3A_524 = tpu.vector_load %arg8[%parallel_loop3A_522, %parallel_loop3A_523] {strides = array<i32>} : memref<800x128xf32, #tpu.memory_space<vmem>>, vector<16xf32>,
        tpu.vector_store %arg8[%parallel_loop3A_522, %parallel_loop3A_523], %parallel_loop3A_521 {strides = array<i32>} : memref<800x128xf32, #tpu.memory_space<vmem>>, vector<16xf32>,
        %parallel_loop3A_525 = arith.constant 400 : i32
        %parallel_loop3A_526 = arith.muli %and3A_76, %parallel_loop3A_525 : i32
        %parallel_loop3A_527 = arith.constant 16 : i32
        %parallel_loop3A_528 = arith.muli %parallel_loop3A_133, %parallel_loop3A_527 : i32
        %parallel_loop3A_529 = arith.addi %parallel_loop3A_526, %parallel_loop3A_528 : i32
        %parallel_loop3A_530 = arith.constant 3 : i32
        %parallel_loop3A_531 = arith.addi %parallel_loop3A_529, %parallel_loop3A_530 : i32
        %parallel_loop3A_532 = arith.index_cast %parallel_loop3A_531 : i32 to index
        %parallel_loop3A_533 = arith.constant 16 : index
        %parallel_loop3A_534 = tpu.vector_load %arg8[%parallel_loop3A_532, %parallel_loop3A_533] {strides = array<i32>} : memref<800x128xf32, #tpu.memory_space<vmem>>, vector<16xf32>,
        %parallel_loop3A_535 = vector.broadcast %parallel_loop3A_509 : f32 to vector<16xf32>
        %parallel_loop3A_536 = arith.mulf %parallel_loop3A_534, %parallel_loop3A_535 : vector<16xf32>
        %parallel_loop3A_537 = arith.index_cast %parallel_loop3A_531 : i32 to index
        %parallel_loop3A_538 = arith.constant 16 : index
        %parallel_loop3A_539 = tpu.vector_load %arg8[%parallel_loop3A_537, %parallel_loop3A_538] {strides = array<i32>} : memref<800x128xf32, #tpu.memory_space<vmem>>, vector<16xf32>,
        tpu.vector_store %arg8[%parallel_loop3A_537, %parallel_loop3A_538], %parallel_loop3A_536 {strides = array<i32>} : memref<800x128xf32, #tpu.memory_space<vmem>>, vector<16xf32>,
        %parallel_loop3A_540 = arith.constant 400 : i32
        %parallel_loop3A_541 = arith.muli %and3A_76, %parallel_loop3A_540 : i32
        %parallel_loop3A_542 = arith.constant 16 : i32
        %parallel_loop3A_543 = arith.muli %parallel_loop3A_133, %parallel_loop3A_542 : i32
        %parallel_loop3A_544 = arith.addi %parallel_loop3A_541, %parallel_loop3A_543 : i32
        %parallel_loop3A_545 = arith.constant 3 : i32
        %parallel_loop3A_546 = arith.addi %parallel_loop3A_544, %parallel_loop3A_545 : i32
        %parallel_loop3A_547 = arith.index_cast %parallel_loop3A_546 : i32 to index
        %parallel_loop3A_548 = arith.constant 32 : index
        %parallel_loop3A_549 = tpu.vector_load %arg8[%parallel_loop3A_547, %parallel_loop3A_548] {strides = array<i32>} : memref<800x128xf32, #tpu.memory_space<vmem>>, vector<16xf32>,
        %parallel_loop3A_550 = vector.broadcast %parallel_loop3A_509 : f32 to vector<16xf32>
        %parallel_loop3A_551 = arith.mulf %parallel_loop3A_549, %parallel_loop3A_550 : vector<16xf32>
        %parallel_loop3A_552 = arith.index_cast %parallel_loop3A_546 : i32 to index
        %parallel_loop3A_553 = arith.constant 32 : index
        %parallel_loop3A_554 = tpu.vector_load %arg8[%parallel_loop3A_552, %parallel_loop3A_553] {strides = array<i32>} : memref<800x128xf32, #tpu.memory_space<vmem>>, vector<16xf32>,
        tpu.vector_store %arg8[%parallel_loop3A_552, %parallel_loop3A_553], %parallel_loop3A_551 {strides = array<i32>} : memref<800x128xf32, #tpu.memory_space<vmem>>, vector<16xf32>,
        %parallel_loop3A_555 = arith.constant 400 : i32
        %parallel_loop3A_556 = arith.muli %and3A_76, %parallel_loop3A_555 : i32
        %parallel_loop3A_557 = arith.constant 16 : i32
        %parallel_loop3A_558 = arith.muli %parallel_loop3A_133, %parallel_loop3A_557 : i32
        %parallel_loop3A_559 = arith.addi %parallel_loop3A_556, %parallel_loop3A_558 : i32
        %parallel_loop3A_560 = arith.constant 3 : i32
        %parallel_loop3A_561 = arith.addi %parallel_loop3A_559, %parallel_loop3A_560 : i32
        %parallel_loop3A_562 = arith.index_cast %parallel_loop3A_561 : i32 to index
        %parallel_loop3A_563 = arith.constant 48 : index
        %parallel_loop3A_564 = tpu.vector_load %arg8[%parallel_loop3A_562, %parallel_loop3A_563] {strides = array<i32>} : memref<800x128xf32, #tpu.memory_space<vmem>>, vector<16xf32>,
        %parallel_loop3A_565 = vector.broadcast %parallel_loop3A_509 : f32 to vector<16xf32>
        %parallel_loop3A_566 = arith.mulf %parallel_loop3A_564, %parallel_loop3A_565 : vector<16xf32>
        %parallel_loop3A_567 = arith.index_cast %parallel_loop3A_561 : i32 to index
        %parallel_loop3A_568 = arith.constant 48 : index
        %parallel_loop3A_569 = tpu.vector_load %arg8[%parallel_loop3A_567, %parallel_loop3A_568] {strides = array<i32>} : memref<800x128xf32, #tpu.memory_space<vmem>>, vector<16xf32>,
        tpu.vector_store %arg8[%parallel_loop3A_567, %parallel_loop3A_568], %parallel_loop3A_566 {strides = array<i32>} : memref<800x128xf32, #tpu.memory_space<vmem>>, vector<16xf32>,
        %parallel_loop3A_570 = arith.constant 400 : i32
        %parallel_loop3A_571 = arith.muli %and3A_76, %parallel_loop3A_570 : i32
        %parallel_loop3A_572 = arith.constant 16 : i32
        %parallel_loop3A_573 = arith.muli %parallel_loop3A_133, %parallel_loop3A_572 : i32
        %parallel_loop3A_574 = arith.addi %parallel_loop3A_571, %parallel_loop3A_573 : i32
        %parallel_loop3A_575 = arith.constant 3 : i32
        %parallel_loop3A_576 = arith.addi %parallel_loop3A_574, %parallel_loop3A_575 : i32
        %parallel_loop3A_577 = arith.index_cast %parallel_loop3A_576 : i32 to index
        %parallel_loop3A_578 = arith.constant 64 : index
        %parallel_loop3A_579 = tpu.vector_load %arg8[%parallel_loop3A_577, %parallel_loop3A_578] {strides = array<i32>} : memref<800x128xf32, #tpu.memory_space<vmem>>, vector<16xf32>,
        %parallel_loop3A_580 = vector.broadcast %parallel_loop3A_509 : f32 to vector<16xf32>
        %parallel_loop3A_581 = arith.mulf %parallel_loop3A_579, %parallel_loop3A_580 : vector<16xf32>
        %parallel_loop3A_582 = arith.index_cast %parallel_loop3A_576 : i32 to index
        %parallel_loop3A_583 = arith.constant 64 : index
        %parallel_loop3A_584 = tpu.vector_load %arg8[%parallel_loop3A_582, %parallel_loop3A_583] {strides = array<i32>} : memref<800x128xf32, #tpu.memory_space<vmem>>, vector<16xf32>,
        tpu.vector_store %arg8[%parallel_loop3A_582, %parallel_loop3A_583], %parallel_loop3A_581 {strides = array<i32>} : memref<800x128xf32, #tpu.memory_space<vmem>>, vector<16xf32>,
        %parallel_loop3A_585 = arith.constant 400 : i32
        %parallel_loop3A_586 = arith.muli %and3A_76, %parallel_loop3A_585 : i32
        %parallel_loop3A_587 = arith.constant 16 : i32
        %parallel_loop3A_588 = arith.muli %parallel_loop3A_133, %parallel_loop3A_587 : i32
        %parallel_loop3A_589 = arith.addi %parallel_loop3A_586, %parallel_loop3A_588 : i32
        %parallel_loop3A_590 = arith.constant 3 : i32
        %parallel_loop3A_591 = arith.addi %parallel_loop3A_589, %parallel_loop3A_590 : i32
        %parallel_loop3A_592 = arith.index_cast %parallel_loop3A_591 : i32 to index
        %parallel_loop3A_593 = arith.constant 80 : index
        %parallel_loop3A_594 = tpu.vector_load %arg8[%parallel_loop3A_592, %parallel_loop3A_593] {strides = array<i32>} : memref<800x128xf32, #tpu.memory_space<vmem>>, vector<16xf32>,
        %parallel_loop3A_595 = vector.broadcast %parallel_loop3A_509 : f32 to vector<16xf32>
        %parallel_loop3A_596 = arith.mulf %parallel_loop3A_594, %parallel_loop3A_595 : vector<16xf32>
        %parallel_loop3A_597 = arith.index_cast %parallel_loop3A_591 : i32 to index
        %parallel_loop3A_598 = arith.constant 80 : index
        %parallel_loop3A_599 = tpu.vector_load %arg8[%parallel_loop3A_597, %parallel_loop3A_598] {strides = array<i32>} : memref<800x128xf32, #tpu.memory_space<vmem>>, vector<16xf32>,
        tpu.vector_store %arg8[%parallel_loop3A_597, %parallel_loop3A_598], %parallel_loop3A_596 {strides = array<i32>} : memref<800x128xf32, #tpu.memory_space<vmem>>, vector<16xf32>,
        %parallel_loop3A_600 = arith.constant 400 : i32
        %parallel_loop3A_601 = arith.muli %and3A_76, %parallel_loop3A_600 : i32
        %parallel_loop3A_602 = arith.constant 16 : i32
        %parallel_loop3A_603 = arith.muli %parallel_loop3A_133, %parallel_loop3A_602 : i32
        %parallel_loop3A_604 = arith.addi %parallel_loop3A_601, %parallel_loop3A_603 : i32
        %parallel_loop3A_605 = arith.constant 3 : i32
        %parallel_loop3A_606 = arith.addi %parallel_loop3A_604, %parallel_loop3A_605 : i32
        %parallel_loop3A_607 = arith.index_cast %parallel_loop3A_606 : i32 to index
        %parallel_loop3A_608 = arith.constant 96 : index
        %parallel_loop3A_609 = tpu.vector_load %arg8[%parallel_loop3A_607, %parallel_loop3A_608] {strides = array<i32>} : memref<800x128xf32, #tpu.memory_space<vmem>>, vector<16xf32>,
        %parallel_loop3A_610 = vector.broadcast %parallel_loop3A_509 : f32 to vector<16xf32>
        %parallel_loop3A_611 = arith.mulf %parallel_loop3A_609, %parallel_loop3A_610 : vector<16xf32>
        %parallel_loop3A_612 = arith.index_cast %parallel_loop3A_606 : i32 to index
        %parallel_loop3A_613 = arith.constant 96 : index
        %parallel_loop3A_614 = tpu.vector_load %arg8[%parallel_loop3A_612, %parallel_loop3A_613] {strides = array<i32>} : memref<800x128xf32, #tpu.memory_space<vmem>>, vector<16xf32>,
        tpu.vector_store %arg8[%parallel_loop3A_612, %parallel_loop3A_613], %parallel_loop3A_611 {strides = array<i32>} : memref<800x128xf32, #tpu.memory_space<vmem>>, vector<16xf32>,
        %parallel_loop3A_615 = arith.constant 400 : i32
        %parallel_loop3A_616 = arith.muli %and3A_76, %parallel_loop3A_615 : i32
        %parallel_loop3A_617 = arith.constant 16 : i32
        %parallel_loop3A_618 = arith.muli %parallel_loop3A_133, %parallel_loop3A_617 : i32
        %parallel_loop3A_619 = arith.addi %parallel_loop3A_616, %parallel_loop3A_618 : i32
        %parallel_loop3A_620 = arith.constant 3 : i32
        %parallel_loop3A_621 = arith.addi %parallel_loop3A_619, %parallel_loop3A_620 : i32
        %parallel_loop3A_622 = arith.index_cast %parallel_loop3A_621 : i32 to index
        %parallel_loop3A_623 = arith.constant 112 : index
        %parallel_loop3A_624 = tpu.vector_load %arg8[%parallel_loop3A_622, %parallel_loop3A_623] {strides = array<i32>} : memref<800x128xf32, #tpu.memory_space<vmem>>, vector<16xf32>,
        %parallel_loop3A_625 = vector.broadcast %parallel_loop3A_509 : f32 to vector<16xf32>
        %parallel_loop3A_626 = arith.mulf %parallel_loop3A_624, %parallel_loop3A_625 : vector<16xf32>
        %parallel_loop3A_627 = arith.index_cast %parallel_loop3A_621 : i32 to index
        %parallel_loop3A_628 = arith.constant 112 : index
        %parallel_loop3A_629 = tpu.vector_load %arg8[%parallel_loop3A_627, %parallel_loop3A_628] {strides = array<i32>} : memref<800x128xf32, #tpu.memory_space<vmem>>, vector<16xf32>,
        tpu.vector_store %arg8[%parallel_loop3A_627, %parallel_loop3A_628], %parallel_loop3A_626 {strides = array<i32>} : memref<800x128xf32, #tpu.memory_space<vmem>>, vector<16xf32>,
        %parallel_loop3A_630 = vector.extract_strided_slice %parallel_loop3A_141 {offsets = [4], sizes = [1], strides = [1]} : vector<16xf32> to vector<1xf32>
        %parallel_loop3A_631 = vector.extract %parallel_loop3A_630[0] : f32 from vector<1xf32>
        %parallel_loop3A_632 = arith.constant 400 : i32
        %parallel_loop3A_633 = arith.muli %and3A_76, %parallel_loop3A_632 : i32
        %parallel_loop3A_634 = arith.constant 16 : i32
        %parallel_loop3A_635 = arith.muli %parallel_loop3A_133, %parallel_loop3A_634 : i32
        %parallel_loop3A_636 = arith.addi %parallel_loop3A_633, %parallel_loop3A_635 : i32
        %parallel_loop3A_637 = arith.constant 4 : i32
        %parallel_loop3A_638 = arith.addi %parallel_loop3A_636, %parallel_loop3A_637 : i32
        %parallel_loop3A_639 = arith.index_cast %parallel_loop3A_638 : i32 to index
        %parallel_loop3A_640 = arith.constant 0 : index
        %parallel_loop3A_641 = tpu.vector_load %arg8[%parallel_loop3A_639, %parallel_loop3A_640] {strides = array<i32>} : memref<800x128xf32, #tpu.memory_space<vmem>>, vector<16xf32>,
        %parallel_loop3A_642 = vector.broadcast %parallel_loop3A_631 : f32 to vector<16xf32>
        %parallel_loop3A_643 = arith.mulf %parallel_loop3A_641, %parallel_loop3A_642 : vector<16xf32>
        %parallel_loop3A_644 = arith.index_cast %parallel_loop3A_638 : i32 to index
        %parallel_loop3A_645 = arith.constant 0 : index
        %parallel_loop3A_646 = tpu.vector_load %arg8[%parallel_loop3A_644, %parallel_loop3A_645] {strides = array<i32>} : memref<800x128xf32, #tpu.memory_space<vmem>>, vector<16xf32>,
        tpu.vector_store %arg8[%parallel_loop3A_644, %parallel_loop3A_645], %parallel_loop3A_643 {strides = array<i32>} : memref<800x128xf32, #tpu.memory_space<vmem>>, vector<16xf32>,
        %parallel_loop3A_647 = arith.constant 400 : i32
        %parallel_loop3A_648 = arith.muli %and3A_76, %parallel_loop3A_647 : i32
        %parallel_loop3A_649 = arith.constant 16 : i32
        %parallel_loop3A_650 = arith.muli %parallel_loop3A_133, %parallel_loop3A_649 : i32
        %parallel_loop3A_651 = arith.addi %parallel_loop3A_648, %parallel_loop3A_650 : i32
        %parallel_loop3A_652 = arith.constant 4 : i32
        %parallel_loop3A_653 = arith.addi %parallel_loop3A_651, %parallel_loop3A_652 : i32
        %parallel_loop3A_654 = arith.index_cast %parallel_loop3A_653 : i32 to index
        %parallel_loop3A_655 = arith.constant 16 : index
        %parallel_loop3A_656 = tpu.vector_load %arg8[%parallel_loop3A_654, %parallel_loop3A_655] {strides = array<i32>} : memref<800x128xf32, #tpu.memory_space<vmem>>, vector<16xf32>,
        %parallel_loop3A_657 = vector.broadcast %parallel_loop3A_631 : f32 to vector<16xf32>
        %parallel_loop3A_658 = arith.mulf %parallel_loop3A_656, %parallel_loop3A_657 : vector<16xf32>
        %parallel_loop3A_659 = arith.index_cast %parallel_loop3A_653 : i32 to index
        %parallel_loop3A_660 = arith.constant 16 : index
        %parallel_loop3A_661 = tpu.vector_load %arg8[%parallel_loop3A_659, %parallel_loop3A_660] {strides = array<i32>} : memref<800x128xf32, #tpu.memory_space<vmem>>, vector<16xf32>,
        tpu.vector_store %arg8[%parallel_loop3A_659, %parallel_loop3A_660], %parallel_loop3A_658 {strides = array<i32>} : memref<800x128xf32, #tpu.memory_space<vmem>>, vector<16xf32>,
        %parallel_loop3A_662 = arith.constant 400 : i32
        %parallel_loop3A_663 = arith.muli %and3A_76, %parallel_loop3A_662 : i32
        %parallel_loop3A_664 = arith.constant 16 : i32
        %parallel_loop3A_665 = arith.muli %parallel_loop3A_133, %parallel_loop3A_664 : i32
        %parallel_loop3A_666 = arith.addi %parallel_loop3A_663, %parallel_loop3A_665 : i32
        %parallel_loop3A_667 = arith.constant 4 : i32
        %parallel_loop3A_668 = arith.addi %parallel_loop3A_666, %parallel_loop3A_667 : i32
        %parallel_loop3A_669 = arith.index_cast %parallel_loop3A_668 : i32 to index
        %parallel_loop3A_670 = arith.constant 32 : index
        %parallel_loop3A_671 = tpu.vector_load %arg8[%parallel_loop3A_669, %parallel_loop3A_670] {strides = array<i32>} : memref<800x128xf32, #tpu.memory_space<vmem>>, vector<16xf32>,
        %parallel_loop3A_672 = vector.broadcast %parallel_loop3A_631 : f32 to vector<16xf32>
        %parallel_loop3A_673 = arith.mulf %parallel_loop3A_671, %parallel_loop3A_672 : vector<16xf32>
        %parallel_loop3A_674 = arith.index_cast %parallel_loop3A_668 : i32 to index
        %parallel_loop3A_675 = arith.constant 32 : index
        %parallel_loop3A_676 = tpu.vector_load %arg8[%parallel_loop3A_674, %parallel_loop3A_675] {strides = array<i32>} : memref<800x128xf32, #tpu.memory_space<vmem>>, vector<16xf32>,
        tpu.vector_store %arg8[%parallel_loop3A_674, %parallel_loop3A_675], %parallel_loop3A_673 {strides = array<i32>} : memref<800x128xf32, #tpu.memory_space<vmem>>, vector<16xf32>,
        %parallel_loop3A_677 = arith.constant 400 : i32
        %parallel_loop3A_678 = arith.muli %and3A_76, %parallel_loop3A_677 : i32
        %parallel_loop3A_679 = arith.constant 16 : i32
        %parallel_loop3A_680 = arith.muli %parallel_loop3A_133, %parallel_loop3A_679 : i32
        %parallel_loop3A_681 = arith.addi %parallel_loop3A_678, %parallel_loop3A_680 : i32
        %parallel_loop3A_682 = arith.constant 4 : i32
        %parallel_loop3A_683 = arith.addi %parallel_loop3A_681, %parallel_loop3A_682 : i32
        %parallel_loop3A_684 = arith.index_cast %parallel_loop3A_683 : i32 to index
        %parallel_loop3A_685 = arith.constant 48 : index
        %parallel_loop3A_686 = tpu.vector_load %arg8[%parallel_loop3A_684, %parallel_loop3A_685] {strides = array<i32>} : memref<800x128xf32, #tpu.memory_space<vmem>>, vector<16xf32>,
        %parallel_loop3A_687 = vector.broadcast %parallel_loop3A_631 : f32 to vector<16xf32>
        %parallel_loop3A_688 = arith.mulf %parallel_loop3A_686, %parallel_loop3A_687 : vector<16xf32>
        %parallel_loop3A_689 = arith.index_cast %parallel_loop3A_683 : i32 to index
        %parallel_loop3A_690 = arith.constant 48 : index
        %parallel_loop3A_691 = tpu.vector_load %arg8[%parallel_loop3A_689, %parallel_loop3A_690] {strides = array<i32>} : memref<800x128xf32, #tpu.memory_space<vmem>>, vector<16xf32>,
        tpu.vector_store %arg8[%parallel_loop3A_689, %parallel_loop3A_690], %parallel_loop3A_688 {strides = array<i32>} : memref<800x128xf32, #tpu.memory_space<vmem>>, vector<16xf32>,
        %parallel_loop3A_692 = arith.constant 400 : i32
        %parallel_loop3A_693 = arith.muli %and3A_76, %parallel_loop3A_692 : i32
        %parallel_loop3A_694 = arith.constant 16 : i32
        %parallel_loop3A_695 = arith.muli %parallel_loop3A_133, %parallel_loop3A_694 : i32
        %parallel_loop3A_696 = arith.addi %parallel_loop3A_693, %parallel_loop3A_695 : i32
        %parallel_loop3A_697 = arith.constant 4 : i32
        %parallel_loop3A_698 = arith.addi %parallel_loop3A_696, %parallel_loop3A_697 : i32
        %parallel_loop3A_699 = arith.index_cast %parallel_loop3A_698 : i32 to index
        %parallel_loop3A_700 = arith.constant 64 : index
        %parallel_loop3A_701 = tpu.vector_load %arg8[%parallel_loop3A_699, %parallel_loop3A_700] {strides = array<i32>} : memref<800x128xf32, #tpu.memory_space<vmem>>, vector<16xf32>,
        %parallel_loop3A_702 = vector.broadcast %parallel_loop3A_631 : f32 to vector<16xf32>
        %parallel_loop3A_703 = arith.mulf %parallel_loop3A_701, %parallel_loop3A_702 : vector<16xf32>
        %parallel_loop3A_704 = arith.index_cast %parallel_loop3A_698 : i32 to index
        %parallel_loop3A_705 = arith.constant 64 : index
        %parallel_loop3A_706 = tpu.vector_load %arg8[%parallel_loop3A_704, %parallel_loop3A_705] {strides = array<i32>} : memref<800x128xf32, #tpu.memory_space<vmem>>, vector<16xf32>,
        tpu.vector_store %arg8[%parallel_loop3A_704, %parallel_loop3A_705], %parallel_loop3A_703 {strides = array<i32>} : memref<800x128xf32, #tpu.memory_space<vmem>>, vector<16xf32>,
        %parallel_loop3A_707 = arith.constant 400 : i32
        %parallel_loop3A_708 = arith.muli %and3A_76, %parallel_loop3A_707 : i32
        %parallel_loop3A_709 = arith.constant 16 : i32
        %parallel_loop3A_710 = arith.muli %parallel_loop3A_133, %parallel_loop3A_709 : i32
        %parallel_loop3A_711 = arith.addi %parallel_loop3A_708, %parallel_loop3A_710 : i32
        %parallel_loop3A_712 = arith.constant 4 : i32
        %parallel_loop3A_713 = arith.addi %parallel_loop3A_711, %parallel_loop3A_712 : i32
        %parallel_loop3A_714 = arith.index_cast %parallel_loop3A_713 : i32 to index
        %parallel_loop3A_715 = arith.constant 80 : index
        %parallel_loop3A_716 = tpu.vector_load %arg8[%parallel_loop3A_714, %parallel_loop3A_715] {strides = array<i32>} : memref<800x128xf32, #tpu.memory_space<vmem>>, vector<16xf32>,
        %parallel_loop3A_717 = vector.broadcast %parallel_loop3A_631 : f32 to vector<16xf32>
        %parallel_loop3A_718 = arith.mulf %parallel_loop3A_716, %parallel_loop3A_717 : vector<16xf32>
        %parallel_loop3A_719 = arith.index_cast %parallel_loop3A_713 : i32 to index
        %parallel_loop3A_720 = arith.constant 80 : index
        %parallel_loop3A_721 = tpu.vector_load %arg8[%parallel_loop3A_719, %parallel_loop3A_720] {strides = array<i32>} : memref<800x128xf32, #tpu.memory_space<vmem>>, vector<16xf32>,
        tpu.vector_store %arg8[%parallel_loop3A_719, %parallel_loop3A_720], %parallel_loop3A_718 {strides = array<i32>} : memref<800x128xf32, #tpu.memory_space<vmem>>, vector<16xf32>,
        %parallel_loop3A_722 = arith.constant 400 : i32
        %parallel_loop3A_723 = arith.muli %and3A_76, %parallel_loop3A_722 : i32
        %parallel_loop3A_724 = arith.constant 16 : i32
        %parallel_loop3A_725 = arith.muli %parallel_loop3A_133, %parallel_loop3A_724 : i32
        %parallel_loop3A_726 = arith.addi %parallel_loop3A_723, %parallel_loop3A_725 : i32
        %parallel_loop3A_727 = arith.constant 4 : i32
        %parallel_loop3A_728 = arith.addi %parallel_loop3A_726, %parallel_loop3A_727 : i32
        %parallel_loop3A_729 = arith.index_cast %parallel_loop3A_728 : i32 to index
        %parallel_loop3A_730 = arith.constant 96 : index
        %parallel_loop3A_731 = tpu.vector_load %arg8[%parallel_loop3A_729, %parallel_loop3A_730] {strides = array<i32>} : memref<800x128xf32, #tpu.memory_space<vmem>>, vector<16xf32>,
        %parallel_loop3A_732 = vector.broadcast %parallel_loop3A_631 : f32 to vector<16xf32>
        %parallel_loop3A_733 = arith.mulf %parallel_loop3A_731, %parallel_loop3A_732 : vector<16xf32>
        %parallel_loop3A_734 = arith.index_cast %parallel_loop3A_728 : i32 to index
        %parallel_loop3A_735 = arith.constant 96 : index
        %parallel_loop3A_736 = tpu.vector_load %arg8[%parallel_loop3A_734, %parallel_loop3A_735] {strides = array<i32>} : memref<800x128xf32, #tpu.memory_space<vmem>>, vector<16xf32>,
        tpu.vector_store %arg8[%parallel_loop3A_734, %parallel_loop3A_735], %parallel_loop3A_733 {strides = array<i32>} : memref<800x128xf32, #tpu.memory_space<vmem>>, vector<16xf32>,
        %parallel_loop3A_737 = arith.constant 400 : i32
        %parallel_loop3A_738 = arith.muli %and3A_76, %parallel_loop3A_737 : i32
        %parallel_loop3A_739 = arith.constant 16 : i32
        %parallel_loop3A_740 = arith.muli %parallel_loop3A_133, %parallel_loop3A_739 : i32
        %parallel_loop3A_741 = arith.addi %parallel_loop3A_738, %parallel_loop3A_740 : i32
        %parallel_loop3A_742 = arith.constant 4 : i32
        %parallel_loop3A_743 = arith.addi %parallel_loop3A_741, %parallel_loop3A_742 : i32
        %parallel_loop3A_744 = arith.index_cast %parallel_loop3A_743 : i32 to index
        %parallel_loop3A_745 = arith.constant 112 : index
        %parallel_loop3A_746 = tpu.vector_load %arg8[%parallel_loop3A_744, %parallel_loop3A_745] {strides = array<i32>} : memref<800x128xf32, #tpu.memory_space<vmem>>, vector<16xf32>,
        %parallel_loop3A_747 = vector.broadcast %parallel_loop3A_631 : f32 to vector<16xf32>
        %parallel_loop3A_748 = arith.mulf %parallel_loop3A_746, %parallel_loop3A_747 : vector<16xf32>
        %parallel_loop3A_749 = arith.index_cast %parallel_loop3A_743 : i32 to index
        %parallel_loop3A_750 = arith.constant 112 : index
        %parallel_loop3A_751 = tpu.vector_load %arg8[%parallel_loop3A_749, %parallel_loop3A_750] {strides = array<i32>} : memref<800x128xf32, #tpu.memory_space<vmem>>, vector<16xf32>,
        tpu.vector_store %arg8[%parallel_loop3A_749, %parallel_loop3A_750], %parallel_loop3A_748 {strides = array<i32>} : memref<800x128xf32, #tpu.memory_space<vmem>>, vector<16xf32>,
        %parallel_loop3A_752 = vector.extract_strided_slice %parallel_loop3A_141 {offsets = [5], sizes = [1], strides = [1]} : vector<16xf32> to vector<1xf32>
        %parallel_loop3A_753 = vector.extract %parallel_loop3A_752[0] : f32 from vector<1xf32>
        %parallel_loop3A_754 = arith.constant 400 : i32
        %parallel_loop3A_755 = arith.muli %and3A_76, %parallel_loop3A_754 : i32
        %parallel_loop3A_756 = arith.constant 16 : i32
        %parallel_loop3A_757 = arith.muli %parallel_loop3A_133, %parallel_loop3A_756 : i32
        %parallel_loop3A_758 = arith.addi %parallel_loop3A_755, %parallel_loop3A_757 : i32
        %parallel_loop3A_759 = arith.constant 5 : i32
        %parallel_loop3A_760 = arith.addi %parallel_loop3A_758, %parallel_loop3A_759 : i32
        %parallel_loop3A_761 = arith.index_cast %parallel_loop3A_760 : i32 to index
        %parallel_loop3A_762 = arith.constant 0 : index
        %parallel_loop3A_763 = tpu.vector_load %arg8[%parallel_loop3A_761, %parallel_loop3A_762] {strides = array<i32>} : memref<800x128xf32, #tpu.memory_space<vmem>>, vector<16xf32>,
        %parallel_loop3A_764 = vector.broadcast %parallel_loop3A_753 : f32 to vector<16xf32>
        %parallel_loop3A_765 = arith.mulf %parallel_loop3A_763, %parallel_loop3A_764 : vector<16xf32>
        %parallel_loop3A_766 = arith.index_cast %parallel_loop3A_760 : i32 to index
        %parallel_loop3A_767 = arith.constant 0 : index
        %parallel_loop3A_768 = tpu.vector_load %arg8[%parallel_loop3A_766, %parallel_loop3A_767] {strides = array<i32>} : memref<800x128xf32, #tpu.memory_space<vmem>>, vector<16xf32>,
        tpu.vector_store %arg8[%parallel_loop3A_766, %parallel_loop3A_767], %parallel_loop3A_765 {strides = array<i32>} : memref<800x128xf32, #tpu.memory_space<vmem>>, vector<16xf32>,
        %parallel_loop3A_769 = arith.constant 400 : i32
        %parallel_loop3A_770 = arith.muli %and3A_76, %parallel_loop3A_769 : i32
        %parallel_loop3A_771 = arith.constant 16 : i32
        %parallel_loop3A_772 = arith.muli %parallel_loop3A_133, %parallel_loop3A_771 : i32
        %parallel_loop3A_773 = arith.addi %parallel_loop3A_770, %parallel_loop3A_772 : i32
        %parallel_loop3A_774 = arith.constant 5 : i32
        %parallel_loop3A_775 = arith.addi %parallel_loop3A_773, %parallel_loop3A_774 : i32
        %parallel_loop3A_776 = arith.index_cast %parallel_loop3A_775 : i32 to index
        %parallel_loop3A_777 = arith.constant 16 : index
        %parallel_loop3A_778 = tpu.vector_load %arg8[%parallel_loop3A_776, %parallel_loop3A_777] {strides = array<i32>} : memref<800x128xf32, #tpu.memory_space<vmem>>, vector<16xf32>,
        %parallel_loop3A_779 = vector.broadcast %parallel_loop3A_753 : f32 to vector<16xf32>
        %parallel_loop3A_780 = arith.mulf %parallel_loop3A_778, %parallel_loop3A_779 : vector<16xf32>
        %parallel_loop3A_781 = arith.index_cast %parallel_loop3A_775 : i32 to index
        %parallel_loop3A_782 = arith.constant 16 : index
        %parallel_loop3A_783 = tpu.vector_load %arg8[%parallel_loop3A_781, %parallel_loop3A_782] {strides = array<i32>} : memref<800x128xf32, #tpu.memory_space<vmem>>, vector<16xf32>,
        tpu.vector_store %arg8[%parallel_loop3A_781, %parallel_loop3A_782], %parallel_loop3A_780 {strides = array<i32>} : memref<800x128xf32, #tpu.memory_space<vmem>>, vector<16xf32>,
        %parallel_loop3A_784 = arith.constant 400 : i32
        %parallel_loop3A_785 = arith.muli %and3A_76, %parallel_loop3A_784 : i32
        %parallel_loop3A_786 = arith.constant 16 : i32
        %parallel_loop3A_787 = arith.muli %parallel_loop3A_133, %parallel_loop3A_786 : i32
        %parallel_loop3A_788 = arith.addi %parallel_loop3A_785, %parallel_loop3A_787 : i32
        %parallel_loop3A_789 = arith.constant 5 : i32
        %parallel_loop3A_790 = arith.addi %parallel_loop3A_788, %parallel_loop3A_789 : i32
        %parallel_loop3A_791 = arith.index_cast %parallel_loop3A_790 : i32 to index
        %parallel_loop3A_792 = arith.constant 32 : index
        %parallel_loop3A_793 = tpu.vector_load %arg8[%parallel_loop3A_791, %parallel_loop3A_792] {strides = array<i32>} : memref<800x128xf32, #tpu.memory_space<vmem>>, vector<16xf32>,
        %parallel_loop3A_794 = vector.broadcast %parallel_loop3A_753 : f32 to vector<16xf32>
        %parallel_loop3A_795 = arith.mulf %parallel_loop3A_793, %parallel_loop3A_794 : vector<16xf32>
        %parallel_loop3A_796 = arith.index_cast %parallel_loop3A_790 : i32 to index
        %parallel_loop3A_797 = arith.constant 32 : index
        %parallel_loop3A_798 = tpu.vector_load %arg8[%parallel_loop3A_796, %parallel_loop3A_797] {strides = array<i32>} : memref<800x128xf32, #tpu.memory_space<vmem>>, vector<16xf32>,
        tpu.vector_store %arg8[%parallel_loop3A_796, %parallel_loop3A_797], %parallel_loop3A_795 {strides = array<i32>} : memref<800x128xf32, #tpu.memory_space<vmem>>, vector<16xf32>,
        %parallel_loop3A_799 = arith.constant 400 : i32
        %parallel_loop3A_800 = arith.muli %and3A_76, %parallel_loop3A_799 : i32
        %parallel_loop3A_801 = arith.constant 16 : i32
        %parallel_loop3A_802 = arith.muli %parallel_loop3A_133, %parallel_loop3A_801 : i32
        %parallel_loop3A_803 = arith.addi %parallel_loop3A_800, %parallel_loop3A_802 : i32
        %parallel_loop3A_804 = arith.constant 5 : i32
        %parallel_loop3A_805 = arith.addi %parallel_loop3A_803, %parallel_loop3A_804 : i32
        %parallel_loop3A_806 = arith.index_cast %parallel_loop3A_805 : i32 to index
        %parallel_loop3A_807 = arith.constant 48 : index
        %parallel_loop3A_808 = tpu.vector_load %arg8[%parallel_loop3A_806, %parallel_loop3A_807] {strides = array<i32>} : memref<800x128xf32, #tpu.memory_space<vmem>>, vector<16xf32>,
        %parallel_loop3A_809 = vector.broadcast %parallel_loop3A_753 : f32 to vector<16xf32>
        %parallel_loop3A_810 = arith.mulf %parallel_loop3A_808, %parallel_loop3A_809 : vector<16xf32>
        %parallel_loop3A_811 = arith.index_cast %parallel_loop3A_805 : i32 to index
        %parallel_loop3A_812 = arith.constant 48 : index
        %parallel_loop3A_813 = tpu.vector_load %arg8[%parallel_loop3A_811, %parallel_loop3A_812] {strides = array<i32>} : memref<800x128xf32, #tpu.memory_space<vmem>>, vector<16xf32>,
        tpu.vector_store %arg8[%parallel_loop3A_811, %parallel_loop3A_812], %parallel_loop3A_810 {strides = array<i32>} : memref<800x128xf32, #tpu.memory_space<vmem>>, vector<16xf32>,
        %parallel_loop3A_814 = arith.constant 400 : i32
        %parallel_loop3A_815 = arith.muli %and3A_76, %parallel_loop3A_814 : i32
        %parallel_loop3A_816 = arith.constant 16 : i32
        %parallel_loop3A_817 = arith.muli %parallel_loop3A_133, %parallel_loop3A_816 : i32
        %parallel_loop3A_818 = arith.addi %parallel_loop3A_815, %parallel_loop3A_817 : i32
        %parallel_loop3A_819 = arith.constant 5 : i32
        %parallel_loop3A_820 = arith.addi %parallel_loop3A_818, %parallel_loop3A_819 : i32
        %parallel_loop3A_821 = arith.index_cast %parallel_loop3A_820 : i32 to index
        %parallel_loop3A_822 = arith.constant 64 : index
        %parallel_loop3A_823 = tpu.vector_load %arg8[%parallel_loop3A_821, %parallel_loop3A_822] {strides = array<i32>} : memref<800x128xf32, #tpu.memory_space<vmem>>, vector<16xf32>,
        %parallel_loop3A_824 = vector.broadcast %parallel_loop3A_753 : f32 to vector<16xf32>
        %parallel_loop3A_825 = arith.mulf %parallel_loop3A_823, %parallel_loop3A_824 : vector<16xf32>
        %parallel_loop3A_826 = arith.index_cast %parallel_loop3A_820 : i32 to index
        %parallel_loop3A_827 = arith.constant 64 : index
        %parallel_loop3A_828 = tpu.vector_load %arg8[%parallel_loop3A_826, %parallel_loop3A_827] {strides = array<i32>} : memref<800x128xf32, #tpu.memory_space<vmem>>, vector<16xf32>,
        tpu.vector_store %arg8[%parallel_loop3A_826, %parallel_loop3A_827], %parallel_loop3A_825 {strides = array<i32>} : memref<800x128xf32, #tpu.memory_space<vmem>>, vector<16xf32>,
        %parallel_loop3A_829 = arith.constant 400 : i32
        %parallel_loop3A_830 = arith.muli %and3A_76, %parallel_loop3A_829 : i32
        %parallel_loop3A_831 = arith.constant 16 : i32
        %parallel_loop3A_832 = arith.muli %parallel_loop3A_133, %parallel_loop3A_831 : i32
        %parallel_loop3A_833 = arith.addi %parallel_loop3A_830, %parallel_loop3A_832 : i32
        %parallel_loop3A_834 = arith.constant 5 : i32
        %parallel_loop3A_835 = arith.addi %parallel_loop3A_833, %parallel_loop3A_834 : i32
        %parallel_loop3A_836 = arith.index_cast %parallel_loop3A_835 : i32 to index
        %parallel_loop3A_837 = arith.constant 80 : index
        %parallel_loop3A_838 = tpu.vector_load %arg8[%parallel_loop3A_836, %parallel_loop3A_837] {strides = array<i32>} : memref<800x128xf32, #tpu.memory_space<vmem>>, vector<16xf32>,
        %parallel_loop3A_839 = vector.broadcast %parallel_loop3A_753 : f32 to vector<16xf32>
        %parallel_loop3A_840 = arith.mulf %parallel_loop3A_838, %parallel_loop3A_839 : vector<16xf32>
        %parallel_loop3A_841 = arith.index_cast %parallel_loop3A_835 : i32 to index
        %parallel_loop3A_842 = arith.constant 80 : index
        %parallel_loop3A_843 = tpu.vector_load %arg8[%parallel_loop3A_841, %parallel_loop3A_842] {strides = array<i32>} : memref<800x128xf32, #tpu.memory_space<vmem>>, vector<16xf32>,
        tpu.vector_store %arg8[%parallel_loop3A_841, %parallel_loop3A_842], %parallel_loop3A_840 {strides = array<i32>} : memref<800x128xf32, #tpu.memory_space<vmem>>, vector<16xf32>,
        %parallel_loop3A_844 = arith.constant 400 : i32
        %parallel_loop3A_845 = arith.muli %and3A_76, %parallel_loop3A_844 : i32
        %parallel_loop3A_846 = arith.constant 16 : i32
        %parallel_loop3A_847 = arith.muli %parallel_loop3A_133, %parallel_loop3A_846 : i32
        %parallel_loop3A_848 = arith.addi %parallel_loop3A_845, %parallel_loop3A_847 : i32
        %parallel_loop3A_849 = arith.constant 5 : i32
        %parallel_loop3A_850 = arith.addi %parallel_loop3A_848, %parallel_loop3A_849 : i32
        %parallel_loop3A_851 = arith.index_cast %parallel_loop3A_850 : i32 to index
        %parallel_loop3A_852 = arith.constant 96 : index
        %parallel_loop3A_853 = tpu.vector_load %arg8[%parallel_loop3A_851, %parallel_loop3A_852] {strides = array<i32>} : memref<800x128xf32, #tpu.memory_space<vmem>>, vector<16xf32>,
        %parallel_loop3A_854 = vector.broadcast %parallel_loop3A_753 : f32 to vector<16xf32>
        %parallel_loop3A_855 = arith.mulf %parallel_loop3A_853, %parallel_loop3A_854 : vector<16xf32>
        %parallel_loop3A_856 = arith.index_cast %parallel_loop3A_850 : i32 to index
        %parallel_loop3A_857 = arith.constant 96 : index
        %parallel_loop3A_858 = tpu.vector_load %arg8[%parallel_loop3A_856, %parallel_loop3A_857] {strides = array<i32>} : memref<800x128xf32, #tpu.memory_space<vmem>>, vector<16xf32>,
        tpu.vector_store %arg8[%parallel_loop3A_856, %parallel_loop3A_857], %parallel_loop3A_855 {strides = array<i32>} : memref<800x128xf32, #tpu.memory_space<vmem>>, vector<16xf32>,
        %parallel_loop3A_859 = arith.constant 400 : i32
        %parallel_loop3A_860 = arith.muli %and3A_76, %parallel_loop3A_859 : i32
        %parallel_loop3A_861 = arith.constant 16 : i32
        %parallel_loop3A_862 = arith.muli %parallel_loop3A_133, %parallel_loop3A_861 : i32
        %parallel_loop3A_863 = arith.addi %parallel_loop3A_860, %parallel_loop3A_862 : i32
        %parallel_loop3A_864 = arith.constant 5 : i32
        %parallel_loop3A_865 = arith.addi %parallel_loop3A_863, %parallel_loop3A_864 : i32
        %parallel_loop3A_866 = arith.index_cast %parallel_loop3A_865 : i32 to index
        %parallel_loop3A_867 = arith.constant 112 : index
        %parallel_loop3A_868 = tpu.vector_load %arg8[%parallel_loop3A_866, %parallel_loop3A_867] {strides = array<i32>} : memref<800x128xf32, #tpu.memory_space<vmem>>, vector<16xf32>,
        %parallel_loop3A_869 = vector.broadcast %parallel_loop3A_753 : f32 to vector<16xf32>
        %parallel_loop3A_870 = arith.mulf %parallel_loop3A_868, %parallel_loop3A_869 : vector<16xf32>
        %parallel_loop3A_871 = arith.index_cast %parallel_loop3A_865 : i32 to index
        %parallel_loop3A_872 = arith.constant 112 : index
        %parallel_loop3A_873 = tpu.vector_load %arg8[%parallel_loop3A_871, %parallel_loop3A_872] {strides = array<i32>} : memref<800x128xf32, #tpu.memory_space<vmem>>, vector<16xf32>,
        tpu.vector_store %arg8[%parallel_loop3A_871, %parallel_loop3A_872], %parallel_loop3A_870 {strides = array<i32>} : memref<800x128xf32, #tpu.memory_space<vmem>>, vector<16xf32>,
        %parallel_loop3A_874 = vector.extract_strided_slice %parallel_loop3A_141 {offsets = [6], sizes = [1], strides = [1]} : vector<16xf32> to vector<1xf32>
        %parallel_loop3A_875 = vector.extract %parallel_loop3A_874[0] : f32 from vector<1xf32>
        %parallel_loop3A_876 = arith.constant 400 : i32
        %parallel_loop3A_877 = arith.muli %and3A_76, %parallel_loop3A_876 : i32
        %parallel_loop3A_878 = arith.constant 16 : i32
        %parallel_loop3A_879 = arith.muli %parallel_loop3A_133, %parallel_loop3A_878 : i32
        %parallel_loop3A_880 = arith.addi %parallel_loop3A_877, %parallel_loop3A_879 : i32
        %parallel_loop3A_881 = arith.constant 6 : i32
        %parallel_loop3A_882 = arith.addi %parallel_loop3A_880, %parallel_loop3A_881 : i32
        %parallel_loop3A_883 = arith.index_cast %parallel_loop3A_882 : i32 to index
        %parallel_loop3A_884 = arith.constant 0 : index
        %parallel_loop3A_885 = tpu.vector_load %arg8[%parallel_loop3A_883, %parallel_loop3A_884] {strides = array<i32>} : memref<800x128xf32, #tpu.memory_space<vmem>>, vector<16xf32>,
        %parallel_loop3A_886 = vector.broadcast %parallel_loop3A_875 : f32 to vector<16xf32>
        %parallel_loop3A_887 = arith.mulf %parallel_loop3A_885, %parallel_loop3A_886 : vector<16xf32>
        %parallel_loop3A_888 = arith.index_cast %parallel_loop3A_882 : i32 to index
        %parallel_loop3A_889 = arith.constant 0 : index
        %parallel_loop3A_890 = tpu.vector_load %arg8[%parallel_loop3A_888, %parallel_loop3A_889] {strides = array<i32>} : memref<800x128xf32, #tpu.memory_space<vmem>>, vector<16xf32>,
        tpu.vector_store %arg8[%parallel_loop3A_888, %parallel_loop3A_889], %parallel_loop3A_887 {strides = array<i32>} : memref<800x128xf32, #tpu.memory_space<vmem>>, vector<16xf32>,
        %parallel_loop3A_891 = arith.constant 400 : i32
        %parallel_loop3A_892 = arith.muli %and3A_76, %parallel_loop3A_891 : i32
        %parallel_loop3A_893 = arith.constant 16 : i32
        %parallel_loop3A_894 = arith.muli %parallel_loop3A_133, %parallel_loop3A_893 : i32
        %parallel_loop3A_895 = arith.addi %parallel_loop3A_892, %parallel_loop3A_894 : i32
        %parallel_loop3A_896 = arith.constant 6 : i32
        %parallel_loop3A_897 = arith.addi %parallel_loop3A_895, %parallel_loop3A_896 : i32
        %parallel_loop3A_898 = arith.index_cast %parallel_loop3A_897 : i32 to index
        %parallel_loop3A_899 = arith.constant 16 : index
        %parallel_loop3A_900 = tpu.vector_load %arg8[%parallel_loop3A_898, %parallel_loop3A_899] {strides = array<i32>} : memref<800x128xf32, #tpu.memory_space<vmem>>, vector<16xf32>,
        %parallel_loop3A_901 = vector.broadcast %parallel_loop3A_875 : f32 to vector<16xf32>
        %parallel_loop3A_902 = arith.mulf %parallel_loop3A_900, %parallel_loop3A_901 : vector<16xf32>
        %parallel_loop3A_903 = arith.index_cast %parallel_loop3A_897 : i32 to index
        %parallel_loop3A_904 = arith.constant 16 : index
        %parallel_loop3A_905 = tpu.vector_load %arg8[%parallel_loop3A_903, %parallel_loop3A_904] {strides = array<i32>} : memref<800x128xf32, #tpu.memory_space<vmem>>, vector<16xf32>,
        tpu.vector_store %arg8[%parallel_loop3A_903, %parallel_loop3A_904], %parallel_loop3A_902 {strides = array<i32>} : memref<800x128xf32, #tpu.memory_space<vmem>>, vector<16xf32>,
        %parallel_loop3A_906 = arith.constant 400 : i32
        %parallel_loop3A_907 = arith.muli %and3A_76, %parallel_loop3A_906 : i32
        %parallel_loop3A_908 = arith.constant 16 : i32
        %parallel_loop3A_909 = arith.muli %parallel_loop3A_133, %parallel_loop3A_908 : i32
        %parallel_loop3A_910 = arith.addi %parallel_loop3A_907, %parallel_loop3A_909 : i32
        %parallel_loop3A_911 = arith.constant 6 : i32
        %parallel_loop3A_912 = arith.addi %parallel_loop3A_910, %parallel_loop3A_911 : i32
        %parallel_loop3A_913 = arith.index_cast %parallel_loop3A_912 : i32 to index
        %parallel_loop3A_914 = arith.constant 32 : index
        %parallel_loop3A_915 = tpu.vector_load %arg8[%parallel_loop3A_913, %parallel_loop3A_914] {strides = array<i32>} : memref<800x128xf32, #tpu.memory_space<vmem>>, vector<16xf32>,
        %parallel_loop3A_916 = vector.broadcast %parallel_loop3A_875 : f32 to vector<16xf32>
        %parallel_loop3A_917 = arith.mulf %parallel_loop3A_915, %parallel_loop3A_916 : vector<16xf32>
        %parallel_loop3A_918 = arith.index_cast %parallel_loop3A_912 : i32 to index
        %parallel_loop3A_919 = arith.constant 32 : index
        %parallel_loop3A_920 = tpu.vector_load %arg8[%parallel_loop3A_918, %parallel_loop3A_919] {strides = array<i32>} : memref<800x128xf32, #tpu.memory_space<vmem>>, vector<16xf32>,
        tpu.vector_store %arg8[%parallel_loop3A_918, %parallel_loop3A_919], %parallel_loop3A_917 {strides = array<i32>} : memref<800x128xf32, #tpu.memory_space<vmem>>, vector<16xf32>,
        %parallel_loop3A_921 = arith.constant 400 : i32
        %parallel_loop3A_922 = arith.muli %and3A_76, %parallel_loop3A_921 : i32
        %parallel_loop3A_923 = arith.constant 16 : i32
        %parallel_loop3A_924 = arith.muli %parallel_loop3A_133, %parallel_loop3A_923 : i32
        %parallel_loop3A_925 = arith.addi %parallel_loop3A_922, %parallel_loop3A_924 : i32
        %parallel_loop3A_926 = arith.constant 6 : i32
        %parallel_loop3A_927 = arith.addi %parallel_loop3A_925, %parallel_loop3A_926 : i32
        %parallel_loop3A_928 = arith.index_cast %parallel_loop3A_927 : i32 to index
        %parallel_loop3A_929 = arith.constant 48 : index
        %parallel_loop3A_930 = tpu.vector_load %arg8[%parallel_loop3A_928, %parallel_loop3A_929] {strides = array<i32>} : memref<800x128xf32, #tpu.memory_space<vmem>>, vector<16xf32>,
        %parallel_loop3A_931 = vector.broadcast %parallel_loop3A_875 : f32 to vector<16xf32>
        %parallel_loop3A_932 = arith.mulf %parallel_loop3A_930, %parallel_loop3A_931 : vector<16xf32>
        %parallel_loop3A_933 = arith.index_cast %parallel_loop3A_927 : i32 to index
        %parallel_loop3A_934 = arith.constant 48 : index
        %parallel_loop3A_935 = tpu.vector_load %arg8[%parallel_loop3A_933, %parallel_loop3A_934] {strides = array<i32>} : memref<800x128xf32, #tpu.memory_space<vmem>>, vector<16xf32>,
        tpu.vector_store %arg8[%parallel_loop3A_933, %parallel_loop3A_934], %parallel_loop3A_932 {strides = array<i32>} : memref<800x128xf32, #tpu.memory_space<vmem>>, vector<16xf32>,
        %parallel_loop3A_936 = arith.constant 400 : i32
        %parallel_loop3A_937 = arith.muli %and3A_76, %parallel_loop3A_936 : i32
        %parallel_loop3A_938 = arith.constant 16 : i32
        %parallel_loop3A_939 = arith.muli %parallel_loop3A_133, %parallel_loop3A_938 : i32
        %parallel_loop3A_940 = arith.addi %parallel_loop3A_937, %parallel_loop3A_939 : i32
        %parallel_loop3A_941 = arith.constant 6 : i32
        %parallel_loop3A_942 = arith.addi %parallel_loop3A_940, %parallel_loop3A_941 : i32
        %parallel_loop3A_943 = arith.index_cast %parallel_loop3A_942 : i32 to index
        %parallel_loop3A_944 = arith.constant 64 : index
        %parallel_loop3A_945 = tpu.vector_load %arg8[%parallel_loop3A_943, %parallel_loop3A_944] {strides = array<i32>} : memref<800x128xf32, #tpu.memory_space<vmem>>, vector<16xf32>,
        %parallel_loop3A_946 = vector.broadcast %parallel_loop3A_875 : f32 to vector<16xf32>
        %parallel_loop3A_947 = arith.mulf %parallel_loop3A_945, %parallel_loop3A_946 : vector<16xf32>
        %parallel_loop3A_948 = arith.index_cast %parallel_loop3A_942 : i32 to index
        %parallel_loop3A_949 = arith.constant 64 : index
        %parallel_loop3A_950 = tpu.vector_load %arg8[%parallel_loop3A_948, %parallel_loop3A_949] {strides = array<i32>} : memref<800x128xf32, #tpu.memory_space<vmem>>, vector<16xf32>,
        tpu.vector_store %arg8[%parallel_loop3A_948, %parallel_loop3A_949], %parallel_loop3A_947 {strides = array<i32>} : memref<800x128xf32, #tpu.memory_space<vmem>>, vector<16xf32>,
        %parallel_loop3A_951 = arith.constant 400 : i32
        %parallel_loop3A_952 = arith.muli %and3A_76, %parallel_loop3A_951 : i32
        %parallel_loop3A_953 = arith.constant 16 : i32
        %parallel_loop3A_954 = arith.muli %parallel_loop3A_133, %parallel_loop3A_953 : i32
        %parallel_loop3A_955 = arith.addi %parallel_loop3A_952, %parallel_loop3A_954 : i32
        %parallel_loop3A_956 = arith.constant 6 : i32
        %parallel_loop3A_957 = arith.addi %parallel_loop3A_955, %parallel_loop3A_956 : i32
        %parallel_loop3A_958 = arith.index_cast %parallel_loop3A_957 : i32 to index
        %parallel_loop3A_959 = arith.constant 80 : index
        %parallel_loop3A_960 = tpu.vector_load %arg8[%parallel_loop3A_958, %parallel_loop3A_959] {strides = array<i32>} : memref<800x128xf32, #tpu.memory_space<vmem>>, vector<16xf32>,
        %parallel_loop3A_961 = vector.broadcast %parallel_loop3A_875 : f32 to vector<16xf32>
        %parallel_loop3A_962 = arith.mulf %parallel_loop3A_960, %parallel_loop3A_961 : vector<16xf32>
        %parallel_loop3A_963 = arith.index_cast %parallel_loop3A_957 : i32 to index
        %parallel_loop3A_964 = arith.constant 80 : index
        %parallel_loop3A_965 = tpu.vector_load %arg8[%parallel_loop3A_963, %parallel_loop3A_964] {strides = array<i32>} : memref<800x128xf32, #tpu.memory_space<vmem>>, vector<16xf32>,
        tpu.vector_store %arg8[%parallel_loop3A_963, %parallel_loop3A_964], %parallel_loop3A_962 {strides = array<i32>} : memref<800x128xf32, #tpu.memory_space<vmem>>, vector<16xf32>,
        %parallel_loop3A_966 = arith.constant 400 : i32
        %parallel_loop3A_967 = arith.muli %and3A_76, %parallel_loop3A_966 : i32
        %parallel_loop3A_968 = arith.constant 16 : i32
        %parallel_loop3A_969 = arith.muli %parallel_loop3A_133, %parallel_loop3A_968 : i32
        %parallel_loop3A_970 = arith.addi %parallel_loop3A_967, %parallel_loop3A_969 : i32
        %parallel_loop3A_971 = arith.constant 6 : i32
        %parallel_loop3A_972 = arith.addi %parallel_loop3A_970, %parallel_loop3A_971 : i32
        %parallel_loop3A_973 = arith.index_cast %parallel_loop3A_972 : i32 to index
        %parallel_loop3A_974 = arith.constant 96 : index
        %parallel_loop3A_975 = tpu.vector_load %arg8[%parallel_loop3A_973, %parallel_loop3A_974] {strides = array<i32>} : memref<800x128xf32, #tpu.memory_space<vmem>>, vector<16xf32>,
        %parallel_loop3A_976 = vector.broadcast %parallel_loop3A_875 : f32 to vector<16xf32>
        %parallel_loop3A_977 = arith.mulf %parallel_loop3A_975, %parallel_loop3A_976 : vector<16xf32>
        %parallel_loop3A_978 = arith.index_cast %parallel_loop3A_972 : i32 to index
        %parallel_loop3A_979 = arith.constant 96 : index
        %parallel_loop3A_980 = tpu.vector_load %arg8[%parallel_loop3A_978, %parallel_loop3A_979] {strides = array<i32>} : memref<800x128xf32, #tpu.memory_space<vmem>>, vector<16xf32>,
        tpu.vector_store %arg8[%parallel_loop3A_978, %parallel_loop3A_979], %parallel_loop3A_977 {strides = array<i32>} : memref<800x128xf32, #tpu.memory_space<vmem>>, vector<16xf32>,
        %parallel_loop3A_981 = arith.constant 400 : i32
        %parallel_loop3A_982 = arith.muli %and3A_76, %parallel_loop3A_981 : i32
        %parallel_loop3A_983 = arith.constant 16 : i32
        %parallel_loop3A_984 = arith.muli %parallel_loop3A_133, %parallel_loop3A_983 : i32
        %parallel_loop3A_985 = arith.addi %parallel_loop3A_982, %parallel_loop3A_984 : i32
        %parallel_loop3A_986 = arith.constant 6 : i32
        %parallel_loop3A_987 = arith.addi %parallel_loop3A_985, %parallel_loop3A_986 : i32
        %parallel_loop3A_988 = arith.index_cast %parallel_loop3A_987 : i32 to index
        %parallel_loop3A_989 = arith.constant 112 : index
        %parallel_loop3A_990 = tpu.vector_load %arg8[%parallel_loop3A_988, %parallel_loop3A_989] {strides = array<i32>} : memref<800x128xf32, #tpu.memory_space<vmem>>, vector<16xf32>,
        %parallel_loop3A_991 = vector.broadcast %parallel_loop3A_875 : f32 to vector<16xf32>
        %parallel_loop3A_992 = arith.mulf %parallel_loop3A_990, %parallel_loop3A_991 : vector<16xf32>
        %parallel_loop3A_993 = arith.index_cast %parallel_loop3A_987 : i32 to index
        %parallel_loop3A_994 = arith.constant 112 : index
        %parallel_loop3A_995 = tpu.vector_load %arg8[%parallel_loop3A_993, %parallel_loop3A_994] {strides = array<i32>} : memref<800x128xf32, #tpu.memory_space<vmem>>, vector<16xf32>,
        tpu.vector_store %arg8[%parallel_loop3A_993, %parallel_loop3A_994], %parallel_loop3A_992 {strides = array<i32>} : memref<800x128xf32, #tpu.memory_space<vmem>>, vector<16xf32>,
        %parallel_loop3A_996 = vector.extract_strided_slice %parallel_loop3A_141 {offsets = [7], sizes = [1], strides = [1]} : vector<16xf32> to vector<1xf32>
        %parallel_loop3A_997 = vector.extract %parallel_loop3A_996[0] : f32 from vector<1xf32>
        %parallel_loop3A_998 = arith.constant 400 : i32
        %parallel_loop3A_999 = arith.muli %and3A_76, %parallel_loop3A_998 : i32
        %parallel_loop3A_1000 = arith.constant 16 : i32
        %parallel_loop3A_1001 = arith.muli %parallel_loop3A_133, %parallel_loop3A_1000 : i32
        %parallel_loop3A_1002 = arith.addi %parallel_loop3A_999, %parallel_loop3A_1001 : i32
        %parallel_loop3A_1003 = arith.constant 7 : i32
        %parallel_loop3A_1004 = arith.addi %parallel_loop3A_1002, %parallel_loop3A_1003 : i32
        %parallel_loop3A_1005 = arith.index_cast %parallel_loop3A_1004 : i32 to index
        %parallel_loop3A_1006 = arith.constant 0 : index
        %parallel_loop3A_1007 = tpu.vector_load %arg8[%parallel_loop3A_1005, %parallel_loop3A_1006] {strides = array<i32>} : memref<800x128xf32, #tpu.memory_space<vmem>>, vector<16xf32>,
        %parallel_loop3A_1008 = vector.broadcast %parallel_loop3A_997 : f32 to vector<16xf32>
        %parallel_loop3A_1009 = arith.mulf %parallel_loop3A_1007, %parallel_loop3A_1008 : vector<16xf32>
        %parallel_loop3A_1010 = arith.index_cast %parallel_loop3A_1004 : i32 to index
        %parallel_loop3A_1011 = arith.constant 0 : index
        %parallel_loop3A_1012 = tpu.vector_load %arg8[%parallel_loop3A_1010, %parallel_loop3A_1011] {strides = array<i32>} : memref<800x128xf32, #tpu.memory_space<vmem>>, vector<16xf32>,
        tpu.vector_store %arg8[%parallel_loop3A_1010, %parallel_loop3A_1011], %parallel_loop3A_1009 {strides = array<i32>} : memref<800x128xf32, #tpu.memory_space<vmem>>, vector<16xf32>,
        %parallel_loop3A_1013 = arith.constant 400 : i32
        %parallel_loop3A_1014 = arith.muli %and3A_76, %parallel_loop3A_1013 : i32
        %parallel_loop3A_1015 = arith.constant 16 : i32
        %parallel_loop3A_1016 = arith.muli %parallel_loop3A_133, %parallel_loop3A_1015 : i32
        %parallel_loop3A_1017 = arith.addi %parallel_loop3A_1014, %parallel_loop3A_1016 : i32
        %parallel_loop3A_1018 = arith.constant 7 : i32
        %parallel_loop3A_1019 = arith.addi %parallel_loop3A_1017, %parallel_loop3A_1018 : i32
        %parallel_loop3A_1020 = arith.index_cast %parallel_loop3A_1019 : i32 to index
        %parallel_loop3A_1021 = arith.constant 16 : index
        %parallel_loop3A_1022 = tpu.vector_load %arg8[%parallel_loop3A_1020, %parallel_loop3A_1021] {strides = array<i32>} : memref<800x128xf32, #tpu.memory_space<vmem>>, vector<16xf32>,
        %parallel_loop3A_1023 = vector.broadcast %parallel_loop3A_997 : f32 to vector<16xf32>
        %parallel_loop3A_1024 = arith.mulf %parallel_loop3A_1022, %parallel_loop3A_1023 : vector<16xf32>
        %parallel_loop3A_1025 = arith.index_cast %parallel_loop3A_1019 : i32 to index
        %parallel_loop3A_1026 = arith.constant 16 : index
        %parallel_loop3A_1027 = tpu.vector_load %arg8[%parallel_loop3A_1025, %parallel_loop3A_1026] {strides = array<i32>} : memref<800x128xf32, #tpu.memory_space<vmem>>, vector<16xf32>,
        tpu.vector_store %arg8[%parallel_loop3A_1025, %parallel_loop3A_1026], %parallel_loop3A_1024 {strides = array<i32>} : memref<800x128xf32, #tpu.memory_space<vmem>>, vector<16xf32>,
        %parallel_loop3A_1028 = arith.constant 400 : i32
        %parallel_loop3A_1029 = arith.muli %and3A_76, %parallel_loop3A_1028 : i32
        %parallel_loop3A_1030 = arith.constant 16 : i32
        %parallel_loop3A_1031 = arith.muli %parallel_loop3A_133, %parallel_loop3A_1030 : i32
        %parallel_loop3A_1032 = arith.addi %parallel_loop3A_1029, %parallel_loop3A_1031 : i32
        %parallel_loop3A_1033 = arith.constant 7 : i32
        %parallel_loop3A_1034 = arith.addi %parallel_loop3A_1032, %parallel_loop3A_1033 : i32
        %parallel_loop3A_1035 = arith.index_cast %parallel_loop3A_1034 : i32 to index
        %parallel_loop3A_1036 = arith.constant 32 : index
        %parallel_loop3A_1037 = tpu.vector_load %arg8[%parallel_loop3A_1035, %parallel_loop3A_1036] {strides = array<i32>} : memref<800x128xf32, #tpu.memory_space<vmem>>, vector<16xf32>,
        %parallel_loop3A_1038 = vector.broadcast %parallel_loop3A_997 : f32 to vector<16xf32>
        %parallel_loop3A_1039 = arith.mulf %parallel_loop3A_1037, %parallel_loop3A_1038 : vector<16xf32>
        %parallel_loop3A_1040 = arith.index_cast %parallel_loop3A_1034 : i32 to index
        %parallel_loop3A_1041 = arith.constant 32 : index
        %parallel_loop3A_1042 = tpu.vector_load %arg8[%parallel_loop3A_1040, %parallel_loop3A_1041] {strides = array<i32>} : memref<800x128xf32, #tpu.memory_space<vmem>>, vector<16xf32>,
        tpu.vector_store %arg8[%parallel_loop3A_1040, %parallel_loop3A_1041], %parallel_loop3A_1039 {strides = array<i32>} : memref<800x128xf32, #tpu.memory_space<vmem>>, vector<16xf32>,
        %parallel_loop3A_1043 = arith.constant 400 : i32
        %parallel_loop3A_1044 = arith.muli %and3A_76, %parallel_loop3A_1043 : i32
        %parallel_loop3A_1045 = arith.constant 16 : i32
        %parallel_loop3A_1046 = arith.muli %parallel_loop3A_133, %parallel_loop3A_1045 : i32
        %parallel_loop3A_1047 = arith.addi %parallel_loop3A_1044, %parallel_loop3A_1046 : i32
        %parallel_loop3A_1048 = arith.constant 7 : i32
        %parallel_loop3A_1049 = arith.addi %parallel_loop3A_1047, %parallel_loop3A_1048 : i32
        %parallel_loop3A_1050 = arith.index_cast %parallel_loop3A_1049 : i32 to index
        %parallel_loop3A_1051 = arith.constant 48 : index
        %parallel_loop3A_1052 = tpu.vector_load %arg8[%parallel_loop3A_1050, %parallel_loop3A_1051] {strides = array<i32>} : memref<800x128xf32, #tpu.memory_space<vmem>>, vector<16xf32>,
        %parallel_loop3A_1053 = vector.broadcast %parallel_loop3A_997 : f32 to vector<16xf32>
        %parallel_loop3A_1054 = arith.mulf %parallel_loop3A_1052, %parallel_loop3A_1053 : vector<16xf32>
        %parallel_loop3A_1055 = arith.index_cast %parallel_loop3A_1049 : i32 to index
        %parallel_loop3A_1056 = arith.constant 48 : index
        %parallel_loop3A_1057 = tpu.vector_load %arg8[%parallel_loop3A_1055, %parallel_loop3A_1056] {strides = array<i32>} : memref<800x128xf32, #tpu.memory_space<vmem>>, vector<16xf32>,
        tpu.vector_store %arg8[%parallel_loop3A_1055, %parallel_loop3A_1056], %parallel_loop3A_1054 {strides = array<i32>} : memref<800x128xf32, #tpu.memory_space<vmem>>, vector<16xf32>,
        %parallel_loop3A_1058 = arith.constant 400 : i32
        %parallel_loop3A_1059 = arith.muli %and3A_76, %parallel_loop3A_1058 : i32
        %parallel_loop3A_1060 = arith.constant 16 : i32
        %parallel_loop3A_1061 = arith.muli %parallel_loop3A_133, %parallel_loop3A_1060 : i32
        %parallel_loop3A_1062 = arith.addi %parallel_loop3A_1059, %parallel_loop3A_1061 : i32
        %parallel_loop3A_1063 = arith.constant 7 : i32
        %parallel_loop3A_1064 = arith.addi %parallel_loop3A_1062, %parallel_loop3A_1063 : i32
        %parallel_loop3A_1065 = arith.index_cast %parallel_loop3A_1064 : i32 to index
        %parallel_loop3A_1066 = arith.constant 64 : index
        %parallel_loop3A_1067 = tpu.vector_load %arg8[%parallel_loop3A_1065, %parallel_loop3A_1066] {strides = array<i32>} : memref<800x128xf32, #tpu.memory_space<vmem>>, vector<16xf32>,
        %parallel_loop3A_1068 = vector.broadcast %parallel_loop3A_997 : f32 to vector<16xf32>
        %parallel_loop3A_1069 = arith.mulf %parallel_loop3A_1067, %parallel_loop3A_1068 : vector<16xf32>
        %parallel_loop3A_1070 = arith.index_cast %parallel_loop3A_1064 : i32 to index
        %parallel_loop3A_1071 = arith.constant 64 : index
        %parallel_loop3A_1072 = tpu.vector_load %arg8[%parallel_loop3A_1070, %parallel_loop3A_1071] {strides = array<i32>} : memref<800x128xf32, #tpu.memory_space<vmem>>, vector<16xf32>,
        tpu.vector_store %arg8[%parallel_loop3A_1070, %parallel_loop3A_1071], %parallel_loop3A_1069 {strides = array<i32>} : memref<800x128xf32, #tpu.memory_space<vmem>>, vector<16xf32>,
        %parallel_loop3A_1073 = arith.constant 400 : i32
        %parallel_loop3A_1074 = arith.muli %and3A_76, %parallel_loop3A_1073 : i32
        %parallel_loop3A_1075 = arith.constant 16 : i32
        %parallel_loop3A_1076 = arith.muli %parallel_loop3A_133, %parallel_loop3A_1075 : i32
        %parallel_loop3A_1077 = arith.addi %parallel_loop3A_1074, %parallel_loop3A_1076 : i32
        %parallel_loop3A_1078 = arith.constant 7 : i32
        %parallel_loop3A_1079 = arith.addi %parallel_loop3A_1077, %parallel_loop3A_1078 : i32
        %parallel_loop3A_1080 = arith.index_cast %parallel_loop3A_1079 : i32 to index
        %parallel_loop3A_1081 = arith.constant 80 : index
        %parallel_loop3A_1082 = tpu.vector_load %arg8[%parallel_loop3A_1080, %parallel_loop3A_1081] {strides = array<i32>} : memref<800x128xf32, #tpu.memory_space<vmem>>, vector<16xf32>,
        %parallel_loop3A_1083 = vector.broadcast %parallel_loop3A_997 : f32 to vector<16xf32>
        %parallel_loop3A_1084 = arith.mulf %parallel_loop3A_1082, %parallel_loop3A_1083 : vector<16xf32>
        %parallel_loop3A_1085 = arith.index_cast %parallel_loop3A_1079 : i32 to index
        %parallel_loop3A_1086 = arith.constant 80 : index
        %parallel_loop3A_1087 = tpu.vector_load %arg8[%parallel_loop3A_1085, %parallel_loop3A_1086] {strides = array<i32>} : memref<800x128xf32, #tpu.memory_space<vmem>>, vector<16xf32>,
        tpu.vector_store %arg8[%parallel_loop3A_1085, %parallel_loop3A_1086], %parallel_loop3A_1084 {strides = array<i32>} : memref<800x128xf32, #tpu.memory_space<vmem>>, vector<16xf32>,
        %parallel_loop3A_1088 = arith.constant 400 : i32
        %parallel_loop3A_1089 = arith.muli %and3A_76, %parallel_loop3A_1088 : i32
        %parallel_loop3A_1090 = arith.constant 16 : i32
        %parallel_loop3A_1091 = arith.muli %parallel_loop3A_133, %parallel_loop3A_1090 : i32
        %parallel_loop3A_1092 = arith.addi %parallel_loop3A_1089, %parallel_loop3A_1091 : i32
        %parallel_loop3A_1093 = arith.constant 7 : i32
        %parallel_loop3A_1094 = arith.addi %parallel_loop3A_1092, %parallel_loop3A_1093 : i32
        %parallel_loop3A_1095 = arith.index_cast %parallel_loop3A_1094 : i32 to index
        %parallel_loop3A_1096 = arith.constant 96 : index
        %parallel_loop3A_1097 = tpu.vector_load %arg8[%parallel_loop3A_1095, %parallel_loop3A_1096] {strides = array<i32>} : memref<800x128xf32, #tpu.memory_space<vmem>>, vector<16xf32>,
        %parallel_loop3A_1098 = vector.broadcast %parallel_loop3A_997 : f32 to vector<16xf32>
        %parallel_loop3A_1099 = arith.mulf %parallel_loop3A_1097, %parallel_loop3A_1098 : vector<16xf32>
        %parallel_loop3A_1100 = arith.index_cast %parallel_loop3A_1094 : i32 to index
        %parallel_loop3A_1101 = arith.constant 96 : index
        %parallel_loop3A_1102 = tpu.vector_load %arg8[%parallel_loop3A_1100, %parallel_loop3A_1101] {strides = array<i32>} : memref<800x128xf32, #tpu.memory_space<vmem>>, vector<16xf32>,
        tpu.vector_store %arg8[%parallel_loop3A_1100, %parallel_loop3A_1101], %parallel_loop3A_1099 {strides = array<i32>} : memref<800x128xf32, #tpu.memory_space<vmem>>, vector<16xf32>,
        %parallel_loop3A_1103 = arith.constant 400 : i32
        %parallel_loop3A_1104 = arith.muli %and3A_76, %parallel_loop3A_1103 : i32
        %parallel_loop3A_1105 = arith.constant 16 : i32
        %parallel_loop3A_1106 = arith.muli %parallel_loop3A_133, %parallel_loop3A_1105 : i32
        %parallel_loop3A_1107 = arith.addi %parallel_loop3A_1104, %parallel_loop3A_1106 : i32
        %parallel_loop3A_1108 = arith.constant 7 : i32
        %parallel_loop3A_1109 = arith.addi %parallel_loop3A_1107, %parallel_loop3A_1108 : i32
        %parallel_loop3A_1110 = arith.index_cast %parallel_loop3A_1109 : i32 to index
        %parallel_loop3A_1111 = arith.constant 112 : index
        %parallel_loop3A_1112 = tpu.vector_load %arg8[%parallel_loop3A_1110, %parallel_loop3A_1111] {strides = array<i32>} : memref<800x128xf32, #tpu.memory_space<vmem>>, vector<16xf32>,
        %parallel_loop3A_1113 = vector.broadcast %parallel_loop3A_997 : f32 to vector<16xf32>
        %parallel_loop3A_1114 = arith.mulf %parallel_loop3A_1112, %parallel_loop3A_1113 : vector<16xf32>
        %parallel_loop3A_1115 = arith.index_cast %parallel_loop3A_1109 : i32 to index
        %parallel_loop3A_1116 = arith.constant 112 : index
        %parallel_loop3A_1117 = tpu.vector_load %arg8[%parallel_loop3A_1115, %parallel_loop3A_1116] {strides = array<i32>} : memref<800x128xf32, #tpu.memory_space<vmem>>, vector<16xf32>,
        tpu.vector_store %arg8[%parallel_loop3A_1115, %parallel_loop3A_1116], %parallel_loop3A_1114 {strides = array<i32>} : memref<800x128xf32, #tpu.memory_space<vmem>>, vector<16xf32>,
        %parallel_loop3A_1118 = vector.extract_strided_slice %parallel_loop3A_141 {offsets = [8], sizes = [1], strides = [1]} : vector<16xf32> to vector<1xf32>
        %parallel_loop3A_1119 = vector.extract %parallel_loop3A_1118[0] : f32 from vector<1xf32>
        %parallel_loop3A_1120 = arith.constant 400 : i32
        %parallel_loop3A_1121 = arith.muli %and3A_76, %parallel_loop3A_1120 : i32
        %parallel_loop3A_1122 = arith.constant 16 : i32
        %parallel_loop3A_1123 = arith.muli %parallel_loop3A_133, %parallel_loop3A_1122 : i32
        %parallel_loop3A_1124 = arith.addi %parallel_loop3A_1121, %parallel_loop3A_1123 : i32
        %parallel_loop3A_1125 = arith.constant 8 : i32
        %parallel_loop3A_1126 = arith.addi %parallel_loop3A_1124, %parallel_loop3A_1125 : i32
        %parallel_loop3A_1127 = arith.index_cast %parallel_loop3A_1126 : i32 to index
        %parallel_loop3A_1128 = arith.constant 0 : index
        %parallel_loop3A_1129 = tpu.vector_load %arg8[%parallel_loop3A_1127, %parallel_loop3A_1128] {strides = array<i32>} : memref<800x128xf32, #tpu.memory_space<vmem>>, vector<16xf32>,
        %parallel_loop3A_1130 = vector.broadcast %parallel_loop3A_1119 : f32 to vector<16xf32>
        %parallel_loop3A_1131 = arith.mulf %parallel_loop3A_1129, %parallel_loop3A_1130 : vector<16xf32>
        %parallel_loop3A_1132 = arith.index_cast %parallel_loop3A_1126 : i32 to index
        %parallel_loop3A_1133 = arith.constant 0 : index
        %parallel_loop3A_1134 = tpu.vector_load %arg8[%parallel_loop3A_1132, %parallel_loop3A_1133] {strides = array<i32>} : memref<800x128xf32, #tpu.memory_space<vmem>>, vector<16xf32>,
        tpu.vector_store %arg8[%parallel_loop3A_1132, %parallel_loop3A_1133], %parallel_loop3A_1131 {strides = array<i32>} : memref<800x128xf32, #tpu.memory_space<vmem>>, vector<16xf32>,
        %parallel_loop3A_1135 = arith.constant 400 : i32
        %parallel_loop3A_1136 = arith.muli %and3A_76, %parallel_loop3A_1135 : i32
        %parallel_loop3A_1137 = arith.constant 16 : i32
        %parallel_loop3A_1138 = arith.muli %parallel_loop3A_133, %parallel_loop3A_1137 : i32
        %parallel_loop3A_1139 = arith.addi %parallel_loop3A_1136, %parallel_loop3A_1138 : i32
        %parallel_loop3A_1140 = arith.constant 8 : i32
        %parallel_loop3A_1141 = arith.addi %parallel_loop3A_1139, %parallel_loop3A_1140 : i32
        %parallel_loop3A_1142 = arith.index_cast %parallel_loop3A_1141 : i32 to index
        %parallel_loop3A_1143 = arith.constant 16 : index
        %parallel_loop3A_1144 = tpu.vector_load %arg8[%parallel_loop3A_1142, %parallel_loop3A_1143] {strides = array<i32>} : memref<800x128xf32, #tpu.memory_space<vmem>>, vector<16xf32>,
        %parallel_loop3A_1145 = vector.broadcast %parallel_loop3A_1119 : f32 to vector<16xf32>
        %parallel_loop3A_1146 = arith.mulf %parallel_loop3A_1144, %parallel_loop3A_1145 : vector<16xf32>
        %parallel_loop3A_1147 = arith.index_cast %parallel_loop3A_1141 : i32 to index
        %parallel_loop3A_1148 = arith.constant 16 : index
        %parallel_loop3A_1149 = tpu.vector_load %arg8[%parallel_loop3A_1147, %parallel_loop3A_1148] {strides = array<i32>} : memref<800x128xf32, #tpu.memory_space<vmem>>, vector<16xf32>,
        tpu.vector_store %arg8[%parallel_loop3A_1147, %parallel_loop3A_1148], %parallel_loop3A_1146 {strides = array<i32>} : memref<800x128xf32, #tpu.memory_space<vmem>>, vector<16xf32>,
        %parallel_loop3A_1150 = arith.constant 400 : i32
        %parallel_loop3A_1151 = arith.muli %and3A_76, %parallel_loop3A_1150 : i32
        %parallel_loop3A_1152 = arith.constant 16 : i32
        %parallel_loop3A_1153 = arith.muli %parallel_loop3A_133, %parallel_loop3A_1152 : i32
        %parallel_loop3A_1154 = arith.addi %parallel_loop3A_1151, %parallel_loop3A_1153 : i32
        %parallel_loop3A_1155 = arith.constant 8 : i32
        %parallel_loop3A_1156 = arith.addi %parallel_loop3A_1154, %parallel_loop3A_1155 : i32
        %parallel_loop3A_1157 = arith.index_cast %parallel_loop3A_1156 : i32 to index
        %parallel_loop3A_1158 = arith.constant 32 : index
        %parallel_loop3A_1159 = tpu.vector_load %arg8[%parallel_loop3A_1157, %parallel_loop3A_1158] {strides = array<i32>} : memref<800x128xf32, #tpu.memory_space<vmem>>, vector<16xf32>,
        %parallel_loop3A_1160 = vector.broadcast %parallel_loop3A_1119 : f32 to vector<16xf32>
        %parallel_loop3A_1161 = arith.mulf %parallel_loop3A_1159, %parallel_loop3A_1160 : vector<16xf32>
        %parallel_loop3A_1162 = arith.index_cast %parallel_loop3A_1156 : i32 to index
        %parallel_loop3A_1163 = arith.constant 32 : index
        %parallel_loop3A_1164 = tpu.vector_load %arg8[%parallel_loop3A_1162, %parallel_loop3A_1163] {strides = array<i32>} : memref<800x128xf32, #tpu.memory_space<vmem>>, vector<16xf32>,
        tpu.vector_store %arg8[%parallel_loop3A_1162, %parallel_loop3A_1163], %parallel_loop3A_1161 {strides = array<i32>} : memref<800x128xf32, #tpu.memory_space<vmem>>, vector<16xf32>,
        %parallel_loop3A_1165 = arith.constant 400 : i32
        %parallel_loop3A_1166 = arith.muli %and3A_76, %parallel_loop3A_1165 : i32
        %parallel_loop3A_1167 = arith.constant 16 : i32
        %parallel_loop3A_1168 = arith.muli %parallel_loop3A_133, %parallel_loop3A_1167 : i32
        %parallel_loop3A_1169 = arith.addi %parallel_loop3A_1166, %parallel_loop3A_1168 : i32
        %parallel_loop3A_1170 = arith.constant 8 : i32
        %parallel_loop3A_1171 = arith.addi %parallel_loop3A_1169, %parallel_loop3A_1170 : i32
        %parallel_loop3A_1172 = arith.index_cast %parallel_loop3A_1171 : i32 to index
        %parallel_loop3A_1173 = arith.constant 48 : index
        %parallel_loop3A_1174 = tpu.vector_load %arg8[%parallel_loop3A_1172, %parallel_loop3A_1173] {strides = array<i32>} : memref<800x128xf32, #tpu.memory_space<vmem>>, vector<16xf32>,
        %parallel_loop3A_1175 = vector.broadcast %parallel_loop3A_1119 : f32 to vector<16xf32>
        %parallel_loop3A_1176 = arith.mulf %parallel_loop3A_1174, %parallel_loop3A_1175 : vector<16xf32>
        %parallel_loop3A_1177 = arith.index_cast %parallel_loop3A_1171 : i32 to index
        %parallel_loop3A_1178 = arith.constant 48 : index
        %parallel_loop3A_1179 = tpu.vector_load %arg8[%parallel_loop3A_1177, %parallel_loop3A_1178] {strides = array<i32>} : memref<800x128xf32, #tpu.memory_space<vmem>>, vector<16xf32>,
        tpu.vector_store %arg8[%parallel_loop3A_1177, %parallel_loop3A_1178], %parallel_loop3A_1176 {strides = array<i32>} : memref<800x128xf32, #tpu.memory_space<vmem>>, vector<16xf32>,
        %parallel_loop3A_1180 = arith.constant 400 : i32
        %parallel_loop3A_1181 = arith.muli %and3A_76, %parallel_loop3A_1180 : i32
        %parallel_loop3A_1182 = arith.constant 16 : i32
        %parallel_loop3A_1183 = arith.muli %parallel_loop3A_133, %parallel_loop3A_1182 : i32
        %parallel_loop3A_1184 = arith.addi %parallel_loop3A_1181, %parallel_loop3A_1183 : i32
        %parallel_loop3A_1185 = arith.constant 8 : i32
        %parallel_loop3A_1186 = arith.addi %parallel_loop3A_1184, %parallel_loop3A_1185 : i32
        %parallel_loop3A_1187 = arith.index_cast %parallel_loop3A_1186 : i32 to index
        %parallel_loop3A_1188 = arith.constant 64 : index
        %parallel_loop3A_1189 = tpu.vector_load %arg8[%parallel_loop3A_1187, %parallel_loop3A_1188] {strides = array<i32>} : memref<800x128xf32, #tpu.memory_space<vmem>>, vector<16xf32>,
        %parallel_loop3A_1190 = vector.broadcast %parallel_loop3A_1119 : f32 to vector<16xf32>
        %parallel_loop3A_1191 = arith.mulf %parallel_loop3A_1189, %parallel_loop3A_1190 : vector<16xf32>
        %parallel_loop3A_1192 = arith.index_cast %parallel_loop3A_1186 : i32 to index
        %parallel_loop3A_1193 = arith.constant 64 : index
        %parallel_loop3A_1194 = tpu.vector_load %arg8[%parallel_loop3A_1192, %parallel_loop3A_1193] {strides = array<i32>} : memref<800x128xf32, #tpu.memory_space<vmem>>, vector<16xf32>,
        tpu.vector_store %arg8[%parallel_loop3A_1192, %parallel_loop3A_1193], %parallel_loop3A_1191 {strides = array<i32>} : memref<800x128xf32, #tpu.memory_space<vmem>>, vector<16xf32>,
        %parallel_loop3A_1195 = arith.constant 400 : i32
        %parallel_loop3A_1196 = arith.muli %and3A_76, %parallel_loop3A_1195 : i32
        %parallel_loop3A_1197 = arith.constant 16 : i32
        %parallel_loop3A_1198 = arith.muli %parallel_loop3A_133, %parallel_loop3A_1197 : i32
        %parallel_loop3A_1199 = arith.addi %parallel_loop3A_1196, %parallel_loop3A_1198 : i32
        %parallel_loop3A_1200 = arith.constant 8 : i32
        %parallel_loop3A_1201 = arith.addi %parallel_loop3A_1199, %parallel_loop3A_1200 : i32
        %parallel_loop3A_1202 = arith.index_cast %parallel_loop3A_1201 : i32 to index
        %parallel_loop3A_1203 = arith.constant 80 : index
        %parallel_loop3A_1204 = tpu.vector_load %arg8[%parallel_loop3A_1202, %parallel_loop3A_1203] {strides = array<i32>} : memref<800x128xf32, #tpu.memory_space<vmem>>, vector<16xf32>,
        %parallel_loop3A_1205 = vector.broadcast %parallel_loop3A_1119 : f32 to vector<16xf32>
        %parallel_loop3A_1206 = arith.mulf %parallel_loop3A_1204, %parallel_loop3A_1205 : vector<16xf32>
        %parallel_loop3A_1207 = arith.index_cast %parallel_loop3A_1201 : i32 to index
        %parallel_loop3A_1208 = arith.constant 80 : index
        %parallel_loop3A_1209 = tpu.vector_load %arg8[%parallel_loop3A_1207, %parallel_loop3A_1208] {strides = array<i32>} : memref<800x128xf32, #tpu.memory_space<vmem>>, vector<16xf32>,
        tpu.vector_store %arg8[%parallel_loop3A_1207, %parallel_loop3A_1208], %parallel_loop3A_1206 {strides = array<i32>} : memref<800x128xf32, #tpu.memory_space<vmem>>, vector<16xf32>,
        %parallel_loop3A_1210 = arith.constant 400 : i32
        %parallel_loop3A_1211 = arith.muli %and3A_76, %parallel_loop3A_1210 : i32
        %parallel_loop3A_1212 = arith.constant 16 : i32
        %parallel_loop3A_1213 = arith.muli %parallel_loop3A_133, %parallel_loop3A_1212 : i32
        %parallel_loop3A_1214 = arith.addi %parallel_loop3A_1211, %parallel_loop3A_1213 : i32
        %parallel_loop3A_1215 = arith.constant 8 : i32
        %parallel_loop3A_1216 = arith.addi %parallel_loop3A_1214, %parallel_loop3A_1215 : i32
        %parallel_loop3A_1217 = arith.index_cast %parallel_loop3A_1216 : i32 to index
        %parallel_loop3A_1218 = arith.constant 96 : index
        %parallel_loop3A_1219 = tpu.vector_load %arg8[%parallel_loop3A_1217, %parallel_loop3A_1218] {strides = array<i32>} : memref<800x128xf32, #tpu.memory_space<vmem>>, vector<16xf32>,
        %parallel_loop3A_1220 = vector.broadcast %parallel_loop3A_1119 : f32 to vector<16xf32>
        %parallel_loop3A_1221 = arith.mulf %parallel_loop3A_1219, %parallel_loop3A_1220 : vector<16xf32>
        %parallel_loop3A_1222 = arith.index_cast %parallel_loop3A_1216 : i32 to index
        %parallel_loop3A_1223 = arith.constant 96 : index
        %parallel_loop3A_1224 = tpu.vector_load %arg8[%parallel_loop3A_1222, %parallel_loop3A_1223] {strides = array<i32>} : memref<800x128xf32, #tpu.memory_space<vmem>>, vector<16xf32>,
        tpu.vector_store %arg8[%parallel_loop3A_1222, %parallel_loop3A_1223], %parallel_loop3A_1221 {strides = array<i32>} : memref<800x128xf32, #tpu.memory_space<vmem>>, vector<16xf32>,
        %parallel_loop3A_1225 = arith.constant 400 : i32
        %parallel_loop3A_1226 = arith.muli %and3A_76, %parallel_loop3A_1225 : i32
        %parallel_loop3A_1227 = arith.constant 16 : i32
        %parallel_loop3A_1228 = arith.muli %parallel_loop3A_133, %parallel_loop3A_1227 : i32
        %parallel_loop3A_1229 = arith.addi %parallel_loop3A_1226, %parallel_loop3A_1228 : i32
        %parallel_loop3A_1230 = arith.constant 8 : i32
        %parallel_loop3A_1231 = arith.addi %parallel_loop3A_1229, %parallel_loop3A_1230 : i32
        %parallel_loop3A_1232 = arith.index_cast %parallel_loop3A_1231 : i32 to index
        %parallel_loop3A_1233 = arith.constant 112 : index
        %parallel_loop3A_1234 = tpu.vector_load %arg8[%parallel_loop3A_1232, %parallel_loop3A_1233] {strides = array<i32>} : memref<800x128xf32, #tpu.memory_space<vmem>>, vector<16xf32>,
        %parallel_loop3A_1235 = vector.broadcast %parallel_loop3A_1119 : f32 to vector<16xf32>
        %parallel_loop3A_1236 = arith.mulf %parallel_loop3A_1234, %parallel_loop3A_1235 : vector<16xf32>
        %parallel_loop3A_1237 = arith.index_cast %parallel_loop3A_1231 : i32 to index
        %parallel_loop3A_1238 = arith.constant 112 : index
        %parallel_loop3A_1239 = tpu.vector_load %arg8[%parallel_loop3A_1237, %parallel_loop3A_1238] {strides = array<i32>} : memref<800x128xf32, #tpu.memory_space<vmem>>, vector<16xf32>,
        tpu.vector_store %arg8[%parallel_loop3A_1237, %parallel_loop3A_1238], %parallel_loop3A_1236 {strides = array<i32>} : memref<800x128xf32, #tpu.memory_space<vmem>>, vector<16xf32>,
        %parallel_loop3A_1240 = vector.extract_strided_slice %parallel_loop3A_141 {offsets = [9], sizes = [1], strides = [1]} : vector<16xf32> to vector<1xf32>
        %parallel_loop3A_1241 = vector.extract %parallel_loop3A_1240[0] : f32 from vector<1xf32>
        %parallel_loop3A_1242 = arith.constant 400 : i32
        %parallel_loop3A_1243 = arith.muli %and3A_76, %parallel_loop3A_1242 : i32
        %parallel_loop3A_1244 = arith.constant 16 : i32
        %parallel_loop3A_1245 = arith.muli %parallel_loop3A_133, %parallel_loop3A_1244 : i32
        %parallel_loop3A_1246 = arith.addi %parallel_loop3A_1243, %parallel_loop3A_1245 : i32
        %parallel_loop3A_1247 = arith.constant 9 : i32
        %parallel_loop3A_1248 = arith.addi %parallel_loop3A_1246, %parallel_loop3A_1247 : i32
        %parallel_loop3A_1249 = arith.index_cast %parallel_loop3A_1248 : i32 to index
        %parallel_loop3A_1250 = arith.constant 0 : index
        %parallel_loop3A_1251 = tpu.vector_load %arg8[%parallel_loop3A_1249, %parallel_loop3A_1250] {strides = array<i32>} : memref<800x128xf32, #tpu.memory_space<vmem>>, vector<16xf32>,
        %parallel_loop3A_1252 = vector.broadcast %parallel_loop3A_1241 : f32 to vector<16xf32>
        %parallel_loop3A_1253 = arith.mulf %parallel_loop3A_1251, %parallel_loop3A_1252 : vector<16xf32>
        %parallel_loop3A_1254 = arith.index_cast %parallel_loop3A_1248 : i32 to index
        %parallel_loop3A_1255 = arith.constant 0 : index
        %parallel_loop3A_1256 = tpu.vector_load %arg8[%parallel_loop3A_1254, %parallel_loop3A_1255] {strides = array<i32>} : memref<800x128xf32, #tpu.memory_space<vmem>>, vector<16xf32>,
        tpu.vector_store %arg8[%parallel_loop3A_1254, %parallel_loop3A_1255], %parallel_loop3A_1253 {strides = array<i32>} : memref<800x128xf32, #tpu.memory_space<vmem>>, vector<16xf32>,
        %parallel_loop3A_1257 = arith.constant 400 : i32
        %parallel_loop3A_1258 = arith.muli %and3A_76, %parallel_loop3A_1257 : i32
        %parallel_loop3A_1259 = arith.constant 16 : i32
        %parallel_loop3A_1260 = arith.muli %parallel_loop3A_133, %parallel_loop3A_1259 : i32
        %parallel_loop3A_1261 = arith.addi %parallel_loop3A_1258, %parallel_loop3A_1260 : i32
        %parallel_loop3A_1262 = arith.constant 9 : i32
        %parallel_loop3A_1263 = arith.addi %parallel_loop3A_1261, %parallel_loop3A_1262 : i32
        %parallel_loop3A_1264 = arith.index_cast %parallel_loop3A_1263 : i32 to index
        %parallel_loop3A_1265 = arith.constant 16 : index
        %parallel_loop3A_1266 = tpu.vector_load %arg8[%parallel_loop3A_1264, %parallel_loop3A_1265] {strides = array<i32>} : memref<800x128xf32, #tpu.memory_space<vmem>>, vector<16xf32>,
        %parallel_loop3A_1267 = vector.broadcast %parallel_loop3A_1241 : f32 to vector<16xf32>
        %parallel_loop3A_1268 = arith.mulf %parallel_loop3A_1266, %parallel_loop3A_1267 : vector<16xf32>
        %parallel_loop3A_1269 = arith.index_cast %parallel_loop3A_1263 : i32 to index
        %parallel_loop3A_1270 = arith.constant 16 : index
        %parallel_loop3A_1271 = tpu.vector_load %arg8[%parallel_loop3A_1269, %parallel_loop3A_1270] {strides = array<i32>} : memref<800x128xf32, #tpu.memory_space<vmem>>, vector<16xf32>,
        tpu.vector_store %arg8[%parallel_loop3A_1269, %parallel_loop3A_1270], %parallel_loop3A_1268 {strides = array<i32>} : memref<800x128xf32, #tpu.memory_space<vmem>>, vector<16xf32>,
        %parallel_loop3A_1272 = arith.constant 400 : i32
        %parallel_loop3A_1273 = arith.muli %and3A_76, %parallel_loop3A_1272 : i32
        %parallel_loop3A_1274 = arith.constant 16 : i32
        %parallel_loop3A_1275 = arith.muli %parallel_loop3A_133, %parallel_loop3A_1274 : i32
        %parallel_loop3A_1276 = arith.addi %parallel_loop3A_1273, %parallel_loop3A_1275 : i32
        %parallel_loop3A_1277 = arith.constant 9 : i32
        %parallel_loop3A_1278 = arith.addi %parallel_loop3A_1276, %parallel_loop3A_1277 : i32
        %parallel_loop3A_1279 = arith.index_cast %parallel_loop3A_1278 : i32 to index
        %parallel_loop3A_1280 = arith.constant 32 : index
        %parallel_loop3A_1281 = tpu.vector_load %arg8[%parallel_loop3A_1279, %parallel_loop3A_1280] {strides = array<i32>} : memref<800x128xf32, #tpu.memory_space<vmem>>, vector<16xf32>,
        %parallel_loop3A_1282 = vector.broadcast %parallel_loop3A_1241 : f32 to vector<16xf32>
        %parallel_loop3A_1283 = arith.mulf %parallel_loop3A_1281, %parallel_loop3A_1282 : vector<16xf32>
        %parallel_loop3A_1284 = arith.index_cast %parallel_loop3A_1278 : i32 to index
        %parallel_loop3A_1285 = arith.constant 32 : index
        %parallel_loop3A_1286 = tpu.vector_load %arg8[%parallel_loop3A_1284, %parallel_loop3A_1285] {strides = array<i32>} : memref<800x128xf32, #tpu.memory_space<vmem>>, vector<16xf32>,
        tpu.vector_store %arg8[%parallel_loop3A_1284, %parallel_loop3A_1285], %parallel_loop3A_1283 {strides = array<i32>} : memref<800x128xf32, #tpu.memory_space<vmem>>, vector<16xf32>,
        %parallel_loop3A_1287 = arith.constant 400 : i32
        %parallel_loop3A_1288 = arith.muli %and3A_76, %parallel_loop3A_1287 : i32
        %parallel_loop3A_1289 = arith.constant 16 : i32
        %parallel_loop3A_1290 = arith.muli %parallel_loop3A_133, %parallel_loop3A_1289 : i32
        %parallel_loop3A_1291 = arith.addi %parallel_loop3A_1288, %parallel_loop3A_1290 : i32
        %parallel_loop3A_1292 = arith.constant 9 : i32
        %parallel_loop3A_1293 = arith.addi %parallel_loop3A_1291, %parallel_loop3A_1292 : i32
        %parallel_loop3A_1294 = arith.index_cast %parallel_loop3A_1293 : i32 to index
        %parallel_loop3A_1295 = arith.constant 48 : index
        %parallel_loop3A_1296 = tpu.vector_load %arg8[%parallel_loop3A_1294, %parallel_loop3A_1295] {strides = array<i32>} : memref<800x128xf32, #tpu.memory_space<vmem>>, vector<16xf32>,
        %parallel_loop3A_1297 = vector.broadcast %parallel_loop3A_1241 : f32 to vector<16xf32>
        %parallel_loop3A_1298 = arith.mulf %parallel_loop3A_1296, %parallel_loop3A_1297 : vector<16xf32>
        %parallel_loop3A_1299 = arith.index_cast %parallel_loop3A_1293 : i32 to index
        %parallel_loop3A_1300 = arith.constant 48 : index
        %parallel_loop3A_1301 = tpu.vector_load %arg8[%parallel_loop3A_1299, %parallel_loop3A_1300] {strides = array<i32>} : memref<800x128xf32, #tpu.memory_space<vmem>>, vector<16xf32>,
        tpu.vector_store %arg8[%parallel_loop3A_1299, %parallel_loop3A_1300], %parallel_loop3A_1298 {strides = array<i32>} : memref<800x128xf32, #tpu.memory_space<vmem>>, vector<16xf32>,
        %parallel_loop3A_1302 = arith.constant 400 : i32
        %parallel_loop3A_1303 = arith.muli %and3A_76, %parallel_loop3A_1302 : i32
        %parallel_loop3A_1304 = arith.constant 16 : i32
        %parallel_loop3A_1305 = arith.muli %parallel_loop3A_133, %parallel_loop3A_1304 : i32
        %parallel_loop3A_1306 = arith.addi %parallel_loop3A_1303, %parallel_loop3A_1305 : i32
        %parallel_loop3A_1307 = arith.constant 9 : i32
        %parallel_loop3A_1308 = arith.addi %parallel_loop3A_1306, %parallel_loop3A_1307 : i32
        %parallel_loop3A_1309 = arith.index_cast %parallel_loop3A_1308 : i32 to index
        %parallel_loop3A_1310 = arith.constant 64 : index
        %parallel_loop3A_1311 = tpu.vector_load %arg8[%parallel_loop3A_1309, %parallel_loop3A_1310] {strides = array<i32>} : memref<800x128xf32, #tpu.memory_space<vmem>>, vector<16xf32>,
        %parallel_loop3A_1312 = vector.broadcast %parallel_loop3A_1241 : f32 to vector<16xf32>
        %parallel_loop3A_1313 = arith.mulf %parallel_loop3A_1311, %parallel_loop3A_1312 : vector<16xf32>
        %parallel_loop3A_1314 = arith.index_cast %parallel_loop3A_1308 : i32 to index
        %parallel_loop3A_1315 = arith.constant 64 : index
        %parallel_loop3A_1316 = tpu.vector_load %arg8[%parallel_loop3A_1314, %parallel_loop3A_1315] {strides = array<i32>} : memref<800x128xf32, #tpu.memory_space<vmem>>, vector<16xf32>,
        tpu.vector_store %arg8[%parallel_loop3A_1314, %parallel_loop3A_1315], %parallel_loop3A_1313 {strides = array<i32>} : memref<800x128xf32, #tpu.memory_space<vmem>>, vector<16xf32>,
        %parallel_loop3A_1317 = arith.constant 400 : i32
        %parallel_loop3A_1318 = arith.muli %and3A_76, %parallel_loop3A_1317 : i32
        %parallel_loop3A_1319 = arith.constant 16 : i32
        %parallel_loop3A_1320 = arith.muli %parallel_loop3A_133, %parallel_loop3A_1319 : i32
        %parallel_loop3A_1321 = arith.addi %parallel_loop3A_1318, %parallel_loop3A_1320 : i32
        %parallel_loop3A_1322 = arith.constant 9 : i32
        %parallel_loop3A_1323 = arith.addi %parallel_loop3A_1321, %parallel_loop3A_1322 : i32
        %parallel_loop3A_1324 = arith.index_cast %parallel_loop3A_1323 : i32 to index
        %parallel_loop3A_1325 = arith.constant 80 : index
        %parallel_loop3A_1326 = tpu.vector_load %arg8[%parallel_loop3A_1324, %parallel_loop3A_1325] {strides = array<i32>} : memref<800x128xf32, #tpu.memory_space<vmem>>, vector<16xf32>,
        %parallel_loop3A_1327 = vector.broadcast %parallel_loop3A_1241 : f32 to vector<16xf32>
        %parallel_loop3A_1328 = arith.mulf %parallel_loop3A_1326, %parallel_loop3A_1327 : vector<16xf32>
        %parallel_loop3A_1329 = arith.index_cast %parallel_loop3A_1323 : i32 to index
        %parallel_loop3A_1330 = arith.constant 80 : index
        %parallel_loop3A_1331 = tpu.vector_load %arg8[%parallel_loop3A_1329, %parallel_loop3A_1330] {strides = array<i32>} : memref<800x128xf32, #tpu.memory_space<vmem>>, vector<16xf32>,
        tpu.vector_store %arg8[%parallel_loop3A_1329, %parallel_loop3A_1330], %parallel_loop3A_1328 {strides = array<i32>} : memref<800x128xf32, #tpu.memory_space<vmem>>, vector<16xf32>,
        %parallel_loop3A_1332 = arith.constant 400 : i32
        %parallel_loop3A_1333 = arith.muli %and3A_76, %parallel_loop3A_1332 : i32
        %parallel_loop3A_1334 = arith.constant 16 : i32
        %parallel_loop3A_1335 = arith.muli %parallel_loop3A_133, %parallel_loop3A_1334 : i32
        %parallel_loop3A_1336 = arith.addi %parallel_loop3A_1333, %parallel_loop3A_1335 : i32
        %parallel_loop3A_1337 = arith.constant 9 : i32
        %parallel_loop3A_1338 = arith.addi %parallel_loop3A_1336, %parallel_loop3A_1337 : i32
        %parallel_loop3A_1339 = arith.index_cast %parallel_loop3A_1338 : i32 to index
        %parallel_loop3A_1340 = arith.constant 96 : index
        %parallel_loop3A_1341 = tpu.vector_load %arg8[%parallel_loop3A_1339, %parallel_loop3A_1340] {strides = array<i32>} : memref<800x128xf32, #tpu.memory_space<vmem>>, vector<16xf32>,
        %parallel_loop3A_1342 = vector.broadcast %parallel_loop3A_1241 : f32 to vector<16xf32>
        %parallel_loop3A_1343 = arith.mulf %parallel_loop3A_1341, %parallel_loop3A_1342 : vector<16xf32>
        %parallel_loop3A_1344 = arith.index_cast %parallel_loop3A_1338 : i32 to index
        %parallel_loop3A_1345 = arith.constant 96 : index
        %parallel_loop3A_1346 = tpu.vector_load %arg8[%parallel_loop3A_1344, %parallel_loop3A_1345] {strides = array<i32>} : memref<800x128xf32, #tpu.memory_space<vmem>>, vector<16xf32>,
        tpu.vector_store %arg8[%parallel_loop3A_1344, %parallel_loop3A_1345], %parallel_loop3A_1343 {strides = array<i32>} : memref<800x128xf32, #tpu.memory_space<vmem>>, vector<16xf32>,
        %parallel_loop3A_1347 = arith.constant 400 : i32
        %parallel_loop3A_1348 = arith.muli %and3A_76, %parallel_loop3A_1347 : i32
        %parallel_loop3A_1349 = arith.constant 16 : i32
        %parallel_loop3A_1350 = arith.muli %parallel_loop3A_133, %parallel_loop3A_1349 : i32
        %parallel_loop3A_1351 = arith.addi %parallel_loop3A_1348, %parallel_loop3A_1350 : i32
        %parallel_loop3A_1352 = arith.constant 9 : i32
        %parallel_loop3A_1353 = arith.addi %parallel_loop3A_1351, %parallel_loop3A_1352 : i32
        %parallel_loop3A_1354 = arith.index_cast %parallel_loop3A_1353 : i32 to index
        %parallel_loop3A_1355 = arith.constant 112 : index
        %parallel_loop3A_1356 = tpu.vector_load %arg8[%parallel_loop3A_1354, %parallel_loop3A_1355] {strides = array<i32>} : memref<800x128xf32, #tpu.memory_space<vmem>>, vector<16xf32>,
        %parallel_loop3A_1357 = vector.broadcast %parallel_loop3A_1241 : f32 to vector<16xf32>
        %parallel_loop3A_1358 = arith.mulf %parallel_loop3A_1356, %parallel_loop3A_1357 : vector<16xf32>
        %parallel_loop3A_1359 = arith.index_cast %parallel_loop3A_1353 : i32 to index
        %parallel_loop3A_1360 = arith.constant 112 : index
        %parallel_loop3A_1361 = tpu.vector_load %arg8[%parallel_loop3A_1359, %parallel_loop3A_1360] {strides = array<i32>} : memref<800x128xf32, #tpu.memory_space<vmem>>, vector<16xf32>,
        tpu.vector_store %arg8[%parallel_loop3A_1359, %parallel_loop3A_1360], %parallel_loop3A_1358 {strides = array<i32>} : memref<800x128xf32, #tpu.memory_space<vmem>>, vector<16xf32>,
        %parallel_loop3A_1362 = vector.extract_strided_slice %parallel_loop3A_141 {offsets = [10], sizes = [1], strides = [1]} : vector<16xf32> to vector<1xf32>
        %parallel_loop3A_1363 = vector.extract %parallel_loop3A_1362[0] : f32 from vector<1xf32>
        %parallel_loop3A_1364 = arith.constant 400 : i32
        %parallel_loop3A_1365 = arith.muli %and3A_76, %parallel_loop3A_1364 : i32
        %parallel_loop3A_1366 = arith.constant 16 : i32
        %parallel_loop3A_1367 = arith.muli %parallel_loop3A_133, %parallel_loop3A_1366 : i32
        %parallel_loop3A_1368 = arith.addi %parallel_loop3A_1365, %parallel_loop3A_1367 : i32
        %parallel_loop3A_1369 = arith.constant 10 : i32
        %parallel_loop3A_1370 = arith.addi %parallel_loop3A_1368, %parallel_loop3A_1369 : i32
        %parallel_loop3A_1371 = arith.index_cast %parallel_loop3A_1370 : i32 to index
        %parallel_loop3A_1372 = arith.constant 0 : index
        %parallel_loop3A_1373 = tpu.vector_load %arg8[%parallel_loop3A_1371, %parallel_loop3A_1372] {strides = array<i32>} : memref<800x128xf32, #tpu.memory_space<vmem>>, vector<16xf32>,
        %parallel_loop3A_1374 = vector.broadcast %parallel_loop3A_1363 : f32 to vector<16xf32>
        %parallel_loop3A_1375 = arith.mulf %parallel_loop3A_1373, %parallel_loop3A_1374 : vector<16xf32>
        %parallel_loop3A_1376 = arith.index_cast %parallel_loop3A_1370 : i32 to index
        %parallel_loop3A_1377 = arith.constant 0 : index
        %parallel_loop3A_1378 = tpu.vector_load %arg8[%parallel_loop3A_1376, %parallel_loop3A_1377] {strides = array<i32>} : memref<800x128xf32, #tpu.memory_space<vmem>>, vector<16xf32>,
        tpu.vector_store %arg8[%parallel_loop3A_1376, %parallel_loop3A_1377], %parallel_loop3A_1375 {strides = array<i32>} : memref<800x128xf32, #tpu.memory_space<vmem>>, vector<16xf32>,
        %parallel_loop3A_1379 = arith.constant 400 : i32
        %parallel_loop3A_1380 = arith.muli %and3A_76, %parallel_loop3A_1379 : i32
        %parallel_loop3A_1381 = arith.constant 16 : i32
        %parallel_loop3A_1382 = arith.muli %parallel_loop3A_133, %parallel_loop3A_1381 : i32
        %parallel_loop3A_1383 = arith.addi %parallel_loop3A_1380, %parallel_loop3A_1382 : i32
        %parallel_loop3A_1384 = arith.constant 10 : i32
        %parallel_loop3A_1385 = arith.addi %parallel_loop3A_1383, %parallel_loop3A_1384 : i32
        %parallel_loop3A_1386 = arith.index_cast %parallel_loop3A_1385 : i32 to index
        %parallel_loop3A_1387 = arith.constant 16 : index
        %parallel_loop3A_1388 = tpu.vector_load %arg8[%parallel_loop3A_1386, %parallel_loop3A_1387] {strides = array<i32>} : memref<800x128xf32, #tpu.memory_space<vmem>>, vector<16xf32>,
        %parallel_loop3A_1389 = vector.broadcast %parallel_loop3A_1363 : f32 to vector<16xf32>
        %parallel_loop3A_1390 = arith.mulf %parallel_loop3A_1388, %parallel_loop3A_1389 : vector<16xf32>
        %parallel_loop3A_1391 = arith.index_cast %parallel_loop3A_1385 : i32 to index
        %parallel_loop3A_1392 = arith.constant 16 : index
        %parallel_loop3A_1393 = tpu.vector_load %arg8[%parallel_loop3A_1391, %parallel_loop3A_1392] {strides = array<i32>} : memref<800x128xf32, #tpu.memory_space<vmem>>, vector<16xf32>,
        tpu.vector_store %arg8[%parallel_loop3A_1391, %parallel_loop3A_1392], %parallel_loop3A_1390 {strides = array<i32>} : memref<800x128xf32, #tpu.memory_space<vmem>>, vector<16xf32>,
        %parallel_loop3A_1394 = arith.constant 400 : i32
        %parallel_loop3A_1395 = arith.muli %and3A_76, %parallel_loop3A_1394 : i32
        %parallel_loop3A_1396 = arith.constant 16 : i32
        %parallel_loop3A_1397 = arith.muli %parallel_loop3A_133, %parallel_loop3A_1396 : i32
        %parallel_loop3A_1398 = arith.addi %parallel_loop3A_1395, %parallel_loop3A_1397 : i32
        %parallel_loop3A_1399 = arith.constant 10 : i32
        %parallel_loop3A_1400 = arith.addi %parallel_loop3A_1398, %parallel_loop3A_1399 : i32
        %parallel_loop3A_1401 = arith.index_cast %parallel_loop3A_1400 : i32 to index
        %parallel_loop3A_1402 = arith.constant 32 : index
        %parallel_loop3A_1403 = tpu.vector_load %arg8[%parallel_loop3A_1401, %parallel_loop3A_1402] {strides = array<i32>} : memref<800x128xf32, #tpu.memory_space<vmem>>, vector<16xf32>,
        %parallel_loop3A_1404 = vector.broadcast %parallel_loop3A_1363 : f32 to vector<16xf32>
        %parallel_loop3A_1405 = arith.mulf %parallel_loop3A_1403, %parallel_loop3A_1404 : vector<16xf32>
        %parallel_loop3A_1406 = arith.index_cast %parallel_loop3A_1400 : i32 to index
        %parallel_loop3A_1407 = arith.constant 32 : index
        %parallel_loop3A_1408 = tpu.vector_load %arg8[%parallel_loop3A_1406, %parallel_loop3A_1407] {strides = array<i32>} : memref<800x128xf32, #tpu.memory_space<vmem>>, vector<16xf32>,
        tpu.vector_store %arg8[%parallel_loop3A_1406, %parallel_loop3A_1407], %parallel_loop3A_1405 {strides = array<i32>} : memref<800x128xf32, #tpu.memory_space<vmem>>, vector<16xf32>,
        %parallel_loop3A_1409 = arith.constant 400 : i32
        %parallel_loop3A_1410 = arith.muli %and3A_76, %parallel_loop3A_1409 : i32
        %parallel_loop3A_1411 = arith.constant 16 : i32
        %parallel_loop3A_1412 = arith.muli %parallel_loop3A_133, %parallel_loop3A_1411 : i32
        %parallel_loop3A_1413 = arith.addi %parallel_loop3A_1410, %parallel_loop3A_1412 : i32
        %parallel_loop3A_1414 = arith.constant 10 : i32
        %parallel_loop3A_1415 = arith.addi %parallel_loop3A_1413, %parallel_loop3A_1414 : i32
        %parallel_loop3A_1416 = arith.index_cast %parallel_loop3A_1415 : i32 to index
        %parallel_loop3A_1417 = arith.constant 48 : index
        %parallel_loop3A_1418 = tpu.vector_load %arg8[%parallel_loop3A_1416, %parallel_loop3A_1417] {strides = array<i32>} : memref<800x128xf32, #tpu.memory_space<vmem>>, vector<16xf32>,
        %parallel_loop3A_1419 = vector.broadcast %parallel_loop3A_1363 : f32 to vector<16xf32>
        %parallel_loop3A_1420 = arith.mulf %parallel_loop3A_1418, %parallel_loop3A_1419 : vector<16xf32>
        %parallel_loop3A_1421 = arith.index_cast %parallel_loop3A_1415 : i32 to index
        %parallel_loop3A_1422 = arith.constant 48 : index
        %parallel_loop3A_1423 = tpu.vector_load %arg8[%parallel_loop3A_1421, %parallel_loop3A_1422] {strides = array<i32>} : memref<800x128xf32, #tpu.memory_space<vmem>>, vector<16xf32>,
        tpu.vector_store %arg8[%parallel_loop3A_1421, %parallel_loop3A_1422], %parallel_loop3A_1420 {strides = array<i32>} : memref<800x128xf32, #tpu.memory_space<vmem>>, vector<16xf32>,
        %parallel_loop3A_1424 = arith.constant 400 : i32
        %parallel_loop3A_1425 = arith.muli %and3A_76, %parallel_loop3A_1424 : i32
        %parallel_loop3A_1426 = arith.constant 16 : i32
        %parallel_loop3A_1427 = arith.muli %parallel_loop3A_133, %parallel_loop3A_1426 : i32
        %parallel_loop3A_1428 = arith.addi %parallel_loop3A_1425, %parallel_loop3A_1427 : i32
        %parallel_loop3A_1429 = arith.constant 10 : i32
        %parallel_loop3A_1430 = arith.addi %parallel_loop3A_1428, %parallel_loop3A_1429 : i32
        %parallel_loop3A_1431 = arith.index_cast %parallel_loop3A_1430 : i32 to index
        %parallel_loop3A_1432 = arith.constant 64 : index
        %parallel_loop3A_1433 = tpu.vector_load %arg8[%parallel_loop3A_1431, %parallel_loop3A_1432] {strides = array<i32>} : memref<800x128xf32, #tpu.memory_space<vmem>>, vector<16xf32>,
        %parallel_loop3A_1434 = vector.broadcast %parallel_loop3A_1363 : f32 to vector<16xf32>
        %parallel_loop3A_1435 = arith.mulf %parallel_loop3A_1433, %parallel_loop3A_1434 : vector<16xf32>
        %parallel_loop3A_1436 = arith.index_cast %parallel_loop3A_1430 : i32 to index
        %parallel_loop3A_1437 = arith.constant 64 : index
        %parallel_loop3A_1438 = tpu.vector_load %arg8[%parallel_loop3A_1436, %parallel_loop3A_1437] {strides = array<i32>} : memref<800x128xf32, #tpu.memory_space<vmem>>, vector<16xf32>,
        tpu.vector_store %arg8[%parallel_loop3A_1436, %parallel_loop3A_1437], %parallel_loop3A_1435 {strides = array<i32>} : memref<800x128xf32, #tpu.memory_space<vmem>>, vector<16xf32>,
        %parallel_loop3A_1439 = arith.constant 400 : i32
        %parallel_loop3A_1440 = arith.muli %and3A_76, %parallel_loop3A_1439 : i32
        %parallel_loop3A_1441 = arith.constant 16 : i32
        %parallel_loop3A_1442 = arith.muli %parallel_loop3A_133, %parallel_loop3A_1441 : i32
        %parallel_loop3A_1443 = arith.addi %parallel_loop3A_1440, %parallel_loop3A_1442 : i32
        %parallel_loop3A_1444 = arith.constant 10 : i32
        %parallel_loop3A_1445 = arith.addi %parallel_loop3A_1443, %parallel_loop3A_1444 : i32
        %parallel_loop3A_1446 = arith.index_cast %parallel_loop3A_1445 : i32 to index
        %parallel_loop3A_1447 = arith.constant 80 : index
        %parallel_loop3A_1448 = tpu.vector_load %arg8[%parallel_loop3A_1446, %parallel_loop3A_1447] {strides = array<i32>} : memref<800x128xf32, #tpu.memory_space<vmem>>, vector<16xf32>,
        %parallel_loop3A_1449 = vector.broadcast %parallel_loop3A_1363 : f32 to vector<16xf32>
        %parallel_loop3A_1450 = arith.mulf %parallel_loop3A_1448, %parallel_loop3A_1449 : vector<16xf32>
        %parallel_loop3A_1451 = arith.index_cast %parallel_loop3A_1445 : i32 to index
        %parallel_loop3A_1452 = arith.constant 80 : index
        %parallel_loop3A_1453 = tpu.vector_load %arg8[%parallel_loop3A_1451, %parallel_loop3A_1452] {strides = array<i32>} : memref<800x128xf32, #tpu.memory_space<vmem>>, vector<16xf32>,
        tpu.vector_store %arg8[%parallel_loop3A_1451, %parallel_loop3A_1452], %parallel_loop3A_1450 {strides = array<i32>} : memref<800x128xf32, #tpu.memory_space<vmem>>, vector<16xf32>,
        %parallel_loop3A_1454 = arith.constant 400 : i32
        %parallel_loop3A_1455 = arith.muli %and3A_76, %parallel_loop3A_1454 : i32
        %parallel_loop3A_1456 = arith.constant 16 : i32
        %parallel_loop3A_1457 = arith.muli %parallel_loop3A_133, %parallel_loop3A_1456 : i32
        %parallel_loop3A_1458 = arith.addi %parallel_loop3A_1455, %parallel_loop3A_1457 : i32
        %parallel_loop3A_1459 = arith.constant 10 : i32
        %parallel_loop3A_1460 = arith.addi %parallel_loop3A_1458, %parallel_loop3A_1459 : i32
        %parallel_loop3A_1461 = arith.index_cast %parallel_loop3A_1460 : i32 to index
        %parallel_loop3A_1462 = arith.constant 96 : index
        %parallel_loop3A_1463 = tpu.vector_load %arg8[%parallel_loop3A_1461, %parallel_loop3A_1462] {strides = array<i32>} : memref<800x128xf32, #tpu.memory_space<vmem>>, vector<16xf32>,
        %parallel_loop3A_1464 = vector.broadcast %parallel_loop3A_1363 : f32 to vector<16xf32>
        %parallel_loop3A_1465 = arith.mulf %parallel_loop3A_1463, %parallel_loop3A_1464 : vector<16xf32>
        %parallel_loop3A_1466 = arith.index_cast %parallel_loop3A_1460 : i32 to index
        %parallel_loop3A_1467 = arith.constant 96 : index
        %parallel_loop3A_1468 = tpu.vector_load %arg8[%parallel_loop3A_1466, %parallel_loop3A_1467] {strides = array<i32>} : memref<800x128xf32, #tpu.memory_space<vmem>>, vector<16xf32>,
        tpu.vector_store %arg8[%parallel_loop3A_1466, %parallel_loop3A_1467], %parallel_loop3A_1465 {strides = array<i32>} : memref<800x128xf32, #tpu.memory_space<vmem>>, vector<16xf32>,
        %parallel_loop3A_1469 = arith.constant 400 : i32
        %parallel_loop3A_1470 = arith.muli %and3A_76, %parallel_loop3A_1469 : i32
        %parallel_loop3A_1471 = arith.constant 16 : i32
        %parallel_loop3A_1472 = arith.muli %parallel_loop3A_133, %parallel_loop3A_1471 : i32
        %parallel_loop3A_1473 = arith.addi %parallel_loop3A_1470, %parallel_loop3A_1472 : i32
        %parallel_loop3A_1474 = arith.constant 10 : i32
        %parallel_loop3A_1475 = arith.addi %parallel_loop3A_1473, %parallel_loop3A_1474 : i32
        %parallel_loop3A_1476 = arith.index_cast %parallel_loop3A_1475 : i32 to index
        %parallel_loop3A_1477 = arith.constant 112 : index
        %parallel_loop3A_1478 = tpu.vector_load %arg8[%parallel_loop3A_1476, %parallel_loop3A_1477] {strides = array<i32>} : memref<800x128xf32, #tpu.memory_space<vmem>>, vector<16xf32>,
        %parallel_loop3A_1479 = vector.broadcast %parallel_loop3A_1363 : f32 to vector<16xf32>
        %parallel_loop3A_1480 = arith.mulf %parallel_loop3A_1478, %parallel_loop3A_1479 : vector<16xf32>
        %parallel_loop3A_1481 = arith.index_cast %parallel_loop3A_1475 : i32 to index
        %parallel_loop3A_1482 = arith.constant 112 : index
        %parallel_loop3A_1483 = tpu.vector_load %arg8[%parallel_loop3A_1481, %parallel_loop3A_1482] {strides = array<i32>} : memref<800x128xf32, #tpu.memory_space<vmem>>, vector<16xf32>,
        tpu.vector_store %arg8[%parallel_loop3A_1481, %parallel_loop3A_1482], %parallel_loop3A_1480 {strides = array<i32>} : memref<800x128xf32, #tpu.memory_space<vmem>>, vector<16xf32>,
        %parallel_loop3A_1484 = vector.extract_strided_slice %parallel_loop3A_141 {offsets = [11], sizes = [1], strides = [1]} : vector<16xf32> to vector<1xf32>
        %parallel_loop3A_1485 = vector.extract %parallel_loop3A_1484[0] : f32 from vector<1xf32>
        %parallel_loop3A_1486 = arith.constant 400 : i32
        %parallel_loop3A_1487 = arith.muli %and3A_76, %parallel_loop3A_1486 : i32
        %parallel_loop3A_1488 = arith.constant 16 : i32
        %parallel_loop3A_1489 = arith.muli %parallel_loop3A_133, %parallel_loop3A_1488 : i32
        %parallel_loop3A_1490 = arith.addi %parallel_loop3A_1487, %parallel_loop3A_1489 : i32
        %parallel_loop3A_1491 = arith.constant 11 : i32
        %parallel_loop3A_1492 = arith.addi %parallel_loop3A_1490, %parallel_loop3A_1491 : i32
        %parallel_loop3A_1493 = arith.index_cast %parallel_loop3A_1492 : i32 to index
        %parallel_loop3A_1494 = arith.constant 0 : index
        %parallel_loop3A_1495 = tpu.vector_load %arg8[%parallel_loop3A_1493, %parallel_loop3A_1494] {strides = array<i32>} : memref<800x128xf32, #tpu.memory_space<vmem>>, vector<16xf32>,
        %parallel_loop3A_1496 = vector.broadcast %parallel_loop3A_1485 : f32 to vector<16xf32>
        %parallel_loop3A_1497 = arith.mulf %parallel_loop3A_1495, %parallel_loop3A_1496 : vector<16xf32>
        %parallel_loop3A_1498 = arith.index_cast %parallel_loop3A_1492 : i32 to index
        %parallel_loop3A_1499 = arith.constant 0 : index
        %parallel_loop3A_1500 = tpu.vector_load %arg8[%parallel_loop3A_1498, %parallel_loop3A_1499] {strides = array<i32>} : memref<800x128xf32, #tpu.memory_space<vmem>>, vector<16xf32>,
        tpu.vector_store %arg8[%parallel_loop3A_1498, %parallel_loop3A_1499], %parallel_loop3A_1497 {strides = array<i32>} : memref<800x128xf32, #tpu.memory_space<vmem>>, vector<16xf32>,
        %parallel_loop3A_1501 = arith.constant 400 : i32
        %parallel_loop3A_1502 = arith.muli %and3A_76, %parallel_loop3A_1501 : i32
        %parallel_loop3A_1503 = arith.constant 16 : i32
        %parallel_loop3A_1504 = arith.muli %parallel_loop3A_133, %parallel_loop3A_1503 : i32
        %parallel_loop3A_1505 = arith.addi %parallel_loop3A_1502, %parallel_loop3A_1504 : i32
        %parallel_loop3A_1506 = arith.constant 11 : i32
        %parallel_loop3A_1507 = arith.addi %parallel_loop3A_1505, %parallel_loop3A_1506 : i32
        %parallel_loop3A_1508 = arith.index_cast %parallel_loop3A_1507 : i32 to index
        %parallel_loop3A_1509 = arith.constant 16 : index
        %parallel_loop3A_1510 = tpu.vector_load %arg8[%parallel_loop3A_1508, %parallel_loop3A_1509] {strides = array<i32>} : memref<800x128xf32, #tpu.memory_space<vmem>>, vector<16xf32>,
        %parallel_loop3A_1511 = vector.broadcast %parallel_loop3A_1485 : f32 to vector<16xf32>
        %parallel_loop3A_1512 = arith.mulf %parallel_loop3A_1510, %parallel_loop3A_1511 : vector<16xf32>
        %parallel_loop3A_1513 = arith.index_cast %parallel_loop3A_1507 : i32 to index
        %parallel_loop3A_1514 = arith.constant 16 : index
        %parallel_loop3A_1515 = tpu.vector_load %arg8[%parallel_loop3A_1513, %parallel_loop3A_1514] {strides = array<i32>} : memref<800x128xf32, #tpu.memory_space<vmem>>, vector<16xf32>,
        tpu.vector_store %arg8[%parallel_loop3A_1513, %parallel_loop3A_1514], %parallel_loop3A_1512 {strides = array<i32>} : memref<800x128xf32, #tpu.memory_space<vmem>>, vector<16xf32>,
        %parallel_loop3A_1516 = arith.constant 400 : i32
        %parallel_loop3A_1517 = arith.muli %and3A_76, %parallel_loop3A_1516 : i32
        %parallel_loop3A_1518 = arith.constant 16 : i32
        %parallel_loop3A_1519 = arith.muli %parallel_loop3A_133, %parallel_loop3A_1518 : i32
        %parallel_loop3A_1520 = arith.addi %parallel_loop3A_1517, %parallel_loop3A_1519 : i32
        %parallel_loop3A_1521 = arith.constant 11 : i32
        %parallel_loop3A_1522 = arith.addi %parallel_loop3A_1520, %parallel_loop3A_1521 : i32
        %parallel_loop3A_1523 = arith.index_cast %parallel_loop3A_1522 : i32 to index
        %parallel_loop3A_1524 = arith.constant 32 : index
        %parallel_loop3A_1525 = tpu.vector_load %arg8[%parallel_loop3A_1523, %parallel_loop3A_1524] {strides = array<i32>} : memref<800x128xf32, #tpu.memory_space<vmem>>, vector<16xf32>,
        %parallel_loop3A_1526 = vector.broadcast %parallel_loop3A_1485 : f32 to vector<16xf32>
        %parallel_loop3A_1527 = arith.mulf %parallel_loop3A_1525, %parallel_loop3A_1526 : vector<16xf32>
        %parallel_loop3A_1528 = arith.index_cast %parallel_loop3A_1522 : i32 to index
        %parallel_loop3A_1529 = arith.constant 32 : index
        %parallel_loop3A_1530 = tpu.vector_load %arg8[%parallel_loop3A_1528, %parallel_loop3A_1529] {strides = array<i32>} : memref<800x128xf32, #tpu.memory_space<vmem>>, vector<16xf32>,
        tpu.vector_store %arg8[%parallel_loop3A_1528, %parallel_loop3A_1529], %parallel_loop3A_1527 {strides = array<i32>} : memref<800x128xf32, #tpu.memory_space<vmem>>, vector<16xf32>,
        %parallel_loop3A_1531 = arith.constant 400 : i32
        %parallel_loop3A_1532 = arith.muli %and3A_76, %parallel_loop3A_1531 : i32
        %parallel_loop3A_1533 = arith.constant 16 : i32
        %parallel_loop3A_1534 = arith.muli %parallel_loop3A_133, %parallel_loop3A_1533 : i32
        %parallel_loop3A_1535 = arith.addi %parallel_loop3A_1532, %parallel_loop3A_1534 : i32
        %parallel_loop3A_1536 = arith.constant 11 : i32
        %parallel_loop3A_1537 = arith.addi %parallel_loop3A_1535, %parallel_loop3A_1536 : i32
        %parallel_loop3A_1538 = arith.index_cast %parallel_loop3A_1537 : i32 to index
        %parallel_loop3A_1539 = arith.constant 48 : index
        %parallel_loop3A_1540 = tpu.vector_load %arg8[%parallel_loop3A_1538, %parallel_loop3A_1539] {strides = array<i32>} : memref<800x128xf32, #tpu.memory_space<vmem>>, vector<16xf32>,
        %parallel_loop3A_1541 = vector.broadcast %parallel_loop3A_1485 : f32 to vector<16xf32>
        %parallel_loop3A_1542 = arith.mulf %parallel_loop3A_1540, %parallel_loop3A_1541 : vector<16xf32>
        %parallel_loop3A_1543 = arith.index_cast %parallel_loop3A_1537 : i32 to index
        %parallel_loop3A_1544 = arith.constant 48 : index
        %parallel_loop3A_1545 = tpu.vector_load %arg8[%parallel_loop3A_1543, %parallel_loop3A_1544] {strides = array<i32>} : memref<800x128xf32, #tpu.memory_space<vmem>>, vector<16xf32>,
        tpu.vector_store %arg8[%parallel_loop3A_1543, %parallel_loop3A_1544], %parallel_loop3A_1542 {strides = array<i32>} : memref<800x128xf32, #tpu.memory_space<vmem>>, vector<16xf32>,
        %parallel_loop3A_1546 = arith.constant 400 : i32
        %parallel_loop3A_1547 = arith.muli %and3A_76, %parallel_loop3A_1546 : i32
        %parallel_loop3A_1548 = arith.constant 16 : i32
        %parallel_loop3A_1549 = arith.muli %parallel_loop3A_133, %parallel_loop3A_1548 : i32
        %parallel_loop3A_1550 = arith.addi %parallel_loop3A_1547, %parallel_loop3A_1549 : i32
        %parallel_loop3A_1551 = arith.constant 11 : i32
        %parallel_loop3A_1552 = arith.addi %parallel_loop3A_1550, %parallel_loop3A_1551 : i32
        %parallel_loop3A_1553 = arith.index_cast %parallel_loop3A_1552 : i32 to index
        %parallel_loop3A_1554 = arith.constant 64 : index
        %parallel_loop3A_1555 = tpu.vector_load %arg8[%parallel_loop3A_1553, %parallel_loop3A_1554] {strides = array<i32>} : memref<800x128xf32, #tpu.memory_space<vmem>>, vector<16xf32>,
        %parallel_loop3A_1556 = vector.broadcast %parallel_loop3A_1485 : f32 to vector<16xf32>
        %parallel_loop3A_1557 = arith.mulf %parallel_loop3A_1555, %parallel_loop3A_1556 : vector<16xf32>
        %parallel_loop3A_1558 = arith.index_cast %parallel_loop3A_1552 : i32 to index
        %parallel_loop3A_1559 = arith.constant 64 : index
        %parallel_loop3A_1560 = tpu.vector_load %arg8[%parallel_loop3A_1558, %parallel_loop3A_1559] {strides = array<i32>} : memref<800x128xf32, #tpu.memory_space<vmem>>, vector<16xf32>,
        tpu.vector_store %arg8[%parallel_loop3A_1558, %parallel_loop3A_1559], %parallel_loop3A_1557 {strides = array<i32>} : memref<800x128xf32, #tpu.memory_space<vmem>>, vector<16xf32>,
        %parallel_loop3A_1561 = arith.constant 400 : i32
        %parallel_loop3A_1562 = arith.muli %and3A_76, %parallel_loop3A_1561 : i32
        %parallel_loop3A_1563 = arith.constant 16 : i32
        %parallel_loop3A_1564 = arith.muli %parallel_loop3A_133, %parallel_loop3A_1563 : i32
        %parallel_loop3A_1565 = arith.addi %parallel_loop3A_1562, %parallel_loop3A_1564 : i32
        %parallel_loop3A_1566 = arith.constant 11 : i32
        %parallel_loop3A_1567 = arith.addi %parallel_loop3A_1565, %parallel_loop3A_1566 : i32
        %parallel_loop3A_1568 = arith.index_cast %parallel_loop3A_1567 : i32 to index
        %parallel_loop3A_1569 = arith.constant 80 : index
        %parallel_loop3A_1570 = tpu.vector_load %arg8[%parallel_loop3A_1568, %parallel_loop3A_1569] {strides = array<i32>} : memref<800x128xf32, #tpu.memory_space<vmem>>, vector<16xf32>,
        %parallel_loop3A_1571 = vector.broadcast %parallel_loop3A_1485 : f32 to vector<16xf32>
        %parallel_loop3A_1572 = arith.mulf %parallel_loop3A_1570, %parallel_loop3A_1571 : vector<16xf32>
        %parallel_loop3A_1573 = arith.index_cast %parallel_loop3A_1567 : i32 to index
        %parallel_loop3A_1574 = arith.constant 80 : index
        %parallel_loop3A_1575 = tpu.vector_load %arg8[%parallel_loop3A_1573, %parallel_loop3A_1574] {strides = array<i32>} : memref<800x128xf32, #tpu.memory_space<vmem>>, vector<16xf32>,
        tpu.vector_store %arg8[%parallel_loop3A_1573, %parallel_loop3A_1574], %parallel_loop3A_1572 {strides = array<i32>} : memref<800x128xf32, #tpu.memory_space<vmem>>, vector<16xf32>,
        %parallel_loop3A_1576 = arith.constant 400 : i32
        %parallel_loop3A_1577 = arith.muli %and3A_76, %parallel_loop3A_1576 : i32
        %parallel_loop3A_1578 = arith.constant 16 : i32
        %parallel_loop3A_1579 = arith.muli %parallel_loop3A_133, %parallel_loop3A_1578 : i32
        %parallel_loop3A_1580 = arith.addi %parallel_loop3A_1577, %parallel_loop3A_1579 : i32
        %parallel_loop3A_1581 = arith.constant 11 : i32
        %parallel_loop3A_1582 = arith.addi %parallel_loop3A_1580, %parallel_loop3A_1581 : i32
        %parallel_loop3A_1583 = arith.index_cast %parallel_loop3A_1582 : i32 to index
        %parallel_loop3A_1584 = arith.constant 96 : index
        %parallel_loop3A_1585 = tpu.vector_load %arg8[%parallel_loop3A_1583, %parallel_loop3A_1584] {strides = array<i32>} : memref<800x128xf32, #tpu.memory_space<vmem>>, vector<16xf32>,
        %parallel_loop3A_1586 = vector.broadcast %parallel_loop3A_1485 : f32 to vector<16xf32>
        %parallel_loop3A_1587 = arith.mulf %parallel_loop3A_1585, %parallel_loop3A_1586 : vector<16xf32>
        %parallel_loop3A_1588 = arith.index_cast %parallel_loop3A_1582 : i32 to index
        %parallel_loop3A_1589 = arith.constant 96 : index
        %parallel_loop3A_1590 = tpu.vector_load %arg8[%parallel_loop3A_1588, %parallel_loop3A_1589] {strides = array<i32>} : memref<800x128xf32, #tpu.memory_space<vmem>>, vector<16xf32>,
        tpu.vector_store %arg8[%parallel_loop3A_1588, %parallel_loop3A_1589], %parallel_loop3A_1587 {strides = array<i32>} : memref<800x128xf32, #tpu.memory_space<vmem>>, vector<16xf32>,
        %parallel_loop3A_1591 = arith.constant 400 : i32
        %parallel_loop3A_1592 = arith.muli %and3A_76, %parallel_loop3A_1591 : i32
        %parallel_loop3A_1593 = arith.constant 16 : i32
        %parallel_loop3A_1594 = arith.muli %parallel_loop3A_133, %parallel_loop3A_1593 : i32
        %parallel_loop3A_1595 = arith.addi %parallel_loop3A_1592, %parallel_loop3A_1594 : i32
        %parallel_loop3A_1596 = arith.constant 11 : i32
        %parallel_loop3A_1597 = arith.addi %parallel_loop3A_1595, %parallel_loop3A_1596 : i32
        %parallel_loop3A_1598 = arith.index_cast %parallel_loop3A_1597 : i32 to index
        %parallel_loop3A_1599 = arith.constant 112 : index
        %parallel_loop3A_1600 = tpu.vector_load %arg8[%parallel_loop3A_1598, %parallel_loop3A_1599] {strides = array<i32>} : memref<800x128xf32, #tpu.memory_space<vmem>>, vector<16xf32>,
        %parallel_loop3A_1601 = vector.broadcast %parallel_loop3A_1485 : f32 to vector<16xf32>
        %parallel_loop3A_1602 = arith.mulf %parallel_loop3A_1600, %parallel_loop3A_1601 : vector<16xf32>
        %parallel_loop3A_1603 = arith.index_cast %parallel_loop3A_1597 : i32 to index
        %parallel_loop3A_1604 = arith.constant 112 : index
        %parallel_loop3A_1605 = tpu.vector_load %arg8[%parallel_loop3A_1603, %parallel_loop3A_1604] {strides = array<i32>} : memref<800x128xf32, #tpu.memory_space<vmem>>, vector<16xf32>,
        tpu.vector_store %arg8[%parallel_loop3A_1603, %parallel_loop3A_1604], %parallel_loop3A_1602 {strides = array<i32>} : memref<800x128xf32, #tpu.memory_space<vmem>>, vector<16xf32>,
        %parallel_loop3A_1606 = vector.extract_strided_slice %parallel_loop3A_141 {offsets = [12], sizes = [1], strides = [1]} : vector<16xf32> to vector<1xf32>
        %parallel_loop3A_1607 = vector.extract %parallel_loop3A_1606[0] : f32 from vector<1xf32>
        %parallel_loop3A_1608 = arith.constant 400 : i32
        %parallel_loop3A_1609 = arith.muli %and3A_76, %parallel_loop3A_1608 : i32
        %parallel_loop3A_1610 = arith.constant 16 : i32
        %parallel_loop3A_1611 = arith.muli %parallel_loop3A_133, %parallel_loop3A_1610 : i32
        %parallel_loop3A_1612 = arith.addi %parallel_loop3A_1609, %parallel_loop3A_1611 : i32
        %parallel_loop3A_1613 = arith.constant 12 : i32
        %parallel_loop3A_1614 = arith.addi %parallel_loop3A_1612, %parallel_loop3A_1613 : i32
        %parallel_loop3A_1615 = arith.index_cast %parallel_loop3A_1614 : i32 to index
        %parallel_loop3A_1616 = arith.constant 0 : index
        %parallel_loop3A_1617 = tpu.vector_load %arg8[%parallel_loop3A_1615, %parallel_loop3A_1616] {strides = array<i32>} : memref<800x128xf32, #tpu.memory_space<vmem>>, vector<16xf32>,
        %parallel_loop3A_1618 = vector.broadcast %parallel_loop3A_1607 : f32 to vector<16xf32>
        %parallel_loop3A_1619 = arith.mulf %parallel_loop3A_1617, %parallel_loop3A_1618 : vector<16xf32>
        %parallel_loop3A_1620 = arith.index_cast %parallel_loop3A_1614 : i32 to index
        %parallel_loop3A_1621 = arith.constant 0 : index
        %parallel_loop3A_1622 = tpu.vector_load %arg8[%parallel_loop3A_1620, %parallel_loop3A_1621] {strides = array<i32>} : memref<800x128xf32, #tpu.memory_space<vmem>>, vector<16xf32>,
        tpu.vector_store %arg8[%parallel_loop3A_1620, %parallel_loop3A_1621], %parallel_loop3A_1619 {strides = array<i32>} : memref<800x128xf32, #tpu.memory_space<vmem>>, vector<16xf32>,
        %parallel_loop3A_1623 = arith.constant 400 : i32
        %parallel_loop3A_1624 = arith.muli %and3A_76, %parallel_loop3A_1623 : i32
        %parallel_loop3A_1625 = arith.constant 16 : i32
        %parallel_loop3A_1626 = arith.muli %parallel_loop3A_133, %parallel_loop3A_1625 : i32
        %parallel_loop3A_1627 = arith.addi %parallel_loop3A_1624, %parallel_loop3A_1626 : i32
        %parallel_loop3A_1628 = arith.constant 12 : i32
        %parallel_loop3A_1629 = arith.addi %parallel_loop3A_1627, %parallel_loop3A_1628 : i32
        %parallel_loop3A_1630 = arith.index_cast %parallel_loop3A_1629 : i32 to index
        %parallel_loop3A_1631 = arith.constant 16 : index
        %parallel_loop3A_1632 = tpu.vector_load %arg8[%parallel_loop3A_1630, %parallel_loop3A_1631] {strides = array<i32>} : memref<800x128xf32, #tpu.memory_space<vmem>>, vector<16xf32>,
        %parallel_loop3A_1633 = vector.broadcast %parallel_loop3A_1607 : f32 to vector<16xf32>
        %parallel_loop3A_1634 = arith.mulf %parallel_loop3A_1632, %parallel_loop3A_1633 : vector<16xf32>
        %parallel_loop3A_1635 = arith.index_cast %parallel_loop3A_1629 : i32 to index
        %parallel_loop3A_1636 = arith.constant 16 : index
        %parallel_loop3A_1637 = tpu.vector_load %arg8[%parallel_loop3A_1635, %parallel_loop3A_1636] {strides = array<i32>} : memref<800x128xf32, #tpu.memory_space<vmem>>, vector<16xf32>,
        tpu.vector_store %arg8[%parallel_loop3A_1635, %parallel_loop3A_1636], %parallel_loop3A_1634 {strides = array<i32>} : memref<800x128xf32, #tpu.memory_space<vmem>>, vector<16xf32>,
        %parallel_loop3A_1638 = arith.constant 400 : i32
        %parallel_loop3A_1639 = arith.muli %and3A_76, %parallel_loop3A_1638 : i32
        %parallel_loop3A_1640 = arith.constant 16 : i32
        %parallel_loop3A_1641 = arith.muli %parallel_loop3A_133, %parallel_loop3A_1640 : i32
        %parallel_loop3A_1642 = arith.addi %parallel_loop3A_1639, %parallel_loop3A_1641 : i32
        %parallel_loop3A_1643 = arith.constant 12 : i32
        %parallel_loop3A_1644 = arith.addi %parallel_loop3A_1642, %parallel_loop3A_1643 : i32
        %parallel_loop3A_1645 = arith.index_cast %parallel_loop3A_1644 : i32 to index
        %parallel_loop3A_1646 = arith.constant 32 : index
        %parallel_loop3A_1647 = tpu.vector_load %arg8[%parallel_loop3A_1645, %parallel_loop3A_1646] {strides = array<i32>} : memref<800x128xf32, #tpu.memory_space<vmem>>, vector<16xf32>,
        %parallel_loop3A_1648 = vector.broadcast %parallel_loop3A_1607 : f32 to vector<16xf32>
        %parallel_loop3A_1649 = arith.mulf %parallel_loop3A_1647, %parallel_loop3A_1648 : vector<16xf32>
        %parallel_loop3A_1650 = arith.index_cast %parallel_loop3A_1644 : i32 to index
        %parallel_loop3A_1651 = arith.constant 32 : index
        %parallel_loop3A_1652 = tpu.vector_load %arg8[%parallel_loop3A_1650, %parallel_loop3A_1651] {strides = array<i32>} : memref<800x128xf32, #tpu.memory_space<vmem>>, vector<16xf32>,
        tpu.vector_store %arg8[%parallel_loop3A_1650, %parallel_loop3A_1651], %parallel_loop3A_1649 {strides = array<i32>} : memref<800x128xf32, #tpu.memory_space<vmem>>, vector<16xf32>,
        %parallel_loop3A_1653 = arith.constant 400 : i32
        %parallel_loop3A_1654 = arith.muli %and3A_76, %parallel_loop3A_1653 : i32
        %parallel_loop3A_1655 = arith.constant 16 : i32
        %parallel_loop3A_1656 = arith.muli %parallel_loop3A_133, %parallel_loop3A_1655 : i32
        %parallel_loop3A_1657 = arith.addi %parallel_loop3A_1654, %parallel_loop3A_1656 : i32
        %parallel_loop3A_1658 = arith.constant 12 : i32
        %parallel_loop3A_1659 = arith.addi %parallel_loop3A_1657, %parallel_loop3A_1658 : i32
        %parallel_loop3A_1660 = arith.index_cast %parallel_loop3A_1659 : i32 to index
        %parallel_loop3A_1661 = arith.constant 48 : index
        %parallel_loop3A_1662 = tpu.vector_load %arg8[%parallel_loop3A_1660, %parallel_loop3A_1661] {strides = array<i32>} : memref<800x128xf32, #tpu.memory_space<vmem>>, vector<16xf32>,
        %parallel_loop3A_1663 = vector.broadcast %parallel_loop3A_1607 : f32 to vector<16xf32>
        %parallel_loop3A_1664 = arith.mulf %parallel_loop3A_1662, %parallel_loop3A_1663 : vector<16xf32>
        %parallel_loop3A_1665 = arith.index_cast %parallel_loop3A_1659 : i32 to index
        %parallel_loop3A_1666 = arith.constant 48 : index
        %parallel_loop3A_1667 = tpu.vector_load %arg8[%parallel_loop3A_1665, %parallel_loop3A_1666] {strides = array<i32>} : memref<800x128xf32, #tpu.memory_space<vmem>>, vector<16xf32>,
        tpu.vector_store %arg8[%parallel_loop3A_1665, %parallel_loop3A_1666], %parallel_loop3A_1664 {strides = array<i32>} : memref<800x128xf32, #tpu.memory_space<vmem>>, vector<16xf32>,
        %parallel_loop3A_1668 = arith.constant 400 : i32
        %parallel_loop3A_1669 = arith.muli %and3A_76, %parallel_loop3A_1668 : i32
        %parallel_loop3A_1670 = arith.constant 16 : i32
        %parallel_loop3A_1671 = arith.muli %parallel_loop3A_133, %parallel_loop3A_1670 : i32
        %parallel_loop3A_1672 = arith.addi %parallel_loop3A_1669, %parallel_loop3A_1671 : i32
        %parallel_loop3A_1673 = arith.constant 12 : i32
        %parallel_loop3A_1674 = arith.addi %parallel_loop3A_1672, %parallel_loop3A_1673 : i32
        %parallel_loop3A_1675 = arith.index_cast %parallel_loop3A_1674 : i32 to index
        %parallel_loop3A_1676 = arith.constant 64 : index
        %parallel_loop3A_1677 = tpu.vector_load %arg8[%parallel_loop3A_1675, %parallel_loop3A_1676] {strides = array<i32>} : memref<800x128xf32, #tpu.memory_space<vmem>>, vector<16xf32>,
        %parallel_loop3A_1678 = vector.broadcast %parallel_loop3A_1607 : f32 to vector<16xf32>
        %parallel_loop3A_1679 = arith.mulf %parallel_loop3A_1677, %parallel_loop3A_1678 : vector<16xf32>
        %parallel_loop3A_1680 = arith.index_cast %parallel_loop3A_1674 : i32 to index
        %parallel_loop3A_1681 = arith.constant 64 : index
        %parallel_loop3A_1682 = tpu.vector_load %arg8[%parallel_loop3A_1680, %parallel_loop3A_1681] {strides = array<i32>} : memref<800x128xf32, #tpu.memory_space<vmem>>, vector<16xf32>,
        tpu.vector_store %arg8[%parallel_loop3A_1680, %parallel_loop3A_1681], %parallel_loop3A_1679 {strides = array<i32>} : memref<800x128xf32, #tpu.memory_space<vmem>>, vector<16xf32>,
        %parallel_loop3A_1683 = arith.constant 400 : i32
        %parallel_loop3A_1684 = arith.muli %and3A_76, %parallel_loop3A_1683 : i32
        %parallel_loop3A_1685 = arith.constant 16 : i32
        %parallel_loop3A_1686 = arith.muli %parallel_loop3A_133, %parallel_loop3A_1685 : i32
        %parallel_loop3A_1687 = arith.addi %parallel_loop3A_1684, %parallel_loop3A_1686 : i32
        %parallel_loop3A_1688 = arith.constant 12 : i32
        %parallel_loop3A_1689 = arith.addi %parallel_loop3A_1687, %parallel_loop3A_1688 : i32
        %parallel_loop3A_1690 = arith.index_cast %parallel_loop3A_1689 : i32 to index
        %parallel_loop3A_1691 = arith.constant 80 : index
        %parallel_loop3A_1692 = tpu.vector_load %arg8[%parallel_loop3A_1690, %parallel_loop3A_1691] {strides = array<i32>} : memref<800x128xf32, #tpu.memory_space<vmem>>, vector<16xf32>,
        %parallel_loop3A_1693 = vector.broadcast %parallel_loop3A_1607 : f32 to vector<16xf32>
        %parallel_loop3A_1694 = arith.mulf %parallel_loop3A_1692, %parallel_loop3A_1693 : vector<16xf32>
        %parallel_loop3A_1695 = arith.index_cast %parallel_loop3A_1689 : i32 to index
        %parallel_loop3A_1696 = arith.constant 80 : index
        %parallel_loop3A_1697 = tpu.vector_load %arg8[%parallel_loop3A_1695, %parallel_loop3A_1696] {strides = array<i32>} : memref<800x128xf32, #tpu.memory_space<vmem>>, vector<16xf32>,
        tpu.vector_store %arg8[%parallel_loop3A_1695, %parallel_loop3A_1696], %parallel_loop3A_1694 {strides = array<i32>} : memref<800x128xf32, #tpu.memory_space<vmem>>, vector<16xf32>,
        %parallel_loop3A_1698 = arith.constant 400 : i32
        %parallel_loop3A_1699 = arith.muli %and3A_76, %parallel_loop3A_1698 : i32
        %parallel_loop3A_1700 = arith.constant 16 : i32
        %parallel_loop3A_1701 = arith.muli %parallel_loop3A_133, %parallel_loop3A_1700 : i32
        %parallel_loop3A_1702 = arith.addi %parallel_loop3A_1699, %parallel_loop3A_1701 : i32
        %parallel_loop3A_1703 = arith.constant 12 : i32
        %parallel_loop3A_1704 = arith.addi %parallel_loop3A_1702, %parallel_loop3A_1703 : i32
        %parallel_loop3A_1705 = arith.index_cast %parallel_loop3A_1704 : i32 to index
        %parallel_loop3A_1706 = arith.constant 96 : index
        %parallel_loop3A_1707 = tpu.vector_load %arg8[%parallel_loop3A_1705, %parallel_loop3A_1706] {strides = array<i32>} : memref<800x128xf32, #tpu.memory_space<vmem>>, vector<16xf32>,
        %parallel_loop3A_1708 = vector.broadcast %parallel_loop3A_1607 : f32 to vector<16xf32>
        %parallel_loop3A_1709 = arith.mulf %parallel_loop3A_1707, %parallel_loop3A_1708 : vector<16xf32>
        %parallel_loop3A_1710 = arith.index_cast %parallel_loop3A_1704 : i32 to index
        %parallel_loop3A_1711 = arith.constant 96 : index
        %parallel_loop3A_1712 = tpu.vector_load %arg8[%parallel_loop3A_1710, %parallel_loop3A_1711] {strides = array<i32>} : memref<800x128xf32, #tpu.memory_space<vmem>>, vector<16xf32>,
        tpu.vector_store %arg8[%parallel_loop3A_1710, %parallel_loop3A_1711], %parallel_loop3A_1709 {strides = array<i32>} : memref<800x128xf32, #tpu.memory_space<vmem>>, vector<16xf32>,
        %parallel_loop3A_1713 = arith.constant 400 : i32
        %parallel_loop3A_1714 = arith.muli %and3A_76, %parallel_loop3A_1713 : i32
        %parallel_loop3A_1715 = arith.constant 16 : i32
        %parallel_loop3A_1716 = arith.muli %parallel_loop3A_133, %parallel_loop3A_1715 : i32
        %parallel_loop3A_1717 = arith.addi %parallel_loop3A_1714, %parallel_loop3A_1716 : i32
        %parallel_loop3A_1718 = arith.constant 12 : i32
        %parallel_loop3A_1719 = arith.addi %parallel_loop3A_1717, %parallel_loop3A_1718 : i32
        %parallel_loop3A_1720 = arith.index_cast %parallel_loop3A_1719 : i32 to index
        %parallel_loop3A_1721 = arith.constant 112 : index
        %parallel_loop3A_1722 = tpu.vector_load %arg8[%parallel_loop3A_1720, %parallel_loop3A_1721] {strides = array<i32>} : memref<800x128xf32, #tpu.memory_space<vmem>>, vector<16xf32>,
        %parallel_loop3A_1723 = vector.broadcast %parallel_loop3A_1607 : f32 to vector<16xf32>
        %parallel_loop3A_1724 = arith.mulf %parallel_loop3A_1722, %parallel_loop3A_1723 : vector<16xf32>
        %parallel_loop3A_1725 = arith.index_cast %parallel_loop3A_1719 : i32 to index
        %parallel_loop3A_1726 = arith.constant 112 : index
        %parallel_loop3A_1727 = tpu.vector_load %arg8[%parallel_loop3A_1725, %parallel_loop3A_1726] {strides = array<i32>} : memref<800x128xf32, #tpu.memory_space<vmem>>, vector<16xf32>,
        tpu.vector_store %arg8[%parallel_loop3A_1725, %parallel_loop3A_1726], %parallel_loop3A_1724 {strides = array<i32>} : memref<800x128xf32, #tpu.memory_space<vmem>>, vector<16xf32>,
        %parallel_loop3A_1728 = vector.extract_strided_slice %parallel_loop3A_141 {offsets = [13], sizes = [1], strides = [1]} : vector<16xf32> to vector<1xf32>
        %parallel_loop3A_1729 = vector.extract %parallel_loop3A_1728[0] : f32 from vector<1xf32>
        %parallel_loop3A_1730 = arith.constant 400 : i32
        %parallel_loop3A_1731 = arith.muli %and3A_76, %parallel_loop3A_1730 : i32
        %parallel_loop3A_1732 = arith.constant 16 : i32
        %parallel_loop3A_1733 = arith.muli %parallel_loop3A_133, %parallel_loop3A_1732 : i32
        %parallel_loop3A_1734 = arith.addi %parallel_loop3A_1731, %parallel_loop3A_1733 : i32
        %parallel_loop3A_1735 = arith.constant 13 : i32
        %parallel_loop3A_1736 = arith.addi %parallel_loop3A_1734, %parallel_loop3A_1735 : i32
        %parallel_loop3A_1737 = arith.index_cast %parallel_loop3A_1736 : i32 to index
        %parallel_loop3A_1738 = arith.constant 0 : index
        %parallel_loop3A_1739 = tpu.vector_load %arg8[%parallel_loop3A_1737, %parallel_loop3A_1738] {strides = array<i32>} : memref<800x128xf32, #tpu.memory_space<vmem>>, vector<16xf32>,
        %parallel_loop3A_1740 = vector.broadcast %parallel_loop3A_1729 : f32 to vector<16xf32>
        %parallel_loop3A_1741 = arith.mulf %parallel_loop3A_1739, %parallel_loop3A_1740 : vector<16xf32>
        %parallel_loop3A_1742 = arith.index_cast %parallel_loop3A_1736 : i32 to index
        %parallel_loop3A_1743 = arith.constant 0 : index
        %parallel_loop3A_1744 = tpu.vector_load %arg8[%parallel_loop3A_1742, %parallel_loop3A_1743] {strides = array<i32>} : memref<800x128xf32, #tpu.memory_space<vmem>>, vector<16xf32>,
        tpu.vector_store %arg8[%parallel_loop3A_1742, %parallel_loop3A_1743], %parallel_loop3A_1741 {strides = array<i32>} : memref<800x128xf32, #tpu.memory_space<vmem>>, vector<16xf32>,
        %parallel_loop3A_1745 = arith.constant 400 : i32
        %parallel_loop3A_1746 = arith.muli %and3A_76, %parallel_loop3A_1745 : i32
        %parallel_loop3A_1747 = arith.constant 16 : i32
        %parallel_loop3A_1748 = arith.muli %parallel_loop3A_133, %parallel_loop3A_1747 : i32
        %parallel_loop3A_1749 = arith.addi %parallel_loop3A_1746, %parallel_loop3A_1748 : i32
        %parallel_loop3A_1750 = arith.constant 13 : i32
        %parallel_loop3A_1751 = arith.addi %parallel_loop3A_1749, %parallel_loop3A_1750 : i32
        %parallel_loop3A_1752 = arith.index_cast %parallel_loop3A_1751 : i32 to index
        %parallel_loop3A_1753 = arith.constant 16 : index
        %parallel_loop3A_1754 = tpu.vector_load %arg8[%parallel_loop3A_1752, %parallel_loop3A_1753] {strides = array<i32>} : memref<800x128xf32, #tpu.memory_space<vmem>>, vector<16xf32>,
        %parallel_loop3A_1755 = vector.broadcast %parallel_loop3A_1729 : f32 to vector<16xf32>
        %parallel_loop3A_1756 = arith.mulf %parallel_loop3A_1754, %parallel_loop3A_1755 : vector<16xf32>
        %parallel_loop3A_1757 = arith.index_cast %parallel_loop3A_1751 : i32 to index
        %parallel_loop3A_1758 = arith.constant 16 : index
        %parallel_loop3A_1759 = tpu.vector_load %arg8[%parallel_loop3A_1757, %parallel_loop3A_1758] {strides = array<i32>} : memref<800x128xf32, #tpu.memory_space<vmem>>, vector<16xf32>,
        tpu.vector_store %arg8[%parallel_loop3A_1757, %parallel_loop3A_1758], %parallel_loop3A_1756 {strides = array<i32>} : memref<800x128xf32, #tpu.memory_space<vmem>>, vector<16xf32>,
        %parallel_loop3A_1760 = arith.constant 400 : i32
        %parallel_loop3A_1761 = arith.muli %and3A_76, %parallel_loop3A_1760 : i32
        %parallel_loop3A_1762 = arith.constant 16 : i32
        %parallel_loop3A_1763 = arith.muli %parallel_loop3A_133, %parallel_loop3A_1762 : i32
        %parallel_loop3A_1764 = arith.addi %parallel_loop3A_1761, %parallel_loop3A_1763 : i32
        %parallel_loop3A_1765 = arith.constant 13 : i32
        %parallel_loop3A_1766 = arith.addi %parallel_loop3A_1764, %parallel_loop3A_1765 : i32
        %parallel_loop3A_1767 = arith.index_cast %parallel_loop3A_1766 : i32 to index
        %parallel_loop3A_1768 = arith.constant 32 : index
        %parallel_loop3A_1769 = tpu.vector_load %arg8[%parallel_loop3A_1767, %parallel_loop3A_1768] {strides = array<i32>} : memref<800x128xf32, #tpu.memory_space<vmem>>, vector<16xf32>,
        %parallel_loop3A_1770 = vector.broadcast %parallel_loop3A_1729 : f32 to vector<16xf32>
        %parallel_loop3A_1771 = arith.mulf %parallel_loop3A_1769, %parallel_loop3A_1770 : vector<16xf32>
        %parallel_loop3A_1772 = arith.index_cast %parallel_loop3A_1766 : i32 to index
        %parallel_loop3A_1773 = arith.constant 32 : index
        %parallel_loop3A_1774 = tpu.vector_load %arg8[%parallel_loop3A_1772, %parallel_loop3A_1773] {strides = array<i32>} : memref<800x128xf32, #tpu.memory_space<vmem>>, vector<16xf32>,
        tpu.vector_store %arg8[%parallel_loop3A_1772, %parallel_loop3A_1773], %parallel_loop3A_1771 {strides = array<i32>} : memref<800x128xf32, #tpu.memory_space<vmem>>, vector<16xf32>,
        %parallel_loop3A_1775 = arith.constant 400 : i32
        %parallel_loop3A_1776 = arith.muli %and3A_76, %parallel_loop3A_1775 : i32
        %parallel_loop3A_1777 = arith.constant 16 : i32
        %parallel_loop3A_1778 = arith.muli %parallel_loop3A_133, %parallel_loop3A_1777 : i32
        %parallel_loop3A_1779 = arith.addi %parallel_loop3A_1776, %parallel_loop3A_1778 : i32
        %parallel_loop3A_1780 = arith.constant 13 : i32
        %parallel_loop3A_1781 = arith.addi %parallel_loop3A_1779, %parallel_loop3A_1780 : i32
        %parallel_loop3A_1782 = arith.index_cast %parallel_loop3A_1781 : i32 to index
        %parallel_loop3A_1783 = arith.constant 48 : index
        %parallel_loop3A_1784 = tpu.vector_load %arg8[%parallel_loop3A_1782, %parallel_loop3A_1783] {strides = array<i32>} : memref<800x128xf32, #tpu.memory_space<vmem>>, vector<16xf32>,
        %parallel_loop3A_1785 = vector.broadcast %parallel_loop3A_1729 : f32 to vector<16xf32>
        %parallel_loop3A_1786 = arith.mulf %parallel_loop3A_1784, %parallel_loop3A_1785 : vector<16xf32>
        %parallel_loop3A_1787 = arith.index_cast %parallel_loop3A_1781 : i32 to index
        %parallel_loop3A_1788 = arith.constant 48 : index
        %parallel_loop3A_1789 = tpu.vector_load %arg8[%parallel_loop3A_1787, %parallel_loop3A_1788] {strides = array<i32>} : memref<800x128xf32, #tpu.memory_space<vmem>>, vector<16xf32>,
        tpu.vector_store %arg8[%parallel_loop3A_1787, %parallel_loop3A_1788], %parallel_loop3A_1786 {strides = array<i32>} : memref<800x128xf32, #tpu.memory_space<vmem>>, vector<16xf32>,
        %parallel_loop3A_1790 = arith.constant 400 : i32
        %parallel_loop3A_1791 = arith.muli %and3A_76, %parallel_loop3A_1790 : i32
        %parallel_loop3A_1792 = arith.constant 16 : i32
        %parallel_loop3A_1793 = arith.muli %parallel_loop3A_133, %parallel_loop3A_1792 : i32
        %parallel_loop3A_1794 = arith.addi %parallel_loop3A_1791, %parallel_loop3A_1793 : i32
        %parallel_loop3A_1795 = arith.constant 13 : i32
        %parallel_loop3A_1796 = arith.addi %parallel_loop3A_1794, %parallel_loop3A_1795 : i32
        %parallel_loop3A_1797 = arith.index_cast %parallel_loop3A_1796 : i32 to index
        %parallel_loop3A_1798 = arith.constant 64 : index
        %parallel_loop3A_1799 = tpu.vector_load %arg8[%parallel_loop3A_1797, %parallel_loop3A_1798] {strides = array<i32>} : memref<800x128xf32, #tpu.memory_space<vmem>>, vector<16xf32>,
        %parallel_loop3A_1800 = vector.broadcast %parallel_loop3A_1729 : f32 to vector<16xf32>
        %parallel_loop3A_1801 = arith.mulf %parallel_loop3A_1799, %parallel_loop3A_1800 : vector<16xf32>
        %parallel_loop3A_1802 = arith.index_cast %parallel_loop3A_1796 : i32 to index
        %parallel_loop3A_1803 = arith.constant 64 : index
        %parallel_loop3A_1804 = tpu.vector_load %arg8[%parallel_loop3A_1802, %parallel_loop3A_1803] {strides = array<i32>} : memref<800x128xf32, #tpu.memory_space<vmem>>, vector<16xf32>,
        tpu.vector_store %arg8[%parallel_loop3A_1802, %parallel_loop3A_1803], %parallel_loop3A_1801 {strides = array<i32>} : memref<800x128xf32, #tpu.memory_space<vmem>>, vector<16xf32>,
        %parallel_loop3A_1805 = arith.constant 400 : i32
        %parallel_loop3A_1806 = arith.muli %and3A_76, %parallel_loop3A_1805 : i32
        %parallel_loop3A_1807 = arith.constant 16 : i32
        %parallel_loop3A_1808 = arith.muli %parallel_loop3A_133, %parallel_loop3A_1807 : i32
        %parallel_loop3A_1809 = arith.addi %parallel_loop3A_1806, %parallel_loop3A_1808 : i32
        %parallel_loop3A_1810 = arith.constant 13 : i32
        %parallel_loop3A_1811 = arith.addi %parallel_loop3A_1809, %parallel_loop3A_1810 : i32
        %parallel_loop3A_1812 = arith.index_cast %parallel_loop3A_1811 : i32 to index
        %parallel_loop3A_1813 = arith.constant 80 : index
        %parallel_loop3A_1814 = tpu.vector_load %arg8[%parallel_loop3A_1812, %parallel_loop3A_1813] {strides = array<i32>} : memref<800x128xf32, #tpu.memory_space<vmem>>, vector<16xf32>,
        %parallel_loop3A_1815 = vector.broadcast %parallel_loop3A_1729 : f32 to vector<16xf32>
        %parallel_loop3A_1816 = arith.mulf %parallel_loop3A_1814, %parallel_loop3A_1815 : vector<16xf32>
        %parallel_loop3A_1817 = arith.index_cast %parallel_loop3A_1811 : i32 to index
        %parallel_loop3A_1818 = arith.constant 80 : index
        %parallel_loop3A_1819 = tpu.vector_load %arg8[%parallel_loop3A_1817, %parallel_loop3A_1818] {strides = array<i32>} : memref<800x128xf32, #tpu.memory_space<vmem>>, vector<16xf32>,
        tpu.vector_store %arg8[%parallel_loop3A_1817, %parallel_loop3A_1818], %parallel_loop3A_1816 {strides = array<i32>} : memref<800x128xf32, #tpu.memory_space<vmem>>, vector<16xf32>,
        %parallel_loop3A_1820 = arith.constant 400 : i32
        %parallel_loop3A_1821 = arith.muli %and3A_76, %parallel_loop3A_1820 : i32
        %parallel_loop3A_1822 = arith.constant 16 : i32
        %parallel_loop3A_1823 = arith.muli %parallel_loop3A_133, %parallel_loop3A_1822 : i32
        %parallel_loop3A_1824 = arith.addi %parallel_loop3A_1821, %parallel_loop3A_1823 : i32
        %parallel_loop3A_1825 = arith.constant 13 : i32
        %parallel_loop3A_1826 = arith.addi %parallel_loop3A_1824, %parallel_loop3A_1825 : i32
        %parallel_loop3A_1827 = arith.index_cast %parallel_loop3A_1826 : i32 to index
        %parallel_loop3A_1828 = arith.constant 96 : index
        %parallel_loop3A_1829 = tpu.vector_load %arg8[%parallel_loop3A_1827, %parallel_loop3A_1828] {strides = array<i32>} : memref<800x128xf32, #tpu.memory_space<vmem>>, vector<16xf32>,
        %parallel_loop3A_1830 = vector.broadcast %parallel_loop3A_1729 : f32 to vector<16xf32>
        %parallel_loop3A_1831 = arith.mulf %parallel_loop3A_1829, %parallel_loop3A_1830 : vector<16xf32>
        %parallel_loop3A_1832 = arith.index_cast %parallel_loop3A_1826 : i32 to index
        %parallel_loop3A_1833 = arith.constant 96 : index
        %parallel_loop3A_1834 = tpu.vector_load %arg8[%parallel_loop3A_1832, %parallel_loop3A_1833] {strides = array<i32>} : memref<800x128xf32, #tpu.memory_space<vmem>>, vector<16xf32>,
        tpu.vector_store %arg8[%parallel_loop3A_1832, %parallel_loop3A_1833], %parallel_loop3A_1831 {strides = array<i32>} : memref<800x128xf32, #tpu.memory_space<vmem>>, vector<16xf32>,
        %parallel_loop3A_1835 = arith.constant 400 : i32
        %parallel_loop3A_1836 = arith.muli %and3A_76, %parallel_loop3A_1835 : i32
        %parallel_loop3A_1837 = arith.constant 16 : i32
        %parallel_loop3A_1838 = arith.muli %parallel_loop3A_133, %parallel_loop3A_1837 : i32
        %parallel_loop3A_1839 = arith.addi %parallel_loop3A_1836, %parallel_loop3A_1838 : i32
        %parallel_loop3A_1840 = arith.constant 13 : i32
        %parallel_loop3A_1841 = arith.addi %parallel_loop3A_1839, %parallel_loop3A_1840 : i32
        %parallel_loop3A_1842 = arith.index_cast %parallel_loop3A_1841 : i32 to index
        %parallel_loop3A_1843 = arith.constant 112 : index
        %parallel_loop3A_1844 = tpu.vector_load %arg8[%parallel_loop3A_1842, %parallel_loop3A_1843] {strides = array<i32>} : memref<800x128xf32, #tpu.memory_space<vmem>>, vector<16xf32>,
        %parallel_loop3A_1845 = vector.broadcast %parallel_loop3A_1729 : f32 to vector<16xf32>
        %parallel_loop3A_1846 = arith.mulf %parallel_loop3A_1844, %parallel_loop3A_1845 : vector<16xf32>
        %parallel_loop3A_1847 = arith.index_cast %parallel_loop3A_1841 : i32 to index
        %parallel_loop3A_1848 = arith.constant 112 : index
        %parallel_loop3A_1849 = tpu.vector_load %arg8[%parallel_loop3A_1847, %parallel_loop3A_1848] {strides = array<i32>} : memref<800x128xf32, #tpu.memory_space<vmem>>, vector<16xf32>,
        tpu.vector_store %arg8[%parallel_loop3A_1847, %parallel_loop3A_1848], %parallel_loop3A_1846 {strides = array<i32>} : memref<800x128xf32, #tpu.memory_space<vmem>>, vector<16xf32>,
        %parallel_loop3A_1850 = vector.extract_strided_slice %parallel_loop3A_141 {offsets = [14], sizes = [1], strides = [1]} : vector<16xf32> to vector<1xf32>
        %parallel_loop3A_1851 = vector.extract %parallel_loop3A_1850[0] : f32 from vector<1xf32>
        %parallel_loop3A_1852 = arith.constant 400 : i32
        %parallel_loop3A_1853 = arith.muli %and3A_76, %parallel_loop3A_1852 : i32
        %parallel_loop3A_1854 = arith.constant 16 : i32
        %parallel_loop3A_1855 = arith.muli %parallel_loop3A_133, %parallel_loop3A_1854 : i32
        %parallel_loop3A_1856 = arith.addi %parallel_loop3A_1853, %parallel_loop3A_1855 : i32
        %parallel_loop3A_1857 = arith.constant 14 : i32
        %parallel_loop3A_1858 = arith.addi %parallel_loop3A_1856, %parallel_loop3A_1857 : i32
        %parallel_loop3A_1859 = arith.index_cast %parallel_loop3A_1858 : i32 to index
        %parallel_loop3A_1860 = arith.constant 0 : index
        %parallel_loop3A_1861 = tpu.vector_load %arg8[%parallel_loop3A_1859, %parallel_loop3A_1860] {strides = array<i32>} : memref<800x128xf32, #tpu.memory_space<vmem>>, vector<16xf32>,
        %parallel_loop3A_1862 = vector.broadcast %parallel_loop3A_1851 : f32 to vector<16xf32>
        %parallel_loop3A_1863 = arith.mulf %parallel_loop3A_1861, %parallel_loop3A_1862 : vector<16xf32>
        %parallel_loop3A_1864 = arith.index_cast %parallel_loop3A_1858 : i32 to index
        %parallel_loop3A_1865 = arith.constant 0 : index
        %parallel_loop3A_1866 = tpu.vector_load %arg8[%parallel_loop3A_1864, %parallel_loop3A_1865] {strides = array<i32>} : memref<800x128xf32, #tpu.memory_space<vmem>>, vector<16xf32>,
        tpu.vector_store %arg8[%parallel_loop3A_1864, %parallel_loop3A_1865], %parallel_loop3A_1863 {strides = array<i32>} : memref<800x128xf32, #tpu.memory_space<vmem>>, vector<16xf32>,
        %parallel_loop3A_1867 = arith.constant 400 : i32
        %parallel_loop3A_1868 = arith.muli %and3A_76, %parallel_loop3A_1867 : i32
        %parallel_loop3A_1869 = arith.constant 16 : i32
        %parallel_loop3A_1870 = arith.muli %parallel_loop3A_133, %parallel_loop3A_1869 : i32
        %parallel_loop3A_1871 = arith.addi %parallel_loop3A_1868, %parallel_loop3A_1870 : i32
        %parallel_loop3A_1872 = arith.constant 14 : i32
        %parallel_loop3A_1873 = arith.addi %parallel_loop3A_1871, %parallel_loop3A_1872 : i32
        %parallel_loop3A_1874 = arith.index_cast %parallel_loop3A_1873 : i32 to index
        %parallel_loop3A_1875 = arith.constant 16 : index
        %parallel_loop3A_1876 = tpu.vector_load %arg8[%parallel_loop3A_1874, %parallel_loop3A_1875] {strides = array<i32>} : memref<800x128xf32, #tpu.memory_space<vmem>>, vector<16xf32>,
        %parallel_loop3A_1877 = vector.broadcast %parallel_loop3A_1851 : f32 to vector<16xf32>
        %parallel_loop3A_1878 = arith.mulf %parallel_loop3A_1876, %parallel_loop3A_1877 : vector<16xf32>
        %parallel_loop3A_1879 = arith.index_cast %parallel_loop3A_1873 : i32 to index
        %parallel_loop3A_1880 = arith.constant 16 : index
        %parallel_loop3A_1881 = tpu.vector_load %arg8[%parallel_loop3A_1879, %parallel_loop3A_1880] {strides = array<i32>} : memref<800x128xf32, #tpu.memory_space<vmem>>, vector<16xf32>,
        tpu.vector_store %arg8[%parallel_loop3A_1879, %parallel_loop3A_1880], %parallel_loop3A_1878 {strides = array<i32>} : memref<800x128xf32, #tpu.memory_space<vmem>>, vector<16xf32>,
        %parallel_loop3A_1882 = arith.constant 400 : i32
        %parallel_loop3A_1883 = arith.muli %and3A_76, %parallel_loop3A_1882 : i32
        %parallel_loop3A_1884 = arith.constant 16 : i32
        %parallel_loop3A_1885 = arith.muli %parallel_loop3A_133, %parallel_loop3A_1884 : i32
        %parallel_loop3A_1886 = arith.addi %parallel_loop3A_1883, %parallel_loop3A_1885 : i32
        %parallel_loop3A_1887 = arith.constant 14 : i32
        %parallel_loop3A_1888 = arith.addi %parallel_loop3A_1886, %parallel_loop3A_1887 : i32
        %parallel_loop3A_1889 = arith.index_cast %parallel_loop3A_1888 : i32 to index
        %parallel_loop3A_1890 = arith.constant 32 : index
        %parallel_loop3A_1891 = tpu.vector_load %arg8[%parallel_loop3A_1889, %parallel_loop3A_1890] {strides = array<i32>} : memref<800x128xf32, #tpu.memory_space<vmem>>, vector<16xf32>,
        %parallel_loop3A_1892 = vector.broadcast %parallel_loop3A_1851 : f32 to vector<16xf32>
        %parallel_loop3A_1893 = arith.mulf %parallel_loop3A_1891, %parallel_loop3A_1892 : vector<16xf32>
        %parallel_loop3A_1894 = arith.index_cast %parallel_loop3A_1888 : i32 to index
        %parallel_loop3A_1895 = arith.constant 32 : index
        %parallel_loop3A_1896 = tpu.vector_load %arg8[%parallel_loop3A_1894, %parallel_loop3A_1895] {strides = array<i32>} : memref<800x128xf32, #tpu.memory_space<vmem>>, vector<16xf32>,
        tpu.vector_store %arg8[%parallel_loop3A_1894, %parallel_loop3A_1895], %parallel_loop3A_1893 {strides = array<i32>} : memref<800x128xf32, #tpu.memory_space<vmem>>, vector<16xf32>,
        %parallel_loop3A_1897 = arith.constant 400 : i32
        %parallel_loop3A_1898 = arith.muli %and3A_76, %parallel_loop3A_1897 : i32
        %parallel_loop3A_1899 = arith.constant 16 : i32
        %parallel_loop3A_1900 = arith.muli %parallel_loop3A_133, %parallel_loop3A_1899 : i32
        %parallel_loop3A_1901 = arith.addi %parallel_loop3A_1898, %parallel_loop3A_1900 : i32
        %parallel_loop3A_1902 = arith.constant 14 : i32
        %parallel_loop3A_1903 = arith.addi %parallel_loop3A_1901, %parallel_loop3A_1902 : i32
        %parallel_loop3A_1904 = arith.index_cast %parallel_loop3A_1903 : i32 to index
        %parallel_loop3A_1905 = arith.constant 48 : index
        %parallel_loop3A_1906 = tpu.vector_load %arg8[%parallel_loop3A_1904, %parallel_loop3A_1905] {strides = array<i32>} : memref<800x128xf32, #tpu.memory_space<vmem>>, vector<16xf32>,
        %parallel_loop3A_1907 = vector.broadcast %parallel_loop3A_1851 : f32 to vector<16xf32>
        %parallel_loop3A_1908 = arith.mulf %parallel_loop3A_1906, %parallel_loop3A_1907 : vector<16xf32>
        %parallel_loop3A_1909 = arith.index_cast %parallel_loop3A_1903 : i32 to index
        %parallel_loop3A_1910 = arith.constant 48 : index
        %parallel_loop3A_1911 = tpu.vector_load %arg8[%parallel_loop3A_1909, %parallel_loop3A_1910] {strides = array<i32>} : memref<800x128xf32, #tpu.memory_space<vmem>>, vector<16xf32>,
        tpu.vector_store %arg8[%parallel_loop3A_1909, %parallel_loop3A_1910], %parallel_loop3A_1908 {strides = array<i32>} : memref<800x128xf32, #tpu.memory_space<vmem>>, vector<16xf32>,
        %parallel_loop3A_1912 = arith.constant 400 : i32
        %parallel_loop3A_1913 = arith.muli %and3A_76, %parallel_loop3A_1912 : i32
        %parallel_loop3A_1914 = arith.constant 16 : i32
        %parallel_loop3A_1915 = arith.muli %parallel_loop3A_133, %parallel_loop3A_1914 : i32
        %parallel_loop3A_1916 = arith.addi %parallel_loop3A_1913, %parallel_loop3A_1915 : i32
        %parallel_loop3A_1917 = arith.constant 14 : i32
        %parallel_loop3A_1918 = arith.addi %parallel_loop3A_1916, %parallel_loop3A_1917 : i32
        %parallel_loop3A_1919 = arith.index_cast %parallel_loop3A_1918 : i32 to index
        %parallel_loop3A_1920 = arith.constant 64 : index
        %parallel_loop3A_1921 = tpu.vector_load %arg8[%parallel_loop3A_1919, %parallel_loop3A_1920] {strides = array<i32>} : memref<800x128xf32, #tpu.memory_space<vmem>>, vector<16xf32>,
        %parallel_loop3A_1922 = vector.broadcast %parallel_loop3A_1851 : f32 to vector<16xf32>
        %parallel_loop3A_1923 = arith.mulf %parallel_loop3A_1921, %parallel_loop3A_1922 : vector<16xf32>
        %parallel_loop3A_1924 = arith.index_cast %parallel_loop3A_1918 : i32 to index
        %parallel_loop3A_1925 = arith.constant 64 : index
        %parallel_loop3A_1926 = tpu.vector_load %arg8[%parallel_loop3A_1924, %parallel_loop3A_1925] {strides = array<i32>} : memref<800x128xf32, #tpu.memory_space<vmem>>, vector<16xf32>,
        tpu.vector_store %arg8[%parallel_loop3A_1924, %parallel_loop3A_1925], %parallel_loop3A_1923 {strides = array<i32>} : memref<800x128xf32, #tpu.memory_space<vmem>>, vector<16xf32>,
        %parallel_loop3A_1927 = arith.constant 400 : i32
        %parallel_loop3A_1928 = arith.muli %and3A_76, %parallel_loop3A_1927 : i32
        %parallel_loop3A_1929 = arith.constant 16 : i32
        %parallel_loop3A_1930 = arith.muli %parallel_loop3A_133, %parallel_loop3A_1929 : i32
        %parallel_loop3A_1931 = arith.addi %parallel_loop3A_1928, %parallel_loop3A_1930 : i32
        %parallel_loop3A_1932 = arith.constant 14 : i32
        %parallel_loop3A_1933 = arith.addi %parallel_loop3A_1931, %parallel_loop3A_1932 : i32
        %parallel_loop3A_1934 = arith.index_cast %parallel_loop3A_1933 : i32 to index
        %parallel_loop3A_1935 = arith.constant 80 : index
        %parallel_loop3A_1936 = tpu.vector_load %arg8[%parallel_loop3A_1934, %parallel_loop3A_1935] {strides = array<i32>} : memref<800x128xf32, #tpu.memory_space<vmem>>, vector<16xf32>,
        %parallel_loop3A_1937 = vector.broadcast %parallel_loop3A_1851 : f32 to vector<16xf32>
        %parallel_loop3A_1938 = arith.mulf %parallel_loop3A_1936, %parallel_loop3A_1937 : vector<16xf32>
        %parallel_loop3A_1939 = arith.index_cast %parallel_loop3A_1933 : i32 to index
        %parallel_loop3A_1940 = arith.constant 80 : index
        %parallel_loop3A_1941 = tpu.vector_load %arg8[%parallel_loop3A_1939, %parallel_loop3A_1940] {strides = array<i32>} : memref<800x128xf32, #tpu.memory_space<vmem>>, vector<16xf32>,
        tpu.vector_store %arg8[%parallel_loop3A_1939, %parallel_loop3A_1940], %parallel_loop3A_1938 {strides = array<i32>} : memref<800x128xf32, #tpu.memory_space<vmem>>, vector<16xf32>,
        %parallel_loop3A_1942 = arith.constant 400 : i32
        %parallel_loop3A_1943 = arith.muli %and3A_76, %parallel_loop3A_1942 : i32
        %parallel_loop3A_1944 = arith.constant 16 : i32
        %parallel_loop3A_1945 = arith.muli %parallel_loop3A_133, %parallel_loop3A_1944 : i32
        %parallel_loop3A_1946 = arith.addi %parallel_loop3A_1943, %parallel_loop3A_1945 : i32
        %parallel_loop3A_1947 = arith.constant 14 : i32
        %parallel_loop3A_1948 = arith.addi %parallel_loop3A_1946, %parallel_loop3A_1947 : i32
        %parallel_loop3A_1949 = arith.index_cast %parallel_loop3A_1948 : i32 to index
        %parallel_loop3A_1950 = arith.constant 96 : index
        %parallel_loop3A_1951 = tpu.vector_load %arg8[%parallel_loop3A_1949, %parallel_loop3A_1950] {strides = array<i32>} : memref<800x128xf32, #tpu.memory_space<vmem>>, vector<16xf32>,
        %parallel_loop3A_1952 = vector.broadcast %parallel_loop3A_1851 : f32 to vector<16xf32>
        %parallel_loop3A_1953 = arith.mulf %parallel_loop3A_1951, %parallel_loop3A_1952 : vector<16xf32>
        %parallel_loop3A_1954 = arith.index_cast %parallel_loop3A_1948 : i32 to index
        %parallel_loop3A_1955 = arith.constant 96 : index
        %parallel_loop3A_1956 = tpu.vector_load %arg8[%parallel_loop3A_1954, %parallel_loop3A_1955] {strides = array<i32>} : memref<800x128xf32, #tpu.memory_space<vmem>>, vector<16xf32>,
        tpu.vector_store %arg8[%parallel_loop3A_1954, %parallel_loop3A_1955], %parallel_loop3A_1953 {strides = array<i32>} : memref<800x128xf32, #tpu.memory_space<vmem>>, vector<16xf32>,
        %parallel_loop3A_1957 = arith.constant 400 : i32
        %parallel_loop3A_1958 = arith.muli %and3A_76, %parallel_loop3A_1957 : i32
        %parallel_loop3A_1959 = arith.constant 16 : i32
        %parallel_loop3A_1960 = arith.muli %parallel_loop3A_133, %parallel_loop3A_1959 : i32
        %parallel_loop3A_1961 = arith.addi %parallel_loop3A_1958, %parallel_loop3A_1960 : i32
        %parallel_loop3A_1962 = arith.constant 14 : i32
        %parallel_loop3A_1963 = arith.addi %parallel_loop3A_1961, %parallel_loop3A_1962 : i32
        %parallel_loop3A_1964 = arith.index_cast %parallel_loop3A_1963 : i32 to index
        %parallel_loop3A_1965 = arith.constant 112 : index
        %parallel_loop3A_1966 = tpu.vector_load %arg8[%parallel_loop3A_1964, %parallel_loop3A_1965] {strides = array<i32>} : memref<800x128xf32, #tpu.memory_space<vmem>>, vector<16xf32>,
        %parallel_loop3A_1967 = vector.broadcast %parallel_loop3A_1851 : f32 to vector<16xf32>
        %parallel_loop3A_1968 = arith.mulf %parallel_loop3A_1966, %parallel_loop3A_1967 : vector<16xf32>
        %parallel_loop3A_1969 = arith.index_cast %parallel_loop3A_1963 : i32 to index
        %parallel_loop3A_1970 = arith.constant 112 : index
        %parallel_loop3A_1971 = tpu.vector_load %arg8[%parallel_loop3A_1969, %parallel_loop3A_1970] {strides = array<i32>} : memref<800x128xf32, #tpu.memory_space<vmem>>, vector<16xf32>,
        tpu.vector_store %arg8[%parallel_loop3A_1969, %parallel_loop3A_1970], %parallel_loop3A_1968 {strides = array<i32>} : memref<800x128xf32, #tpu.memory_space<vmem>>, vector<16xf32>,
        %parallel_loop3A_1972 = vector.extract_strided_slice %parallel_loop3A_141 {offsets = [15], sizes = [1], strides = [1]} : vector<16xf32> to vector<1xf32>
        %parallel_loop3A_1973 = vector.extract %parallel_loop3A_1972[0] : f32 from vector<1xf32>
        %parallel_loop3A_1974 = arith.constant 400 : i32
        %parallel_loop3A_1975 = arith.muli %and3A_76, %parallel_loop3A_1974 : i32
        %parallel_loop3A_1976 = arith.constant 16 : i32
        %parallel_loop3A_1977 = arith.muli %parallel_loop3A_133, %parallel_loop3A_1976 : i32
        %parallel_loop3A_1978 = arith.addi %parallel_loop3A_1975, %parallel_loop3A_1977 : i32
        %parallel_loop3A_1979 = arith.constant 15 : i32
        %parallel_loop3A_1980 = arith.addi %parallel_loop3A_1978, %parallel_loop3A_1979 : i32
        %parallel_loop3A_1981 = arith.index_cast %parallel_loop3A_1980 : i32 to index
        %parallel_loop3A_1982 = arith.constant 0 : index
        %parallel_loop3A_1983 = tpu.vector_load %arg8[%parallel_loop3A_1981, %parallel_loop3A_1982] {strides = array<i32>} : memref<800x128xf32, #tpu.memory_space<vmem>>, vector<16xf32>,
        %parallel_loop3A_1984 = vector.broadcast %parallel_loop3A_1973 : f32 to vector<16xf32>
        %parallel_loop3A_1985 = arith.mulf %parallel_loop3A_1983, %parallel_loop3A_1984 : vector<16xf32>
        %parallel_loop3A_1986 = arith.index_cast %parallel_loop3A_1980 : i32 to index
        %parallel_loop3A_1987 = arith.constant 0 : index
        %parallel_loop3A_1988 = tpu.vector_load %arg8[%parallel_loop3A_1986, %parallel_loop3A_1987] {strides = array<i32>} : memref<800x128xf32, #tpu.memory_space<vmem>>, vector<16xf32>,
        tpu.vector_store %arg8[%parallel_loop3A_1986, %parallel_loop3A_1987], %parallel_loop3A_1985 {strides = array<i32>} : memref<800x128xf32, #tpu.memory_space<vmem>>, vector<16xf32>,
        %parallel_loop3A_1989 = arith.constant 400 : i32
        %parallel_loop3A_1990 = arith.muli %and3A_76, %parallel_loop3A_1989 : i32
        %parallel_loop3A_1991 = arith.constant 16 : i32
        %parallel_loop3A_1992 = arith.muli %parallel_loop3A_133, %parallel_loop3A_1991 : i32
        %parallel_loop3A_1993 = arith.addi %parallel_loop3A_1990, %parallel_loop3A_1992 : i32
        %parallel_loop3A_1994 = arith.constant 15 : i32
        %parallel_loop3A_1995 = arith.addi %parallel_loop3A_1993, %parallel_loop3A_1994 : i32
        %parallel_loop3A_1996 = arith.index_cast %parallel_loop3A_1995 : i32 to index
        %parallel_loop3A_1997 = arith.constant 16 : index
        %parallel_loop3A_1998 = tpu.vector_load %arg8[%parallel_loop3A_1996, %parallel_loop3A_1997] {strides = array<i32>} : memref<800x128xf32, #tpu.memory_space<vmem>>, vector<16xf32>,
        %parallel_loop3A_1999 = vector.broadcast %parallel_loop3A_1973 : f32 to vector<16xf32>
        %parallel_loop3A_2000 = arith.mulf %parallel_loop3A_1998, %parallel_loop3A_1999 : vector<16xf32>
        %parallel_loop3A_2001 = arith.index_cast %parallel_loop3A_1995 : i32 to index
        %parallel_loop3A_2002 = arith.constant 16 : index
        %parallel_loop3A_2003 = tpu.vector_load %arg8[%parallel_loop3A_2001, %parallel_loop3A_2002] {strides = array<i32>} : memref<800x128xf32, #tpu.memory_space<vmem>>, vector<16xf32>,
        tpu.vector_store %arg8[%parallel_loop3A_2001, %parallel_loop3A_2002], %parallel_loop3A_2000 {strides = array<i32>} : memref<800x128xf32, #tpu.memory_space<vmem>>, vector<16xf32>,
        %parallel_loop3A_2004 = arith.constant 400 : i32
        %parallel_loop3A_2005 = arith.muli %and3A_76, %parallel_loop3A_2004 : i32
        %parallel_loop3A_2006 = arith.constant 16 : i32
        %parallel_loop3A_2007 = arith.muli %parallel_loop3A_133, %parallel_loop3A_2006 : i32
        %parallel_loop3A_2008 = arith.addi %parallel_loop3A_2005, %parallel_loop3A_2007 : i32
        %parallel_loop3A_2009 = arith.constant 15 : i32
        %parallel_loop3A_2010 = arith.addi %parallel_loop3A_2008, %parallel_loop3A_2009 : i32
        %parallel_loop3A_2011 = arith.index_cast %parallel_loop3A_2010 : i32 to index
        %parallel_loop3A_2012 = arith.constant 32 : index
        %parallel_loop3A_2013 = tpu.vector_load %arg8[%parallel_loop3A_2011, %parallel_loop3A_2012] {strides = array<i32>} : memref<800x128xf32, #tpu.memory_space<vmem>>, vector<16xf32>,
        %parallel_loop3A_2014 = vector.broadcast %parallel_loop3A_1973 : f32 to vector<16xf32>
        %parallel_loop3A_2015 = arith.mulf %parallel_loop3A_2013, %parallel_loop3A_2014 : vector<16xf32>
        %parallel_loop3A_2016 = arith.index_cast %parallel_loop3A_2010 : i32 to index
        %parallel_loop3A_2017 = arith.constant 32 : index
        %parallel_loop3A_2018 = tpu.vector_load %arg8[%parallel_loop3A_2016, %parallel_loop3A_2017] {strides = array<i32>} : memref<800x128xf32, #tpu.memory_space<vmem>>, vector<16xf32>,
        tpu.vector_store %arg8[%parallel_loop3A_2016, %parallel_loop3A_2017], %parallel_loop3A_2015 {strides = array<i32>} : memref<800x128xf32, #tpu.memory_space<vmem>>, vector<16xf32>,
        %parallel_loop3A_2019 = arith.constant 400 : i32
        %parallel_loop3A_2020 = arith.muli %and3A_76, %parallel_loop3A_2019 : i32
        %parallel_loop3A_2021 = arith.constant 16 : i32
        %parallel_loop3A_2022 = arith.muli %parallel_loop3A_133, %parallel_loop3A_2021 : i32
        %parallel_loop3A_2023 = arith.addi %parallel_loop3A_2020, %parallel_loop3A_2022 : i32
        %parallel_loop3A_2024 = arith.constant 15 : i32
        %parallel_loop3A_2025 = arith.addi %parallel_loop3A_2023, %parallel_loop3A_2024 : i32
        %parallel_loop3A_2026 = arith.index_cast %parallel_loop3A_2025 : i32 to index
        %parallel_loop3A_2027 = arith.constant 48 : index
        %parallel_loop3A_2028 = tpu.vector_load %arg8[%parallel_loop3A_2026, %parallel_loop3A_2027] {strides = array<i32>} : memref<800x128xf32, #tpu.memory_space<vmem>>, vector<16xf32>,
        %parallel_loop3A_2029 = vector.broadcast %parallel_loop3A_1973 : f32 to vector<16xf32>
        %parallel_loop3A_2030 = arith.mulf %parallel_loop3A_2028, %parallel_loop3A_2029 : vector<16xf32>
        %parallel_loop3A_2031 = arith.index_cast %parallel_loop3A_2025 : i32 to index
        %parallel_loop3A_2032 = arith.constant 48 : index
        %parallel_loop3A_2033 = tpu.vector_load %arg8[%parallel_loop3A_2031, %parallel_loop3A_2032] {strides = array<i32>} : memref<800x128xf32, #tpu.memory_space<vmem>>, vector<16xf32>,
        tpu.vector_store %arg8[%parallel_loop3A_2031, %parallel_loop3A_2032], %parallel_loop3A_2030 {strides = array<i32>} : memref<800x128xf32, #tpu.memory_space<vmem>>, vector<16xf32>,
        %parallel_loop3A_2034 = arith.constant 400 : i32
        %parallel_loop3A_2035 = arith.muli %and3A_76, %parallel_loop3A_2034 : i32
        %parallel_loop3A_2036 = arith.constant 16 : i32
        %parallel_loop3A_2037 = arith.muli %parallel_loop3A_133, %parallel_loop3A_2036 : i32
        %parallel_loop3A_2038 = arith.addi %parallel_loop3A_2035, %parallel_loop3A_2037 : i32
        %parallel_loop3A_2039 = arith.constant 15 : i32
        %parallel_loop3A_2040 = arith.addi %parallel_loop3A_2038, %parallel_loop3A_2039 : i32
        %parallel_loop3A_2041 = arith.index_cast %parallel_loop3A_2040 : i32 to index
        %parallel_loop3A_2042 = arith.constant 64 : index
        %parallel_loop3A_2043 = tpu.vector_load %arg8[%parallel_loop3A_2041, %parallel_loop3A_2042] {strides = array<i32>} : memref<800x128xf32, #tpu.memory_space<vmem>>, vector<16xf32>,
        %parallel_loop3A_2044 = vector.broadcast %parallel_loop3A_1973 : f32 to vector<16xf32>
        %parallel_loop3A_2045 = arith.mulf %parallel_loop3A_2043, %parallel_loop3A_2044 : vector<16xf32>
        %parallel_loop3A_2046 = arith.index_cast %parallel_loop3A_2040 : i32 to index
        %parallel_loop3A_2047 = arith.constant 64 : index
        %parallel_loop3A_2048 = tpu.vector_load %arg8[%parallel_loop3A_2046, %parallel_loop3A_2047] {strides = array<i32>} : memref<800x128xf32, #tpu.memory_space<vmem>>, vector<16xf32>,
        tpu.vector_store %arg8[%parallel_loop3A_2046, %parallel_loop3A_2047], %parallel_loop3A_2045 {strides = array<i32>} : memref<800x128xf32, #tpu.memory_space<vmem>>, vector<16xf32>,
        %parallel_loop3A_2049 = arith.constant 400 : i32
        %parallel_loop3A_2050 = arith.muli %and3A_76, %parallel_loop3A_2049 : i32
        %parallel_loop3A_2051 = arith.constant 16 : i32
        %parallel_loop3A_2052 = arith.muli %parallel_loop3A_133, %parallel_loop3A_2051 : i32
        %parallel_loop3A_2053 = arith.addi %parallel_loop3A_2050, %parallel_loop3A_2052 : i32
        %parallel_loop3A_2054 = arith.constant 15 : i32
        %parallel_loop3A_2055 = arith.addi %parallel_loop3A_2053, %parallel_loop3A_2054 : i32
        %parallel_loop3A_2056 = arith.index_cast %parallel_loop3A_2055 : i32 to index
        %parallel_loop3A_2057 = arith.constant 80 : index
        %parallel_loop3A_2058 = tpu.vector_load %arg8[%parallel_loop3A_2056, %parallel_loop3A_2057] {strides = array<i32>} : memref<800x128xf32, #tpu.memory_space<vmem>>, vector<16xf32>,
        %parallel_loop3A_2059 = vector.broadcast %parallel_loop3A_1973 : f32 to vector<16xf32>
        %parallel_loop3A_2060 = arith.mulf %parallel_loop3A_2058, %parallel_loop3A_2059 : vector<16xf32>
        %parallel_loop3A_2061 = arith.index_cast %parallel_loop3A_2055 : i32 to index
        %parallel_loop3A_2062 = arith.constant 80 : index
        %parallel_loop3A_2063 = tpu.vector_load %arg8[%parallel_loop3A_2061, %parallel_loop3A_2062] {strides = array<i32>} : memref<800x128xf32, #tpu.memory_space<vmem>>, vector<16xf32>,
        tpu.vector_store %arg8[%parallel_loop3A_2061, %parallel_loop3A_2062], %parallel_loop3A_2060 {strides = array<i32>} : memref<800x128xf32, #tpu.memory_space<vmem>>, vector<16xf32>,
        %parallel_loop3A_2064 = arith.constant 400 : i32
        %parallel_loop3A_2065 = arith.muli %and3A_76, %parallel_loop3A_2064 : i32
        %parallel_loop3A_2066 = arith.constant 16 : i32
        %parallel_loop3A_2067 = arith.muli %parallel_loop3A_133, %parallel_loop3A_2066 : i32
        %parallel_loop3A_2068 = arith.addi %parallel_loop3A_2065, %parallel_loop3A_2067 : i32
        %parallel_loop3A_2069 = arith.constant 15 : i32
        %parallel_loop3A_2070 = arith.addi %parallel_loop3A_2068, %parallel_loop3A_2069 : i32
        %parallel_loop3A_2071 = arith.index_cast %parallel_loop3A_2070 : i32 to index
        %parallel_loop3A_2072 = arith.constant 96 : index
        %parallel_loop3A_2073 = tpu.vector_load %arg8[%parallel_loop3A_2071, %parallel_loop3A_2072] {strides = array<i32>} : memref<800x128xf32, #tpu.memory_space<vmem>>, vector<16xf32>,
        %parallel_loop3A_2074 = vector.broadcast %parallel_loop3A_1973 : f32 to vector<16xf32>
        %parallel_loop3A_2075 = arith.mulf %parallel_loop3A_2073, %parallel_loop3A_2074 : vector<16xf32>
        %parallel_loop3A_2076 = arith.index_cast %parallel_loop3A_2070 : i32 to index
        %parallel_loop3A_2077 = arith.constant 96 : index
        %parallel_loop3A_2078 = tpu.vector_load %arg8[%parallel_loop3A_2076, %parallel_loop3A_2077] {strides = array<i32>} : memref<800x128xf32, #tpu.memory_space<vmem>>, vector<16xf32>,
        tpu.vector_store %arg8[%parallel_loop3A_2076, %parallel_loop3A_2077], %parallel_loop3A_2075 {strides = array<i32>} : memref<800x128xf32, #tpu.memory_space<vmem>>, vector<16xf32>,
        %parallel_loop3A_2079 = arith.constant 400 : i32
        %parallel_loop3A_2080 = arith.muli %and3A_76, %parallel_loop3A_2079 : i32
        %parallel_loop3A_2081 = arith.constant 16 : i32
        %parallel_loop3A_2082 = arith.muli %parallel_loop3A_133, %parallel_loop3A_2081 : i32
        %parallel_loop3A_2083 = arith.addi %parallel_loop3A_2080, %parallel_loop3A_2082 : i32
        %parallel_loop3A_2084 = arith.constant 15 : i32
        %parallel_loop3A_2085 = arith.addi %parallel_loop3A_2083, %parallel_loop3A_2084 : i32
        %parallel_loop3A_2086 = arith.index_cast %parallel_loop3A_2085 : i32 to index
        %parallel_loop3A_2087 = arith.constant 112 : index
        %parallel_loop3A_2088 = tpu.vector_load %arg8[%parallel_loop3A_2086, %parallel_loop3A_2087] {strides = array<i32>} : memref<800x128xf32, #tpu.memory_space<vmem>>, vector<16xf32>,
        %parallel_loop3A_2089 = vector.broadcast %parallel_loop3A_1973 : f32 to vector<16xf32>
        %parallel_loop3A_2090 = arith.mulf %parallel_loop3A_2088, %parallel_loop3A_2089 : vector<16xf32>
        %parallel_loop3A_2091 = arith.index_cast %parallel_loop3A_2085 : i32 to index
        %parallel_loop3A_2092 = arith.constant 112 : index
        %parallel_loop3A_2093 = tpu.vector_load %arg8[%parallel_loop3A_2091, %parallel_loop3A_2092] {strides = array<i32>} : memref<800x128xf32, #tpu.memory_space<vmem>>, vector<16xf32>,
        tpu.vector_store %arg8[%parallel_loop3A_2091, %parallel_loop3A_2092], %parallel_loop3A_2090 {strides = array<i32>} : memref<800x128xf32, #tpu.memory_space<vmem>>, vector<16xf32>,
      } {sc.loop_unroll_factor = 1 : i64, sc.parallel_access}
      %mul3A_115 = arith.constant 400 : i32
      %mul3A_116 = arith.muli %and3A_76, %mul3A_115 : i32
      %mul3A_117 = arith.constant 32 : i32
      %mul3A_118 = arith.muli %while3A_74, %mul3A_117 : i32
      %add3A_119 = arith.addi %mul3A_118, %add3A : i32
      %mul3A_120 = arith.constant 400 : i32
      %mul3A_121 = arith.muli %add3A_119, %mul3A_120 : i32
      %dma_start3A_122 = arith.constant 0 : i32
      %dma_start3A_123 = tpu.memref_slice %arg8[%mul3A_116, %dma_start3A_122] : memref<800x128xf32, #tpu.memory_space<vmem>> -> memref<400x128xf32, #tpu.memory_space<vmem>>
      %dma_start3A_124 = arith.constant 0 : i32
      %dma_start3A_125 = tpu.memref_slice %arg5[%mul3A_121, %dma_start3A_124] : memref<100000x128xf32, #tpu.memory_space<hbm>> -> memref<400x128xf32, #tpu.memory_space<hbm>>
      %dma_start3A_126 = tpu.memref_slice %arg11[%and3A_76] : memref<2x!tpu.dma_semaphore, #tpu.memory_space<semaphore_mem>> -> memref<1x!tpu.dma_semaphore, #tpu.memory_space<semaphore_mem>>
      %dma_start3A_127 = tpu.memref_squeeze %dma_start3A_126 : memref<1x!tpu.dma_semaphore, #tpu.memory_space<semaphore_mem>> -> memref<!tpu.dma_semaphore, #tpu.memory_space<semaphore_mem>>
      %dma_start3A_128 = arith.constant 0 : i32
      %dma_start3A_129 = tpu.memref_slice %arg5[%mul3A_121, %dma_start3A_128] : memref<100000x128xf32, #tpu.memory_space<hbm>> -> memref<400x128xf32, #tpu.memory_space<hbm>>
      %dma_start3A_130 = arith.constant 0 : i32
      %dma_start3A_131 = tpu.memref_slice %arg8[%mul3A_116, %dma_start3A_130] : memref<800x128xf32, #tpu.memory_space<vmem>> -> memref<400x128xf32, #tpu.memory_space<vmem>>
      tpu.enqueue_dma source(%dma_start3A_131 : memref<400x128xf32, #tpu.memory_space<vmem>>) target(%dma_start3A_129 : memref<400x128xf32, #tpu.memory_space<hbm>>) target_semaphore(%dma_start3A_127 : memref<!tpu.dma_semaphore, #tpu.memory_space<semaphore_mem>>)
      %while3A_132 = arith.constant 0 : i32
      scf.yield %while3A_132 : i32
    }
    %while3A_43 = arith.constant 1 : i32
    %while3A_44 = scf.for %while3A_74 = %while3A_40 to %while3A_36 step %while3A_43 iter_args(%while3A_75 = %while3A_42) -> (i32)  : i32 {
      %and3A = arith.constant 1 : i32
      %and3A_76 = arith.andi %while3A_74, %and3A : i32
      %mul3A_77 = arith.constant 400 : i32
      %mul3A_78 = arith.muli %and3A_76, %mul3A_77 : i32
      %dma_wait3A_79 = arith.constant 0 : i32
      %dma_wait3A_80 = tpu.memref_slice %arg8[%mul3A_78, %dma_wait3A_79] : memref<800x128xf32, #tpu.memory_space<vmem>> -> memref<400x128xf32, #tpu.memory_space<vmem>>
      %dma_wait3A_81 = arith.constant 0 : i32
      %dma_wait3A_82 = arith.constant 0 : i32
      %dma_wait3A_83 = tpu.memref_slice %arg2[%dma_wait3A_81, %dma_wait3A_82] : memref<100000x128xf32, #tpu.memory_space<hbm>> -> memref<400x128xf32, #tpu.memory_space<hbm>>
      %dma_wait3A_84 = tpu.memref_slice %arg9[%and3A_76] : memref<2x!tpu.dma_semaphore, #tpu.memory_space<semaphore_mem>> -> memref<1x!tpu.dma_semaphore, #tpu.memory_space<semaphore_mem>>
      %dma_wait3A_85 = tpu.memref_squeeze %dma_wait3A_84 : memref<1x!tpu.dma_semaphore, #tpu.memory_space<semaphore_mem>> -> memref<!tpu.dma_semaphore, #tpu.memory_space<semaphore_mem>>
      %dma_wait3A_86 = arith.constant 0 : i32
      %dma_wait3A_87 = tpu.memref_slice %arg8[%mul3A_78, %dma_wait3A_86] : memref<800x128xf32, #tpu.memory_space<vmem>> -> memref<400x128xf32, #tpu.memory_space<vmem>>
      %dma_wait3A_88 = arith.constant 0 : i32
      %dma_wait3A_89 = arith.constant 0 : i32
      %dma_wait3A_90 = tpu.memref_slice %arg2[%dma_wait3A_88, %dma_wait3A_89] : memref<100000x128xf32, #tpu.memory_space<hbm>> -> memref<400x128xf32, #tpu.memory_space<hbm>>
      tpu.wait_dma2 semaphore(%dma_wait3A_85 : memref<!tpu.dma_semaphore, #tpu.memory_space<semaphore_mem>>) src(%dma_wait3A_90 : memref<400x128xf32, #tpu.memory_space<hbm>>) dst(%dma_wait3A_87 : memref<400x128xf32, #tpu.memory_space<vmem>>)
      %mul3A_91 = arith.constant 400 : i32
      %mul3A_92 = arith.muli %and3A_76, %mul3A_91 : i32
      %dma_wait3A_93 = tpu.memref_slice %arg7[%mul3A_92] : memref<800xi32, #tpu.memory_space<vmem>> -> memref<400xi32, #tpu.memory_space<vmem>>
      %dma_wait3A_94 = arith.constant 0 : i32
      %dma_wait3A_95 = tpu.memref_slice %arg3[%dma_wait3A_94] : memref<100000xi32, #tpu.memory_space<hbm>> -> memref<400xi32, #tpu.memory_space<hbm>>
      %dma_wait3A_96 = tpu.memref_slice %arg10[%and3A_76] : memref<2x!tpu.dma_semaphore, #tpu.memory_space<semaphore_mem>> -> memref<1x!tpu.dma_semaphore, #tpu.memory_space<semaphore_mem>>
      %dma_wait3A_97 = tpu.memref_squeeze %dma_wait3A_96 : memref<1x!tpu.dma_semaphore, #tpu.memory_space<semaphore_mem>> -> memref<!tpu.dma_semaphore, #tpu.memory_space<semaphore_mem>>
      %dma_wait3A_98 = tpu.memref_slice %arg7[%mul3A_92] : memref<800xi32, #tpu.memory_space<vmem>> -> memref<400xi32, #tpu.memory_space<vmem>>
      %dma_wait3A_99 = arith.constant 0 : i32
      %dma_wait3A_100 = tpu.memref_slice %arg3[%dma_wait3A_99] : memref<100000xi32, #tpu.memory_space<hbm>> -> memref<400xi32, #tpu.memory_space<hbm>>
      tpu.wait_dma2 semaphore(%dma_wait3A_97 : memref<!tpu.dma_semaphore, #tpu.memory_space<semaphore_mem>>) src(%dma_wait3A_100 : memref<400xi32, #tpu.memory_space<hbm>>) dst(%dma_wait3A_98 : memref<400xi32, #tpu.memory_space<vmem>>)
      %add3A_101 = arith.constant 1 : i32
      %add3A_102 = arith.addi %while3A_74, %add3A_101 : i32
      %lt3A_103 = arith.cmpi slt, %add3A_102, %add3A_4 : i32
      %ge3A = arith.constant 1 : i32
      %ge3A_104 = arith.cmpi sge, %while3A_74, %ge3A : i32
      %and3A_105 = arith.andi %lt3A_103, %ge3A_104 : i1
      %convert_element_type3A = arith.extui %and3A_105 : i1 to i32
      %cond3A = arith.constant 0 : i32
      %cond3A_106 = arith.cmpi ne, %convert_element_type3A, %cond3A : i32
      scf.if %cond3A_106 {
        %sub3A = arith.constant 1 : i32
        %sub3A_133 = arith.subi %sub3A, %and3A_76 : i32
        %mul3A_134 = arith.constant 400 : i32
        %mul3A_135 = arith.muli %sub3A_133, %mul3A_134 : i32
        %dma_wait3A_136 = arith.constant 0 : i32
        %dma_wait3A_137 = tpu.memref_slice %arg8[%mul3A_135, %dma_wait3A_136] : memref<800x128xf32, #tpu.memory_space<vmem>> -> memref<400x128xf32, #tpu.memory_space<vmem>>
        %dma_wait3A_138 = arith.constant 0 : i32
        %dma_wait3A_139 = arith.constant 0 : i32
        %dma_wait3A_140 = tpu.memref_slice %arg5[%dma_wait3A_138, %dma_wait3A_139] : memref<100000x128xf32, #tpu.memory_space<hbm>> -> memref<400x128xf32, #tpu.memory_space<hbm>>
        %dma_wait3A_141 = tpu.memref_slice %arg11[%sub3A_133] : memref<2x!tpu.dma_semaphore, #tpu.memory_space<semaphore_mem>> -> memref<1x!tpu.dma_semaphore, #tpu.memory_space<semaphore_mem>>
        %dma_wait3A_142 = tpu.memref_squeeze %dma_wait3A_141 : memref<1x!tpu.dma_semaphore, #tpu.memory_space<semaphore_mem>> -> memref<!tpu.dma_semaphore, #tpu.memory_space<semaphore_mem>>
        %dma_wait3A_143 = arith.constant 0 : i32
        %dma_wait3A_144 = arith.constant 0 : i32
        %dma_wait3A_145 = tpu.memref_slice %arg5[%dma_wait3A_143, %dma_wait3A_144] : memref<100000x128xf32, #tpu.memory_space<hbm>> -> memref<400x128xf32, #tpu.memory_space<hbm>>
        %dma_wait3A_146 = arith.constant 0 : i32
        %dma_wait3A_147 = tpu.memref_slice %arg8[%mul3A_135, %dma_wait3A_146] : memref<800x128xf32, #tpu.memory_space<vmem>> -> memref<400x128xf32, #tpu.memory_space<vmem>>
        tpu.wait_dma2 semaphore(%dma_wait3A_142 : memref<!tpu.dma_semaphore, #tpu.memory_space<semaphore_mem>>) src(%dma_wait3A_147 : memref<400x128xf32, #tpu.memory_space<vmem>>) dst(%dma_wait3A_145 : memref<400x128xf32, #tpu.memory_space<hbm>>)
      } else {
      }
      %add3A_107 = arith.constant 1 : i32
      %add3A_108 = arith.addi %while3A_74, %add3A_107 : i32
      %lt3A_109 = arith.cmpi slt, %add3A_108, %add3A_4 : i32
      %convert_element_type3A_110 = arith.extui %lt3A_109 : i1 to i32
      %cond3A_111 = arith.constant 0 : i32
      %cond3A_112 = arith.cmpi ne, %convert_element_type3A_110, %cond3A_111 : i32
      scf.if %cond3A_112 {
        %add3A_133 = arith.constant 1 : i32
        %add3A_134 = arith.addi %while3A_74, %add3A_133 : i32
        %sub3A = arith.constant 1 : i32
        %sub3A_135 = arith.subi %sub3A, %and3A_76 : i32
        %mul3A_136 = arith.constant 32 : i32
        %mul3A_137 = arith.muli %add3A_134, %mul3A_136 : i32
        %add3A_138 = arith.addi %mul3A_137, %add3A : i32
        %mul3A_139 = arith.constant 400 : i32
        %mul3A_140 = arith.muli %add3A_138, %mul3A_139 : i32
        %mul3A_141 = arith.constant 400 : i32
        %mul3A_142 = arith.muli %sub3A_135, %mul3A_141 : i32
        %dma_start3A_143 = arith.constant 0 : i32
        %dma_start3A_144 = tpu.memref_slice %arg8[%mul3A_142, %dma_start3A_143] : memref<800x128xf32, #tpu.memory_space<vmem>> -> memref<400x128xf32, #tpu.memory_space<vmem>>
        %dma_start3A_145 = arith.constant 0 : i32
        %dma_start3A_146 = tpu.memref_slice %arg2[%mul3A_140, %dma_start3A_145] : memref<100000x128xf32, #tpu.memory_space<hbm>> -> memref<400x128xf32, #tpu.memory_space<hbm>>
        %dma_start3A_147 = tpu.memref_slice %arg9[%sub3A_135] : memref<2x!tpu.dma_semaphore, #tpu.memory_space<semaphore_mem>> -> memref<1x!tpu.dma_semaphore, #tpu.memory_space<semaphore_mem>>
        %dma_start3A_148 = tpu.memref_squeeze %dma_start3A_147 : memref<1x!tpu.dma_semaphore, #tpu.memory_space<semaphore_mem>> -> memref<!tpu.dma_semaphore, #tpu.memory_space<semaphore_mem>>
        %dma_start3A_149 = arith.constant 0 : i32
        %dma_start3A_150 = tpu.memref_slice %arg8[%mul3A_142, %dma_start3A_149] : memref<800x128xf32, #tpu.memory_space<vmem>> -> memref<400x128xf32, #tpu.memory_space<vmem>>
        %dma_start3A_151 = arith.constant 0 : i32
        %dma_start3A_152 = tpu.memref_slice %arg2[%mul3A_140, %dma_start3A_151] : memref<100000x128xf32, #tpu.memory_space<hbm>> -> memref<400x128xf32, #tpu.memory_space<hbm>>
        tpu.enqueue_dma source(%dma_start3A_152 : memref<400x128xf32, #tpu.memory_space<hbm>>) target(%dma_start3A_150 : memref<400x128xf32, #tpu.memory_space<vmem>>) target_semaphore(%dma_start3A_148 : memref<!tpu.dma_semaphore, #tpu.memory_space<semaphore_mem>>)
        %mul3A_153 = arith.constant 32 : i32
        %mul3A_154 = arith.muli %add3A_134, %mul3A_153 : i32
        %add3A_155 = arith.addi %mul3A_154, %add3A : i32
        %mul3A_156 = arith.constant 400 : i32
        %mul3A_157 = arith.muli %add3A_155, %mul3A_156 : i32
        %mul3A_158 = arith.constant 400 : i32
        %mul3A_159 = arith.muli %sub3A_135, %mul3A_158 : i32
        %dma_start3A_160 = tpu.memref_slice %arg7[%mul3A_159] : memref<800xi32, #tpu.memory_space<vmem>> -> memref<400xi32, #tpu.memory_space<vmem>>
        %dma_start3A_161 = tpu.memref_slice %arg3[%mul3A_157] : memref<100000xi32, #tpu.memory_space<hbm>> -> memref<400xi32, #tpu.memory_space<hbm>>
        %dma_start3A_162 = tpu.memref_slice %arg10[%sub3A_135] : memref<2x!tpu.dma_semaphore, #tpu.memory_space<semaphore_mem>> -> memref<1x!tpu.dma_semaphore, #tpu.memory_space<semaphore_mem>>
        %dma_start3A_163 = tpu.memref_squeeze %dma_start3A_162 : memref<1x!tpu.dma_semaphore, #tpu.memory_space<semaphore_mem>> -> memref<!tpu.dma_semaphore, #tpu.memory_space<semaphore_mem>>
        %dma_start3A_164 = tpu.memref_slice %arg7[%mul3A_159] : memref<800xi32, #tpu.memory_space<vmem>> -> memref<400xi32, #tpu.memory_space<vmem>>
        %dma_start3A_165 = tpu.memref_slice %arg3[%mul3A_157] : memref<100000xi32, #tpu.memory_space<hbm>> -> memref<400xi32, #tpu.memory_space<hbm>>
        tpu.enqueue_dma source(%dma_start3A_165 : memref<400xi32, #tpu.memory_space<hbm>>) target(%dma_start3A_164 : memref<400xi32, #tpu.memory_space<vmem>>) target_semaphore(%dma_start3A_163 : memref<!tpu.dma_semaphore, #tpu.memory_space<semaphore_mem>>)
      } else {
      }
      %parallel_loop3A = arith.constant 0 : i32
      %parallel_loop3A_113 = arith.constant 25 : i32
      %parallel_loop3A_114 = arith.constant 1 : i32
      scf.for %parallel_loop3A_133 = %parallel_loop3A to %parallel_loop3A_113 step %parallel_loop3A_114  : i32 {
        %parallel_loop3A_134 = arith.constant 400 : i32
        %parallel_loop3A_135 = arith.muli %and3A_76, %parallel_loop3A_134 : i32
        %parallel_loop3A_136 = arith.constant 16 : i32
        %parallel_loop3A_137 = arith.muli %parallel_loop3A_133, %parallel_loop3A_136 : i32
        %parallel_loop3A_138 = arith.addi %parallel_loop3A_135, %parallel_loop3A_137 : i32
        %parallel_loop3A_139 = arith.index_cast %parallel_loop3A_138 : i32 to index
        %parallel_loop3A_140 = tpu.vector_load %arg7[%parallel_loop3A_139] {strides = array<i32>} : memref<800xi32, #tpu.memory_space<vmem>>, vector<16xi32>,
        %parallel_loop3A_141 = tpu.vector_load_idx %arg6[%parallel_loop3A_140] : memref<1024xf32, #tpu.memory_space<vmem>>[vector<16xi32>], vector<16xf32>,
        %parallel_loop3A_142 = vector.extract_strided_slice %parallel_loop3A_141 {offsets = [0], sizes = [1], strides = [1]} : vector<16xf32> to vector<1xf32>
        %parallel_loop3A_143 = vector.extract %parallel_loop3A_142[0] : f32 from vector<1xf32>
        %parallel_loop3A_144 = arith.constant 400 : i32
        %parallel_loop3A_145 = arith.muli %and3A_76, %parallel_loop3A_144 : i32
        %parallel_loop3A_146 = arith.constant 16 : i32
        %parallel_loop3A_147 = arith.muli %parallel_loop3A_133, %parallel_loop3A_146 : i32
        %parallel_loop3A_148 = arith.addi %parallel_loop3A_145, %parallel_loop3A_147 : i32
        %parallel_loop3A_149 = arith.constant 0 : i32
        %parallel_loop3A_150 = arith.addi %parallel_loop3A_148, %parallel_loop3A_149 : i32
        %parallel_loop3A_151 = arith.index_cast %parallel_loop3A_150 : i32 to index
        %parallel_loop3A_152 = arith.constant 0 : index
        %parallel_loop3A_153 = tpu.vector_load %arg8[%parallel_loop3A_151, %parallel_loop3A_152] {strides = array<i32>} : memref<800x128xf32, #tpu.memory_space<vmem>>, vector<16xf32>,
        %parallel_loop3A_154 = vector.broadcast %parallel_loop3A_143 : f32 to vector<16xf32>
        %parallel_loop3A_155 = arith.mulf %parallel_loop3A_153, %parallel_loop3A_154 : vector<16xf32>
        %parallel_loop3A_156 = arith.index_cast %parallel_loop3A_150 : i32 to index
        %parallel_loop3A_157 = arith.constant 0 : index
        %parallel_loop3A_158 = tpu.vector_load %arg8[%parallel_loop3A_156, %parallel_loop3A_157] {strides = array<i32>} : memref<800x128xf32, #tpu.memory_space<vmem>>, vector<16xf32>,
        tpu.vector_store %arg8[%parallel_loop3A_156, %parallel_loop3A_157], %parallel_loop3A_155 {strides = array<i32>} : memref<800x128xf32, #tpu.memory_space<vmem>>, vector<16xf32>,
        %parallel_loop3A_159 = arith.constant 400 : i32
        %parallel_loop3A_160 = arith.muli %and3A_76, %parallel_loop3A_159 : i32
        %parallel_loop3A_161 = arith.constant 16 : i32
        %parallel_loop3A_162 = arith.muli %parallel_loop3A_133, %parallel_loop3A_161 : i32
        %parallel_loop3A_163 = arith.addi %parallel_loop3A_160, %parallel_loop3A_162 : i32
        %parallel_loop3A_164 = arith.constant 0 : i32
        %parallel_loop3A_165 = arith.addi %parallel_loop3A_163, %parallel_loop3A_164 : i32
        %parallel_loop3A_166 = arith.index_cast %parallel_loop3A_165 : i32 to index
        %parallel_loop3A_167 = arith.constant 16 : index
        %parallel_loop3A_168 = tpu.vector_load %arg8[%parallel_loop3A_166, %parallel_loop3A_167] {strides = array<i32>} : memref<800x128xf32, #tpu.memory_space<vmem>>, vector<16xf32>,
        %parallel_loop3A_169 = vector.broadcast %parallel_loop3A_143 : f32 to vector<16xf32>
        %parallel_loop3A_170 = arith.mulf %parallel_loop3A_168, %parallel_loop3A_169 : vector<16xf32>
        %parallel_loop3A_171 = arith.index_cast %parallel_loop3A_165 : i32 to index
        %parallel_loop3A_172 = arith.constant 16 : index
        %parallel_loop3A_173 = tpu.vector_load %arg8[%parallel_loop3A_171, %parallel_loop3A_172] {strides = array<i32>} : memref<800x128xf32, #tpu.memory_space<vmem>>, vector<16xf32>,
        tpu.vector_store %arg8[%parallel_loop3A_171, %parallel_loop3A_172], %parallel_loop3A_170 {strides = array<i32>} : memref<800x128xf32, #tpu.memory_space<vmem>>, vector<16xf32>,
        %parallel_loop3A_174 = arith.constant 400 : i32
        %parallel_loop3A_175 = arith.muli %and3A_76, %parallel_loop3A_174 : i32
        %parallel_loop3A_176 = arith.constant 16 : i32
        %parallel_loop3A_177 = arith.muli %parallel_loop3A_133, %parallel_loop3A_176 : i32
        %parallel_loop3A_178 = arith.addi %parallel_loop3A_175, %parallel_loop3A_177 : i32
        %parallel_loop3A_179 = arith.constant 0 : i32
        %parallel_loop3A_180 = arith.addi %parallel_loop3A_178, %parallel_loop3A_179 : i32
        %parallel_loop3A_181 = arith.index_cast %parallel_loop3A_180 : i32 to index
        %parallel_loop3A_182 = arith.constant 32 : index
        %parallel_loop3A_183 = tpu.vector_load %arg8[%parallel_loop3A_181, %parallel_loop3A_182] {strides = array<i32>} : memref<800x128xf32, #tpu.memory_space<vmem>>, vector<16xf32>,
        %parallel_loop3A_184 = vector.broadcast %parallel_loop3A_143 : f32 to vector<16xf32>
        %parallel_loop3A_185 = arith.mulf %parallel_loop3A_183, %parallel_loop3A_184 : vector<16xf32>
        %parallel_loop3A_186 = arith.index_cast %parallel_loop3A_180 : i32 to index
        %parallel_loop3A_187 = arith.constant 32 : index
        %parallel_loop3A_188 = tpu.vector_load %arg8[%parallel_loop3A_186, %parallel_loop3A_187] {strides = array<i32>} : memref<800x128xf32, #tpu.memory_space<vmem>>, vector<16xf32>,
        tpu.vector_store %arg8[%parallel_loop3A_186, %parallel_loop3A_187], %parallel_loop3A_185 {strides = array<i32>} : memref<800x128xf32, #tpu.memory_space<vmem>>, vector<16xf32>,
        %parallel_loop3A_189 = arith.constant 400 : i32
        %parallel_loop3A_190 = arith.muli %and3A_76, %parallel_loop3A_189 : i32
        %parallel_loop3A_191 = arith.constant 16 : i32
        %parallel_loop3A_192 = arith.muli %parallel_loop3A_133, %parallel_loop3A_191 : i32
        %parallel_loop3A_193 = arith.addi %parallel_loop3A_190, %parallel_loop3A_192 : i32
        %parallel_loop3A_194 = arith.constant 0 : i32
        %parallel_loop3A_195 = arith.addi %parallel_loop3A_193, %parallel_loop3A_194 : i32
        %parallel_loop3A_196 = arith.index_cast %parallel_loop3A_195 : i32 to index
        %parallel_loop3A_197 = arith.constant 48 : index
        %parallel_loop3A_198 = tpu.vector_load %arg8[%parallel_loop3A_196, %parallel_loop3A_197] {strides = array<i32>} : memref<800x128xf32, #tpu.memory_space<vmem>>, vector<16xf32>,
        %parallel_loop3A_199 = vector.broadcast %parallel_loop3A_143 : f32 to vector<16xf32>
        %parallel_loop3A_200 = arith.mulf %parallel_loop3A_198, %parallel_loop3A_199 : vector<16xf32>
        %parallel_loop3A_201 = arith.index_cast %parallel_loop3A_195 : i32 to index
        %parallel_loop3A_202 = arith.constant 48 : index
        %parallel_loop3A_203 = tpu.vector_load %arg8[%parallel_loop3A_201, %parallel_loop3A_202] {strides = array<i32>} : memref<800x128xf32, #tpu.memory_space<vmem>>, vector<16xf32>,
        tpu.vector_store %arg8[%parallel_loop3A_201, %parallel_loop3A_202], %parallel_loop3A_200 {strides = array<i32>} : memref<800x128xf32, #tpu.memory_space<vmem>>, vector<16xf32>,
        %parallel_loop3A_204 = arith.constant 400 : i32
        %parallel_loop3A_205 = arith.muli %and3A_76, %parallel_loop3A_204 : i32
        %parallel_loop3A_206 = arith.constant 16 : i32
        %parallel_loop3A_207 = arith.muli %parallel_loop3A_133, %parallel_loop3A_206 : i32
        %parallel_loop3A_208 = arith.addi %parallel_loop3A_205, %parallel_loop3A_207 : i32
        %parallel_loop3A_209 = arith.constant 0 : i32
        %parallel_loop3A_210 = arith.addi %parallel_loop3A_208, %parallel_loop3A_209 : i32
        %parallel_loop3A_211 = arith.index_cast %parallel_loop3A_210 : i32 to index
        %parallel_loop3A_212 = arith.constant 64 : index
        %parallel_loop3A_213 = tpu.vector_load %arg8[%parallel_loop3A_211, %parallel_loop3A_212] {strides = array<i32>} : memref<800x128xf32, #tpu.memory_space<vmem>>, vector<16xf32>,
        %parallel_loop3A_214 = vector.broadcast %parallel_loop3A_143 : f32 to vector<16xf32>
        %parallel_loop3A_215 = arith.mulf %parallel_loop3A_213, %parallel_loop3A_214 : vector<16xf32>
        %parallel_loop3A_216 = arith.index_cast %parallel_loop3A_210 : i32 to index
        %parallel_loop3A_217 = arith.constant 64 : index
        %parallel_loop3A_218 = tpu.vector_load %arg8[%parallel_loop3A_216, %parallel_loop3A_217] {strides = array<i32>} : memref<800x128xf32, #tpu.memory_space<vmem>>, vector<16xf32>,
        tpu.vector_store %arg8[%parallel_loop3A_216, %parallel_loop3A_217], %parallel_loop3A_215 {strides = array<i32>} : memref<800x128xf32, #tpu.memory_space<vmem>>, vector<16xf32>,
        %parallel_loop3A_219 = arith.constant 400 : i32
        %parallel_loop3A_220 = arith.muli %and3A_76, %parallel_loop3A_219 : i32
        %parallel_loop3A_221 = arith.constant 16 : i32
        %parallel_loop3A_222 = arith.muli %parallel_loop3A_133, %parallel_loop3A_221 : i32
        %parallel_loop3A_223 = arith.addi %parallel_loop3A_220, %parallel_loop3A_222 : i32
        %parallel_loop3A_224 = arith.constant 0 : i32
        %parallel_loop3A_225 = arith.addi %parallel_loop3A_223, %parallel_loop3A_224 : i32
        %parallel_loop3A_226 = arith.index_cast %parallel_loop3A_225 : i32 to index
        %parallel_loop3A_227 = arith.constant 80 : index
        %parallel_loop3A_228 = tpu.vector_load %arg8[%parallel_loop3A_226, %parallel_loop3A_227] {strides = array<i32>} : memref<800x128xf32, #tpu.memory_space<vmem>>, vector<16xf32>,
        %parallel_loop3A_229 = vector.broadcast %parallel_loop3A_143 : f32 to vector<16xf32>
        %parallel_loop3A_230 = arith.mulf %parallel_loop3A_228, %parallel_loop3A_229 : vector<16xf32>
        %parallel_loop3A_231 = arith.index_cast %parallel_loop3A_225 : i32 to index
        %parallel_loop3A_232 = arith.constant 80 : index
        %parallel_loop3A_233 = tpu.vector_load %arg8[%parallel_loop3A_231, %parallel_loop3A_232] {strides = array<i32>} : memref<800x128xf32, #tpu.memory_space<vmem>>, vector<16xf32>,
        tpu.vector_store %arg8[%parallel_loop3A_231, %parallel_loop3A_232], %parallel_loop3A_230 {strides = array<i32>} : memref<800x128xf32, #tpu.memory_space<vmem>>, vector<16xf32>,
        %parallel_loop3A_234 = arith.constant 400 : i32
        %parallel_loop3A_235 = arith.muli %and3A_76, %parallel_loop3A_234 : i32
        %parallel_loop3A_236 = arith.constant 16 : i32
        %parallel_loop3A_237 = arith.muli %parallel_loop3A_133, %parallel_loop3A_236 : i32
        %parallel_loop3A_238 = arith.addi %parallel_loop3A_235, %parallel_loop3A_237 : i32
        %parallel_loop3A_239 = arith.constant 0 : i32
        %parallel_loop3A_240 = arith.addi %parallel_loop3A_238, %parallel_loop3A_239 : i32
        %parallel_loop3A_241 = arith.index_cast %parallel_loop3A_240 : i32 to index
        %parallel_loop3A_242 = arith.constant 96 : index
        %parallel_loop3A_243 = tpu.vector_load %arg8[%parallel_loop3A_241, %parallel_loop3A_242] {strides = array<i32>} : memref<800x128xf32, #tpu.memory_space<vmem>>, vector<16xf32>,
        %parallel_loop3A_244 = vector.broadcast %parallel_loop3A_143 : f32 to vector<16xf32>
        %parallel_loop3A_245 = arith.mulf %parallel_loop3A_243, %parallel_loop3A_244 : vector<16xf32>
        %parallel_loop3A_246 = arith.index_cast %parallel_loop3A_240 : i32 to index
        %parallel_loop3A_247 = arith.constant 96 : index
        %parallel_loop3A_248 = tpu.vector_load %arg8[%parallel_loop3A_246, %parallel_loop3A_247] {strides = array<i32>} : memref<800x128xf32, #tpu.memory_space<vmem>>, vector<16xf32>,
        tpu.vector_store %arg8[%parallel_loop3A_246, %parallel_loop3A_247], %parallel_loop3A_245 {strides = array<i32>} : memref<800x128xf32, #tpu.memory_space<vmem>>, vector<16xf32>,
        %parallel_loop3A_249 = arith.constant 400 : i32
        %parallel_loop3A_250 = arith.muli %and3A_76, %parallel_loop3A_249 : i32
        %parallel_loop3A_251 = arith.constant 16 : i32
        %parallel_loop3A_252 = arith.muli %parallel_loop3A_133, %parallel_loop3A_251 : i32
        %parallel_loop3A_253 = arith.addi %parallel_loop3A_250, %parallel_loop3A_252 : i32
        %parallel_loop3A_254 = arith.constant 0 : i32
        %parallel_loop3A_255 = arith.addi %parallel_loop3A_253, %parallel_loop3A_254 : i32
        %parallel_loop3A_256 = arith.index_cast %parallel_loop3A_255 : i32 to index
        %parallel_loop3A_257 = arith.constant 112 : index
        %parallel_loop3A_258 = tpu.vector_load %arg8[%parallel_loop3A_256, %parallel_loop3A_257] {strides = array<i32>} : memref<800x128xf32, #tpu.memory_space<vmem>>, vector<16xf32>,
        %parallel_loop3A_259 = vector.broadcast %parallel_loop3A_143 : f32 to vector<16xf32>
        %parallel_loop3A_260 = arith.mulf %parallel_loop3A_258, %parallel_loop3A_259 : vector<16xf32>
        %parallel_loop3A_261 = arith.index_cast %parallel_loop3A_255 : i32 to index
        %parallel_loop3A_262 = arith.constant 112 : index
        %parallel_loop3A_263 = tpu.vector_load %arg8[%parallel_loop3A_261, %parallel_loop3A_262] {strides = array<i32>} : memref<800x128xf32, #tpu.memory_space<vmem>>, vector<16xf32>,
        tpu.vector_store %arg8[%parallel_loop3A_261, %parallel_loop3A_262], %parallel_loop3A_260 {strides = array<i32>} : memref<800x128xf32, #tpu.memory_space<vmem>>, vector<16xf32>,
        %parallel_loop3A_264 = vector.extract_strided_slice %parallel_loop3A_141 {offsets = [1], sizes = [1], strides = [1]} : vector<16xf32> to vector<1xf32>
        %parallel_loop3A_265 = vector.extract %parallel_loop3A_264[0] : f32 from vector<1xf32>
        %parallel_loop3A_266 = arith.constant 400 : i32
        %parallel_loop3A_267 = arith.muli %and3A_76, %parallel_loop3A_266 : i32
        %parallel_loop3A_268 = arith.constant 16 : i32
        %parallel_loop3A_269 = arith.muli %parallel_loop3A_133, %parallel_loop3A_268 : i32
        %parallel_loop3A_270 = arith.addi %parallel_loop3A_267, %parallel_loop3A_269 : i32
        %parallel_loop3A_271 = arith.constant 1 : i32
        %parallel_loop3A_272 = arith.addi %parallel_loop3A_270, %parallel_loop3A_271 : i32
        %parallel_loop3A_273 = arith.index_cast %parallel_loop3A_272 : i32 to index
        %parallel_loop3A_274 = arith.constant 0 : index
        %parallel_loop3A_275 = tpu.vector_load %arg8[%parallel_loop3A_273, %parallel_loop3A_274] {strides = array<i32>} : memref<800x128xf32, #tpu.memory_space<vmem>>, vector<16xf32>,
        %parallel_loop3A_276 = vector.broadcast %parallel_loop3A_265 : f32 to vector<16xf32>
        %parallel_loop3A_277 = arith.mulf %parallel_loop3A_275, %parallel_loop3A_276 : vector<16xf32>
        %parallel_loop3A_278 = arith.index_cast %parallel_loop3A_272 : i32 to index
        %parallel_loop3A_279 = arith.constant 0 : index
        %parallel_loop3A_280 = tpu.vector_load %arg8[%parallel_loop3A_278, %parallel_loop3A_279] {strides = array<i32>} : memref<800x128xf32, #tpu.memory_space<vmem>>, vector<16xf32>,
        tpu.vector_store %arg8[%parallel_loop3A_278, %parallel_loop3A_279], %parallel_loop3A_277 {strides = array<i32>} : memref<800x128xf32, #tpu.memory_space<vmem>>, vector<16xf32>,
        %parallel_loop3A_281 = arith.constant 400 : i32
        %parallel_loop3A_282 = arith.muli %and3A_76, %parallel_loop3A_281 : i32
        %parallel_loop3A_283 = arith.constant 16 : i32
        %parallel_loop3A_284 = arith.muli %parallel_loop3A_133, %parallel_loop3A_283 : i32
        %parallel_loop3A_285 = arith.addi %parallel_loop3A_282, %parallel_loop3A_284 : i32
        %parallel_loop3A_286 = arith.constant 1 : i32
        %parallel_loop3A_287 = arith.addi %parallel_loop3A_285, %parallel_loop3A_286 : i32
        %parallel_loop3A_288 = arith.index_cast %parallel_loop3A_287 : i32 to index
        %parallel_loop3A_289 = arith.constant 16 : index
        %parallel_loop3A_290 = tpu.vector_load %arg8[%parallel_loop3A_288, %parallel_loop3A_289] {strides = array<i32>} : memref<800x128xf32, #tpu.memory_space<vmem>>, vector<16xf32>,
        %parallel_loop3A_291 = vector.broadcast %parallel_loop3A_265 : f32 to vector<16xf32>
        %parallel_loop3A_292 = arith.mulf %parallel_loop3A_290, %parallel_loop3A_291 : vector<16xf32>
        %parallel_loop3A_293 = arith.index_cast %parallel_loop3A_287 : i32 to index
        %parallel_loop3A_294 = arith.constant 16 : index
        %parallel_loop3A_295 = tpu.vector_load %arg8[%parallel_loop3A_293, %parallel_loop3A_294] {strides = array<i32>} : memref<800x128xf32, #tpu.memory_space<vmem>>, vector<16xf32>,
        tpu.vector_store %arg8[%parallel_loop3A_293, %parallel_loop3A_294], %parallel_loop3A_292 {strides = array<i32>} : memref<800x128xf32, #tpu.memory_space<vmem>>, vector<16xf32>,
        %parallel_loop3A_296 = arith.constant 400 : i32
        %parallel_loop3A_297 = arith.muli %and3A_76, %parallel_loop3A_296 : i32
        %parallel_loop3A_298 = arith.constant 16 : i32
        %parallel_loop3A_299 = arith.muli %parallel_loop3A_133, %parallel_loop3A_298 : i32
        %parallel_loop3A_300 = arith.addi %parallel_loop3A_297, %parallel_loop3A_299 : i32
        %parallel_loop3A_301 = arith.constant 1 : i32
        %parallel_loop3A_302 = arith.addi %parallel_loop3A_300, %parallel_loop3A_301 : i32
        %parallel_loop3A_303 = arith.index_cast %parallel_loop3A_302 : i32 to index
        %parallel_loop3A_304 = arith.constant 32 : index
        %parallel_loop3A_305 = tpu.vector_load %arg8[%parallel_loop3A_303, %parallel_loop3A_304] {strides = array<i32>} : memref<800x128xf32, #tpu.memory_space<vmem>>, vector<16xf32>,
        %parallel_loop3A_306 = vector.broadcast %parallel_loop3A_265 : f32 to vector<16xf32>
        %parallel_loop3A_307 = arith.mulf %parallel_loop3A_305, %parallel_loop3A_306 : vector<16xf32>
        %parallel_loop3A_308 = arith.index_cast %parallel_loop3A_302 : i32 to index
        %parallel_loop3A_309 = arith.constant 32 : index
        %parallel_loop3A_310 = tpu.vector_load %arg8[%parallel_loop3A_308, %parallel_loop3A_309] {strides = array<i32>} : memref<800x128xf32, #tpu.memory_space<vmem>>, vector<16xf32>,
        tpu.vector_store %arg8[%parallel_loop3A_308, %parallel_loop3A_309], %parallel_loop3A_307 {strides = array<i32>} : memref<800x128xf32, #tpu.memory_space<vmem>>, vector<16xf32>,
        %parallel_loop3A_311 = arith.constant 400 : i32
        %parallel_loop3A_312 = arith.muli %and3A_76, %parallel_loop3A_311 : i32
        %parallel_loop3A_313 = arith.constant 16 : i32
        %parallel_loop3A_314 = arith.muli %parallel_loop3A_133, %parallel_loop3A_313 : i32
        %parallel_loop3A_315 = arith.addi %parallel_loop3A_312, %parallel_loop3A_314 : i32
        %parallel_loop3A_316 = arith.constant 1 : i32
        %parallel_loop3A_317 = arith.addi %parallel_loop3A_315, %parallel_loop3A_316 : i32
        %parallel_loop3A_318 = arith.index_cast %parallel_loop3A_317 : i32 to index
        %parallel_loop3A_319 = arith.constant 48 : index
        %parallel_loop3A_320 = tpu.vector_load %arg8[%parallel_loop3A_318, %parallel_loop3A_319] {strides = array<i32>} : memref<800x128xf32, #tpu.memory_space<vmem>>, vector<16xf32>,
        %parallel_loop3A_321 = vector.broadcast %parallel_loop3A_265 : f32 to vector<16xf32>
        %parallel_loop3A_322 = arith.mulf %parallel_loop3A_320, %parallel_loop3A_321 : vector<16xf32>
        %parallel_loop3A_323 = arith.index_cast %parallel_loop3A_317 : i32 to index
        %parallel_loop3A_324 = arith.constant 48 : index
        %parallel_loop3A_325 = tpu.vector_load %arg8[%parallel_loop3A_323, %parallel_loop3A_324] {strides = array<i32>} : memref<800x128xf32, #tpu.memory_space<vmem>>, vector<16xf32>,
        tpu.vector_store %arg8[%parallel_loop3A_323, %parallel_loop3A_324], %parallel_loop3A_322 {strides = array<i32>} : memref<800x128xf32, #tpu.memory_space<vmem>>, vector<16xf32>,
        %parallel_loop3A_326 = arith.constant 400 : i32
        %parallel_loop3A_327 = arith.muli %and3A_76, %parallel_loop3A_326 : i32
        %parallel_loop3A_328 = arith.constant 16 : i32
        %parallel_loop3A_329 = arith.muli %parallel_loop3A_133, %parallel_loop3A_328 : i32
        %parallel_loop3A_330 = arith.addi %parallel_loop3A_327, %parallel_loop3A_329 : i32
        %parallel_loop3A_331 = arith.constant 1 : i32
        %parallel_loop3A_332 = arith.addi %parallel_loop3A_330, %parallel_loop3A_331 : i32
        %parallel_loop3A_333 = arith.index_cast %parallel_loop3A_332 : i32 to index
        %parallel_loop3A_334 = arith.constant 64 : index
        %parallel_loop3A_335 = tpu.vector_load %arg8[%parallel_loop3A_333, %parallel_loop3A_334] {strides = array<i32>} : memref<800x128xf32, #tpu.memory_space<vmem>>, vector<16xf32>,
        %parallel_loop3A_336 = vector.broadcast %parallel_loop3A_265 : f32 to vector<16xf32>
        %parallel_loop3A_337 = arith.mulf %parallel_loop3A_335, %parallel_loop3A_336 : vector<16xf32>
        %parallel_loop3A_338 = arith.index_cast %parallel_loop3A_332 : i32 to index
        %parallel_loop3A_339 = arith.constant 64 : index
        %parallel_loop3A_340 = tpu.vector_load %arg8[%parallel_loop3A_338, %parallel_loop3A_339] {strides = array<i32>} : memref<800x128xf32, #tpu.memory_space<vmem>>, vector<16xf32>,
        tpu.vector_store %arg8[%parallel_loop3A_338, %parallel_loop3A_339], %parallel_loop3A_337 {strides = array<i32>} : memref<800x128xf32, #tpu.memory_space<vmem>>, vector<16xf32>,
        %parallel_loop3A_341 = arith.constant 400 : i32
        %parallel_loop3A_342 = arith.muli %and3A_76, %parallel_loop3A_341 : i32
        %parallel_loop3A_343 = arith.constant 16 : i32
        %parallel_loop3A_344 = arith.muli %parallel_loop3A_133, %parallel_loop3A_343 : i32
        %parallel_loop3A_345 = arith.addi %parallel_loop3A_342, %parallel_loop3A_344 : i32
        %parallel_loop3A_346 = arith.constant 1 : i32
        %parallel_loop3A_347 = arith.addi %parallel_loop3A_345, %parallel_loop3A_346 : i32
        %parallel_loop3A_348 = arith.index_cast %parallel_loop3A_347 : i32 to index
        %parallel_loop3A_349 = arith.constant 80 : index
        %parallel_loop3A_350 = tpu.vector_load %arg8[%parallel_loop3A_348, %parallel_loop3A_349] {strides = array<i32>} : memref<800x128xf32, #tpu.memory_space<vmem>>, vector<16xf32>,
        %parallel_loop3A_351 = vector.broadcast %parallel_loop3A_265 : f32 to vector<16xf32>
        %parallel_loop3A_352 = arith.mulf %parallel_loop3A_350, %parallel_loop3A_351 : vector<16xf32>
        %parallel_loop3A_353 = arith.index_cast %parallel_loop3A_347 : i32 to index
        %parallel_loop3A_354 = arith.constant 80 : index
        %parallel_loop3A_355 = tpu.vector_load %arg8[%parallel_loop3A_353, %parallel_loop3A_354] {strides = array<i32>} : memref<800x128xf32, #tpu.memory_space<vmem>>, vector<16xf32>,
        tpu.vector_store %arg8[%parallel_loop3A_353, %parallel_loop3A_354], %parallel_loop3A_352 {strides = array<i32>} : memref<800x128xf32, #tpu.memory_space<vmem>>, vector<16xf32>,
        %parallel_loop3A_356 = arith.constant 400 : i32
        %parallel_loop3A_357 = arith.muli %and3A_76, %parallel_loop3A_356 : i32
        %parallel_loop3A_358 = arith.constant 16 : i32
        %parallel_loop3A_359 = arith.muli %parallel_loop3A_133, %parallel_loop3A_358 : i32
        %parallel_loop3A_360 = arith.addi %parallel_loop3A_357, %parallel_loop3A_359 : i32
        %parallel_loop3A_361 = arith.constant 1 : i32
        %parallel_loop3A_362 = arith.addi %parallel_loop3A_360, %parallel_loop3A_361 : i32
        %parallel_loop3A_363 = arith.index_cast %parallel_loop3A_362 : i32 to index
        %parallel_loop3A_364 = arith.constant 96 : index
        %parallel_loop3A_365 = tpu.vector_load %arg8[%parallel_loop3A_363, %parallel_loop3A_364] {strides = array<i32>} : memref<800x128xf32, #tpu.memory_space<vmem>>, vector<16xf32>,
        %parallel_loop3A_366 = vector.broadcast %parallel_loop3A_265 : f32 to vector<16xf32>
        %parallel_loop3A_367 = arith.mulf %parallel_loop3A_365, %parallel_loop3A_366 : vector<16xf32>
        %parallel_loop3A_368 = arith.index_cast %parallel_loop3A_362 : i32 to index
        %parallel_loop3A_369 = arith.constant 96 : index
        %parallel_loop3A_370 = tpu.vector_load %arg8[%parallel_loop3A_368, %parallel_loop3A_369] {strides = array<i32>} : memref<800x128xf32, #tpu.memory_space<vmem>>, vector<16xf32>,
        tpu.vector_store %arg8[%parallel_loop3A_368, %parallel_loop3A_369], %parallel_loop3A_367 {strides = array<i32>} : memref<800x128xf32, #tpu.memory_space<vmem>>, vector<16xf32>,
        %parallel_loop3A_371 = arith.constant 400 : i32
        %parallel_loop3A_372 = arith.muli %and3A_76, %parallel_loop3A_371 : i32
        %parallel_loop3A_373 = arith.constant 16 : i32
        %parallel_loop3A_374 = arith.muli %parallel_loop3A_133, %parallel_loop3A_373 : i32
        %parallel_loop3A_375 = arith.addi %parallel_loop3A_372, %parallel_loop3A_374 : i32
        %parallel_loop3A_376 = arith.constant 1 : i32
        %parallel_loop3A_377 = arith.addi %parallel_loop3A_375, %parallel_loop3A_376 : i32
        %parallel_loop3A_378 = arith.index_cast %parallel_loop3A_377 : i32 to index
        %parallel_loop3A_379 = arith.constant 112 : index
        %parallel_loop3A_380 = tpu.vector_load %arg8[%parallel_loop3A_378, %parallel_loop3A_379] {strides = array<i32>} : memref<800x128xf32, #tpu.memory_space<vmem>>, vector<16xf32>,
        %parallel_loop3A_381 = vector.broadcast %parallel_loop3A_265 : f32 to vector<16xf32>
        %parallel_loop3A_382 = arith.mulf %parallel_loop3A_380, %parallel_loop3A_381 : vector<16xf32>
        %parallel_loop3A_383 = arith.index_cast %parallel_loop3A_377 : i32 to index
        %parallel_loop3A_384 = arith.constant 112 : index
        %parallel_loop3A_385 = tpu.vector_load %arg8[%parallel_loop3A_383, %parallel_loop3A_384] {strides = array<i32>} : memref<800x128xf32, #tpu.memory_space<vmem>>, vector<16xf32>,
        tpu.vector_store %arg8[%parallel_loop3A_383, %parallel_loop3A_384], %parallel_loop3A_382 {strides = array<i32>} : memref<800x128xf32, #tpu.memory_space<vmem>>, vector<16xf32>,
        %parallel_loop3A_386 = vector.extract_strided_slice %parallel_loop3A_141 {offsets = [2], sizes = [1], strides = [1]} : vector<16xf32> to vector<1xf32>
        %parallel_loop3A_387 = vector.extract %parallel_loop3A_386[0] : f32 from vector<1xf32>
        %parallel_loop3A_388 = arith.constant 400 : i32
        %parallel_loop3A_389 = arith.muli %and3A_76, %parallel_loop3A_388 : i32
        %parallel_loop3A_390 = arith.constant 16 : i32
        %parallel_loop3A_391 = arith.muli %parallel_loop3A_133, %parallel_loop3A_390 : i32
        %parallel_loop3A_392 = arith.addi %parallel_loop3A_389, %parallel_loop3A_391 : i32
        %parallel_loop3A_393 = arith.constant 2 : i32
        %parallel_loop3A_394 = arith.addi %parallel_loop3A_392, %parallel_loop3A_393 : i32
        %parallel_loop3A_395 = arith.index_cast %parallel_loop3A_394 : i32 to index
        %parallel_loop3A_396 = arith.constant 0 : index
        %parallel_loop3A_397 = tpu.vector_load %arg8[%parallel_loop3A_395, %parallel_loop3A_396] {strides = array<i32>} : memref<800x128xf32, #tpu.memory_space<vmem>>, vector<16xf32>,
        %parallel_loop3A_398 = vector.broadcast %parallel_loop3A_387 : f32 to vector<16xf32>
        %parallel_loop3A_399 = arith.mulf %parallel_loop3A_397, %parallel_loop3A_398 : vector<16xf32>
        %parallel_loop3A_400 = arith.index_cast %parallel_loop3A_394 : i32 to index
        %parallel_loop3A_401 = arith.constant 0 : index
        %parallel_loop3A_402 = tpu.vector_load %arg8[%parallel_loop3A_400, %parallel_loop3A_401] {strides = array<i32>} : memref<800x128xf32, #tpu.memory_space<vmem>>, vector<16xf32>,
        tpu.vector_store %arg8[%parallel_loop3A_400, %parallel_loop3A_401], %parallel_loop3A_399 {strides = array<i32>} : memref<800x128xf32, #tpu.memory_space<vmem>>, vector<16xf32>,
        %parallel_loop3A_403 = arith.constant 400 : i32
        %parallel_loop3A_404 = arith.muli %and3A_76, %parallel_loop3A_403 : i32
        %parallel_loop3A_405 = arith.constant 16 : i32
        %parallel_loop3A_406 = arith.muli %parallel_loop3A_133, %parallel_loop3A_405 : i32
        %parallel_loop3A_407 = arith.addi %parallel_loop3A_404, %parallel_loop3A_406 : i32
        %parallel_loop3A_408 = arith.constant 2 : i32
        %parallel_loop3A_409 = arith.addi %parallel_loop3A_407, %parallel_loop3A_408 : i32
        %parallel_loop3A_410 = arith.index_cast %parallel_loop3A_409 : i32 to index
        %parallel_loop3A_411 = arith.constant 16 : index
        %parallel_loop3A_412 = tpu.vector_load %arg8[%parallel_loop3A_410, %parallel_loop3A_411] {strides = array<i32>} : memref<800x128xf32, #tpu.memory_space<vmem>>, vector<16xf32>,
        %parallel_loop3A_413 = vector.broadcast %parallel_loop3A_387 : f32 to vector<16xf32>
        %parallel_loop3A_414 = arith.mulf %parallel_loop3A_412, %parallel_loop3A_413 : vector<16xf32>
        %parallel_loop3A_415 = arith.index_cast %parallel_loop3A_409 : i32 to index
        %parallel_loop3A_416 = arith.constant 16 : index
        %parallel_loop3A_417 = tpu.vector_load %arg8[%parallel_loop3A_415, %parallel_loop3A_416] {strides = array<i32>} : memref<800x128xf32, #tpu.memory_space<vmem>>, vector<16xf32>,
        tpu.vector_store %arg8[%parallel_loop3A_415, %parallel_loop3A_416], %parallel_loop3A_414 {strides = array<i32>} : memref<800x128xf32, #tpu.memory_space<vmem>>, vector<16xf32>,
        %parallel_loop3A_418 = arith.constant 400 : i32
        %parallel_loop3A_419 = arith.muli %and3A_76, %parallel_loop3A_418 : i32
        %parallel_loop3A_420 = arith.constant 16 : i32
        %parallel_loop3A_421 = arith.muli %parallel_loop3A_133, %parallel_loop3A_420 : i32
        %parallel_loop3A_422 = arith.addi %parallel_loop3A_419, %parallel_loop3A_421 : i32
        %parallel_loop3A_423 = arith.constant 2 : i32
        %parallel_loop3A_424 = arith.addi %parallel_loop3A_422, %parallel_loop3A_423 : i32
        %parallel_loop3A_425 = arith.index_cast %parallel_loop3A_424 : i32 to index
        %parallel_loop3A_426 = arith.constant 32 : index
        %parallel_loop3A_427 = tpu.vector_load %arg8[%parallel_loop3A_425, %parallel_loop3A_426] {strides = array<i32>} : memref<800x128xf32, #tpu.memory_space<vmem>>, vector<16xf32>,
        %parallel_loop3A_428 = vector.broadcast %parallel_loop3A_387 : f32 to vector<16xf32>
        %parallel_loop3A_429 = arith.mulf %parallel_loop3A_427, %parallel_loop3A_428 : vector<16xf32>
        %parallel_loop3A_430 = arith.index_cast %parallel_loop3A_424 : i32 to index
        %parallel_loop3A_431 = arith.constant 32 : index
        %parallel_loop3A_432 = tpu.vector_load %arg8[%parallel_loop3A_430, %parallel_loop3A_431] {strides = array<i32>} : memref<800x128xf32, #tpu.memory_space<vmem>>, vector<16xf32>,
        tpu.vector_store %arg8[%parallel_loop3A_430, %parallel_loop3A_431], %parallel_loop3A_429 {strides = array<i32>} : memref<800x128xf32, #tpu.memory_space<vmem>>, vector<16xf32>,
        %parallel_loop3A_433 = arith.constant 400 : i32
        %parallel_loop3A_434 = arith.muli %and3A_76, %parallel_loop3A_433 : i32
        %parallel_loop3A_435 = arith.constant 16 : i32
        %parallel_loop3A_436 = arith.muli %parallel_loop3A_133, %parallel_loop3A_435 : i32
        %parallel_loop3A_437 = arith.addi %parallel_loop3A_434, %parallel_loop3A_436 : i32
        %parallel_loop3A_438 = arith.constant 2 : i32
        %parallel_loop3A_439 = arith.addi %parallel_loop3A_437, %parallel_loop3A_438 : i32
        %parallel_loop3A_440 = arith.index_cast %parallel_loop3A_439 : i32 to index
        %parallel_loop3A_441 = arith.constant 48 : index
        %parallel_loop3A_442 = tpu.vector_load %arg8[%parallel_loop3A_440, %parallel_loop3A_441] {strides = array<i32>} : memref<800x128xf32, #tpu.memory_space<vmem>>, vector<16xf32>,
        %parallel_loop3A_443 = vector.broadcast %parallel_loop3A_387 : f32 to vector<16xf32>
        %parallel_loop3A_444 = arith.mulf %parallel_loop3A_442, %parallel_loop3A_443 : vector<16xf32>
        %parallel_loop3A_445 = arith.index_cast %parallel_loop3A_439 : i32 to index
        %parallel_loop3A_446 = arith.constant 48 : index
        %parallel_loop3A_447 = tpu.vector_load %arg8[%parallel_loop3A_445, %parallel_loop3A_446] {strides = array<i32>} : memref<800x128xf32, #tpu.memory_space<vmem>>, vector<16xf32>,
        tpu.vector_store %arg8[%parallel_loop3A_445, %parallel_loop3A_446], %parallel_loop3A_444 {strides = array<i32>} : memref<800x128xf32, #tpu.memory_space<vmem>>, vector<16xf32>,
        %parallel_loop3A_448 = arith.constant 400 : i32
        %parallel_loop3A_449 = arith.muli %and3A_76, %parallel_loop3A_448 : i32
        %parallel_loop3A_450 = arith.constant 16 : i32
        %parallel_loop3A_451 = arith.muli %parallel_loop3A_133, %parallel_loop3A_450 : i32
        %parallel_loop3A_452 = arith.addi %parallel_loop3A_449, %parallel_loop3A_451 : i32
        %parallel_loop3A_453 = arith.constant 2 : i32
        %parallel_loop3A_454 = arith.addi %parallel_loop3A_452, %parallel_loop3A_453 : i32
        %parallel_loop3A_455 = arith.index_cast %parallel_loop3A_454 : i32 to index
        %parallel_loop3A_456 = arith.constant 64 : index
        %parallel_loop3A_457 = tpu.vector_load %arg8[%parallel_loop3A_455, %parallel_loop3A_456] {strides = array<i32>} : memref<800x128xf32, #tpu.memory_space<vmem>>, vector<16xf32>,
        %parallel_loop3A_458 = vector.broadcast %parallel_loop3A_387 : f32 to vector<16xf32>
        %parallel_loop3A_459 = arith.mulf %parallel_loop3A_457, %parallel_loop3A_458 : vector<16xf32>
        %parallel_loop3A_460 = arith.index_cast %parallel_loop3A_454 : i32 to index
        %parallel_loop3A_461 = arith.constant 64 : index
        %parallel_loop3A_462 = tpu.vector_load %arg8[%parallel_loop3A_460, %parallel_loop3A_461] {strides = array<i32>} : memref<800x128xf32, #tpu.memory_space<vmem>>, vector<16xf32>,
        tpu.vector_store %arg8[%parallel_loop3A_460, %parallel_loop3A_461], %parallel_loop3A_459 {strides = array<i32>} : memref<800x128xf32, #tpu.memory_space<vmem>>, vector<16xf32>,
        %parallel_loop3A_463 = arith.constant 400 : i32
        %parallel_loop3A_464 = arith.muli %and3A_76, %parallel_loop3A_463 : i32
        %parallel_loop3A_465 = arith.constant 16 : i32
        %parallel_loop3A_466 = arith.muli %parallel_loop3A_133, %parallel_loop3A_465 : i32
        %parallel_loop3A_467 = arith.addi %parallel_loop3A_464, %parallel_loop3A_466 : i32
        %parallel_loop3A_468 = arith.constant 2 : i32
        %parallel_loop3A_469 = arith.addi %parallel_loop3A_467, %parallel_loop3A_468 : i32
        %parallel_loop3A_470 = arith.index_cast %parallel_loop3A_469 : i32 to index
        %parallel_loop3A_471 = arith.constant 80 : index
        %parallel_loop3A_472 = tpu.vector_load %arg8[%parallel_loop3A_470, %parallel_loop3A_471] {strides = array<i32>} : memref<800x128xf32, #tpu.memory_space<vmem>>, vector<16xf32>,
        %parallel_loop3A_473 = vector.broadcast %parallel_loop3A_387 : f32 to vector<16xf32>
        %parallel_loop3A_474 = arith.mulf %parallel_loop3A_472, %parallel_loop3A_473 : vector<16xf32>
        %parallel_loop3A_475 = arith.index_cast %parallel_loop3A_469 : i32 to index
        %parallel_loop3A_476 = arith.constant 80 : index
        %parallel_loop3A_477 = tpu.vector_load %arg8[%parallel_loop3A_475, %parallel_loop3A_476] {strides = array<i32>} : memref<800x128xf32, #tpu.memory_space<vmem>>, vector<16xf32>,
        tpu.vector_store %arg8[%parallel_loop3A_475, %parallel_loop3A_476], %parallel_loop3A_474 {strides = array<i32>} : memref<800x128xf32, #tpu.memory_space<vmem>>, vector<16xf32>,
        %parallel_loop3A_478 = arith.constant 400 : i32
        %parallel_loop3A_479 = arith.muli %and3A_76, %parallel_loop3A_478 : i32
        %parallel_loop3A_480 = arith.constant 16 : i32
        %parallel_loop3A_481 = arith.muli %parallel_loop3A_133, %parallel_loop3A_480 : i32
        %parallel_loop3A_482 = arith.addi %parallel_loop3A_479, %parallel_loop3A_481 : i32
        %parallel_loop3A_483 = arith.constant 2 : i32
        %parallel_loop3A_484 = arith.addi %parallel_loop3A_482, %parallel_loop3A_483 : i32
        %parallel_loop3A_485 = arith.index_cast %parallel_loop3A_484 : i32 to index
        %parallel_loop3A_486 = arith.constant 96 : index
        %parallel_loop3A_487 = tpu.vector_load %arg8[%parallel_loop3A_485, %parallel_loop3A_486] {strides = array<i32>} : memref<800x128xf32, #tpu.memory_space<vmem>>, vector<16xf32>,
        %parallel_loop3A_488 = vector.broadcast %parallel_loop3A_387 : f32 to vector<16xf32>
        %parallel_loop3A_489 = arith.mulf %parallel_loop3A_487, %parallel_loop3A_488 : vector<16xf32>
        %parallel_loop3A_490 = arith.index_cast %parallel_loop3A_484 : i32 to index
        %parallel_loop3A_491 = arith.constant 96 : index
        %parallel_loop3A_492 = tpu.vector_load %arg8[%parallel_loop3A_490, %parallel_loop3A_491] {strides = array<i32>} : memref<800x128xf32, #tpu.memory_space<vmem>>, vector<16xf32>,
        tpu.vector_store %arg8[%parallel_loop3A_490, %parallel_loop3A_491], %parallel_loop3A_489 {strides = array<i32>} : memref<800x128xf32, #tpu.memory_space<vmem>>, vector<16xf32>,
        %parallel_loop3A_493 = arith.constant 400 : i32
        %parallel_loop3A_494 = arith.muli %and3A_76, %parallel_loop3A_493 : i32
        %parallel_loop3A_495 = arith.constant 16 : i32
        %parallel_loop3A_496 = arith.muli %parallel_loop3A_133, %parallel_loop3A_495 : i32
        %parallel_loop3A_497 = arith.addi %parallel_loop3A_494, %parallel_loop3A_496 : i32
        %parallel_loop3A_498 = arith.constant 2 : i32
        %parallel_loop3A_499 = arith.addi %parallel_loop3A_497, %parallel_loop3A_498 : i32
        %parallel_loop3A_500 = arith.index_cast %parallel_loop3A_499 : i32 to index
        %parallel_loop3A_501 = arith.constant 112 : index
        %parallel_loop3A_502 = tpu.vector_load %arg8[%parallel_loop3A_500, %parallel_loop3A_501] {strides = array<i32>} : memref<800x128xf32, #tpu.memory_space<vmem>>, vector<16xf32>,
        %parallel_loop3A_503 = vector.broadcast %parallel_loop3A_387 : f32 to vector<16xf32>
        %parallel_loop3A_504 = arith.mulf %parallel_loop3A_502, %parallel_loop3A_503 : vector<16xf32>
        %parallel_loop3A_505 = arith.index_cast %parallel_loop3A_499 : i32 to index
        %parallel_loop3A_506 = arith.constant 112 : index
        %parallel_loop3A_507 = tpu.vector_load %arg8[%parallel_loop3A_505, %parallel_loop3A_506] {strides = array<i32>} : memref<800x128xf32, #tpu.memory_space<vmem>>, vector<16xf32>,
        tpu.vector_store %arg8[%parallel_loop3A_505, %parallel_loop3A_506], %parallel_loop3A_504 {strides = array<i32>} : memref<800x128xf32, #tpu.memory_space<vmem>>, vector<16xf32>,
        %parallel_loop3A_508 = vector.extract_strided_slice %parallel_loop3A_141 {offsets = [3], sizes = [1], strides = [1]} : vector<16xf32> to vector<1xf32>
        %parallel_loop3A_509 = vector.extract %parallel_loop3A_508[0] : f32 from vector<1xf32>
        %parallel_loop3A_510 = arith.constant 400 : i32
        %parallel_loop3A_511 = arith.muli %and3A_76, %parallel_loop3A_510 : i32
        %parallel_loop3A_512 = arith.constant 16 : i32
        %parallel_loop3A_513 = arith.muli %parallel_loop3A_133, %parallel_loop3A_512 : i32
        %parallel_loop3A_514 = arith.addi %parallel_loop3A_511, %parallel_loop3A_513 : i32
        %parallel_loop3A_515 = arith.constant 3 : i32
        %parallel_loop3A_516 = arith.addi %parallel_loop3A_514, %parallel_loop3A_515 : i32
        %parallel_loop3A_517 = arith.index_cast %parallel_loop3A_516 : i32 to index
        %parallel_loop3A_518 = arith.constant 0 : index
        %parallel_loop3A_519 = tpu.vector_load %arg8[%parallel_loop3A_517, %parallel_loop3A_518] {strides = array<i32>} : memref<800x128xf32, #tpu.memory_space<vmem>>, vector<16xf32>,
        %parallel_loop3A_520 = vector.broadcast %parallel_loop3A_509 : f32 to vector<16xf32>
        %parallel_loop3A_521 = arith.mulf %parallel_loop3A_519, %parallel_loop3A_520 : vector<16xf32>
        %parallel_loop3A_522 = arith.index_cast %parallel_loop3A_516 : i32 to index
        %parallel_loop3A_523 = arith.constant 0 : index
        %parallel_loop3A_524 = tpu.vector_load %arg8[%parallel_loop3A_522, %parallel_loop3A_523] {strides = array<i32>} : memref<800x128xf32, #tpu.memory_space<vmem>>, vector<16xf32>,
        tpu.vector_store %arg8[%parallel_loop3A_522, %parallel_loop3A_523], %parallel_loop3A_521 {strides = array<i32>} : memref<800x128xf32, #tpu.memory_space<vmem>>, vector<16xf32>,
        %parallel_loop3A_525 = arith.constant 400 : i32
        %parallel_loop3A_526 = arith.muli %and3A_76, %parallel_loop3A_525 : i32
        %parallel_loop3A_527 = arith.constant 16 : i32
        %parallel_loop3A_528 = arith.muli %parallel_loop3A_133, %parallel_loop3A_527 : i32
        %parallel_loop3A_529 = arith.addi %parallel_loop3A_526, %parallel_loop3A_528 : i32
        %parallel_loop3A_530 = arith.constant 3 : i32
        %parallel_loop3A_531 = arith.addi %parallel_loop3A_529, %parallel_loop3A_530 : i32
        %parallel_loop3A_532 = arith.index_cast %parallel_loop3A_531 : i32 to index
        %parallel_loop3A_533 = arith.constant 16 : index
        %parallel_loop3A_534 = tpu.vector_load %arg8[%parallel_loop3A_532, %parallel_loop3A_533] {strides = array<i32>} : memref<800x128xf32, #tpu.memory_space<vmem>>, vector<16xf32>,
        %parallel_loop3A_535 = vector.broadcast %parallel_loop3A_509 : f32 to vector<16xf32>
        %parallel_loop3A_536 = arith.mulf %parallel_loop3A_534, %parallel_loop3A_535 : vector<16xf32>
        %parallel_loop3A_537 = arith.index_cast %parallel_loop3A_531 : i32 to index
        %parallel_loop3A_538 = arith.constant 16 : index
        %parallel_loop3A_539 = tpu.vector_load %arg8[%parallel_loop3A_537, %parallel_loop3A_538] {strides = array<i32>} : memref<800x128xf32, #tpu.memory_space<vmem>>, vector<16xf32>,
        tpu.vector_store %arg8[%parallel_loop3A_537, %parallel_loop3A_538], %parallel_loop3A_536 {strides = array<i32>} : memref<800x128xf32, #tpu.memory_space<vmem>>, vector<16xf32>,
        %parallel_loop3A_540 = arith.constant 400 : i32
        %parallel_loop3A_541 = arith.muli %and3A_76, %parallel_loop3A_540 : i32
        %parallel_loop3A_542 = arith.constant 16 : i32
        %parallel_loop3A_543 = arith.muli %parallel_loop3A_133, %parallel_loop3A_542 : i32
        %parallel_loop3A_544 = arith.addi %parallel_loop3A_541, %parallel_loop3A_543 : i32
        %parallel_loop3A_545 = arith.constant 3 : i32
        %parallel_loop3A_546 = arith.addi %parallel_loop3A_544, %parallel_loop3A_545 : i32
        %parallel_loop3A_547 = arith.index_cast %parallel_loop3A_546 : i32 to index
        %parallel_loop3A_548 = arith.constant 32 : index
        %parallel_loop3A_549 = tpu.vector_load %arg8[%parallel_loop3A_547, %parallel_loop3A_548] {strides = array<i32>} : memref<800x128xf32, #tpu.memory_space<vmem>>, vector<16xf32>,
        %parallel_loop3A_550 = vector.broadcast %parallel_loop3A_509 : f32 to vector<16xf32>
        %parallel_loop3A_551 = arith.mulf %parallel_loop3A_549, %parallel_loop3A_550 : vector<16xf32>
        %parallel_loop3A_552 = arith.index_cast %parallel_loop3A_546 : i32 to index
        %parallel_loop3A_553 = arith.constant 32 : index
        %parallel_loop3A_554 = tpu.vector_load %arg8[%parallel_loop3A_552, %parallel_loop3A_553] {strides = array<i32>} : memref<800x128xf32, #tpu.memory_space<vmem>>, vector<16xf32>,
        tpu.vector_store %arg8[%parallel_loop3A_552, %parallel_loop3A_553], %parallel_loop3A_551 {strides = array<i32>} : memref<800x128xf32, #tpu.memory_space<vmem>>, vector<16xf32>,
        %parallel_loop3A_555 = arith.constant 400 : i32
        %parallel_loop3A_556 = arith.muli %and3A_76, %parallel_loop3A_555 : i32
        %parallel_loop3A_557 = arith.constant 16 : i32
        %parallel_loop3A_558 = arith.muli %parallel_loop3A_133, %parallel_loop3A_557 : i32
        %parallel_loop3A_559 = arith.addi %parallel_loop3A_556, %parallel_loop3A_558 : i32
        %parallel_loop3A_560 = arith.constant 3 : i32
        %parallel_loop3A_561 = arith.addi %parallel_loop3A_559, %parallel_loop3A_560 : i32
        %parallel_loop3A_562 = arith.index_cast %parallel_loop3A_561 : i32 to index
        %parallel_loop3A_563 = arith.constant 48 : index
        %parallel_loop3A_564 = tpu.vector_load %arg8[%parallel_loop3A_562, %parallel_loop3A_563] {strides = array<i32>} : memref<800x128xf32, #tpu.memory_space<vmem>>, vector<16xf32>,
        %parallel_loop3A_565 = vector.broadcast %parallel_loop3A_509 : f32 to vector<16xf32>
        %parallel_loop3A_566 = arith.mulf %parallel_loop3A_564, %parallel_loop3A_565 : vector<16xf32>
        %parallel_loop3A_567 = arith.index_cast %parallel_loop3A_561 : i32 to index
        %parallel_loop3A_568 = arith.constant 48 : index
        %parallel_loop3A_569 = tpu.vector_load %arg8[%parallel_loop3A_567, %parallel_loop3A_568] {strides = array<i32>} : memref<800x128xf32, #tpu.memory_space<vmem>>, vector<16xf32>,
        tpu.vector_store %arg8[%parallel_loop3A_567, %parallel_loop3A_568], %parallel_loop3A_566 {strides = array<i32>} : memref<800x128xf32, #tpu.memory_space<vmem>>, vector<16xf32>,
        %parallel_loop3A_570 = arith.constant 400 : i32
        %parallel_loop3A_571 = arith.muli %and3A_76, %parallel_loop3A_570 : i32
        %parallel_loop3A_572 = arith.constant 16 : i32
        %parallel_loop3A_573 = arith.muli %parallel_loop3A_133, %parallel_loop3A_572 : i32
        %parallel_loop3A_574 = arith.addi %parallel_loop3A_571, %parallel_loop3A_573 : i32
        %parallel_loop3A_575 = arith.constant 3 : i32
        %parallel_loop3A_576 = arith.addi %parallel_loop3A_574, %parallel_loop3A_575 : i32
        %parallel_loop3A_577 = arith.index_cast %parallel_loop3A_576 : i32 to index
        %parallel_loop3A_578 = arith.constant 64 : index
        %parallel_loop3A_579 = tpu.vector_load %arg8[%parallel_loop3A_577, %parallel_loop3A_578] {strides = array<i32>} : memref<800x128xf32, #tpu.memory_space<vmem>>, vector<16xf32>,
        %parallel_loop3A_580 = vector.broadcast %parallel_loop3A_509 : f32 to vector<16xf32>
        %parallel_loop3A_581 = arith.mulf %parallel_loop3A_579, %parallel_loop3A_580 : vector<16xf32>
        %parallel_loop3A_582 = arith.index_cast %parallel_loop3A_576 : i32 to index
        %parallel_loop3A_583 = arith.constant 64 : index
        %parallel_loop3A_584 = tpu.vector_load %arg8[%parallel_loop3A_582, %parallel_loop3A_583] {strides = array<i32>} : memref<800x128xf32, #tpu.memory_space<vmem>>, vector<16xf32>,
        tpu.vector_store %arg8[%parallel_loop3A_582, %parallel_loop3A_583], %parallel_loop3A_581 {strides = array<i32>} : memref<800x128xf32, #tpu.memory_space<vmem>>, vector<16xf32>,
        %parallel_loop3A_585 = arith.constant 400 : i32
        %parallel_loop3A_586 = arith.muli %and3A_76, %parallel_loop3A_585 : i32
        %parallel_loop3A_587 = arith.constant 16 : i32
        %parallel_loop3A_588 = arith.muli %parallel_loop3A_133, %parallel_loop3A_587 : i32
        %parallel_loop3A_589 = arith.addi %parallel_loop3A_586, %parallel_loop3A_588 : i32
        %parallel_loop3A_590 = arith.constant 3 : i32
        %parallel_loop3A_591 = arith.addi %parallel_loop3A_589, %parallel_loop3A_590 : i32
        %parallel_loop3A_592 = arith.index_cast %parallel_loop3A_591 : i32 to index
        %parallel_loop3A_593 = arith.constant 80 : index
        %parallel_loop3A_594 = tpu.vector_load %arg8[%parallel_loop3A_592, %parallel_loop3A_593] {strides = array<i32>} : memref<800x128xf32, #tpu.memory_space<vmem>>, vector<16xf32>,
        %parallel_loop3A_595 = vector.broadcast %parallel_loop3A_509 : f32 to vector<16xf32>
        %parallel_loop3A_596 = arith.mulf %parallel_loop3A_594, %parallel_loop3A_595 : vector<16xf32>
        %parallel_loop3A_597 = arith.index_cast %parallel_loop3A_591 : i32 to index
        %parallel_loop3A_598 = arith.constant 80 : index
        %parallel_loop3A_599 = tpu.vector_load %arg8[%parallel_loop3A_597, %parallel_loop3A_598] {strides = array<i32>} : memref<800x128xf32, #tpu.memory_space<vmem>>, vector<16xf32>,
        tpu.vector_store %arg8[%parallel_loop3A_597, %parallel_loop3A_598], %parallel_loop3A_596 {strides = array<i32>} : memref<800x128xf32, #tpu.memory_space<vmem>>, vector<16xf32>,
        %parallel_loop3A_600 = arith.constant 400 : i32
        %parallel_loop3A_601 = arith.muli %and3A_76, %parallel_loop3A_600 : i32
        %parallel_loop3A_602 = arith.constant 16 : i32
        %parallel_loop3A_603 = arith.muli %parallel_loop3A_133, %parallel_loop3A_602 : i32
        %parallel_loop3A_604 = arith.addi %parallel_loop3A_601, %parallel_loop3A_603 : i32
        %parallel_loop3A_605 = arith.constant 3 : i32
        %parallel_loop3A_606 = arith.addi %parallel_loop3A_604, %parallel_loop3A_605 : i32
        %parallel_loop3A_607 = arith.index_cast %parallel_loop3A_606 : i32 to index
        %parallel_loop3A_608 = arith.constant 96 : index
        %parallel_loop3A_609 = tpu.vector_load %arg8[%parallel_loop3A_607, %parallel_loop3A_608] {strides = array<i32>} : memref<800x128xf32, #tpu.memory_space<vmem>>, vector<16xf32>,
        %parallel_loop3A_610 = vector.broadcast %parallel_loop3A_509 : f32 to vector<16xf32>
        %parallel_loop3A_611 = arith.mulf %parallel_loop3A_609, %parallel_loop3A_610 : vector<16xf32>
        %parallel_loop3A_612 = arith.index_cast %parallel_loop3A_606 : i32 to index
        %parallel_loop3A_613 = arith.constant 96 : index
        %parallel_loop3A_614 = tpu.vector_load %arg8[%parallel_loop3A_612, %parallel_loop3A_613] {strides = array<i32>} : memref<800x128xf32, #tpu.memory_space<vmem>>, vector<16xf32>,
        tpu.vector_store %arg8[%parallel_loop3A_612, %parallel_loop3A_613], %parallel_loop3A_611 {strides = array<i32>} : memref<800x128xf32, #tpu.memory_space<vmem>>, vector<16xf32>,
        %parallel_loop3A_615 = arith.constant 400 : i32
        %parallel_loop3A_616 = arith.muli %and3A_76, %parallel_loop3A_615 : i32
        %parallel_loop3A_617 = arith.constant 16 : i32
        %parallel_loop3A_618 = arith.muli %parallel_loop3A_133, %parallel_loop3A_617 : i32
        %parallel_loop3A_619 = arith.addi %parallel_loop3A_616, %parallel_loop3A_618 : i32
        %parallel_loop3A_620 = arith.constant 3 : i32
        %parallel_loop3A_621 = arith.addi %parallel_loop3A_619, %parallel_loop3A_620 : i32
        %parallel_loop3A_622 = arith.index_cast %parallel_loop3A_621 : i32 to index
        %parallel_loop3A_623 = arith.constant 112 : index
        %parallel_loop3A_624 = tpu.vector_load %arg8[%parallel_loop3A_622, %parallel_loop3A_623] {strides = array<i32>} : memref<800x128xf32, #tpu.memory_space<vmem>>, vector<16xf32>,
        %parallel_loop3A_625 = vector.broadcast %parallel_loop3A_509 : f32 to vector<16xf32>
        %parallel_loop3A_626 = arith.mulf %parallel_loop3A_624, %parallel_loop3A_625 : vector<16xf32>
        %parallel_loop3A_627 = arith.index_cast %parallel_loop3A_621 : i32 to index
        %parallel_loop3A_628 = arith.constant 112 : index
        %parallel_loop3A_629 = tpu.vector_load %arg8[%parallel_loop3A_627, %parallel_loop3A_628] {strides = array<i32>} : memref<800x128xf32, #tpu.memory_space<vmem>>, vector<16xf32>,
        tpu.vector_store %arg8[%parallel_loop3A_627, %parallel_loop3A_628], %parallel_loop3A_626 {strides = array<i32>} : memref<800x128xf32, #tpu.memory_space<vmem>>, vector<16xf32>,
        %parallel_loop3A_630 = vector.extract_strided_slice %parallel_loop3A_141 {offsets = [4], sizes = [1], strides = [1]} : vector<16xf32> to vector<1xf32>
        %parallel_loop3A_631 = vector.extract %parallel_loop3A_630[0] : f32 from vector<1xf32>
        %parallel_loop3A_632 = arith.constant 400 : i32
        %parallel_loop3A_633 = arith.muli %and3A_76, %parallel_loop3A_632 : i32
        %parallel_loop3A_634 = arith.constant 16 : i32
        %parallel_loop3A_635 = arith.muli %parallel_loop3A_133, %parallel_loop3A_634 : i32
        %parallel_loop3A_636 = arith.addi %parallel_loop3A_633, %parallel_loop3A_635 : i32
        %parallel_loop3A_637 = arith.constant 4 : i32
        %parallel_loop3A_638 = arith.addi %parallel_loop3A_636, %parallel_loop3A_637 : i32
        %parallel_loop3A_639 = arith.index_cast %parallel_loop3A_638 : i32 to index
        %parallel_loop3A_640 = arith.constant 0 : index
        %parallel_loop3A_641 = tpu.vector_load %arg8[%parallel_loop3A_639, %parallel_loop3A_640] {strides = array<i32>} : memref<800x128xf32, #tpu.memory_space<vmem>>, vector<16xf32>,
        %parallel_loop3A_642 = vector.broadcast %parallel_loop3A_631 : f32 to vector<16xf32>
        %parallel_loop3A_643 = arith.mulf %parallel_loop3A_641, %parallel_loop3A_642 : vector<16xf32>
        %parallel_loop3A_644 = arith.index_cast %parallel_loop3A_638 : i32 to index
        %parallel_loop3A_645 = arith.constant 0 : index
        %parallel_loop3A_646 = tpu.vector_load %arg8[%parallel_loop3A_644, %parallel_loop3A_645] {strides = array<i32>} : memref<800x128xf32, #tpu.memory_space<vmem>>, vector<16xf32>,
        tpu.vector_store %arg8[%parallel_loop3A_644, %parallel_loop3A_645], %parallel_loop3A_643 {strides = array<i32>} : memref<800x128xf32, #tpu.memory_space<vmem>>, vector<16xf32>,
        %parallel_loop3A_647 = arith.constant 400 : i32
        %parallel_loop3A_648 = arith.muli %and3A_76, %parallel_loop3A_647 : i32
        %parallel_loop3A_649 = arith.constant 16 : i32
        %parallel_loop3A_650 = arith.muli %parallel_loop3A_133, %parallel_loop3A_649 : i32
        %parallel_loop3A_651 = arith.addi %parallel_loop3A_648, %parallel_loop3A_650 : i32
        %parallel_loop3A_652 = arith.constant 4 : i32
        %parallel_loop3A_653 = arith.addi %parallel_loop3A_651, %parallel_loop3A_652 : i32
        %parallel_loop3A_654 = arith.index_cast %parallel_loop3A_653 : i32 to index
        %parallel_loop3A_655 = arith.constant 16 : index
        %parallel_loop3A_656 = tpu.vector_load %arg8[%parallel_loop3A_654, %parallel_loop3A_655] {strides = array<i32>} : memref<800x128xf32, #tpu.memory_space<vmem>>, vector<16xf32>,
        %parallel_loop3A_657 = vector.broadcast %parallel_loop3A_631 : f32 to vector<16xf32>
        %parallel_loop3A_658 = arith.mulf %parallel_loop3A_656, %parallel_loop3A_657 : vector<16xf32>
        %parallel_loop3A_659 = arith.index_cast %parallel_loop3A_653 : i32 to index
        %parallel_loop3A_660 = arith.constant 16 : index
        %parallel_loop3A_661 = tpu.vector_load %arg8[%parallel_loop3A_659, %parallel_loop3A_660] {strides = array<i32>} : memref<800x128xf32, #tpu.memory_space<vmem>>, vector<16xf32>,
        tpu.vector_store %arg8[%parallel_loop3A_659, %parallel_loop3A_660], %parallel_loop3A_658 {strides = array<i32>} : memref<800x128xf32, #tpu.memory_space<vmem>>, vector<16xf32>,
        %parallel_loop3A_662 = arith.constant 400 : i32
        %parallel_loop3A_663 = arith.muli %and3A_76, %parallel_loop3A_662 : i32
        %parallel_loop3A_664 = arith.constant 16 : i32
        %parallel_loop3A_665 = arith.muli %parallel_loop3A_133, %parallel_loop3A_664 : i32
        %parallel_loop3A_666 = arith.addi %parallel_loop3A_663, %parallel_loop3A_665 : i32
        %parallel_loop3A_667 = arith.constant 4 : i32
        %parallel_loop3A_668 = arith.addi %parallel_loop3A_666, %parallel_loop3A_667 : i32
        %parallel_loop3A_669 = arith.index_cast %parallel_loop3A_668 : i32 to index
        %parallel_loop3A_670 = arith.constant 32 : index
        %parallel_loop3A_671 = tpu.vector_load %arg8[%parallel_loop3A_669, %parallel_loop3A_670] {strides = array<i32>} : memref<800x128xf32, #tpu.memory_space<vmem>>, vector<16xf32>,
        %parallel_loop3A_672 = vector.broadcast %parallel_loop3A_631 : f32 to vector<16xf32>
        %parallel_loop3A_673 = arith.mulf %parallel_loop3A_671, %parallel_loop3A_672 : vector<16xf32>
        %parallel_loop3A_674 = arith.index_cast %parallel_loop3A_668 : i32 to index
        %parallel_loop3A_675 = arith.constant 32 : index
        %parallel_loop3A_676 = tpu.vector_load %arg8[%parallel_loop3A_674, %parallel_loop3A_675] {strides = array<i32>} : memref<800x128xf32, #tpu.memory_space<vmem>>, vector<16xf32>,
        tpu.vector_store %arg8[%parallel_loop3A_674, %parallel_loop3A_675], %parallel_loop3A_673 {strides = array<i32>} : memref<800x128xf32, #tpu.memory_space<vmem>>, vector<16xf32>,
        %parallel_loop3A_677 = arith.constant 400 : i32
        %parallel_loop3A_678 = arith.muli %and3A_76, %parallel_loop3A_677 : i32
        %parallel_loop3A_679 = arith.constant 16 : i32
        %parallel_loop3A_680 = arith.muli %parallel_loop3A_133, %parallel_loop3A_679 : i32
        %parallel_loop3A_681 = arith.addi %parallel_loop3A_678, %parallel_loop3A_680 : i32
        %parallel_loop3A_682 = arith.constant 4 : i32
        %parallel_loop3A_683 = arith.addi %parallel_loop3A_681, %parallel_loop3A_682 : i32
        %parallel_loop3A_684 = arith.index_cast %parallel_loop3A_683 : i32 to index
        %parallel_loop3A_685 = arith.constant 48 : index
        %parallel_loop3A_686 = tpu.vector_load %arg8[%parallel_loop3A_684, %parallel_loop3A_685] {strides = array<i32>} : memref<800x128xf32, #tpu.memory_space<vmem>>, vector<16xf32>,
        %parallel_loop3A_687 = vector.broadcast %parallel_loop3A_631 : f32 to vector<16xf32>
        %parallel_loop3A_688 = arith.mulf %parallel_loop3A_686, %parallel_loop3A_687 : vector<16xf32>
        %parallel_loop3A_689 = arith.index_cast %parallel_loop3A_683 : i32 to index
        %parallel_loop3A_690 = arith.constant 48 : index
        %parallel_loop3A_691 = tpu.vector_load %arg8[%parallel_loop3A_689, %parallel_loop3A_690] {strides = array<i32>} : memref<800x128xf32, #tpu.memory_space<vmem>>, vector<16xf32>,
        tpu.vector_store %arg8[%parallel_loop3A_689, %parallel_loop3A_690], %parallel_loop3A_688 {strides = array<i32>} : memref<800x128xf32, #tpu.memory_space<vmem>>, vector<16xf32>,
        %parallel_loop3A_692 = arith.constant 400 : i32
        %parallel_loop3A_693 = arith.muli %and3A_76, %parallel_loop3A_692 : i32
        %parallel_loop3A_694 = arith.constant 16 : i32
        %parallel_loop3A_695 = arith.muli %parallel_loop3A_133, %parallel_loop3A_694 : i32
        %parallel_loop3A_696 = arith.addi %parallel_loop3A_693, %parallel_loop3A_695 : i32
        %parallel_loop3A_697 = arith.constant 4 : i32
        %parallel_loop3A_698 = arith.addi %parallel_loop3A_696, %parallel_loop3A_697 : i32
        %parallel_loop3A_699 = arith.index_cast %parallel_loop3A_698 : i32 to index
        %parallel_loop3A_700 = arith.constant 64 : index
        %parallel_loop3A_701 = tpu.vector_load %arg8[%parallel_loop3A_699, %parallel_loop3A_700] {strides = array<i32>} : memref<800x128xf32, #tpu.memory_space<vmem>>, vector<16xf32>,
        %parallel_loop3A_702 = vector.broadcast %parallel_loop3A_631 : f32 to vector<16xf32>
        %parallel_loop3A_703 = arith.mulf %parallel_loop3A_701, %parallel_loop3A_702 : vector<16xf32>
        %parallel_loop3A_704 = arith.index_cast %parallel_loop3A_698 : i32 to index
        %parallel_loop3A_705 = arith.constant 64 : index
        %parallel_loop3A_706 = tpu.vector_load %arg8[%parallel_loop3A_704, %parallel_loop3A_705] {strides = array<i32>} : memref<800x128xf32, #tpu.memory_space<vmem>>, vector<16xf32>,
        tpu.vector_store %arg8[%parallel_loop3A_704, %parallel_loop3A_705], %parallel_loop3A_703 {strides = array<i32>} : memref<800x128xf32, #tpu.memory_space<vmem>>, vector<16xf32>,
        %parallel_loop3A_707 = arith.constant 400 : i32
        %parallel_loop3A_708 = arith.muli %and3A_76, %parallel_loop3A_707 : i32
        %parallel_loop3A_709 = arith.constant 16 : i32
        %parallel_loop3A_710 = arith.muli %parallel_loop3A_133, %parallel_loop3A_709 : i32
        %parallel_loop3A_711 = arith.addi %parallel_loop3A_708, %parallel_loop3A_710 : i32
        %parallel_loop3A_712 = arith.constant 4 : i32
        %parallel_loop3A_713 = arith.addi %parallel_loop3A_711, %parallel_loop3A_712 : i32
        %parallel_loop3A_714 = arith.index_cast %parallel_loop3A_713 : i32 to index
        %parallel_loop3A_715 = arith.constant 80 : index
        %parallel_loop3A_716 = tpu.vector_load %arg8[%parallel_loop3A_714, %parallel_loop3A_715] {strides = array<i32>} : memref<800x128xf32, #tpu.memory_space<vmem>>, vector<16xf32>,
        %parallel_loop3A_717 = vector.broadcast %parallel_loop3A_631 : f32 to vector<16xf32>
        %parallel_loop3A_718 = arith.mulf %parallel_loop3A_716, %parallel_loop3A_717 : vector<16xf32>
        %parallel_loop3A_719 = arith.index_cast %parallel_loop3A_713 : i32 to index
        %parallel_loop3A_720 = arith.constant 80 : index
        %parallel_loop3A_721 = tpu.vector_load %arg8[%parallel_loop3A_719, %parallel_loop3A_720] {strides = array<i32>} : memref<800x128xf32, #tpu.memory_space<vmem>>, vector<16xf32>,
        tpu.vector_store %arg8[%parallel_loop3A_719, %parallel_loop3A_720], %parallel_loop3A_718 {strides = array<i32>} : memref<800x128xf32, #tpu.memory_space<vmem>>, vector<16xf32>,
        %parallel_loop3A_722 = arith.constant 400 : i32
        %parallel_loop3A_723 = arith.muli %and3A_76, %parallel_loop3A_722 : i32
        %parallel_loop3A_724 = arith.constant 16 : i32
        %parallel_loop3A_725 = arith.muli %parallel_loop3A_133, %parallel_loop3A_724 : i32
        %parallel_loop3A_726 = arith.addi %parallel_loop3A_723, %parallel_loop3A_725 : i32
        %parallel_loop3A_727 = arith.constant 4 : i32
        %parallel_loop3A_728 = arith.addi %parallel_loop3A_726, %parallel_loop3A_727 : i32
        %parallel_loop3A_729 = arith.index_cast %parallel_loop3A_728 : i32 to index
        %parallel_loop3A_730 = arith.constant 96 : index
        %parallel_loop3A_731 = tpu.vector_load %arg8[%parallel_loop3A_729, %parallel_loop3A_730] {strides = array<i32>} : memref<800x128xf32, #tpu.memory_space<vmem>>, vector<16xf32>,
        %parallel_loop3A_732 = vector.broadcast %parallel_loop3A_631 : f32 to vector<16xf32>
        %parallel_loop3A_733 = arith.mulf %parallel_loop3A_731, %parallel_loop3A_732 : vector<16xf32>
        %parallel_loop3A_734 = arith.index_cast %parallel_loop3A_728 : i32 to index
        %parallel_loop3A_735 = arith.constant 96 : index
        %parallel_loop3A_736 = tpu.vector_load %arg8[%parallel_loop3A_734, %parallel_loop3A_735] {strides = array<i32>} : memref<800x128xf32, #tpu.memory_space<vmem>>, vector<16xf32>,
        tpu.vector_store %arg8[%parallel_loop3A_734, %parallel_loop3A_735], %parallel_loop3A_733 {strides = array<i32>} : memref<800x128xf32, #tpu.memory_space<vmem>>, vector<16xf32>,
        %parallel_loop3A_737 = arith.constant 400 : i32
        %parallel_loop3A_738 = arith.muli %and3A_76, %parallel_loop3A_737 : i32
        %parallel_loop3A_739 = arith.constant 16 : i32
        %parallel_loop3A_740 = arith.muli %parallel_loop3A_133, %parallel_loop3A_739 : i32
        %parallel_loop3A_741 = arith.addi %parallel_loop3A_738, %parallel_loop3A_740 : i32
        %parallel_loop3A_742 = arith.constant 4 : i32
        %parallel_loop3A_743 = arith.addi %parallel_loop3A_741, %parallel_loop3A_742 : i32
        %parallel_loop3A_744 = arith.index_cast %parallel_loop3A_743 : i32 to index
        %parallel_loop3A_745 = arith.constant 112 : index
        %parallel_loop3A_746 = tpu.vector_load %arg8[%parallel_loop3A_744, %parallel_loop3A_745] {strides = array<i32>} : memref<800x128xf32, #tpu.memory_space<vmem>>, vector<16xf32>,
        %parallel_loop3A_747 = vector.broadcast %parallel_loop3A_631 : f32 to vector<16xf32>
        %parallel_loop3A_748 = arith.mulf %parallel_loop3A_746, %parallel_loop3A_747 : vector<16xf32>
        %parallel_loop3A_749 = arith.index_cast %parallel_loop3A_743 : i32 to index
        %parallel_loop3A_750 = arith.constant 112 : index
        %parallel_loop3A_751 = tpu.vector_load %arg8[%parallel_loop3A_749, %parallel_loop3A_750] {strides = array<i32>} : memref<800x128xf32, #tpu.memory_space<vmem>>, vector<16xf32>,
        tpu.vector_store %arg8[%parallel_loop3A_749, %parallel_loop3A_750], %parallel_loop3A_748 {strides = array<i32>} : memref<800x128xf32, #tpu.memory_space<vmem>>, vector<16xf32>,
        %parallel_loop3A_752 = vector.extract_strided_slice %parallel_loop3A_141 {offsets = [5], sizes = [1], strides = [1]} : vector<16xf32> to vector<1xf32>
        %parallel_loop3A_753 = vector.extract %parallel_loop3A_752[0] : f32 from vector<1xf32>
        %parallel_loop3A_754 = arith.constant 400 : i32
        %parallel_loop3A_755 = arith.muli %and3A_76, %parallel_loop3A_754 : i32
        %parallel_loop3A_756 = arith.constant 16 : i32
        %parallel_loop3A_757 = arith.muli %parallel_loop3A_133, %parallel_loop3A_756 : i32
        %parallel_loop3A_758 = arith.addi %parallel_loop3A_755, %parallel_loop3A_757 : i32
        %parallel_loop3A_759 = arith.constant 5 : i32
        %parallel_loop3A_760 = arith.addi %parallel_loop3A_758, %parallel_loop3A_759 : i32
        %parallel_loop3A_761 = arith.index_cast %parallel_loop3A_760 : i32 to index
        %parallel_loop3A_762 = arith.constant 0 : index
        %parallel_loop3A_763 = tpu.vector_load %arg8[%parallel_loop3A_761, %parallel_loop3A_762] {strides = array<i32>} : memref<800x128xf32, #tpu.memory_space<vmem>>, vector<16xf32>,
        %parallel_loop3A_764 = vector.broadcast %parallel_loop3A_753 : f32 to vector<16xf32>
        %parallel_loop3A_765 = arith.mulf %parallel_loop3A_763, %parallel_loop3A_764 : vector<16xf32>
        %parallel_loop3A_766 = arith.index_cast %parallel_loop3A_760 : i32 to index
        %parallel_loop3A_767 = arith.constant 0 : index
        %parallel_loop3A_768 = tpu.vector_load %arg8[%parallel_loop3A_766, %parallel_loop3A_767] {strides = array<i32>} : memref<800x128xf32, #tpu.memory_space<vmem>>, vector<16xf32>,
        tpu.vector_store %arg8[%parallel_loop3A_766, %parallel_loop3A_767], %parallel_loop3A_765 {strides = array<i32>} : memref<800x128xf32, #tpu.memory_space<vmem>>, vector<16xf32>,
        %parallel_loop3A_769 = arith.constant 400 : i32
        %parallel_loop3A_770 = arith.muli %and3A_76, %parallel_loop3A_769 : i32
        %parallel_loop3A_771 = arith.constant 16 : i32
        %parallel_loop3A_772 = arith.muli %parallel_loop3A_133, %parallel_loop3A_771 : i32
        %parallel_loop3A_773 = arith.addi %parallel_loop3A_770, %parallel_loop3A_772 : i32
        %parallel_loop3A_774 = arith.constant 5 : i32
        %parallel_loop3A_775 = arith.addi %parallel_loop3A_773, %parallel_loop3A_774 : i32
        %parallel_loop3A_776 = arith.index_cast %parallel_loop3A_775 : i32 to index
        %parallel_loop3A_777 = arith.constant 16 : index
        %parallel_loop3A_778 = tpu.vector_load %arg8[%parallel_loop3A_776, %parallel_loop3A_777] {strides = array<i32>} : memref<800x128xf32, #tpu.memory_space<vmem>>, vector<16xf32>,
        %parallel_loop3A_779 = vector.broadcast %parallel_loop3A_753 : f32 to vector<16xf32>
        %parallel_loop3A_780 = arith.mulf %parallel_loop3A_778, %parallel_loop3A_779 : vector<16xf32>
        %parallel_loop3A_781 = arith.index_cast %parallel_loop3A_775 : i32 to index
        %parallel_loop3A_782 = arith.constant 16 : index
        %parallel_loop3A_783 = tpu.vector_load %arg8[%parallel_loop3A_781, %parallel_loop3A_782] {strides = array<i32>} : memref<800x128xf32, #tpu.memory_space<vmem>>, vector<16xf32>,
        tpu.vector_store %arg8[%parallel_loop3A_781, %parallel_loop3A_782], %parallel_loop3A_780 {strides = array<i32>} : memref<800x128xf32, #tpu.memory_space<vmem>>, vector<16xf32>,
        %parallel_loop3A_784 = arith.constant 400 : i32
        %parallel_loop3A_785 = arith.muli %and3A_76, %parallel_loop3A_784 : i32
        %parallel_loop3A_786 = arith.constant 16 : i32
        %parallel_loop3A_787 = arith.muli %parallel_loop3A_133, %parallel_loop3A_786 : i32
        %parallel_loop3A_788 = arith.addi %parallel_loop3A_785, %parallel_loop3A_787 : i32
        %parallel_loop3A_789 = arith.constant 5 : i32
        %parallel_loop3A_790 = arith.addi %parallel_loop3A_788, %parallel_loop3A_789 : i32
        %parallel_loop3A_791 = arith.index_cast %parallel_loop3A_790 : i32 to index
        %parallel_loop3A_792 = arith.constant 32 : index
        %parallel_loop3A_793 = tpu.vector_load %arg8[%parallel_loop3A_791, %parallel_loop3A_792] {strides = array<i32>} : memref<800x128xf32, #tpu.memory_space<vmem>>, vector<16xf32>,
        %parallel_loop3A_794 = vector.broadcast %parallel_loop3A_753 : f32 to vector<16xf32>
        %parallel_loop3A_795 = arith.mulf %parallel_loop3A_793, %parallel_loop3A_794 : vector<16xf32>
        %parallel_loop3A_796 = arith.index_cast %parallel_loop3A_790 : i32 to index
        %parallel_loop3A_797 = arith.constant 32 : index
        %parallel_loop3A_798 = tpu.vector_load %arg8[%parallel_loop3A_796, %parallel_loop3A_797] {strides = array<i32>} : memref<800x128xf32, #tpu.memory_space<vmem>>, vector<16xf32>,
        tpu.vector_store %arg8[%parallel_loop3A_796, %parallel_loop3A_797], %parallel_loop3A_795 {strides = array<i32>} : memref<800x128xf32, #tpu.memory_space<vmem>>, vector<16xf32>,
        %parallel_loop3A_799 = arith.constant 400 : i32
        %parallel_loop3A_800 = arith.muli %and3A_76, %parallel_loop3A_799 : i32
        %parallel_loop3A_801 = arith.constant 16 : i32
        %parallel_loop3A_802 = arith.muli %parallel_loop3A_133, %parallel_loop3A_801 : i32
        %parallel_loop3A_803 = arith.addi %parallel_loop3A_800, %parallel_loop3A_802 : i32
        %parallel_loop3A_804 = arith.constant 5 : i32
        %parallel_loop3A_805 = arith.addi %parallel_loop3A_803, %parallel_loop3A_804 : i32
        %parallel_loop3A_806 = arith.index_cast %parallel_loop3A_805 : i32 to index
        %parallel_loop3A_807 = arith.constant 48 : index
        %parallel_loop3A_808 = tpu.vector_load %arg8[%parallel_loop3A_806, %parallel_loop3A_807] {strides = array<i32>} : memref<800x128xf32, #tpu.memory_space<vmem>>, vector<16xf32>,
        %parallel_loop3A_809 = vector.broadcast %parallel_loop3A_753 : f32 to vector<16xf32>
        %parallel_loop3A_810 = arith.mulf %parallel_loop3A_808, %parallel_loop3A_809 : vector<16xf32>
        %parallel_loop3A_811 = arith.index_cast %parallel_loop3A_805 : i32 to index
        %parallel_loop3A_812 = arith.constant 48 : index
        %parallel_loop3A_813 = tpu.vector_load %arg8[%parallel_loop3A_811, %parallel_loop3A_812] {strides = array<i32>} : memref<800x128xf32, #tpu.memory_space<vmem>>, vector<16xf32>,
        tpu.vector_store %arg8[%parallel_loop3A_811, %parallel_loop3A_812], %parallel_loop3A_810 {strides = array<i32>} : memref<800x128xf32, #tpu.memory_space<vmem>>, vector<16xf32>,
        %parallel_loop3A_814 = arith.constant 400 : i32
        %parallel_loop3A_815 = arith.muli %and3A_76, %parallel_loop3A_814 : i32
        %parallel_loop3A_816 = arith.constant 16 : i32
        %parallel_loop3A_817 = arith.muli %parallel_loop3A_133, %parallel_loop3A_816 : i32
        %parallel_loop3A_818 = arith.addi %parallel_loop3A_815, %parallel_loop3A_817 : i32
        %parallel_loop3A_819 = arith.constant 5 : i32
        %parallel_loop3A_820 = arith.addi %parallel_loop3A_818, %parallel_loop3A_819 : i32
        %parallel_loop3A_821 = arith.index_cast %parallel_loop3A_820 : i32 to index
        %parallel_loop3A_822 = arith.constant 64 : index
        %parallel_loop3A_823 = tpu.vector_load %arg8[%parallel_loop3A_821, %parallel_loop3A_822] {strides = array<i32>} : memref<800x128xf32, #tpu.memory_space<vmem>>, vector<16xf32>,
        %parallel_loop3A_824 = vector.broadcast %parallel_loop3A_753 : f32 to vector<16xf32>
        %parallel_loop3A_825 = arith.mulf %parallel_loop3A_823, %parallel_loop3A_824 : vector<16xf32>
        %parallel_loop3A_826 = arith.index_cast %parallel_loop3A_820 : i32 to index
        %parallel_loop3A_827 = arith.constant 64 : index
        %parallel_loop3A_828 = tpu.vector_load %arg8[%parallel_loop3A_826, %parallel_loop3A_827] {strides = array<i32>} : memref<800x128xf32, #tpu.memory_space<vmem>>, vector<16xf32>,
        tpu.vector_store %arg8[%parallel_loop3A_826, %parallel_loop3A_827], %parallel_loop3A_825 {strides = array<i32>} : memref<800x128xf32, #tpu.memory_space<vmem>>, vector<16xf32>,
        %parallel_loop3A_829 = arith.constant 400 : i32
        %parallel_loop3A_830 = arith.muli %and3A_76, %parallel_loop3A_829 : i32
        %parallel_loop3A_831 = arith.constant 16 : i32
        %parallel_loop3A_832 = arith.muli %parallel_loop3A_133, %parallel_loop3A_831 : i32
        %parallel_loop3A_833 = arith.addi %parallel_loop3A_830, %parallel_loop3A_832 : i32
        %parallel_loop3A_834 = arith.constant 5 : i32
        %parallel_loop3A_835 = arith.addi %parallel_loop3A_833, %parallel_loop3A_834 : i32
        %parallel_loop3A_836 = arith.index_cast %parallel_loop3A_835 : i32 to index
        %parallel_loop3A_837 = arith.constant 80 : index
        %parallel_loop3A_838 = tpu.vector_load %arg8[%parallel_loop3A_836, %parallel_loop3A_837] {strides = array<i32>} : memref<800x128xf32, #tpu.memory_space<vmem>>, vector<16xf32>,
        %parallel_loop3A_839 = vector.broadcast %parallel_loop3A_753 : f32 to vector<16xf32>
        %parallel_loop3A_840 = arith.mulf %parallel_loop3A_838, %parallel_loop3A_839 : vector<16xf32>
        %parallel_loop3A_841 = arith.index_cast %parallel_loop3A_835 : i32 to index
        %parallel_loop3A_842 = arith.constant 80 : index
        %parallel_loop3A_843 = tpu.vector_load %arg8[%parallel_loop3A_841, %parallel_loop3A_842] {strides = array<i32>} : memref<800x128xf32, #tpu.memory_space<vmem>>, vector<16xf32>,
        tpu.vector_store %arg8[%parallel_loop3A_841, %parallel_loop3A_842], %parallel_loop3A_840 {strides = array<i32>} : memref<800x128xf32, #tpu.memory_space<vmem>>, vector<16xf32>,
        %parallel_loop3A_844 = arith.constant 400 : i32
        %parallel_loop3A_845 = arith.muli %and3A_76, %parallel_loop3A_844 : i32
        %parallel_loop3A_846 = arith.constant 16 : i32
        %parallel_loop3A_847 = arith.muli %parallel_loop3A_133, %parallel_loop3A_846 : i32
        %parallel_loop3A_848 = arith.addi %parallel_loop3A_845, %parallel_loop3A_847 : i32
        %parallel_loop3A_849 = arith.constant 5 : i32
        %parallel_loop3A_850 = arith.addi %parallel_loop3A_848, %parallel_loop3A_849 : i32
        %parallel_loop3A_851 = arith.index_cast %parallel_loop3A_850 : i32 to index
        %parallel_loop3A_852 = arith.constant 96 : index
        %parallel_loop3A_853 = tpu.vector_load %arg8[%parallel_loop3A_851, %parallel_loop3A_852] {strides = array<i32>} : memref<800x128xf32, #tpu.memory_space<vmem>>, vector<16xf32>,
        %parallel_loop3A_854 = vector.broadcast %parallel_loop3A_753 : f32 to vector<16xf32>
        %parallel_loop3A_855 = arith.mulf %parallel_loop3A_853, %parallel_loop3A_854 : vector<16xf32>
        %parallel_loop3A_856 = arith.index_cast %parallel_loop3A_850 : i32 to index
        %parallel_loop3A_857 = arith.constant 96 : index
        %parallel_loop3A_858 = tpu.vector_load %arg8[%parallel_loop3A_856, %parallel_loop3A_857] {strides = array<i32>} : memref<800x128xf32, #tpu.memory_space<vmem>>, vector<16xf32>,
        tpu.vector_store %arg8[%parallel_loop3A_856, %parallel_loop3A_857], %parallel_loop3A_855 {strides = array<i32>} : memref<800x128xf32, #tpu.memory_space<vmem>>, vector<16xf32>,
        %parallel_loop3A_859 = arith.constant 400 : i32
        %parallel_loop3A_860 = arith.muli %and3A_76, %parallel_loop3A_859 : i32
        %parallel_loop3A_861 = arith.constant 16 : i32
        %parallel_loop3A_862 = arith.muli %parallel_loop3A_133, %parallel_loop3A_861 : i32
        %parallel_loop3A_863 = arith.addi %parallel_loop3A_860, %parallel_loop3A_862 : i32
        %parallel_loop3A_864 = arith.constant 5 : i32
        %parallel_loop3A_865 = arith.addi %parallel_loop3A_863, %parallel_loop3A_864 : i32
        %parallel_loop3A_866 = arith.index_cast %parallel_loop3A_865 : i32 to index
        %parallel_loop3A_867 = arith.constant 112 : index
        %parallel_loop3A_868 = tpu.vector_load %arg8[%parallel_loop3A_866, %parallel_loop3A_867] {strides = array<i32>} : memref<800x128xf32, #tpu.memory_space<vmem>>, vector<16xf32>,
        %parallel_loop3A_869 = vector.broadcast %parallel_loop3A_753 : f32 to vector<16xf32>
        %parallel_loop3A_870 = arith.mulf %parallel_loop3A_868, %parallel_loop3A_869 : vector<16xf32>
        %parallel_loop3A_871 = arith.index_cast %parallel_loop3A_865 : i32 to index
        %parallel_loop3A_872 = arith.constant 112 : index
        %parallel_loop3A_873 = tpu.vector_load %arg8[%parallel_loop3A_871, %parallel_loop3A_872] {strides = array<i32>} : memref<800x128xf32, #tpu.memory_space<vmem>>, vector<16xf32>,
        tpu.vector_store %arg8[%parallel_loop3A_871, %parallel_loop3A_872], %parallel_loop3A_870 {strides = array<i32>} : memref<800x128xf32, #tpu.memory_space<vmem>>, vector<16xf32>,
        %parallel_loop3A_874 = vector.extract_strided_slice %parallel_loop3A_141 {offsets = [6], sizes = [1], strides = [1]} : vector<16xf32> to vector<1xf32>
        %parallel_loop3A_875 = vector.extract %parallel_loop3A_874[0] : f32 from vector<1xf32>
        %parallel_loop3A_876 = arith.constant 400 : i32
        %parallel_loop3A_877 = arith.muli %and3A_76, %parallel_loop3A_876 : i32
        %parallel_loop3A_878 = arith.constant 16 : i32
        %parallel_loop3A_879 = arith.muli %parallel_loop3A_133, %parallel_loop3A_878 : i32
        %parallel_loop3A_880 = arith.addi %parallel_loop3A_877, %parallel_loop3A_879 : i32
        %parallel_loop3A_881 = arith.constant 6 : i32
        %parallel_loop3A_882 = arith.addi %parallel_loop3A_880, %parallel_loop3A_881 : i32
        %parallel_loop3A_883 = arith.index_cast %parallel_loop3A_882 : i32 to index
        %parallel_loop3A_884 = arith.constant 0 : index
        %parallel_loop3A_885 = tpu.vector_load %arg8[%parallel_loop3A_883, %parallel_loop3A_884] {strides = array<i32>} : memref<800x128xf32, #tpu.memory_space<vmem>>, vector<16xf32>,
        %parallel_loop3A_886 = vector.broadcast %parallel_loop3A_875 : f32 to vector<16xf32>
        %parallel_loop3A_887 = arith.mulf %parallel_loop3A_885, %parallel_loop3A_886 : vector<16xf32>
        %parallel_loop3A_888 = arith.index_cast %parallel_loop3A_882 : i32 to index
        %parallel_loop3A_889 = arith.constant 0 : index
        %parallel_loop3A_890 = tpu.vector_load %arg8[%parallel_loop3A_888, %parallel_loop3A_889] {strides = array<i32>} : memref<800x128xf32, #tpu.memory_space<vmem>>, vector<16xf32>,
        tpu.vector_store %arg8[%parallel_loop3A_888, %parallel_loop3A_889], %parallel_loop3A_887 {strides = array<i32>} : memref<800x128xf32, #tpu.memory_space<vmem>>, vector<16xf32>,
        %parallel_loop3A_891 = arith.constant 400 : i32
        %parallel_loop3A_892 = arith.muli %and3A_76, %parallel_loop3A_891 : i32
        %parallel_loop3A_893 = arith.constant 16 : i32
        %parallel_loop3A_894 = arith.muli %parallel_loop3A_133, %parallel_loop3A_893 : i32
        %parallel_loop3A_895 = arith.addi %parallel_loop3A_892, %parallel_loop3A_894 : i32
        %parallel_loop3A_896 = arith.constant 6 : i32
        %parallel_loop3A_897 = arith.addi %parallel_loop3A_895, %parallel_loop3A_896 : i32
        %parallel_loop3A_898 = arith.index_cast %parallel_loop3A_897 : i32 to index
        %parallel_loop3A_899 = arith.constant 16 : index
        %parallel_loop3A_900 = tpu.vector_load %arg8[%parallel_loop3A_898, %parallel_loop3A_899] {strides = array<i32>} : memref<800x128xf32, #tpu.memory_space<vmem>>, vector<16xf32>,
        %parallel_loop3A_901 = vector.broadcast %parallel_loop3A_875 : f32 to vector<16xf32>
        %parallel_loop3A_902 = arith.mulf %parallel_loop3A_900, %parallel_loop3A_901 : vector<16xf32>
        %parallel_loop3A_903 = arith.index_cast %parallel_loop3A_897 : i32 to index
        %parallel_loop3A_904 = arith.constant 16 : index
        %parallel_loop3A_905 = tpu.vector_load %arg8[%parallel_loop3A_903, %parallel_loop3A_904] {strides = array<i32>} : memref<800x128xf32, #tpu.memory_space<vmem>>, vector<16xf32>,
        tpu.vector_store %arg8[%parallel_loop3A_903, %parallel_loop3A_904], %parallel_loop3A_902 {strides = array<i32>} : memref<800x128xf32, #tpu.memory_space<vmem>>, vector<16xf32>,
        %parallel_loop3A_906 = arith.constant 400 : i32
        %parallel_loop3A_907 = arith.muli %and3A_76, %parallel_loop3A_906 : i32
        %parallel_loop3A_908 = arith.constant 16 : i32
        %parallel_loop3A_909 = arith.muli %parallel_loop3A_133, %parallel_loop3A_908 : i32
        %parallel_loop3A_910 = arith.addi %parallel_loop3A_907, %parallel_loop3A_909 : i32
        %parallel_loop3A_911 = arith.constant 6 : i32
        %parallel_loop3A_912 = arith.addi %parallel_loop3A_910, %parallel_loop3A_911 : i32
        %parallel_loop3A_913 = arith.index_cast %parallel_loop3A_912 : i32 to index
        %parallel_loop3A_914 = arith.constant 32 : index
        %parallel_loop3A_915 = tpu.vector_load %arg8[%parallel_loop3A_913, %parallel_loop3A_914] {strides = array<i32>} : memref<800x128xf32, #tpu.memory_space<vmem>>, vector<16xf32>,
        %parallel_loop3A_916 = vector.broadcast %parallel_loop3A_875 : f32 to vector<16xf32>
        %parallel_loop3A_917 = arith.mulf %parallel_loop3A_915, %parallel_loop3A_916 : vector<16xf32>
        %parallel_loop3A_918 = arith.index_cast %parallel_loop3A_912 : i32 to index
        %parallel_loop3A_919 = arith.constant 32 : index
        %parallel_loop3A_920 = tpu.vector_load %arg8[%parallel_loop3A_918, %parallel_loop3A_919] {strides = array<i32>} : memref<800x128xf32, #tpu.memory_space<vmem>>, vector<16xf32>,
        tpu.vector_store %arg8[%parallel_loop3A_918, %parallel_loop3A_919], %parallel_loop3A_917 {strides = array<i32>} : memref<800x128xf32, #tpu.memory_space<vmem>>, vector<16xf32>,
        %parallel_loop3A_921 = arith.constant 400 : i32
        %parallel_loop3A_922 = arith.muli %and3A_76, %parallel_loop3A_921 : i32
        %parallel_loop3A_923 = arith.constant 16 : i32
        %parallel_loop3A_924 = arith.muli %parallel_loop3A_133, %parallel_loop3A_923 : i32
        %parallel_loop3A_925 = arith.addi %parallel_loop3A_922, %parallel_loop3A_924 : i32
        %parallel_loop3A_926 = arith.constant 6 : i32
        %parallel_loop3A_927 = arith.addi %parallel_loop3A_925, %parallel_loop3A_926 : i32
        %parallel_loop3A_928 = arith.index_cast %parallel_loop3A_927 : i32 to index
        %parallel_loop3A_929 = arith.constant 48 : index
        %parallel_loop3A_930 = tpu.vector_load %arg8[%parallel_loop3A_928, %parallel_loop3A_929] {strides = array<i32>} : memref<800x128xf32, #tpu.memory_space<vmem>>, vector<16xf32>,
        %parallel_loop3A_931 = vector.broadcast %parallel_loop3A_875 : f32 to vector<16xf32>
        %parallel_loop3A_932 = arith.mulf %parallel_loop3A_930, %parallel_loop3A_931 : vector<16xf32>
        %parallel_loop3A_933 = arith.index_cast %parallel_loop3A_927 : i32 to index
        %parallel_loop3A_934 = arith.constant 48 : index
        %parallel_loop3A_935 = tpu.vector_load %arg8[%parallel_loop3A_933, %parallel_loop3A_934] {strides = array<i32>} : memref<800x128xf32, #tpu.memory_space<vmem>>, vector<16xf32>,
        tpu.vector_store %arg8[%parallel_loop3A_933, %parallel_loop3A_934], %parallel_loop3A_932 {strides = array<i32>} : memref<800x128xf32, #tpu.memory_space<vmem>>, vector<16xf32>,
        %parallel_loop3A_936 = arith.constant 400 : i32
        %parallel_loop3A_937 = arith.muli %and3A_76, %parallel_loop3A_936 : i32
        %parallel_loop3A_938 = arith.constant 16 : i32
        %parallel_loop3A_939 = arith.muli %parallel_loop3A_133, %parallel_loop3A_938 : i32
        %parallel_loop3A_940 = arith.addi %parallel_loop3A_937, %parallel_loop3A_939 : i32
        %parallel_loop3A_941 = arith.constant 6 : i32
        %parallel_loop3A_942 = arith.addi %parallel_loop3A_940, %parallel_loop3A_941 : i32
        %parallel_loop3A_943 = arith.index_cast %parallel_loop3A_942 : i32 to index
        %parallel_loop3A_944 = arith.constant 64 : index
        %parallel_loop3A_945 = tpu.vector_load %arg8[%parallel_loop3A_943, %parallel_loop3A_944] {strides = array<i32>} : memref<800x128xf32, #tpu.memory_space<vmem>>, vector<16xf32>,
        %parallel_loop3A_946 = vector.broadcast %parallel_loop3A_875 : f32 to vector<16xf32>
        %parallel_loop3A_947 = arith.mulf %parallel_loop3A_945, %parallel_loop3A_946 : vector<16xf32>
        %parallel_loop3A_948 = arith.index_cast %parallel_loop3A_942 : i32 to index
        %parallel_loop3A_949 = arith.constant 64 : index
        %parallel_loop3A_950 = tpu.vector_load %arg8[%parallel_loop3A_948, %parallel_loop3A_949] {strides = array<i32>} : memref<800x128xf32, #tpu.memory_space<vmem>>, vector<16xf32>,
        tpu.vector_store %arg8[%parallel_loop3A_948, %parallel_loop3A_949], %parallel_loop3A_947 {strides = array<i32>} : memref<800x128xf32, #tpu.memory_space<vmem>>, vector<16xf32>,
        %parallel_loop3A_951 = arith.constant 400 : i32
        %parallel_loop3A_952 = arith.muli %and3A_76, %parallel_loop3A_951 : i32
        %parallel_loop3A_953 = arith.constant 16 : i32
        %parallel_loop3A_954 = arith.muli %parallel_loop3A_133, %parallel_loop3A_953 : i32
        %parallel_loop3A_955 = arith.addi %parallel_loop3A_952, %parallel_loop3A_954 : i32
        %parallel_loop3A_956 = arith.constant 6 : i32
        %parallel_loop3A_957 = arith.addi %parallel_loop3A_955, %parallel_loop3A_956 : i32
        %parallel_loop3A_958 = arith.index_cast %parallel_loop3A_957 : i32 to index
        %parallel_loop3A_959 = arith.constant 80 : index
        %parallel_loop3A_960 = tpu.vector_load %arg8[%parallel_loop3A_958, %parallel_loop3A_959] {strides = array<i32>} : memref<800x128xf32, #tpu.memory_space<vmem>>, vector<16xf32>,
        %parallel_loop3A_961 = vector.broadcast %parallel_loop3A_875 : f32 to vector<16xf32>
        %parallel_loop3A_962 = arith.mulf %parallel_loop3A_960, %parallel_loop3A_961 : vector<16xf32>
        %parallel_loop3A_963 = arith.index_cast %parallel_loop3A_957 : i32 to index
        %parallel_loop3A_964 = arith.constant 80 : index
        %parallel_loop3A_965 = tpu.vector_load %arg8[%parallel_loop3A_963, %parallel_loop3A_964] {strides = array<i32>} : memref<800x128xf32, #tpu.memory_space<vmem>>, vector<16xf32>,
        tpu.vector_store %arg8[%parallel_loop3A_963, %parallel_loop3A_964], %parallel_loop3A_962 {strides = array<i32>} : memref<800x128xf32, #tpu.memory_space<vmem>>, vector<16xf32>,
        %parallel_loop3A_966 = arith.constant 400 : i32
        %parallel_loop3A_967 = arith.muli %and3A_76, %parallel_loop3A_966 : i32
        %parallel_loop3A_968 = arith.constant 16 : i32
        %parallel_loop3A_969 = arith.muli %parallel_loop3A_133, %parallel_loop3A_968 : i32
        %parallel_loop3A_970 = arith.addi %parallel_loop3A_967, %parallel_loop3A_969 : i32
        %parallel_loop3A_971 = arith.constant 6 : i32
        %parallel_loop3A_972 = arith.addi %parallel_loop3A_970, %parallel_loop3A_971 : i32
        %parallel_loop3A_973 = arith.index_cast %parallel_loop3A_972 : i32 to index
        %parallel_loop3A_974 = arith.constant 96 : index
        %parallel_loop3A_975 = tpu.vector_load %arg8[%parallel_loop3A_973, %parallel_loop3A_974] {strides = array<i32>} : memref<800x128xf32, #tpu.memory_space<vmem>>, vector<16xf32>,
        %parallel_loop3A_976 = vector.broadcast %parallel_loop3A_875 : f32 to vector<16xf32>
        %parallel_loop3A_977 = arith.mulf %parallel_loop3A_975, %parallel_loop3A_976 : vector<16xf32>
        %parallel_loop3A_978 = arith.index_cast %parallel_loop3A_972 : i32 to index
        %parallel_loop3A_979 = arith.constant 96 : index
        %parallel_loop3A_980 = tpu.vector_load %arg8[%parallel_loop3A_978, %parallel_loop3A_979] {strides = array<i32>} : memref<800x128xf32, #tpu.memory_space<vmem>>, vector<16xf32>,
        tpu.vector_store %arg8[%parallel_loop3A_978, %parallel_loop3A_979], %parallel_loop3A_977 {strides = array<i32>} : memref<800x128xf32, #tpu.memory_space<vmem>>, vector<16xf32>,
        %parallel_loop3A_981 = arith.constant 400 : i32
        %parallel_loop3A_982 = arith.muli %and3A_76, %parallel_loop3A_981 : i32
        %parallel_loop3A_983 = arith.constant 16 : i32
        %parallel_loop3A_984 = arith.muli %parallel_loop3A_133, %parallel_loop3A_983 : i32
        %parallel_loop3A_985 = arith.addi %parallel_loop3A_982, %parallel_loop3A_984 : i32
        %parallel_loop3A_986 = arith.constant 6 : i32
        %parallel_loop3A_987 = arith.addi %parallel_loop3A_985, %parallel_loop3A_986 : i32
        %parallel_loop3A_988 = arith.index_cast %parallel_loop3A_987 : i32 to index
        %parallel_loop3A_989 = arith.constant 112 : index
        %parallel_loop3A_990 = tpu.vector_load %arg8[%parallel_loop3A_988, %parallel_loop3A_989] {strides = array<i32>} : memref<800x128xf32, #tpu.memory_space<vmem>>, vector<16xf32>,
        %parallel_loop3A_991 = vector.broadcast %parallel_loop3A_875 : f32 to vector<16xf32>
        %parallel_loop3A_992 = arith.mulf %parallel_loop3A_990, %parallel_loop3A_991 : vector<16xf32>
        %parallel_loop3A_993 = arith.index_cast %parallel_loop3A_987 : i32 to index
        %parallel_loop3A_994 = arith.constant 112 : index
        %parallel_loop3A_995 = tpu.vector_load %arg8[%parallel_loop3A_993, %parallel_loop3A_994] {strides = array<i32>} : memref<800x128xf32, #tpu.memory_space<vmem>>, vector<16xf32>,
        tpu.vector_store %arg8[%parallel_loop3A_993, %parallel_loop3A_994], %parallel_loop3A_992 {strides = array<i32>} : memref<800x128xf32, #tpu.memory_space<vmem>>, vector<16xf32>,
        %parallel_loop3A_996 = vector.extract_strided_slice %parallel_loop3A_141 {offsets = [7], sizes = [1], strides = [1]} : vector<16xf32> to vector<1xf32>
        %parallel_loop3A_997 = vector.extract %parallel_loop3A_996[0] : f32 from vector<1xf32>
        %parallel_loop3A_998 = arith.constant 400 : i32
        %parallel_loop3A_999 = arith.muli %and3A_76, %parallel_loop3A_998 : i32
        %parallel_loop3A_1000 = arith.constant 16 : i32
        %parallel_loop3A_1001 = arith.muli %parallel_loop3A_133, %parallel_loop3A_1000 : i32
        %parallel_loop3A_1002 = arith.addi %parallel_loop3A_999, %parallel_loop3A_1001 : i32
        %parallel_loop3A_1003 = arith.constant 7 : i32
        %parallel_loop3A_1004 = arith.addi %parallel_loop3A_1002, %parallel_loop3A_1003 : i32
        %parallel_loop3A_1005 = arith.index_cast %parallel_loop3A_1004 : i32 to index
        %parallel_loop3A_1006 = arith.constant 0 : index
        %parallel_loop3A_1007 = tpu.vector_load %arg8[%parallel_loop3A_1005, %parallel_loop3A_1006] {strides = array<i32>} : memref<800x128xf32, #tpu.memory_space<vmem>>, vector<16xf32>,
        %parallel_loop3A_1008 = vector.broadcast %parallel_loop3A_997 : f32 to vector<16xf32>
        %parallel_loop3A_1009 = arith.mulf %parallel_loop3A_1007, %parallel_loop3A_1008 : vector<16xf32>
        %parallel_loop3A_1010 = arith.index_cast %parallel_loop3A_1004 : i32 to index
        %parallel_loop3A_1011 = arith.constant 0 : index
        %parallel_loop3A_1012 = tpu.vector_load %arg8[%parallel_loop3A_1010, %parallel_loop3A_1011] {strides = array<i32>} : memref<800x128xf32, #tpu.memory_space<vmem>>, vector<16xf32>,
        tpu.vector_store %arg8[%parallel_loop3A_1010, %parallel_loop3A_1011], %parallel_loop3A_1009 {strides = array<i32>} : memref<800x128xf32, #tpu.memory_space<vmem>>, vector<16xf32>,
        %parallel_loop3A_1013 = arith.constant 400 : i32
        %parallel_loop3A_1014 = arith.muli %and3A_76, %parallel_loop3A_1013 : i32
        %parallel_loop3A_1015 = arith.constant 16 : i32
        %parallel_loop3A_1016 = arith.muli %parallel_loop3A_133, %parallel_loop3A_1015 : i32
        %parallel_loop3A_1017 = arith.addi %parallel_loop3A_1014, %parallel_loop3A_1016 : i32
        %parallel_loop3A_1018 = arith.constant 7 : i32
        %parallel_loop3A_1019 = arith.addi %parallel_loop3A_1017, %parallel_loop3A_1018 : i32
        %parallel_loop3A_1020 = arith.index_cast %parallel_loop3A_1019 : i32 to index
        %parallel_loop3A_1021 = arith.constant 16 : index
        %parallel_loop3A_1022 = tpu.vector_load %arg8[%parallel_loop3A_1020, %parallel_loop3A_1021] {strides = array<i32>} : memref<800x128xf32, #tpu.memory_space<vmem>>, vector<16xf32>,
        %parallel_loop3A_1023 = vector.broadcast %parallel_loop3A_997 : f32 to vector<16xf32>
        %parallel_loop3A_1024 = arith.mulf %parallel_loop3A_1022, %parallel_loop3A_1023 : vector<16xf32>
        %parallel_loop3A_1025 = arith.index_cast %parallel_loop3A_1019 : i32 to index
        %parallel_loop3A_1026 = arith.constant 16 : index
        %parallel_loop3A_1027 = tpu.vector_load %arg8[%parallel_loop3A_1025, %parallel_loop3A_1026] {strides = array<i32>} : memref<800x128xf32, #tpu.memory_space<vmem>>, vector<16xf32>,
        tpu.vector_store %arg8[%parallel_loop3A_1025, %parallel_loop3A_1026], %parallel_loop3A_1024 {strides = array<i32>} : memref<800x128xf32, #tpu.memory_space<vmem>>, vector<16xf32>,
        %parallel_loop3A_1028 = arith.constant 400 : i32
        %parallel_loop3A_1029 = arith.muli %and3A_76, %parallel_loop3A_1028 : i32
        %parallel_loop3A_1030 = arith.constant 16 : i32
        %parallel_loop3A_1031 = arith.muli %parallel_loop3A_133, %parallel_loop3A_1030 : i32
        %parallel_loop3A_1032 = arith.addi %parallel_loop3A_1029, %parallel_loop3A_1031 : i32
        %parallel_loop3A_1033 = arith.constant 7 : i32
        %parallel_loop3A_1034 = arith.addi %parallel_loop3A_1032, %parallel_loop3A_1033 : i32
        %parallel_loop3A_1035 = arith.index_cast %parallel_loop3A_1034 : i32 to index
        %parallel_loop3A_1036 = arith.constant 32 : index
        %parallel_loop3A_1037 = tpu.vector_load %arg8[%parallel_loop3A_1035, %parallel_loop3A_1036] {strides = array<i32>} : memref<800x128xf32, #tpu.memory_space<vmem>>, vector<16xf32>,
        %parallel_loop3A_1038 = vector.broadcast %parallel_loop3A_997 : f32 to vector<16xf32>
        %parallel_loop3A_1039 = arith.mulf %parallel_loop3A_1037, %parallel_loop3A_1038 : vector<16xf32>
        %parallel_loop3A_1040 = arith.index_cast %parallel_loop3A_1034 : i32 to index
        %parallel_loop3A_1041 = arith.constant 32 : index
        %parallel_loop3A_1042 = tpu.vector_load %arg8[%parallel_loop3A_1040, %parallel_loop3A_1041] {strides = array<i32>} : memref<800x128xf32, #tpu.memory_space<vmem>>, vector<16xf32>,
        tpu.vector_store %arg8[%parallel_loop3A_1040, %parallel_loop3A_1041], %parallel_loop3A_1039 {strides = array<i32>} : memref<800x128xf32, #tpu.memory_space<vmem>>, vector<16xf32>,
        %parallel_loop3A_1043 = arith.constant 400 : i32
        %parallel_loop3A_1044 = arith.muli %and3A_76, %parallel_loop3A_1043 : i32
        %parallel_loop3A_1045 = arith.constant 16 : i32
        %parallel_loop3A_1046 = arith.muli %parallel_loop3A_133, %parallel_loop3A_1045 : i32
        %parallel_loop3A_1047 = arith.addi %parallel_loop3A_1044, %parallel_loop3A_1046 : i32
        %parallel_loop3A_1048 = arith.constant 7 : i32
        %parallel_loop3A_1049 = arith.addi %parallel_loop3A_1047, %parallel_loop3A_1048 : i32
        %parallel_loop3A_1050 = arith.index_cast %parallel_loop3A_1049 : i32 to index
        %parallel_loop3A_1051 = arith.constant 48 : index
        %parallel_loop3A_1052 = tpu.vector_load %arg8[%parallel_loop3A_1050, %parallel_loop3A_1051] {strides = array<i32>} : memref<800x128xf32, #tpu.memory_space<vmem>>, vector<16xf32>,
        %parallel_loop3A_1053 = vector.broadcast %parallel_loop3A_997 : f32 to vector<16xf32>
        %parallel_loop3A_1054 = arith.mulf %parallel_loop3A_1052, %parallel_loop3A_1053 : vector<16xf32>
        %parallel_loop3A_1055 = arith.index_cast %parallel_loop3A_1049 : i32 to index
        %parallel_loop3A_1056 = arith.constant 48 : index
        %parallel_loop3A_1057 = tpu.vector_load %arg8[%parallel_loop3A_1055, %parallel_loop3A_1056] {strides = array<i32>} : memref<800x128xf32, #tpu.memory_space<vmem>>, vector<16xf32>,
        tpu.vector_store %arg8[%parallel_loop3A_1055, %parallel_loop3A_1056], %parallel_loop3A_1054 {strides = array<i32>} : memref<800x128xf32, #tpu.memory_space<vmem>>, vector<16xf32>,
        %parallel_loop3A_1058 = arith.constant 400 : i32
        %parallel_loop3A_1059 = arith.muli %and3A_76, %parallel_loop3A_1058 : i32
        %parallel_loop3A_1060 = arith.constant 16 : i32
        %parallel_loop3A_1061 = arith.muli %parallel_loop3A_133, %parallel_loop3A_1060 : i32
        %parallel_loop3A_1062 = arith.addi %parallel_loop3A_1059, %parallel_loop3A_1061 : i32
        %parallel_loop3A_1063 = arith.constant 7 : i32
        %parallel_loop3A_1064 = arith.addi %parallel_loop3A_1062, %parallel_loop3A_1063 : i32
        %parallel_loop3A_1065 = arith.index_cast %parallel_loop3A_1064 : i32 to index
        %parallel_loop3A_1066 = arith.constant 64 : index
        %parallel_loop3A_1067 = tpu.vector_load %arg8[%parallel_loop3A_1065, %parallel_loop3A_1066] {strides = array<i32>} : memref<800x128xf32, #tpu.memory_space<vmem>>, vector<16xf32>,
        %parallel_loop3A_1068 = vector.broadcast %parallel_loop3A_997 : f32 to vector<16xf32>
        %parallel_loop3A_1069 = arith.mulf %parallel_loop3A_1067, %parallel_loop3A_1068 : vector<16xf32>
        %parallel_loop3A_1070 = arith.index_cast %parallel_loop3A_1064 : i32 to index
        %parallel_loop3A_1071 = arith.constant 64 : index
        %parallel_loop3A_1072 = tpu.vector_load %arg8[%parallel_loop3A_1070, %parallel_loop3A_1071] {strides = array<i32>} : memref<800x128xf32, #tpu.memory_space<vmem>>, vector<16xf32>,
        tpu.vector_store %arg8[%parallel_loop3A_1070, %parallel_loop3A_1071], %parallel_loop3A_1069 {strides = array<i32>} : memref<800x128xf32, #tpu.memory_space<vmem>>, vector<16xf32>,
        %parallel_loop3A_1073 = arith.constant 400 : i32
        %parallel_loop3A_1074 = arith.muli %and3A_76, %parallel_loop3A_1073 : i32
        %parallel_loop3A_1075 = arith.constant 16 : i32
        %parallel_loop3A_1076 = arith.muli %parallel_loop3A_133, %parallel_loop3A_1075 : i32
        %parallel_loop3A_1077 = arith.addi %parallel_loop3A_1074, %parallel_loop3A_1076 : i32
        %parallel_loop3A_1078 = arith.constant 7 : i32
        %parallel_loop3A_1079 = arith.addi %parallel_loop3A_1077, %parallel_loop3A_1078 : i32
        %parallel_loop3A_1080 = arith.index_cast %parallel_loop3A_1079 : i32 to index
        %parallel_loop3A_1081 = arith.constant 80 : index
        %parallel_loop3A_1082 = tpu.vector_load %arg8[%parallel_loop3A_1080, %parallel_loop3A_1081] {strides = array<i32>} : memref<800x128xf32, #tpu.memory_space<vmem>>, vector<16xf32>,
        %parallel_loop3A_1083 = vector.broadcast %parallel_loop3A_997 : f32 to vector<16xf32>
        %parallel_loop3A_1084 = arith.mulf %parallel_loop3A_1082, %parallel_loop3A_1083 : vector<16xf32>
        %parallel_loop3A_1085 = arith.index_cast %parallel_loop3A_1079 : i32 to index
        %parallel_loop3A_1086 = arith.constant 80 : index
        %parallel_loop3A_1087 = tpu.vector_load %arg8[%parallel_loop3A_1085, %parallel_loop3A_1086] {strides = array<i32>} : memref<800x128xf32, #tpu.memory_space<vmem>>, vector<16xf32>,
        tpu.vector_store %arg8[%parallel_loop3A_1085, %parallel_loop3A_1086], %parallel_loop3A_1084 {strides = array<i32>} : memref<800x128xf32, #tpu.memory_space<vmem>>, vector<16xf32>,
        %parallel_loop3A_1088 = arith.constant 400 : i32
        %parallel_loop3A_1089 = arith.muli %and3A_76, %parallel_loop3A_1088 : i32
        %parallel_loop3A_1090 = arith.constant 16 : i32
        %parallel_loop3A_1091 = arith.muli %parallel_loop3A_133, %parallel_loop3A_1090 : i32
        %parallel_loop3A_1092 = arith.addi %parallel_loop3A_1089, %parallel_loop3A_1091 : i32
        %parallel_loop3A_1093 = arith.constant 7 : i32
        %parallel_loop3A_1094 = arith.addi %parallel_loop3A_1092, %parallel_loop3A_1093 : i32
        %parallel_loop3A_1095 = arith.index_cast %parallel_loop3A_1094 : i32 to index
        %parallel_loop3A_1096 = arith.constant 96 : index
        %parallel_loop3A_1097 = tpu.vector_load %arg8[%parallel_loop3A_1095, %parallel_loop3A_1096] {strides = array<i32>} : memref<800x128xf32, #tpu.memory_space<vmem>>, vector<16xf32>,
        %parallel_loop3A_1098 = vector.broadcast %parallel_loop3A_997 : f32 to vector<16xf32>
        %parallel_loop3A_1099 = arith.mulf %parallel_loop3A_1097, %parallel_loop3A_1098 : vector<16xf32>
        %parallel_loop3A_1100 = arith.index_cast %parallel_loop3A_1094 : i32 to index
        %parallel_loop3A_1101 = arith.constant 96 : index
        %parallel_loop3A_1102 = tpu.vector_load %arg8[%parallel_loop3A_1100, %parallel_loop3A_1101] {strides = array<i32>} : memref<800x128xf32, #tpu.memory_space<vmem>>, vector<16xf32>,
        tpu.vector_store %arg8[%parallel_loop3A_1100, %parallel_loop3A_1101], %parallel_loop3A_1099 {strides = array<i32>} : memref<800x128xf32, #tpu.memory_space<vmem>>, vector<16xf32>,
        %parallel_loop3A_1103 = arith.constant 400 : i32
        %parallel_loop3A_1104 = arith.muli %and3A_76, %parallel_loop3A_1103 : i32
        %parallel_loop3A_1105 = arith.constant 16 : i32
        %parallel_loop3A_1106 = arith.muli %parallel_loop3A_133, %parallel_loop3A_1105 : i32
        %parallel_loop3A_1107 = arith.addi %parallel_loop3A_1104, %parallel_loop3A_1106 : i32
        %parallel_loop3A_1108 = arith.constant 7 : i32
        %parallel_loop3A_1109 = arith.addi %parallel_loop3A_1107, %parallel_loop3A_1108 : i32
        %parallel_loop3A_1110 = arith.index_cast %parallel_loop3A_1109 : i32 to index
        %parallel_loop3A_1111 = arith.constant 112 : index
        %parallel_loop3A_1112 = tpu.vector_load %arg8[%parallel_loop3A_1110, %parallel_loop3A_1111] {strides = array<i32>} : memref<800x128xf32, #tpu.memory_space<vmem>>, vector<16xf32>,
        %parallel_loop3A_1113 = vector.broadcast %parallel_loop3A_997 : f32 to vector<16xf32>
        %parallel_loop3A_1114 = arith.mulf %parallel_loop3A_1112, %parallel_loop3A_1113 : vector<16xf32>
        %parallel_loop3A_1115 = arith.index_cast %parallel_loop3A_1109 : i32 to index
        %parallel_loop3A_1116 = arith.constant 112 : index
        %parallel_loop3A_1117 = tpu.vector_load %arg8[%parallel_loop3A_1115, %parallel_loop3A_1116] {strides = array<i32>} : memref<800x128xf32, #tpu.memory_space<vmem>>, vector<16xf32>,
        tpu.vector_store %arg8[%parallel_loop3A_1115, %parallel_loop3A_1116], %parallel_loop3A_1114 {strides = array<i32>} : memref<800x128xf32, #tpu.memory_space<vmem>>, vector<16xf32>,
        %parallel_loop3A_1118 = vector.extract_strided_slice %parallel_loop3A_141 {offsets = [8], sizes = [1], strides = [1]} : vector<16xf32> to vector<1xf32>
        %parallel_loop3A_1119 = vector.extract %parallel_loop3A_1118[0] : f32 from vector<1xf32>
        %parallel_loop3A_1120 = arith.constant 400 : i32
        %parallel_loop3A_1121 = arith.muli %and3A_76, %parallel_loop3A_1120 : i32
        %parallel_loop3A_1122 = arith.constant 16 : i32
        %parallel_loop3A_1123 = arith.muli %parallel_loop3A_133, %parallel_loop3A_1122 : i32
        %parallel_loop3A_1124 = arith.addi %parallel_loop3A_1121, %parallel_loop3A_1123 : i32
        %parallel_loop3A_1125 = arith.constant 8 : i32
        %parallel_loop3A_1126 = arith.addi %parallel_loop3A_1124, %parallel_loop3A_1125 : i32
        %parallel_loop3A_1127 = arith.index_cast %parallel_loop3A_1126 : i32 to index
        %parallel_loop3A_1128 = arith.constant 0 : index
        %parallel_loop3A_1129 = tpu.vector_load %arg8[%parallel_loop3A_1127, %parallel_loop3A_1128] {strides = array<i32>} : memref<800x128xf32, #tpu.memory_space<vmem>>, vector<16xf32>,
        %parallel_loop3A_1130 = vector.broadcast %parallel_loop3A_1119 : f32 to vector<16xf32>
        %parallel_loop3A_1131 = arith.mulf %parallel_loop3A_1129, %parallel_loop3A_1130 : vector<16xf32>
        %parallel_loop3A_1132 = arith.index_cast %parallel_loop3A_1126 : i32 to index
        %parallel_loop3A_1133 = arith.constant 0 : index
        %parallel_loop3A_1134 = tpu.vector_load %arg8[%parallel_loop3A_1132, %parallel_loop3A_1133] {strides = array<i32>} : memref<800x128xf32, #tpu.memory_space<vmem>>, vector<16xf32>,
        tpu.vector_store %arg8[%parallel_loop3A_1132, %parallel_loop3A_1133], %parallel_loop3A_1131 {strides = array<i32>} : memref<800x128xf32, #tpu.memory_space<vmem>>, vector<16xf32>,
        %parallel_loop3A_1135 = arith.constant 400 : i32
        %parallel_loop3A_1136 = arith.muli %and3A_76, %parallel_loop3A_1135 : i32
        %parallel_loop3A_1137 = arith.constant 16 : i32
        %parallel_loop3A_1138 = arith.muli %parallel_loop3A_133, %parallel_loop3A_1137 : i32
        %parallel_loop3A_1139 = arith.addi %parallel_loop3A_1136, %parallel_loop3A_1138 : i32
        %parallel_loop3A_1140 = arith.constant 8 : i32
        %parallel_loop3A_1141 = arith.addi %parallel_loop3A_1139, %parallel_loop3A_1140 : i32
        %parallel_loop3A_1142 = arith.index_cast %parallel_loop3A_1141 : i32 to index
        %parallel_loop3A_1143 = arith.constant 16 : index
        %parallel_loop3A_1144 = tpu.vector_load %arg8[%parallel_loop3A_1142, %parallel_loop3A_1143] {strides = array<i32>} : memref<800x128xf32, #tpu.memory_space<vmem>>, vector<16xf32>,
        %parallel_loop3A_1145 = vector.broadcast %parallel_loop3A_1119 : f32 to vector<16xf32>
        %parallel_loop3A_1146 = arith.mulf %parallel_loop3A_1144, %parallel_loop3A_1145 : vector<16xf32>
        %parallel_loop3A_1147 = arith.index_cast %parallel_loop3A_1141 : i32 to index
        %parallel_loop3A_1148 = arith.constant 16 : index
        %parallel_loop3A_1149 = tpu.vector_load %arg8[%parallel_loop3A_1147, %parallel_loop3A_1148] {strides = array<i32>} : memref<800x128xf32, #tpu.memory_space<vmem>>, vector<16xf32>,
        tpu.vector_store %arg8[%parallel_loop3A_1147, %parallel_loop3A_1148], %parallel_loop3A_1146 {strides = array<i32>} : memref<800x128xf32, #tpu.memory_space<vmem>>, vector<16xf32>,
        %parallel_loop3A_1150 = arith.constant 400 : i32
        %parallel_loop3A_1151 = arith.muli %and3A_76, %parallel_loop3A_1150 : i32
        %parallel_loop3A_1152 = arith.constant 16 : i32
        %parallel_loop3A_1153 = arith.muli %parallel_loop3A_133, %parallel_loop3A_1152 : i32
        %parallel_loop3A_1154 = arith.addi %parallel_loop3A_1151, %parallel_loop3A_1153 : i32
        %parallel_loop3A_1155 = arith.constant 8 : i32
        %parallel_loop3A_1156 = arith.addi %parallel_loop3A_1154, %parallel_loop3A_1155 : i32
        %parallel_loop3A_1157 = arith.index_cast %parallel_loop3A_1156 : i32 to index
        %parallel_loop3A_1158 = arith.constant 32 : index
        %parallel_loop3A_1159 = tpu.vector_load %arg8[%parallel_loop3A_1157, %parallel_loop3A_1158] {strides = array<i32>} : memref<800x128xf32, #tpu.memory_space<vmem>>, vector<16xf32>,
        %parallel_loop3A_1160 = vector.broadcast %parallel_loop3A_1119 : f32 to vector<16xf32>
        %parallel_loop3A_1161 = arith.mulf %parallel_loop3A_1159, %parallel_loop3A_1160 : vector<16xf32>
        %parallel_loop3A_1162 = arith.index_cast %parallel_loop3A_1156 : i32 to index
        %parallel_loop3A_1163 = arith.constant 32 : index
        %parallel_loop3A_1164 = tpu.vector_load %arg8[%parallel_loop3A_1162, %parallel_loop3A_1163] {strides = array<i32>} : memref<800x128xf32, #tpu.memory_space<vmem>>, vector<16xf32>,
        tpu.vector_store %arg8[%parallel_loop3A_1162, %parallel_loop3A_1163], %parallel_loop3A_1161 {strides = array<i32>} : memref<800x128xf32, #tpu.memory_space<vmem>>, vector<16xf32>,
        %parallel_loop3A_1165 = arith.constant 400 : i32
        %parallel_loop3A_1166 = arith.muli %and3A_76, %parallel_loop3A_1165 : i32
        %parallel_loop3A_1167 = arith.constant 16 : i32
        %parallel_loop3A_1168 = arith.muli %parallel_loop3A_133, %parallel_loop3A_1167 : i32
        %parallel_loop3A_1169 = arith.addi %parallel_loop3A_1166, %parallel_loop3A_1168 : i32
        %parallel_loop3A_1170 = arith.constant 8 : i32
        %parallel_loop3A_1171 = arith.addi %parallel_loop3A_1169, %parallel_loop3A_1170 : i32
        %parallel_loop3A_1172 = arith.index_cast %parallel_loop3A_1171 : i32 to index
        %parallel_loop3A_1173 = arith.constant 48 : index
        %parallel_loop3A_1174 = tpu.vector_load %arg8[%parallel_loop3A_1172, %parallel_loop3A_1173] {strides = array<i32>} : memref<800x128xf32, #tpu.memory_space<vmem>>, vector<16xf32>,
        %parallel_loop3A_1175 = vector.broadcast %parallel_loop3A_1119 : f32 to vector<16xf32>
        %parallel_loop3A_1176 = arith.mulf %parallel_loop3A_1174, %parallel_loop3A_1175 : vector<16xf32>
        %parallel_loop3A_1177 = arith.index_cast %parallel_loop3A_1171 : i32 to index
        %parallel_loop3A_1178 = arith.constant 48 : index
        %parallel_loop3A_1179 = tpu.vector_load %arg8[%parallel_loop3A_1177, %parallel_loop3A_1178] {strides = array<i32>} : memref<800x128xf32, #tpu.memory_space<vmem>>, vector<16xf32>,
        tpu.vector_store %arg8[%parallel_loop3A_1177, %parallel_loop3A_1178], %parallel_loop3A_1176 {strides = array<i32>} : memref<800x128xf32, #tpu.memory_space<vmem>>, vector<16xf32>,
        %parallel_loop3A_1180 = arith.constant 400 : i32
        %parallel_loop3A_1181 = arith.muli %and3A_76, %parallel_loop3A_1180 : i32
        %parallel_loop3A_1182 = arith.constant 16 : i32
        %parallel_loop3A_1183 = arith.muli %parallel_loop3A_133, %parallel_loop3A_1182 : i32
        %parallel_loop3A_1184 = arith.addi %parallel_loop3A_1181, %parallel_loop3A_1183 : i32
        %parallel_loop3A_1185 = arith.constant 8 : i32
        %parallel_loop3A_1186 = arith.addi %parallel_loop3A_1184, %parallel_loop3A_1185 : i32
        %parallel_loop3A_1187 = arith.index_cast %parallel_loop3A_1186 : i32 to index
        %parallel_loop3A_1188 = arith.constant 64 : index
        %parallel_loop3A_1189 = tpu.vector_load %arg8[%parallel_loop3A_1187, %parallel_loop3A_1188] {strides = array<i32>} : memref<800x128xf32, #tpu.memory_space<vmem>>, vector<16xf32>,
        %parallel_loop3A_1190 = vector.broadcast %parallel_loop3A_1119 : f32 to vector<16xf32>
        %parallel_loop3A_1191 = arith.mulf %parallel_loop3A_1189, %parallel_loop3A_1190 : vector<16xf32>
        %parallel_loop3A_1192 = arith.index_cast %parallel_loop3A_1186 : i32 to index
        %parallel_loop3A_1193 = arith.constant 64 : index
        %parallel_loop3A_1194 = tpu.vector_load %arg8[%parallel_loop3A_1192, %parallel_loop3A_1193] {strides = array<i32>} : memref<800x128xf32, #tpu.memory_space<vmem>>, vector<16xf32>,
        tpu.vector_store %arg8[%parallel_loop3A_1192, %parallel_loop3A_1193], %parallel_loop3A_1191 {strides = array<i32>} : memref<800x128xf32, #tpu.memory_space<vmem>>, vector<16xf32>,
        %parallel_loop3A_1195 = arith.constant 400 : i32
        %parallel_loop3A_1196 = arith.muli %and3A_76, %parallel_loop3A_1195 : i32
        %parallel_loop3A_1197 = arith.constant 16 : i32
        %parallel_loop3A_1198 = arith.muli %parallel_loop3A_133, %parallel_loop3A_1197 : i32
        %parallel_loop3A_1199 = arith.addi %parallel_loop3A_1196, %parallel_loop3A_1198 : i32
        %parallel_loop3A_1200 = arith.constant 8 : i32
        %parallel_loop3A_1201 = arith.addi %parallel_loop3A_1199, %parallel_loop3A_1200 : i32
        %parallel_loop3A_1202 = arith.index_cast %parallel_loop3A_1201 : i32 to index
        %parallel_loop3A_1203 = arith.constant 80 : index
        %parallel_loop3A_1204 = tpu.vector_load %arg8[%parallel_loop3A_1202, %parallel_loop3A_1203] {strides = array<i32>} : memref<800x128xf32, #tpu.memory_space<vmem>>, vector<16xf32>,
        %parallel_loop3A_1205 = vector.broadcast %parallel_loop3A_1119 : f32 to vector<16xf32>
        %parallel_loop3A_1206 = arith.mulf %parallel_loop3A_1204, %parallel_loop3A_1205 : vector<16xf32>
        %parallel_loop3A_1207 = arith.index_cast %parallel_loop3A_1201 : i32 to index
        %parallel_loop3A_1208 = arith.constant 80 : index
        %parallel_loop3A_1209 = tpu.vector_load %arg8[%parallel_loop3A_1207, %parallel_loop3A_1208] {strides = array<i32>} : memref<800x128xf32, #tpu.memory_space<vmem>>, vector<16xf32>,
        tpu.vector_store %arg8[%parallel_loop3A_1207, %parallel_loop3A_1208], %parallel_loop3A_1206 {strides = array<i32>} : memref<800x128xf32, #tpu.memory_space<vmem>>, vector<16xf32>,
        %parallel_loop3A_1210 = arith.constant 400 : i32
        %parallel_loop3A_1211 = arith.muli %and3A_76, %parallel_loop3A_1210 : i32
        %parallel_loop3A_1212 = arith.constant 16 : i32
        %parallel_loop3A_1213 = arith.muli %parallel_loop3A_133, %parallel_loop3A_1212 : i32
        %parallel_loop3A_1214 = arith.addi %parallel_loop3A_1211, %parallel_loop3A_1213 : i32
        %parallel_loop3A_1215 = arith.constant 8 : i32
        %parallel_loop3A_1216 = arith.addi %parallel_loop3A_1214, %parallel_loop3A_1215 : i32
        %parallel_loop3A_1217 = arith.index_cast %parallel_loop3A_1216 : i32 to index
        %parallel_loop3A_1218 = arith.constant 96 : index
        %parallel_loop3A_1219 = tpu.vector_load %arg8[%parallel_loop3A_1217, %parallel_loop3A_1218] {strides = array<i32>} : memref<800x128xf32, #tpu.memory_space<vmem>>, vector<16xf32>,
        %parallel_loop3A_1220 = vector.broadcast %parallel_loop3A_1119 : f32 to vector<16xf32>
        %parallel_loop3A_1221 = arith.mulf %parallel_loop3A_1219, %parallel_loop3A_1220 : vector<16xf32>
        %parallel_loop3A_1222 = arith.index_cast %parallel_loop3A_1216 : i32 to index
        %parallel_loop3A_1223 = arith.constant 96 : index
        %parallel_loop3A_1224 = tpu.vector_load %arg8[%parallel_loop3A_1222, %parallel_loop3A_1223] {strides = array<i32>} : memref<800x128xf32, #tpu.memory_space<vmem>>, vector<16xf32>,
        tpu.vector_store %arg8[%parallel_loop3A_1222, %parallel_loop3A_1223], %parallel_loop3A_1221 {strides = array<i32>} : memref<800x128xf32, #tpu.memory_space<vmem>>, vector<16xf32>,
        %parallel_loop3A_1225 = arith.constant 400 : i32
        %parallel_loop3A_1226 = arith.muli %and3A_76, %parallel_loop3A_1225 : i32
        %parallel_loop3A_1227 = arith.constant 16 : i32
        %parallel_loop3A_1228 = arith.muli %parallel_loop3A_133, %parallel_loop3A_1227 : i32
        %parallel_loop3A_1229 = arith.addi %parallel_loop3A_1226, %parallel_loop3A_1228 : i32
        %parallel_loop3A_1230 = arith.constant 8 : i32
        %parallel_loop3A_1231 = arith.addi %parallel_loop3A_1229, %parallel_loop3A_1230 : i32
        %parallel_loop3A_1232 = arith.index_cast %parallel_loop3A_1231 : i32 to index
        %parallel_loop3A_1233 = arith.constant 112 : index
        %parallel_loop3A_1234 = tpu.vector_load %arg8[%parallel_loop3A_1232, %parallel_loop3A_1233] {strides = array<i32>} : memref<800x128xf32, #tpu.memory_space<vmem>>, vector<16xf32>,
        %parallel_loop3A_1235 = vector.broadcast %parallel_loop3A_1119 : f32 to vector<16xf32>
        %parallel_loop3A_1236 = arith.mulf %parallel_loop3A_1234, %parallel_loop3A_1235 : vector<16xf32>
        %parallel_loop3A_1237 = arith.index_cast %parallel_loop3A_1231 : i32 to index
        %parallel_loop3A_1238 = arith.constant 112 : index
        %parallel_loop3A_1239 = tpu.vector_load %arg8[%parallel_loop3A_1237, %parallel_loop3A_1238] {strides = array<i32>} : memref<800x128xf32, #tpu.memory_space<vmem>>, vector<16xf32>,
        tpu.vector_store %arg8[%parallel_loop3A_1237, %parallel_loop3A_1238], %parallel_loop3A_1236 {strides = array<i32>} : memref<800x128xf32, #tpu.memory_space<vmem>>, vector<16xf32>,
        %parallel_loop3A_1240 = vector.extract_strided_slice %parallel_loop3A_141 {offsets = [9], sizes = [1], strides = [1]} : vector<16xf32> to vector<1xf32>
        %parallel_loop3A_1241 = vector.extract %parallel_loop3A_1240[0] : f32 from vector<1xf32>
        %parallel_loop3A_1242 = arith.constant 400 : i32
        %parallel_loop3A_1243 = arith.muli %and3A_76, %parallel_loop3A_1242 : i32
        %parallel_loop3A_1244 = arith.constant 16 : i32
        %parallel_loop3A_1245 = arith.muli %parallel_loop3A_133, %parallel_loop3A_1244 : i32
        %parallel_loop3A_1246 = arith.addi %parallel_loop3A_1243, %parallel_loop3A_1245 : i32
        %parallel_loop3A_1247 = arith.constant 9 : i32
        %parallel_loop3A_1248 = arith.addi %parallel_loop3A_1246, %parallel_loop3A_1247 : i32
        %parallel_loop3A_1249 = arith.index_cast %parallel_loop3A_1248 : i32 to index
        %parallel_loop3A_1250 = arith.constant 0 : index
        %parallel_loop3A_1251 = tpu.vector_load %arg8[%parallel_loop3A_1249, %parallel_loop3A_1250] {strides = array<i32>} : memref<800x128xf32, #tpu.memory_space<vmem>>, vector<16xf32>,
        %parallel_loop3A_1252 = vector.broadcast %parallel_loop3A_1241 : f32 to vector<16xf32>
        %parallel_loop3A_1253 = arith.mulf %parallel_loop3A_1251, %parallel_loop3A_1252 : vector<16xf32>
        %parallel_loop3A_1254 = arith.index_cast %parallel_loop3A_1248 : i32 to index
        %parallel_loop3A_1255 = arith.constant 0 : index
        %parallel_loop3A_1256 = tpu.vector_load %arg8[%parallel_loop3A_1254, %parallel_loop3A_1255] {strides = array<i32>} : memref<800x128xf32, #tpu.memory_space<vmem>>, vector<16xf32>,
        tpu.vector_store %arg8[%parallel_loop3A_1254, %parallel_loop3A_1255], %parallel_loop3A_1253 {strides = array<i32>} : memref<800x128xf32, #tpu.memory_space<vmem>>, vector<16xf32>,
        %parallel_loop3A_1257 = arith.constant 400 : i32
        %parallel_loop3A_1258 = arith.muli %and3A_76, %parallel_loop3A_1257 : i32
        %parallel_loop3A_1259 = arith.constant 16 : i32
        %parallel_loop3A_1260 = arith.muli %parallel_loop3A_133, %parallel_loop3A_1259 : i32
        %parallel_loop3A_1261 = arith.addi %parallel_loop3A_1258, %parallel_loop3A_1260 : i32
        %parallel_loop3A_1262 = arith.constant 9 : i32
        %parallel_loop3A_1263 = arith.addi %parallel_loop3A_1261, %parallel_loop3A_1262 : i32
        %parallel_loop3A_1264 = arith.index_cast %parallel_loop3A_1263 : i32 to index
        %parallel_loop3A_1265 = arith.constant 16 : index
        %parallel_loop3A_1266 = tpu.vector_load %arg8[%parallel_loop3A_1264, %parallel_loop3A_1265] {strides = array<i32>} : memref<800x128xf32, #tpu.memory_space<vmem>>, vector<16xf32>,
        %parallel_loop3A_1267 = vector.broadcast %parallel_loop3A_1241 : f32 to vector<16xf32>
        %parallel_loop3A_1268 = arith.mulf %parallel_loop3A_1266, %parallel_loop3A_1267 : vector<16xf32>
        %parallel_loop3A_1269 = arith.index_cast %parallel_loop3A_1263 : i32 to index
        %parallel_loop3A_1270 = arith.constant 16 : index
        %parallel_loop3A_1271 = tpu.vector_load %arg8[%parallel_loop3A_1269, %parallel_loop3A_1270] {strides = array<i32>} : memref<800x128xf32, #tpu.memory_space<vmem>>, vector<16xf32>,
        tpu.vector_store %arg8[%parallel_loop3A_1269, %parallel_loop3A_1270], %parallel_loop3A_1268 {strides = array<i32>} : memref<800x128xf32, #tpu.memory_space<vmem>>, vector<16xf32>,
        %parallel_loop3A_1272 = arith.constant 400 : i32
        %parallel_loop3A_1273 = arith.muli %and3A_76, %parallel_loop3A_1272 : i32
        %parallel_loop3A_1274 = arith.constant 16 : i32
        %parallel_loop3A_1275 = arith.muli %parallel_loop3A_133, %parallel_loop3A_1274 : i32
        %parallel_loop3A_1276 = arith.addi %parallel_loop3A_1273, %parallel_loop3A_1275 : i32
        %parallel_loop3A_1277 = arith.constant 9 : i32
        %parallel_loop3A_1278 = arith.addi %parallel_loop3A_1276, %parallel_loop3A_1277 : i32
        %parallel_loop3A_1279 = arith.index_cast %parallel_loop3A_1278 : i32 to index
        %parallel_loop3A_1280 = arith.constant 32 : index
        %parallel_loop3A_1281 = tpu.vector_load %arg8[%parallel_loop3A_1279, %parallel_loop3A_1280] {strides = array<i32>} : memref<800x128xf32, #tpu.memory_space<vmem>>, vector<16xf32>,
        %parallel_loop3A_1282 = vector.broadcast %parallel_loop3A_1241 : f32 to vector<16xf32>
        %parallel_loop3A_1283 = arith.mulf %parallel_loop3A_1281, %parallel_loop3A_1282 : vector<16xf32>
        %parallel_loop3A_1284 = arith.index_cast %parallel_loop3A_1278 : i32 to index
        %parallel_loop3A_1285 = arith.constant 32 : index
        %parallel_loop3A_1286 = tpu.vector_load %arg8[%parallel_loop3A_1284, %parallel_loop3A_1285] {strides = array<i32>} : memref<800x128xf32, #tpu.memory_space<vmem>>, vector<16xf32>,
        tpu.vector_store %arg8[%parallel_loop3A_1284, %parallel_loop3A_1285], %parallel_loop3A_1283 {strides = array<i32>} : memref<800x128xf32, #tpu.memory_space<vmem>>, vector<16xf32>,
        %parallel_loop3A_1287 = arith.constant 400 : i32
        %parallel_loop3A_1288 = arith.muli %and3A_76, %parallel_loop3A_1287 : i32
        %parallel_loop3A_1289 = arith.constant 16 : i32
        %parallel_loop3A_1290 = arith.muli %parallel_loop3A_133, %parallel_loop3A_1289 : i32
        %parallel_loop3A_1291 = arith.addi %parallel_loop3A_1288, %parallel_loop3A_1290 : i32
        %parallel_loop3A_1292 = arith.constant 9 : i32
        %parallel_loop3A_1293 = arith.addi %parallel_loop3A_1291, %parallel_loop3A_1292 : i32
        %parallel_loop3A_1294 = arith.index_cast %parallel_loop3A_1293 : i32 to index
        %parallel_loop3A_1295 = arith.constant 48 : index
        %parallel_loop3A_1296 = tpu.vector_load %arg8[%parallel_loop3A_1294, %parallel_loop3A_1295] {strides = array<i32>} : memref<800x128xf32, #tpu.memory_space<vmem>>, vector<16xf32>,
        %parallel_loop3A_1297 = vector.broadcast %parallel_loop3A_1241 : f32 to vector<16xf32>
        %parallel_loop3A_1298 = arith.mulf %parallel_loop3A_1296, %parallel_loop3A_1297 : vector<16xf32>
        %parallel_loop3A_1299 = arith.index_cast %parallel_loop3A_1293 : i32 to index
        %parallel_loop3A_1300 = arith.constant 48 : index
        %parallel_loop3A_1301 = tpu.vector_load %arg8[%parallel_loop3A_1299, %parallel_loop3A_1300] {strides = array<i32>} : memref<800x128xf32, #tpu.memory_space<vmem>>, vector<16xf32>,
        tpu.vector_store %arg8[%parallel_loop3A_1299, %parallel_loop3A_1300], %parallel_loop3A_1298 {strides = array<i32>} : memref<800x128xf32, #tpu.memory_space<vmem>>, vector<16xf32>,
        %parallel_loop3A_1302 = arith.constant 400 : i32
        %parallel_loop3A_1303 = arith.muli %and3A_76, %parallel_loop3A_1302 : i32
        %parallel_loop3A_1304 = arith.constant 16 : i32
        %parallel_loop3A_1305 = arith.muli %parallel_loop3A_133, %parallel_loop3A_1304 : i32
        %parallel_loop3A_1306 = arith.addi %parallel_loop3A_1303, %parallel_loop3A_1305 : i32
        %parallel_loop3A_1307 = arith.constant 9 : i32
        %parallel_loop3A_1308 = arith.addi %parallel_loop3A_1306, %parallel_loop3A_1307 : i32
        %parallel_loop3A_1309 = arith.index_cast %parallel_loop3A_1308 : i32 to index
        %parallel_loop3A_1310 = arith.constant 64 : index
        %parallel_loop3A_1311 = tpu.vector_load %arg8[%parallel_loop3A_1309, %parallel_loop3A_1310] {strides = array<i32>} : memref<800x128xf32, #tpu.memory_space<vmem>>, vector<16xf32>,
        %parallel_loop3A_1312 = vector.broadcast %parallel_loop3A_1241 : f32 to vector<16xf32>
        %parallel_loop3A_1313 = arith.mulf %parallel_loop3A_1311, %parallel_loop3A_1312 : vector<16xf32>
        %parallel_loop3A_1314 = arith.index_cast %parallel_loop3A_1308 : i32 to index
        %parallel_loop3A_1315 = arith.constant 64 : index
        %parallel_loop3A_1316 = tpu.vector_load %arg8[%parallel_loop3A_1314, %parallel_loop3A_1315] {strides = array<i32>} : memref<800x128xf32, #tpu.memory_space<vmem>>, vector<16xf32>,
        tpu.vector_store %arg8[%parallel_loop3A_1314, %parallel_loop3A_1315], %parallel_loop3A_1313 {strides = array<i32>} : memref<800x128xf32, #tpu.memory_space<vmem>>, vector<16xf32>,
        %parallel_loop3A_1317 = arith.constant 400 : i32
        %parallel_loop3A_1318 = arith.muli %and3A_76, %parallel_loop3A_1317 : i32
        %parallel_loop3A_1319 = arith.constant 16 : i32
        %parallel_loop3A_1320 = arith.muli %parallel_loop3A_133, %parallel_loop3A_1319 : i32
        %parallel_loop3A_1321 = arith.addi %parallel_loop3A_1318, %parallel_loop3A_1320 : i32
        %parallel_loop3A_1322 = arith.constant 9 : i32
        %parallel_loop3A_1323 = arith.addi %parallel_loop3A_1321, %parallel_loop3A_1322 : i32
        %parallel_loop3A_1324 = arith.index_cast %parallel_loop3A_1323 : i32 to index
        %parallel_loop3A_1325 = arith.constant 80 : index
        %parallel_loop3A_1326 = tpu.vector_load %arg8[%parallel_loop3A_1324, %parallel_loop3A_1325] {strides = array<i32>} : memref<800x128xf32, #tpu.memory_space<vmem>>, vector<16xf32>,
        %parallel_loop3A_1327 = vector.broadcast %parallel_loop3A_1241 : f32 to vector<16xf32>
        %parallel_loop3A_1328 = arith.mulf %parallel_loop3A_1326, %parallel_loop3A_1327 : vector<16xf32>
        %parallel_loop3A_1329 = arith.index_cast %parallel_loop3A_1323 : i32 to index
        %parallel_loop3A_1330 = arith.constant 80 : index
        %parallel_loop3A_1331 = tpu.vector_load %arg8[%parallel_loop3A_1329, %parallel_loop3A_1330] {strides = array<i32>} : memref<800x128xf32, #tpu.memory_space<vmem>>, vector<16xf32>,
        tpu.vector_store %arg8[%parallel_loop3A_1329, %parallel_loop3A_1330], %parallel_loop3A_1328 {strides = array<i32>} : memref<800x128xf32, #tpu.memory_space<vmem>>, vector<16xf32>,
        %parallel_loop3A_1332 = arith.constant 400 : i32
        %parallel_loop3A_1333 = arith.muli %and3A_76, %parallel_loop3A_1332 : i32
        %parallel_loop3A_1334 = arith.constant 16 : i32
        %parallel_loop3A_1335 = arith.muli %parallel_loop3A_133, %parallel_loop3A_1334 : i32
        %parallel_loop3A_1336 = arith.addi %parallel_loop3A_1333, %parallel_loop3A_1335 : i32
        %parallel_loop3A_1337 = arith.constant 9 : i32
        %parallel_loop3A_1338 = arith.addi %parallel_loop3A_1336, %parallel_loop3A_1337 : i32
        %parallel_loop3A_1339 = arith.index_cast %parallel_loop3A_1338 : i32 to index
        %parallel_loop3A_1340 = arith.constant 96 : index
        %parallel_loop3A_1341 = tpu.vector_load %arg8[%parallel_loop3A_1339, %parallel_loop3A_1340] {strides = array<i32>} : memref<800x128xf32, #tpu.memory_space<vmem>>, vector<16xf32>,
        %parallel_loop3A_1342 = vector.broadcast %parallel_loop3A_1241 : f32 to vector<16xf32>
        %parallel_loop3A_1343 = arith.mulf %parallel_loop3A_1341, %parallel_loop3A_1342 : vector<16xf32>
        %parallel_loop3A_1344 = arith.index_cast %parallel_loop3A_1338 : i32 to index
        %parallel_loop3A_1345 = arith.constant 96 : index
        %parallel_loop3A_1346 = tpu.vector_load %arg8[%parallel_loop3A_1344, %parallel_loop3A_1345] {strides = array<i32>} : memref<800x128xf32, #tpu.memory_space<vmem>>, vector<16xf32>,
        tpu.vector_store %arg8[%parallel_loop3A_1344, %parallel_loop3A_1345], %parallel_loop3A_1343 {strides = array<i32>} : memref<800x128xf32, #tpu.memory_space<vmem>>, vector<16xf32>,
        %parallel_loop3A_1347 = arith.constant 400 : i32
        %parallel_loop3A_1348 = arith.muli %and3A_76, %parallel_loop3A_1347 : i32
        %parallel_loop3A_1349 = arith.constant 16 : i32
        %parallel_loop3A_1350 = arith.muli %parallel_loop3A_133, %parallel_loop3A_1349 : i32
        %parallel_loop3A_1351 = arith.addi %parallel_loop3A_1348, %parallel_loop3A_1350 : i32
        %parallel_loop3A_1352 = arith.constant 9 : i32
        %parallel_loop3A_1353 = arith.addi %parallel_loop3A_1351, %parallel_loop3A_1352 : i32
        %parallel_loop3A_1354 = arith.index_cast %parallel_loop3A_1353 : i32 to index
        %parallel_loop3A_1355 = arith.constant 112 : index
        %parallel_loop3A_1356 = tpu.vector_load %arg8[%parallel_loop3A_1354, %parallel_loop3A_1355] {strides = array<i32>} : memref<800x128xf32, #tpu.memory_space<vmem>>, vector<16xf32>,
        %parallel_loop3A_1357 = vector.broadcast %parallel_loop3A_1241 : f32 to vector<16xf32>
        %parallel_loop3A_1358 = arith.mulf %parallel_loop3A_1356, %parallel_loop3A_1357 : vector<16xf32>
        %parallel_loop3A_1359 = arith.index_cast %parallel_loop3A_1353 : i32 to index
        %parallel_loop3A_1360 = arith.constant 112 : index
        %parallel_loop3A_1361 = tpu.vector_load %arg8[%parallel_loop3A_1359, %parallel_loop3A_1360] {strides = array<i32>} : memref<800x128xf32, #tpu.memory_space<vmem>>, vector<16xf32>,
        tpu.vector_store %arg8[%parallel_loop3A_1359, %parallel_loop3A_1360], %parallel_loop3A_1358 {strides = array<i32>} : memref<800x128xf32, #tpu.memory_space<vmem>>, vector<16xf32>,
        %parallel_loop3A_1362 = vector.extract_strided_slice %parallel_loop3A_141 {offsets = [10], sizes = [1], strides = [1]} : vector<16xf32> to vector<1xf32>
        %parallel_loop3A_1363 = vector.extract %parallel_loop3A_1362[0] : f32 from vector<1xf32>
        %parallel_loop3A_1364 = arith.constant 400 : i32
        %parallel_loop3A_1365 = arith.muli %and3A_76, %parallel_loop3A_1364 : i32
        %parallel_loop3A_1366 = arith.constant 16 : i32
        %parallel_loop3A_1367 = arith.muli %parallel_loop3A_133, %parallel_loop3A_1366 : i32
        %parallel_loop3A_1368 = arith.addi %parallel_loop3A_1365, %parallel_loop3A_1367 : i32
        %parallel_loop3A_1369 = arith.constant 10 : i32
        %parallel_loop3A_1370 = arith.addi %parallel_loop3A_1368, %parallel_loop3A_1369 : i32
        %parallel_loop3A_1371 = arith.index_cast %parallel_loop3A_1370 : i32 to index
        %parallel_loop3A_1372 = arith.constant 0 : index
        %parallel_loop3A_1373 = tpu.vector_load %arg8[%parallel_loop3A_1371, %parallel_loop3A_1372] {strides = array<i32>} : memref<800x128xf32, #tpu.memory_space<vmem>>, vector<16xf32>,
        %parallel_loop3A_1374 = vector.broadcast %parallel_loop3A_1363 : f32 to vector<16xf32>
        %parallel_loop3A_1375 = arith.mulf %parallel_loop3A_1373, %parallel_loop3A_1374 : vector<16xf32>
        %parallel_loop3A_1376 = arith.index_cast %parallel_loop3A_1370 : i32 to index
        %parallel_loop3A_1377 = arith.constant 0 : index
        %parallel_loop3A_1378 = tpu.vector_load %arg8[%parallel_loop3A_1376, %parallel_loop3A_1377] {strides = array<i32>} : memref<800x128xf32, #tpu.memory_space<vmem>>, vector<16xf32>,
        tpu.vector_store %arg8[%parallel_loop3A_1376, %parallel_loop3A_1377], %parallel_loop3A_1375 {strides = array<i32>} : memref<800x128xf32, #tpu.memory_space<vmem>>, vector<16xf32>,
        %parallel_loop3A_1379 = arith.constant 400 : i32
        %parallel_loop3A_1380 = arith.muli %and3A_76, %parallel_loop3A_1379 : i32
        %parallel_loop3A_1381 = arith.constant 16 : i32
        %parallel_loop3A_1382 = arith.muli %parallel_loop3A_133, %parallel_loop3A_1381 : i32
        %parallel_loop3A_1383 = arith.addi %parallel_loop3A_1380, %parallel_loop3A_1382 : i32
        %parallel_loop3A_1384 = arith.constant 10 : i32
        %parallel_loop3A_1385 = arith.addi %parallel_loop3A_1383, %parallel_loop3A_1384 : i32
        %parallel_loop3A_1386 = arith.index_cast %parallel_loop3A_1385 : i32 to index
        %parallel_loop3A_1387 = arith.constant 16 : index
        %parallel_loop3A_1388 = tpu.vector_load %arg8[%parallel_loop3A_1386, %parallel_loop3A_1387] {strides = array<i32>} : memref<800x128xf32, #tpu.memory_space<vmem>>, vector<16xf32>,
        %parallel_loop3A_1389 = vector.broadcast %parallel_loop3A_1363 : f32 to vector<16xf32>
        %parallel_loop3A_1390 = arith.mulf %parallel_loop3A_1388, %parallel_loop3A_1389 : vector<16xf32>
        %parallel_loop3A_1391 = arith.index_cast %parallel_loop3A_1385 : i32 to index
        %parallel_loop3A_1392 = arith.constant 16 : index
        %parallel_loop3A_1393 = tpu.vector_load %arg8[%parallel_loop3A_1391, %parallel_loop3A_1392] {strides = array<i32>} : memref<800x128xf32, #tpu.memory_space<vmem>>, vector<16xf32>,
        tpu.vector_store %arg8[%parallel_loop3A_1391, %parallel_loop3A_1392], %parallel_loop3A_1390 {strides = array<i32>} : memref<800x128xf32, #tpu.memory_space<vmem>>, vector<16xf32>,
        %parallel_loop3A_1394 = arith.constant 400 : i32
        %parallel_loop3A_1395 = arith.muli %and3A_76, %parallel_loop3A_1394 : i32
        %parallel_loop3A_1396 = arith.constant 16 : i32
        %parallel_loop3A_1397 = arith.muli %parallel_loop3A_133, %parallel_loop3A_1396 : i32
        %parallel_loop3A_1398 = arith.addi %parallel_loop3A_1395, %parallel_loop3A_1397 : i32
        %parallel_loop3A_1399 = arith.constant 10 : i32
        %parallel_loop3A_1400 = arith.addi %parallel_loop3A_1398, %parallel_loop3A_1399 : i32
        %parallel_loop3A_1401 = arith.index_cast %parallel_loop3A_1400 : i32 to index
        %parallel_loop3A_1402 = arith.constant 32 : index
        %parallel_loop3A_1403 = tpu.vector_load %arg8[%parallel_loop3A_1401, %parallel_loop3A_1402] {strides = array<i32>} : memref<800x128xf32, #tpu.memory_space<vmem>>, vector<16xf32>,
        %parallel_loop3A_1404 = vector.broadcast %parallel_loop3A_1363 : f32 to vector<16xf32>
        %parallel_loop3A_1405 = arith.mulf %parallel_loop3A_1403, %parallel_loop3A_1404 : vector<16xf32>
        %parallel_loop3A_1406 = arith.index_cast %parallel_loop3A_1400 : i32 to index
        %parallel_loop3A_1407 = arith.constant 32 : index
        %parallel_loop3A_1408 = tpu.vector_load %arg8[%parallel_loop3A_1406, %parallel_loop3A_1407] {strides = array<i32>} : memref<800x128xf32, #tpu.memory_space<vmem>>, vector<16xf32>,
        tpu.vector_store %arg8[%parallel_loop3A_1406, %parallel_loop3A_1407], %parallel_loop3A_1405 {strides = array<i32>} : memref<800x128xf32, #tpu.memory_space<vmem>>, vector<16xf32>,
        %parallel_loop3A_1409 = arith.constant 400 : i32
        %parallel_loop3A_1410 = arith.muli %and3A_76, %parallel_loop3A_1409 : i32
        %parallel_loop3A_1411 = arith.constant 16 : i32
        %parallel_loop3A_1412 = arith.muli %parallel_loop3A_133, %parallel_loop3A_1411 : i32
        %parallel_loop3A_1413 = arith.addi %parallel_loop3A_1410, %parallel_loop3A_1412 : i32
        %parallel_loop3A_1414 = arith.constant 10 : i32
        %parallel_loop3A_1415 = arith.addi %parallel_loop3A_1413, %parallel_loop3A_1414 : i32
        %parallel_loop3A_1416 = arith.index_cast %parallel_loop3A_1415 : i32 to index
        %parallel_loop3A_1417 = arith.constant 48 : index
        %parallel_loop3A_1418 = tpu.vector_load %arg8[%parallel_loop3A_1416, %parallel_loop3A_1417] {strides = array<i32>} : memref<800x128xf32, #tpu.memory_space<vmem>>, vector<16xf32>,
        %parallel_loop3A_1419 = vector.broadcast %parallel_loop3A_1363 : f32 to vector<16xf32>
        %parallel_loop3A_1420 = arith.mulf %parallel_loop3A_1418, %parallel_loop3A_1419 : vector<16xf32>
        %parallel_loop3A_1421 = arith.index_cast %parallel_loop3A_1415 : i32 to index
        %parallel_loop3A_1422 = arith.constant 48 : index
        %parallel_loop3A_1423 = tpu.vector_load %arg8[%parallel_loop3A_1421, %parallel_loop3A_1422] {strides = array<i32>} : memref<800x128xf32, #tpu.memory_space<vmem>>, vector<16xf32>,
        tpu.vector_store %arg8[%parallel_loop3A_1421, %parallel_loop3A_1422], %parallel_loop3A_1420 {strides = array<i32>} : memref<800x128xf32, #tpu.memory_space<vmem>>, vector<16xf32>,
        %parallel_loop3A_1424 = arith.constant 400 : i32
        %parallel_loop3A_1425 = arith.muli %and3A_76, %parallel_loop3A_1424 : i32
        %parallel_loop3A_1426 = arith.constant 16 : i32
        %parallel_loop3A_1427 = arith.muli %parallel_loop3A_133, %parallel_loop3A_1426 : i32
        %parallel_loop3A_1428 = arith.addi %parallel_loop3A_1425, %parallel_loop3A_1427 : i32
        %parallel_loop3A_1429 = arith.constant 10 : i32
        %parallel_loop3A_1430 = arith.addi %parallel_loop3A_1428, %parallel_loop3A_1429 : i32
        %parallel_loop3A_1431 = arith.index_cast %parallel_loop3A_1430 : i32 to index
        %parallel_loop3A_1432 = arith.constant 64 : index
        %parallel_loop3A_1433 = tpu.vector_load %arg8[%parallel_loop3A_1431, %parallel_loop3A_1432] {strides = array<i32>} : memref<800x128xf32, #tpu.memory_space<vmem>>, vector<16xf32>,
        %parallel_loop3A_1434 = vector.broadcast %parallel_loop3A_1363 : f32 to vector<16xf32>
        %parallel_loop3A_1435 = arith.mulf %parallel_loop3A_1433, %parallel_loop3A_1434 : vector<16xf32>
        %parallel_loop3A_1436 = arith.index_cast %parallel_loop3A_1430 : i32 to index
        %parallel_loop3A_1437 = arith.constant 64 : index
        %parallel_loop3A_1438 = tpu.vector_load %arg8[%parallel_loop3A_1436, %parallel_loop3A_1437] {strides = array<i32>} : memref<800x128xf32, #tpu.memory_space<vmem>>, vector<16xf32>,
        tpu.vector_store %arg8[%parallel_loop3A_1436, %parallel_loop3A_1437], %parallel_loop3A_1435 {strides = array<i32>} : memref<800x128xf32, #tpu.memory_space<vmem>>, vector<16xf32>,
        %parallel_loop3A_1439 = arith.constant 400 : i32
        %parallel_loop3A_1440 = arith.muli %and3A_76, %parallel_loop3A_1439 : i32
        %parallel_loop3A_1441 = arith.constant 16 : i32
        %parallel_loop3A_1442 = arith.muli %parallel_loop3A_133, %parallel_loop3A_1441 : i32
        %parallel_loop3A_1443 = arith.addi %parallel_loop3A_1440, %parallel_loop3A_1442 : i32
        %parallel_loop3A_1444 = arith.constant 10 : i32
        %parallel_loop3A_1445 = arith.addi %parallel_loop3A_1443, %parallel_loop3A_1444 : i32
        %parallel_loop3A_1446 = arith.index_cast %parallel_loop3A_1445 : i32 to index
        %parallel_loop3A_1447 = arith.constant 80 : index
        %parallel_loop3A_1448 = tpu.vector_load %arg8[%parallel_loop3A_1446, %parallel_loop3A_1447] {strides = array<i32>} : memref<800x128xf32, #tpu.memory_space<vmem>>, vector<16xf32>,
        %parallel_loop3A_1449 = vector.broadcast %parallel_loop3A_1363 : f32 to vector<16xf32>
        %parallel_loop3A_1450 = arith.mulf %parallel_loop3A_1448, %parallel_loop3A_1449 : vector<16xf32>
        %parallel_loop3A_1451 = arith.index_cast %parallel_loop3A_1445 : i32 to index
        %parallel_loop3A_1452 = arith.constant 80 : index
        %parallel_loop3A_1453 = tpu.vector_load %arg8[%parallel_loop3A_1451, %parallel_loop3A_1452] {strides = array<i32>} : memref<800x128xf32, #tpu.memory_space<vmem>>, vector<16xf32>,
        tpu.vector_store %arg8[%parallel_loop3A_1451, %parallel_loop3A_1452], %parallel_loop3A_1450 {strides = array<i32>} : memref<800x128xf32, #tpu.memory_space<vmem>>, vector<16xf32>,
        %parallel_loop3A_1454 = arith.constant 400 : i32
        %parallel_loop3A_1455 = arith.muli %and3A_76, %parallel_loop3A_1454 : i32
        %parallel_loop3A_1456 = arith.constant 16 : i32
        %parallel_loop3A_1457 = arith.muli %parallel_loop3A_133, %parallel_loop3A_1456 : i32
        %parallel_loop3A_1458 = arith.addi %parallel_loop3A_1455, %parallel_loop3A_1457 : i32
        %parallel_loop3A_1459 = arith.constant 10 : i32
        %parallel_loop3A_1460 = arith.addi %parallel_loop3A_1458, %parallel_loop3A_1459 : i32
        %parallel_loop3A_1461 = arith.index_cast %parallel_loop3A_1460 : i32 to index
        %parallel_loop3A_1462 = arith.constant 96 : index
        %parallel_loop3A_1463 = tpu.vector_load %arg8[%parallel_loop3A_1461, %parallel_loop3A_1462] {strides = array<i32>} : memref<800x128xf32, #tpu.memory_space<vmem>>, vector<16xf32>,
        %parallel_loop3A_1464 = vector.broadcast %parallel_loop3A_1363 : f32 to vector<16xf32>
        %parallel_loop3A_1465 = arith.mulf %parallel_loop3A_1463, %parallel_loop3A_1464 : vector<16xf32>
        %parallel_loop3A_1466 = arith.index_cast %parallel_loop3A_1460 : i32 to index
        %parallel_loop3A_1467 = arith.constant 96 : index
        %parallel_loop3A_1468 = tpu.vector_load %arg8[%parallel_loop3A_1466, %parallel_loop3A_1467] {strides = array<i32>} : memref<800x128xf32, #tpu.memory_space<vmem>>, vector<16xf32>,
        tpu.vector_store %arg8[%parallel_loop3A_1466, %parallel_loop3A_1467], %parallel_loop3A_1465 {strides = array<i32>} : memref<800x128xf32, #tpu.memory_space<vmem>>, vector<16xf32>,
        %parallel_loop3A_1469 = arith.constant 400 : i32
        %parallel_loop3A_1470 = arith.muli %and3A_76, %parallel_loop3A_1469 : i32
        %parallel_loop3A_1471 = arith.constant 16 : i32
        %parallel_loop3A_1472 = arith.muli %parallel_loop3A_133, %parallel_loop3A_1471 : i32
        %parallel_loop3A_1473 = arith.addi %parallel_loop3A_1470, %parallel_loop3A_1472 : i32
        %parallel_loop3A_1474 = arith.constant 10 : i32
        %parallel_loop3A_1475 = arith.addi %parallel_loop3A_1473, %parallel_loop3A_1474 : i32
        %parallel_loop3A_1476 = arith.index_cast %parallel_loop3A_1475 : i32 to index
        %parallel_loop3A_1477 = arith.constant 112 : index
        %parallel_loop3A_1478 = tpu.vector_load %arg8[%parallel_loop3A_1476, %parallel_loop3A_1477] {strides = array<i32>} : memref<800x128xf32, #tpu.memory_space<vmem>>, vector<16xf32>,
        %parallel_loop3A_1479 = vector.broadcast %parallel_loop3A_1363 : f32 to vector<16xf32>
        %parallel_loop3A_1480 = arith.mulf %parallel_loop3A_1478, %parallel_loop3A_1479 : vector<16xf32>
        %parallel_loop3A_1481 = arith.index_cast %parallel_loop3A_1475 : i32 to index
        %parallel_loop3A_1482 = arith.constant 112 : index
        %parallel_loop3A_1483 = tpu.vector_load %arg8[%parallel_loop3A_1481, %parallel_loop3A_1482] {strides = array<i32>} : memref<800x128xf32, #tpu.memory_space<vmem>>, vector<16xf32>,
        tpu.vector_store %arg8[%parallel_loop3A_1481, %parallel_loop3A_1482], %parallel_loop3A_1480 {strides = array<i32>} : memref<800x128xf32, #tpu.memory_space<vmem>>, vector<16xf32>,
        %parallel_loop3A_1484 = vector.extract_strided_slice %parallel_loop3A_141 {offsets = [11], sizes = [1], strides = [1]} : vector<16xf32> to vector<1xf32>
        %parallel_loop3A_1485 = vector.extract %parallel_loop3A_1484[0] : f32 from vector<1xf32>
        %parallel_loop3A_1486 = arith.constant 400 : i32
        %parallel_loop3A_1487 = arith.muli %and3A_76, %parallel_loop3A_1486 : i32
        %parallel_loop3A_1488 = arith.constant 16 : i32
        %parallel_loop3A_1489 = arith.muli %parallel_loop3A_133, %parallel_loop3A_1488 : i32
        %parallel_loop3A_1490 = arith.addi %parallel_loop3A_1487, %parallel_loop3A_1489 : i32
        %parallel_loop3A_1491 = arith.constant 11 : i32
        %parallel_loop3A_1492 = arith.addi %parallel_loop3A_1490, %parallel_loop3A_1491 : i32
        %parallel_loop3A_1493 = arith.index_cast %parallel_loop3A_1492 : i32 to index
        %parallel_loop3A_1494 = arith.constant 0 : index
        %parallel_loop3A_1495 = tpu.vector_load %arg8[%parallel_loop3A_1493, %parallel_loop3A_1494] {strides = array<i32>} : memref<800x128xf32, #tpu.memory_space<vmem>>, vector<16xf32>,
        %parallel_loop3A_1496 = vector.broadcast %parallel_loop3A_1485 : f32 to vector<16xf32>
        %parallel_loop3A_1497 = arith.mulf %parallel_loop3A_1495, %parallel_loop3A_1496 : vector<16xf32>
        %parallel_loop3A_1498 = arith.index_cast %parallel_loop3A_1492 : i32 to index
        %parallel_loop3A_1499 = arith.constant 0 : index
        %parallel_loop3A_1500 = tpu.vector_load %arg8[%parallel_loop3A_1498, %parallel_loop3A_1499] {strides = array<i32>} : memref<800x128xf32, #tpu.memory_space<vmem>>, vector<16xf32>,
        tpu.vector_store %arg8[%parallel_loop3A_1498, %parallel_loop3A_1499], %parallel_loop3A_1497 {strides = array<i32>} : memref<800x128xf32, #tpu.memory_space<vmem>>, vector<16xf32>,
        %parallel_loop3A_1501 = arith.constant 400 : i32
        %parallel_loop3A_1502 = arith.muli %and3A_76, %parallel_loop3A_1501 : i32
        %parallel_loop3A_1503 = arith.constant 16 : i32
        %parallel_loop3A_1504 = arith.muli %parallel_loop3A_133, %parallel_loop3A_1503 : i32
        %parallel_loop3A_1505 = arith.addi %parallel_loop3A_1502, %parallel_loop3A_1504 : i32
        %parallel_loop3A_1506 = arith.constant 11 : i32
        %parallel_loop3A_1507 = arith.addi %parallel_loop3A_1505, %parallel_loop3A_1506 : i32
        %parallel_loop3A_1508 = arith.index_cast %parallel_loop3A_1507 : i32 to index
        %parallel_loop3A_1509 = arith.constant 16 : index
        %parallel_loop3A_1510 = tpu.vector_load %arg8[%parallel_loop3A_1508, %parallel_loop3A_1509] {strides = array<i32>} : memref<800x128xf32, #tpu.memory_space<vmem>>, vector<16xf32>,
        %parallel_loop3A_1511 = vector.broadcast %parallel_loop3A_1485 : f32 to vector<16xf32>
        %parallel_loop3A_1512 = arith.mulf %parallel_loop3A_1510, %parallel_loop3A_1511 : vector<16xf32>
        %parallel_loop3A_1513 = arith.index_cast %parallel_loop3A_1507 : i32 to index
        %parallel_loop3A_1514 = arith.constant 16 : index
        %parallel_loop3A_1515 = tpu.vector_load %arg8[%parallel_loop3A_1513, %parallel_loop3A_1514] {strides = array<i32>} : memref<800x128xf32, #tpu.memory_space<vmem>>, vector<16xf32>,
        tpu.vector_store %arg8[%parallel_loop3A_1513, %parallel_loop3A_1514], %parallel_loop3A_1512 {strides = array<i32>} : memref<800x128xf32, #tpu.memory_space<vmem>>, vector<16xf32>,
        %parallel_loop3A_1516 = arith.constant 400 : i32
        %parallel_loop3A_1517 = arith.muli %and3A_76, %parallel_loop3A_1516 : i32
        %parallel_loop3A_1518 = arith.constant 16 : i32
        %parallel_loop3A_1519 = arith.muli %parallel_loop3A_133, %parallel_loop3A_1518 : i32
        %parallel_loop3A_1520 = arith.addi %parallel_loop3A_1517, %parallel_loop3A_1519 : i32
        %parallel_loop3A_1521 = arith.constant 11 : i32
        %parallel_loop3A_1522 = arith.addi %parallel_loop3A_1520, %parallel_loop3A_1521 : i32
        %parallel_loop3A_1523 = arith.index_cast %parallel_loop3A_1522 : i32 to index
        %parallel_loop3A_1524 = arith.constant 32 : index
        %parallel_loop3A_1525 = tpu.vector_load %arg8[%parallel_loop3A_1523, %parallel_loop3A_1524] {strides = array<i32>} : memref<800x128xf32, #tpu.memory_space<vmem>>, vector<16xf32>,
        %parallel_loop3A_1526 = vector.broadcast %parallel_loop3A_1485 : f32 to vector<16xf32>
        %parallel_loop3A_1527 = arith.mulf %parallel_loop3A_1525, %parallel_loop3A_1526 : vector<16xf32>
        %parallel_loop3A_1528 = arith.index_cast %parallel_loop3A_1522 : i32 to index
        %parallel_loop3A_1529 = arith.constant 32 : index
        %parallel_loop3A_1530 = tpu.vector_load %arg8[%parallel_loop3A_1528, %parallel_loop3A_1529] {strides = array<i32>} : memref<800x128xf32, #tpu.memory_space<vmem>>, vector<16xf32>,
        tpu.vector_store %arg8[%parallel_loop3A_1528, %parallel_loop3A_1529], %parallel_loop3A_1527 {strides = array<i32>} : memref<800x128xf32, #tpu.memory_space<vmem>>, vector<16xf32>,
        %parallel_loop3A_1531 = arith.constant 400 : i32
        %parallel_loop3A_1532 = arith.muli %and3A_76, %parallel_loop3A_1531 : i32
        %parallel_loop3A_1533 = arith.constant 16 : i32
        %parallel_loop3A_1534 = arith.muli %parallel_loop3A_133, %parallel_loop3A_1533 : i32
        %parallel_loop3A_1535 = arith.addi %parallel_loop3A_1532, %parallel_loop3A_1534 : i32
        %parallel_loop3A_1536 = arith.constant 11 : i32
        %parallel_loop3A_1537 = arith.addi %parallel_loop3A_1535, %parallel_loop3A_1536 : i32
        %parallel_loop3A_1538 = arith.index_cast %parallel_loop3A_1537 : i32 to index
        %parallel_loop3A_1539 = arith.constant 48 : index
        %parallel_loop3A_1540 = tpu.vector_load %arg8[%parallel_loop3A_1538, %parallel_loop3A_1539] {strides = array<i32>} : memref<800x128xf32, #tpu.memory_space<vmem>>, vector<16xf32>,
        %parallel_loop3A_1541 = vector.broadcast %parallel_loop3A_1485 : f32 to vector<16xf32>
        %parallel_loop3A_1542 = arith.mulf %parallel_loop3A_1540, %parallel_loop3A_1541 : vector<16xf32>
        %parallel_loop3A_1543 = arith.index_cast %parallel_loop3A_1537 : i32 to index
        %parallel_loop3A_1544 = arith.constant 48 : index
        %parallel_loop3A_1545 = tpu.vector_load %arg8[%parallel_loop3A_1543, %parallel_loop3A_1544] {strides = array<i32>} : memref<800x128xf32, #tpu.memory_space<vmem>>, vector<16xf32>,
        tpu.vector_store %arg8[%parallel_loop3A_1543, %parallel_loop3A_1544], %parallel_loop3A_1542 {strides = array<i32>} : memref<800x128xf32, #tpu.memory_space<vmem>>, vector<16xf32>,
        %parallel_loop3A_1546 = arith.constant 400 : i32
        %parallel_loop3A_1547 = arith.muli %and3A_76, %parallel_loop3A_1546 : i32
        %parallel_loop3A_1548 = arith.constant 16 : i32
        %parallel_loop3A_1549 = arith.muli %parallel_loop3A_133, %parallel_loop3A_1548 : i32
        %parallel_loop3A_1550 = arith.addi %parallel_loop3A_1547, %parallel_loop3A_1549 : i32
        %parallel_loop3A_1551 = arith.constant 11 : i32
        %parallel_loop3A_1552 = arith.addi %parallel_loop3A_1550, %parallel_loop3A_1551 : i32
        %parallel_loop3A_1553 = arith.index_cast %parallel_loop3A_1552 : i32 to index
        %parallel_loop3A_1554 = arith.constant 64 : index
        %parallel_loop3A_1555 = tpu.vector_load %arg8[%parallel_loop3A_1553, %parallel_loop3A_1554] {strides = array<i32>} : memref<800x128xf32, #tpu.memory_space<vmem>>, vector<16xf32>,
        %parallel_loop3A_1556 = vector.broadcast %parallel_loop3A_1485 : f32 to vector<16xf32>
        %parallel_loop3A_1557 = arith.mulf %parallel_loop3A_1555, %parallel_loop3A_1556 : vector<16xf32>
        %parallel_loop3A_1558 = arith.index_cast %parallel_loop3A_1552 : i32 to index
        %parallel_loop3A_1559 = arith.constant 64 : index
        %parallel_loop3A_1560 = tpu.vector_load %arg8[%parallel_loop3A_1558, %parallel_loop3A_1559] {strides = array<i32>} : memref<800x128xf32, #tpu.memory_space<vmem>>, vector<16xf32>,
        tpu.vector_store %arg8[%parallel_loop3A_1558, %parallel_loop3A_1559], %parallel_loop3A_1557 {strides = array<i32>} : memref<800x128xf32, #tpu.memory_space<vmem>>, vector<16xf32>,
        %parallel_loop3A_1561 = arith.constant 400 : i32
        %parallel_loop3A_1562 = arith.muli %and3A_76, %parallel_loop3A_1561 : i32
        %parallel_loop3A_1563 = arith.constant 16 : i32
        %parallel_loop3A_1564 = arith.muli %parallel_loop3A_133, %parallel_loop3A_1563 : i32
        %parallel_loop3A_1565 = arith.addi %parallel_loop3A_1562, %parallel_loop3A_1564 : i32
        %parallel_loop3A_1566 = arith.constant 11 : i32
        %parallel_loop3A_1567 = arith.addi %parallel_loop3A_1565, %parallel_loop3A_1566 : i32
        %parallel_loop3A_1568 = arith.index_cast %parallel_loop3A_1567 : i32 to index
        %parallel_loop3A_1569 = arith.constant 80 : index
        %parallel_loop3A_1570 = tpu.vector_load %arg8[%parallel_loop3A_1568, %parallel_loop3A_1569] {strides = array<i32>} : memref<800x128xf32, #tpu.memory_space<vmem>>, vector<16xf32>,
        %parallel_loop3A_1571 = vector.broadcast %parallel_loop3A_1485 : f32 to vector<16xf32>
        %parallel_loop3A_1572 = arith.mulf %parallel_loop3A_1570, %parallel_loop3A_1571 : vector<16xf32>
        %parallel_loop3A_1573 = arith.index_cast %parallel_loop3A_1567 : i32 to index
        %parallel_loop3A_1574 = arith.constant 80 : index
        %parallel_loop3A_1575 = tpu.vector_load %arg8[%parallel_loop3A_1573, %parallel_loop3A_1574] {strides = array<i32>} : memref<800x128xf32, #tpu.memory_space<vmem>>, vector<16xf32>,
        tpu.vector_store %arg8[%parallel_loop3A_1573, %parallel_loop3A_1574], %parallel_loop3A_1572 {strides = array<i32>} : memref<800x128xf32, #tpu.memory_space<vmem>>, vector<16xf32>,
        %parallel_loop3A_1576 = arith.constant 400 : i32
        %parallel_loop3A_1577 = arith.muli %and3A_76, %parallel_loop3A_1576 : i32
        %parallel_loop3A_1578 = arith.constant 16 : i32
        %parallel_loop3A_1579 = arith.muli %parallel_loop3A_133, %parallel_loop3A_1578 : i32
        %parallel_loop3A_1580 = arith.addi %parallel_loop3A_1577, %parallel_loop3A_1579 : i32
        %parallel_loop3A_1581 = arith.constant 11 : i32
        %parallel_loop3A_1582 = arith.addi %parallel_loop3A_1580, %parallel_loop3A_1581 : i32
        %parallel_loop3A_1583 = arith.index_cast %parallel_loop3A_1582 : i32 to index
        %parallel_loop3A_1584 = arith.constant 96 : index
        %parallel_loop3A_1585 = tpu.vector_load %arg8[%parallel_loop3A_1583, %parallel_loop3A_1584] {strides = array<i32>} : memref<800x128xf32, #tpu.memory_space<vmem>>, vector<16xf32>,
        %parallel_loop3A_1586 = vector.broadcast %parallel_loop3A_1485 : f32 to vector<16xf32>
        %parallel_loop3A_1587 = arith.mulf %parallel_loop3A_1585, %parallel_loop3A_1586 : vector<16xf32>
        %parallel_loop3A_1588 = arith.index_cast %parallel_loop3A_1582 : i32 to index
        %parallel_loop3A_1589 = arith.constant 96 : index
        %parallel_loop3A_1590 = tpu.vector_load %arg8[%parallel_loop3A_1588, %parallel_loop3A_1589] {strides = array<i32>} : memref<800x128xf32, #tpu.memory_space<vmem>>, vector<16xf32>,
        tpu.vector_store %arg8[%parallel_loop3A_1588, %parallel_loop3A_1589], %parallel_loop3A_1587 {strides = array<i32>} : memref<800x128xf32, #tpu.memory_space<vmem>>, vector<16xf32>,
        %parallel_loop3A_1591 = arith.constant 400 : i32
        %parallel_loop3A_1592 = arith.muli %and3A_76, %parallel_loop3A_1591 : i32
        %parallel_loop3A_1593 = arith.constant 16 : i32
        %parallel_loop3A_1594 = arith.muli %parallel_loop3A_133, %parallel_loop3A_1593 : i32
        %parallel_loop3A_1595 = arith.addi %parallel_loop3A_1592, %parallel_loop3A_1594 : i32
        %parallel_loop3A_1596 = arith.constant 11 : i32
        %parallel_loop3A_1597 = arith.addi %parallel_loop3A_1595, %parallel_loop3A_1596 : i32
        %parallel_loop3A_1598 = arith.index_cast %parallel_loop3A_1597 : i32 to index
        %parallel_loop3A_1599 = arith.constant 112 : index
        %parallel_loop3A_1600 = tpu.vector_load %arg8[%parallel_loop3A_1598, %parallel_loop3A_1599] {strides = array<i32>} : memref<800x128xf32, #tpu.memory_space<vmem>>, vector<16xf32>,
        %parallel_loop3A_1601 = vector.broadcast %parallel_loop3A_1485 : f32 to vector<16xf32>
        %parallel_loop3A_1602 = arith.mulf %parallel_loop3A_1600, %parallel_loop3A_1601 : vector<16xf32>
        %parallel_loop3A_1603 = arith.index_cast %parallel_loop3A_1597 : i32 to index
        %parallel_loop3A_1604 = arith.constant 112 : index
        %parallel_loop3A_1605 = tpu.vector_load %arg8[%parallel_loop3A_1603, %parallel_loop3A_1604] {strides = array<i32>} : memref<800x128xf32, #tpu.memory_space<vmem>>, vector<16xf32>,
        tpu.vector_store %arg8[%parallel_loop3A_1603, %parallel_loop3A_1604], %parallel_loop3A_1602 {strides = array<i32>} : memref<800x128xf32, #tpu.memory_space<vmem>>, vector<16xf32>,
        %parallel_loop3A_1606 = vector.extract_strided_slice %parallel_loop3A_141 {offsets = [12], sizes = [1], strides = [1]} : vector<16xf32> to vector<1xf32>
        %parallel_loop3A_1607 = vector.extract %parallel_loop3A_1606[0] : f32 from vector<1xf32>
        %parallel_loop3A_1608 = arith.constant 400 : i32
        %parallel_loop3A_1609 = arith.muli %and3A_76, %parallel_loop3A_1608 : i32
        %parallel_loop3A_1610 = arith.constant 16 : i32
        %parallel_loop3A_1611 = arith.muli %parallel_loop3A_133, %parallel_loop3A_1610 : i32
        %parallel_loop3A_1612 = arith.addi %parallel_loop3A_1609, %parallel_loop3A_1611 : i32
        %parallel_loop3A_1613 = arith.constant 12 : i32
        %parallel_loop3A_1614 = arith.addi %parallel_loop3A_1612, %parallel_loop3A_1613 : i32
        %parallel_loop3A_1615 = arith.index_cast %parallel_loop3A_1614 : i32 to index
        %parallel_loop3A_1616 = arith.constant 0 : index
        %parallel_loop3A_1617 = tpu.vector_load %arg8[%parallel_loop3A_1615, %parallel_loop3A_1616] {strides = array<i32>} : memref<800x128xf32, #tpu.memory_space<vmem>>, vector<16xf32>,
        %parallel_loop3A_1618 = vector.broadcast %parallel_loop3A_1607 : f32 to vector<16xf32>
        %parallel_loop3A_1619 = arith.mulf %parallel_loop3A_1617, %parallel_loop3A_1618 : vector<16xf32>
        %parallel_loop3A_1620 = arith.index_cast %parallel_loop3A_1614 : i32 to index
        %parallel_loop3A_1621 = arith.constant 0 : index
        %parallel_loop3A_1622 = tpu.vector_load %arg8[%parallel_loop3A_1620, %parallel_loop3A_1621] {strides = array<i32>} : memref<800x128xf32, #tpu.memory_space<vmem>>, vector<16xf32>,
        tpu.vector_store %arg8[%parallel_loop3A_1620, %parallel_loop3A_1621], %parallel_loop3A_1619 {strides = array<i32>} : memref<800x128xf32, #tpu.memory_space<vmem>>, vector<16xf32>,
        %parallel_loop3A_1623 = arith.constant 400 : i32
        %parallel_loop3A_1624 = arith.muli %and3A_76, %parallel_loop3A_1623 : i32
        %parallel_loop3A_1625 = arith.constant 16 : i32
        %parallel_loop3A_1626 = arith.muli %parallel_loop3A_133, %parallel_loop3A_1625 : i32
        %parallel_loop3A_1627 = arith.addi %parallel_loop3A_1624, %parallel_loop3A_1626 : i32
        %parallel_loop3A_1628 = arith.constant 12 : i32
        %parallel_loop3A_1629 = arith.addi %parallel_loop3A_1627, %parallel_loop3A_1628 : i32
        %parallel_loop3A_1630 = arith.index_cast %parallel_loop3A_1629 : i32 to index
        %parallel_loop3A_1631 = arith.constant 16 : index
        %parallel_loop3A_1632 = tpu.vector_load %arg8[%parallel_loop3A_1630, %parallel_loop3A_1631] {strides = array<i32>} : memref<800x128xf32, #tpu.memory_space<vmem>>, vector<16xf32>,
        %parallel_loop3A_1633 = vector.broadcast %parallel_loop3A_1607 : f32 to vector<16xf32>
        %parallel_loop3A_1634 = arith.mulf %parallel_loop3A_1632, %parallel_loop3A_1633 : vector<16xf32>
        %parallel_loop3A_1635 = arith.index_cast %parallel_loop3A_1629 : i32 to index
        %parallel_loop3A_1636 = arith.constant 16 : index
        %parallel_loop3A_1637 = tpu.vector_load %arg8[%parallel_loop3A_1635, %parallel_loop3A_1636] {strides = array<i32>} : memref<800x128xf32, #tpu.memory_space<vmem>>, vector<16xf32>,
        tpu.vector_store %arg8[%parallel_loop3A_1635, %parallel_loop3A_1636], %parallel_loop3A_1634 {strides = array<i32>} : memref<800x128xf32, #tpu.memory_space<vmem>>, vector<16xf32>,
        %parallel_loop3A_1638 = arith.constant 400 : i32
        %parallel_loop3A_1639 = arith.muli %and3A_76, %parallel_loop3A_1638 : i32
        %parallel_loop3A_1640 = arith.constant 16 : i32
        %parallel_loop3A_1641 = arith.muli %parallel_loop3A_133, %parallel_loop3A_1640 : i32
        %parallel_loop3A_1642 = arith.addi %parallel_loop3A_1639, %parallel_loop3A_1641 : i32
        %parallel_loop3A_1643 = arith.constant 12 : i32
        %parallel_loop3A_1644 = arith.addi %parallel_loop3A_1642, %parallel_loop3A_1643 : i32
        %parallel_loop3A_1645 = arith.index_cast %parallel_loop3A_1644 : i32 to index
        %parallel_loop3A_1646 = arith.constant 32 : index
        %parallel_loop3A_1647 = tpu.vector_load %arg8[%parallel_loop3A_1645, %parallel_loop3A_1646] {strides = array<i32>} : memref<800x128xf32, #tpu.memory_space<vmem>>, vector<16xf32>,
        %parallel_loop3A_1648 = vector.broadcast %parallel_loop3A_1607 : f32 to vector<16xf32>
        %parallel_loop3A_1649 = arith.mulf %parallel_loop3A_1647, %parallel_loop3A_1648 : vector<16xf32>
        %parallel_loop3A_1650 = arith.index_cast %parallel_loop3A_1644 : i32 to index
        %parallel_loop3A_1651 = arith.constant 32 : index
        %parallel_loop3A_1652 = tpu.vector_load %arg8[%parallel_loop3A_1650, %parallel_loop3A_1651] {strides = array<i32>} : memref<800x128xf32, #tpu.memory_space<vmem>>, vector<16xf32>,
        tpu.vector_store %arg8[%parallel_loop3A_1650, %parallel_loop3A_1651], %parallel_loop3A_1649 {strides = array<i32>} : memref<800x128xf32, #tpu.memory_space<vmem>>, vector<16xf32>,
        %parallel_loop3A_1653 = arith.constant 400 : i32
        %parallel_loop3A_1654 = arith.muli %and3A_76, %parallel_loop3A_1653 : i32
        %parallel_loop3A_1655 = arith.constant 16 : i32
        %parallel_loop3A_1656 = arith.muli %parallel_loop3A_133, %parallel_loop3A_1655 : i32
        %parallel_loop3A_1657 = arith.addi %parallel_loop3A_1654, %parallel_loop3A_1656 : i32
        %parallel_loop3A_1658 = arith.constant 12 : i32
        %parallel_loop3A_1659 = arith.addi %parallel_loop3A_1657, %parallel_loop3A_1658 : i32
        %parallel_loop3A_1660 = arith.index_cast %parallel_loop3A_1659 : i32 to index
        %parallel_loop3A_1661 = arith.constant 48 : index
        %parallel_loop3A_1662 = tpu.vector_load %arg8[%parallel_loop3A_1660, %parallel_loop3A_1661] {strides = array<i32>} : memref<800x128xf32, #tpu.memory_space<vmem>>, vector<16xf32>,
        %parallel_loop3A_1663 = vector.broadcast %parallel_loop3A_1607 : f32 to vector<16xf32>
        %parallel_loop3A_1664 = arith.mulf %parallel_loop3A_1662, %parallel_loop3A_1663 : vector<16xf32>
        %parallel_loop3A_1665 = arith.index_cast %parallel_loop3A_1659 : i32 to index
        %parallel_loop3A_1666 = arith.constant 48 : index
        %parallel_loop3A_1667 = tpu.vector_load %arg8[%parallel_loop3A_1665, %parallel_loop3A_1666] {strides = array<i32>} : memref<800x128xf32, #tpu.memory_space<vmem>>, vector<16xf32>,
        tpu.vector_store %arg8[%parallel_loop3A_1665, %parallel_loop3A_1666], %parallel_loop3A_1664 {strides = array<i32>} : memref<800x128xf32, #tpu.memory_space<vmem>>, vector<16xf32>,
        %parallel_loop3A_1668 = arith.constant 400 : i32
        %parallel_loop3A_1669 = arith.muli %and3A_76, %parallel_loop3A_1668 : i32
        %parallel_loop3A_1670 = arith.constant 16 : i32
        %parallel_loop3A_1671 = arith.muli %parallel_loop3A_133, %parallel_loop3A_1670 : i32
        %parallel_loop3A_1672 = arith.addi %parallel_loop3A_1669, %parallel_loop3A_1671 : i32
        %parallel_loop3A_1673 = arith.constant 12 : i32
        %parallel_loop3A_1674 = arith.addi %parallel_loop3A_1672, %parallel_loop3A_1673 : i32
        %parallel_loop3A_1675 = arith.index_cast %parallel_loop3A_1674 : i32 to index
        %parallel_loop3A_1676 = arith.constant 64 : index
        %parallel_loop3A_1677 = tpu.vector_load %arg8[%parallel_loop3A_1675, %parallel_loop3A_1676] {strides = array<i32>} : memref<800x128xf32, #tpu.memory_space<vmem>>, vector<16xf32>,
        %parallel_loop3A_1678 = vector.broadcast %parallel_loop3A_1607 : f32 to vector<16xf32>
        %parallel_loop3A_1679 = arith.mulf %parallel_loop3A_1677, %parallel_loop3A_1678 : vector<16xf32>
        %parallel_loop3A_1680 = arith.index_cast %parallel_loop3A_1674 : i32 to index
        %parallel_loop3A_1681 = arith.constant 64 : index
        %parallel_loop3A_1682 = tpu.vector_load %arg8[%parallel_loop3A_1680, %parallel_loop3A_1681] {strides = array<i32>} : memref<800x128xf32, #tpu.memory_space<vmem>>, vector<16xf32>,
        tpu.vector_store %arg8[%parallel_loop3A_1680, %parallel_loop3A_1681], %parallel_loop3A_1679 {strides = array<i32>} : memref<800x128xf32, #tpu.memory_space<vmem>>, vector<16xf32>,
        %parallel_loop3A_1683 = arith.constant 400 : i32
        %parallel_loop3A_1684 = arith.muli %and3A_76, %parallel_loop3A_1683 : i32
        %parallel_loop3A_1685 = arith.constant 16 : i32
        %parallel_loop3A_1686 = arith.muli %parallel_loop3A_133, %parallel_loop3A_1685 : i32
        %parallel_loop3A_1687 = arith.addi %parallel_loop3A_1684, %parallel_loop3A_1686 : i32
        %parallel_loop3A_1688 = arith.constant 12 : i32
        %parallel_loop3A_1689 = arith.addi %parallel_loop3A_1687, %parallel_loop3A_1688 : i32
        %parallel_loop3A_1690 = arith.index_cast %parallel_loop3A_1689 : i32 to index
        %parallel_loop3A_1691 = arith.constant 80 : index
        %parallel_loop3A_1692 = tpu.vector_load %arg8[%parallel_loop3A_1690, %parallel_loop3A_1691] {strides = array<i32>} : memref<800x128xf32, #tpu.memory_space<vmem>>, vector<16xf32>,
        %parallel_loop3A_1693 = vector.broadcast %parallel_loop3A_1607 : f32 to vector<16xf32>
        %parallel_loop3A_1694 = arith.mulf %parallel_loop3A_1692, %parallel_loop3A_1693 : vector<16xf32>
        %parallel_loop3A_1695 = arith.index_cast %parallel_loop3A_1689 : i32 to index
        %parallel_loop3A_1696 = arith.constant 80 : index
        %parallel_loop3A_1697 = tpu.vector_load %arg8[%parallel_loop3A_1695, %parallel_loop3A_1696] {strides = array<i32>} : memref<800x128xf32, #tpu.memory_space<vmem>>, vector<16xf32>,
        tpu.vector_store %arg8[%parallel_loop3A_1695, %parallel_loop3A_1696], %parallel_loop3A_1694 {strides = array<i32>} : memref<800x128xf32, #tpu.memory_space<vmem>>, vector<16xf32>,
        %parallel_loop3A_1698 = arith.constant 400 : i32
        %parallel_loop3A_1699 = arith.muli %and3A_76, %parallel_loop3A_1698 : i32
        %parallel_loop3A_1700 = arith.constant 16 : i32
        %parallel_loop3A_1701 = arith.muli %parallel_loop3A_133, %parallel_loop3A_1700 : i32
        %parallel_loop3A_1702 = arith.addi %parallel_loop3A_1699, %parallel_loop3A_1701 : i32
        %parallel_loop3A_1703 = arith.constant 12 : i32
        %parallel_loop3A_1704 = arith.addi %parallel_loop3A_1702, %parallel_loop3A_1703 : i32
        %parallel_loop3A_1705 = arith.index_cast %parallel_loop3A_1704 : i32 to index
        %parallel_loop3A_1706 = arith.constant 96 : index
        %parallel_loop3A_1707 = tpu.vector_load %arg8[%parallel_loop3A_1705, %parallel_loop3A_1706] {strides = array<i32>} : memref<800x128xf32, #tpu.memory_space<vmem>>, vector<16xf32>,
        %parallel_loop3A_1708 = vector.broadcast %parallel_loop3A_1607 : f32 to vector<16xf32>
        %parallel_loop3A_1709 = arith.mulf %parallel_loop3A_1707, %parallel_loop3A_1708 : vector<16xf32>
        %parallel_loop3A_1710 = arith.index_cast %parallel_loop3A_1704 : i32 to index
        %parallel_loop3A_1711 = arith.constant 96 : index
        %parallel_loop3A_1712 = tpu.vector_load %arg8[%parallel_loop3A_1710, %parallel_loop3A_1711] {strides = array<i32>} : memref<800x128xf32, #tpu.memory_space<vmem>>, vector<16xf32>,
        tpu.vector_store %arg8[%parallel_loop3A_1710, %parallel_loop3A_1711], %parallel_loop3A_1709 {strides = array<i32>} : memref<800x128xf32, #tpu.memory_space<vmem>>, vector<16xf32>,
        %parallel_loop3A_1713 = arith.constant 400 : i32
        %parallel_loop3A_1714 = arith.muli %and3A_76, %parallel_loop3A_1713 : i32
        %parallel_loop3A_1715 = arith.constant 16 : i32
        %parallel_loop3A_1716 = arith.muli %parallel_loop3A_133, %parallel_loop3A_1715 : i32
        %parallel_loop3A_1717 = arith.addi %parallel_loop3A_1714, %parallel_loop3A_1716 : i32
        %parallel_loop3A_1718 = arith.constant 12 : i32
        %parallel_loop3A_1719 = arith.addi %parallel_loop3A_1717, %parallel_loop3A_1718 : i32
        %parallel_loop3A_1720 = arith.index_cast %parallel_loop3A_1719 : i32 to index
        %parallel_loop3A_1721 = arith.constant 112 : index
        %parallel_loop3A_1722 = tpu.vector_load %arg8[%parallel_loop3A_1720, %parallel_loop3A_1721] {strides = array<i32>} : memref<800x128xf32, #tpu.memory_space<vmem>>, vector<16xf32>,
        %parallel_loop3A_1723 = vector.broadcast %parallel_loop3A_1607 : f32 to vector<16xf32>
        %parallel_loop3A_1724 = arith.mulf %parallel_loop3A_1722, %parallel_loop3A_1723 : vector<16xf32>
        %parallel_loop3A_1725 = arith.index_cast %parallel_loop3A_1719 : i32 to index
        %parallel_loop3A_1726 = arith.constant 112 : index
        %parallel_loop3A_1727 = tpu.vector_load %arg8[%parallel_loop3A_1725, %parallel_loop3A_1726] {strides = array<i32>} : memref<800x128xf32, #tpu.memory_space<vmem>>, vector<16xf32>,
        tpu.vector_store %arg8[%parallel_loop3A_1725, %parallel_loop3A_1726], %parallel_loop3A_1724 {strides = array<i32>} : memref<800x128xf32, #tpu.memory_space<vmem>>, vector<16xf32>,
        %parallel_loop3A_1728 = vector.extract_strided_slice %parallel_loop3A_141 {offsets = [13], sizes = [1], strides = [1]} : vector<16xf32> to vector<1xf32>
        %parallel_loop3A_1729 = vector.extract %parallel_loop3A_1728[0] : f32 from vector<1xf32>
        %parallel_loop3A_1730 = arith.constant 400 : i32
        %parallel_loop3A_1731 = arith.muli %and3A_76, %parallel_loop3A_1730 : i32
        %parallel_loop3A_1732 = arith.constant 16 : i32
        %parallel_loop3A_1733 = arith.muli %parallel_loop3A_133, %parallel_loop3A_1732 : i32
        %parallel_loop3A_1734 = arith.addi %parallel_loop3A_1731, %parallel_loop3A_1733 : i32
        %parallel_loop3A_1735 = arith.constant 13 : i32
        %parallel_loop3A_1736 = arith.addi %parallel_loop3A_1734, %parallel_loop3A_1735 : i32
        %parallel_loop3A_1737 = arith.index_cast %parallel_loop3A_1736 : i32 to index
        %parallel_loop3A_1738 = arith.constant 0 : index
        %parallel_loop3A_1739 = tpu.vector_load %arg8[%parallel_loop3A_1737, %parallel_loop3A_1738] {strides = array<i32>} : memref<800x128xf32, #tpu.memory_space<vmem>>, vector<16xf32>,
        %parallel_loop3A_1740 = vector.broadcast %parallel_loop3A_1729 : f32 to vector<16xf32>
        %parallel_loop3A_1741 = arith.mulf %parallel_loop3A_1739, %parallel_loop3A_1740 : vector<16xf32>
        %parallel_loop3A_1742 = arith.index_cast %parallel_loop3A_1736 : i32 to index
        %parallel_loop3A_1743 = arith.constant 0 : index
        %parallel_loop3A_1744 = tpu.vector_load %arg8[%parallel_loop3A_1742, %parallel_loop3A_1743] {strides = array<i32>} : memref<800x128xf32, #tpu.memory_space<vmem>>, vector<16xf32>,
        tpu.vector_store %arg8[%parallel_loop3A_1742, %parallel_loop3A_1743], %parallel_loop3A_1741 {strides = array<i32>} : memref<800x128xf32, #tpu.memory_space<vmem>>, vector<16xf32>,
        %parallel_loop3A_1745 = arith.constant 400 : i32
        %parallel_loop3A_1746 = arith.muli %and3A_76, %parallel_loop3A_1745 : i32
        %parallel_loop3A_1747 = arith.constant 16 : i32
        %parallel_loop3A_1748 = arith.muli %parallel_loop3A_133, %parallel_loop3A_1747 : i32
        %parallel_loop3A_1749 = arith.addi %parallel_loop3A_1746, %parallel_loop3A_1748 : i32
        %parallel_loop3A_1750 = arith.constant 13 : i32
        %parallel_loop3A_1751 = arith.addi %parallel_loop3A_1749, %parallel_loop3A_1750 : i32
        %parallel_loop3A_1752 = arith.index_cast %parallel_loop3A_1751 : i32 to index
        %parallel_loop3A_1753 = arith.constant 16 : index
        %parallel_loop3A_1754 = tpu.vector_load %arg8[%parallel_loop3A_1752, %parallel_loop3A_1753] {strides = array<i32>} : memref<800x128xf32, #tpu.memory_space<vmem>>, vector<16xf32>,
        %parallel_loop3A_1755 = vector.broadcast %parallel_loop3A_1729 : f32 to vector<16xf32>
        %parallel_loop3A_1756 = arith.mulf %parallel_loop3A_1754, %parallel_loop3A_1755 : vector<16xf32>
        %parallel_loop3A_1757 = arith.index_cast %parallel_loop3A_1751 : i32 to index
        %parallel_loop3A_1758 = arith.constant 16 : index
        %parallel_loop3A_1759 = tpu.vector_load %arg8[%parallel_loop3A_1757, %parallel_loop3A_1758] {strides = array<i32>} : memref<800x128xf32, #tpu.memory_space<vmem>>, vector<16xf32>,
        tpu.vector_store %arg8[%parallel_loop3A_1757, %parallel_loop3A_1758], %parallel_loop3A_1756 {strides = array<i32>} : memref<800x128xf32, #tpu.memory_space<vmem>>, vector<16xf32>,
        %parallel_loop3A_1760 = arith.constant 400 : i32
        %parallel_loop3A_1761 = arith.muli %and3A_76, %parallel_loop3A_1760 : i32
        %parallel_loop3A_1762 = arith.constant 16 : i32
        %parallel_loop3A_1763 = arith.muli %parallel_loop3A_133, %parallel_loop3A_1762 : i32
        %parallel_loop3A_1764 = arith.addi %parallel_loop3A_1761, %parallel_loop3A_1763 : i32
        %parallel_loop3A_1765 = arith.constant 13 : i32
        %parallel_loop3A_1766 = arith.addi %parallel_loop3A_1764, %parallel_loop3A_1765 : i32
        %parallel_loop3A_1767 = arith.index_cast %parallel_loop3A_1766 : i32 to index
        %parallel_loop3A_1768 = arith.constant 32 : index
        %parallel_loop3A_1769 = tpu.vector_load %arg8[%parallel_loop3A_1767, %parallel_loop3A_1768] {strides = array<i32>} : memref<800x128xf32, #tpu.memory_space<vmem>>, vector<16xf32>,
        %parallel_loop3A_1770 = vector.broadcast %parallel_loop3A_1729 : f32 to vector<16xf32>
        %parallel_loop3A_1771 = arith.mulf %parallel_loop3A_1769, %parallel_loop3A_1770 : vector<16xf32>
        %parallel_loop3A_1772 = arith.index_cast %parallel_loop3A_1766 : i32 to index
        %parallel_loop3A_1773 = arith.constant 32 : index
        %parallel_loop3A_1774 = tpu.vector_load %arg8[%parallel_loop3A_1772, %parallel_loop3A_1773] {strides = array<i32>} : memref<800x128xf32, #tpu.memory_space<vmem>>, vector<16xf32>,
        tpu.vector_store %arg8[%parallel_loop3A_1772, %parallel_loop3A_1773], %parallel_loop3A_1771 {strides = array<i32>} : memref<800x128xf32, #tpu.memory_space<vmem>>, vector<16xf32>,
        %parallel_loop3A_1775 = arith.constant 400 : i32
        %parallel_loop3A_1776 = arith.muli %and3A_76, %parallel_loop3A_1775 : i32
        %parallel_loop3A_1777 = arith.constant 16 : i32
        %parallel_loop3A_1778 = arith.muli %parallel_loop3A_133, %parallel_loop3A_1777 : i32
        %parallel_loop3A_1779 = arith.addi %parallel_loop3A_1776, %parallel_loop3A_1778 : i32
        %parallel_loop3A_1780 = arith.constant 13 : i32
        %parallel_loop3A_1781 = arith.addi %parallel_loop3A_1779, %parallel_loop3A_1780 : i32
        %parallel_loop3A_1782 = arith.index_cast %parallel_loop3A_1781 : i32 to index
        %parallel_loop3A_1783 = arith.constant 48 : index
        %parallel_loop3A_1784 = tpu.vector_load %arg8[%parallel_loop3A_1782, %parallel_loop3A_1783] {strides = array<i32>} : memref<800x128xf32, #tpu.memory_space<vmem>>, vector<16xf32>,
        %parallel_loop3A_1785 = vector.broadcast %parallel_loop3A_1729 : f32 to vector<16xf32>
        %parallel_loop3A_1786 = arith.mulf %parallel_loop3A_1784, %parallel_loop3A_1785 : vector<16xf32>
        %parallel_loop3A_1787 = arith.index_cast %parallel_loop3A_1781 : i32 to index
        %parallel_loop3A_1788 = arith.constant 48 : index
        %parallel_loop3A_1789 = tpu.vector_load %arg8[%parallel_loop3A_1787, %parallel_loop3A_1788] {strides = array<i32>} : memref<800x128xf32, #tpu.memory_space<vmem>>, vector<16xf32>,
        tpu.vector_store %arg8[%parallel_loop3A_1787, %parallel_loop3A_1788], %parallel_loop3A_1786 {strides = array<i32>} : memref<800x128xf32, #tpu.memory_space<vmem>>, vector<16xf32>,
        %parallel_loop3A_1790 = arith.constant 400 : i32
        %parallel_loop3A_1791 = arith.muli %and3A_76, %parallel_loop3A_1790 : i32
        %parallel_loop3A_1792 = arith.constant 16 : i32
        %parallel_loop3A_1793 = arith.muli %parallel_loop3A_133, %parallel_loop3A_1792 : i32
        %parallel_loop3A_1794 = arith.addi %parallel_loop3A_1791, %parallel_loop3A_1793 : i32
        %parallel_loop3A_1795 = arith.constant 13 : i32
        %parallel_loop3A_1796 = arith.addi %parallel_loop3A_1794, %parallel_loop3A_1795 : i32
        %parallel_loop3A_1797 = arith.index_cast %parallel_loop3A_1796 : i32 to index
        %parallel_loop3A_1798 = arith.constant 64 : index
        %parallel_loop3A_1799 = tpu.vector_load %arg8[%parallel_loop3A_1797, %parallel_loop3A_1798] {strides = array<i32>} : memref<800x128xf32, #tpu.memory_space<vmem>>, vector<16xf32>,
        %parallel_loop3A_1800 = vector.broadcast %parallel_loop3A_1729 : f32 to vector<16xf32>
        %parallel_loop3A_1801 = arith.mulf %parallel_loop3A_1799, %parallel_loop3A_1800 : vector<16xf32>
        %parallel_loop3A_1802 = arith.index_cast %parallel_loop3A_1796 : i32 to index
        %parallel_loop3A_1803 = arith.constant 64 : index
        %parallel_loop3A_1804 = tpu.vector_load %arg8[%parallel_loop3A_1802, %parallel_loop3A_1803] {strides = array<i32>} : memref<800x128xf32, #tpu.memory_space<vmem>>, vector<16xf32>,
        tpu.vector_store %arg8[%parallel_loop3A_1802, %parallel_loop3A_1803], %parallel_loop3A_1801 {strides = array<i32>} : memref<800x128xf32, #tpu.memory_space<vmem>>, vector<16xf32>,
        %parallel_loop3A_1805 = arith.constant 400 : i32
        %parallel_loop3A_1806 = arith.muli %and3A_76, %parallel_loop3A_1805 : i32
        %parallel_loop3A_1807 = arith.constant 16 : i32
        %parallel_loop3A_1808 = arith.muli %parallel_loop3A_133, %parallel_loop3A_1807 : i32
        %parallel_loop3A_1809 = arith.addi %parallel_loop3A_1806, %parallel_loop3A_1808 : i32
        %parallel_loop3A_1810 = arith.constant 13 : i32
        %parallel_loop3A_1811 = arith.addi %parallel_loop3A_1809, %parallel_loop3A_1810 : i32
        %parallel_loop3A_1812 = arith.index_cast %parallel_loop3A_1811 : i32 to index
        %parallel_loop3A_1813 = arith.constant 80 : index
        %parallel_loop3A_1814 = tpu.vector_load %arg8[%parallel_loop3A_1812, %parallel_loop3A_1813] {strides = array<i32>} : memref<800x128xf32, #tpu.memory_space<vmem>>, vector<16xf32>,
        %parallel_loop3A_1815 = vector.broadcast %parallel_loop3A_1729 : f32 to vector<16xf32>
        %parallel_loop3A_1816 = arith.mulf %parallel_loop3A_1814, %parallel_loop3A_1815 : vector<16xf32>
        %parallel_loop3A_1817 = arith.index_cast %parallel_loop3A_1811 : i32 to index
        %parallel_loop3A_1818 = arith.constant 80 : index
        %parallel_loop3A_1819 = tpu.vector_load %arg8[%parallel_loop3A_1817, %parallel_loop3A_1818] {strides = array<i32>} : memref<800x128xf32, #tpu.memory_space<vmem>>, vector<16xf32>,
        tpu.vector_store %arg8[%parallel_loop3A_1817, %parallel_loop3A_1818], %parallel_loop3A_1816 {strides = array<i32>} : memref<800x128xf32, #tpu.memory_space<vmem>>, vector<16xf32>,
        %parallel_loop3A_1820 = arith.constant 400 : i32
        %parallel_loop3A_1821 = arith.muli %and3A_76, %parallel_loop3A_1820 : i32
        %parallel_loop3A_1822 = arith.constant 16 : i32
        %parallel_loop3A_1823 = arith.muli %parallel_loop3A_133, %parallel_loop3A_1822 : i32
        %parallel_loop3A_1824 = arith.addi %parallel_loop3A_1821, %parallel_loop3A_1823 : i32
        %parallel_loop3A_1825 = arith.constant 13 : i32
        %parallel_loop3A_1826 = arith.addi %parallel_loop3A_1824, %parallel_loop3A_1825 : i32
        %parallel_loop3A_1827 = arith.index_cast %parallel_loop3A_1826 : i32 to index
        %parallel_loop3A_1828 = arith.constant 96 : index
        %parallel_loop3A_1829 = tpu.vector_load %arg8[%parallel_loop3A_1827, %parallel_loop3A_1828] {strides = array<i32>} : memref<800x128xf32, #tpu.memory_space<vmem>>, vector<16xf32>,
        %parallel_loop3A_1830 = vector.broadcast %parallel_loop3A_1729 : f32 to vector<16xf32>
        %parallel_loop3A_1831 = arith.mulf %parallel_loop3A_1829, %parallel_loop3A_1830 : vector<16xf32>
        %parallel_loop3A_1832 = arith.index_cast %parallel_loop3A_1826 : i32 to index
        %parallel_loop3A_1833 = arith.constant 96 : index
        %parallel_loop3A_1834 = tpu.vector_load %arg8[%parallel_loop3A_1832, %parallel_loop3A_1833] {strides = array<i32>} : memref<800x128xf32, #tpu.memory_space<vmem>>, vector<16xf32>,
        tpu.vector_store %arg8[%parallel_loop3A_1832, %parallel_loop3A_1833], %parallel_loop3A_1831 {strides = array<i32>} : memref<800x128xf32, #tpu.memory_space<vmem>>, vector<16xf32>,
        %parallel_loop3A_1835 = arith.constant 400 : i32
        %parallel_loop3A_1836 = arith.muli %and3A_76, %parallel_loop3A_1835 : i32
        %parallel_loop3A_1837 = arith.constant 16 : i32
        %parallel_loop3A_1838 = arith.muli %parallel_loop3A_133, %parallel_loop3A_1837 : i32
        %parallel_loop3A_1839 = arith.addi %parallel_loop3A_1836, %parallel_loop3A_1838 : i32
        %parallel_loop3A_1840 = arith.constant 13 : i32
        %parallel_loop3A_1841 = arith.addi %parallel_loop3A_1839, %parallel_loop3A_1840 : i32
        %parallel_loop3A_1842 = arith.index_cast %parallel_loop3A_1841 : i32 to index
        %parallel_loop3A_1843 = arith.constant 112 : index
        %parallel_loop3A_1844 = tpu.vector_load %arg8[%parallel_loop3A_1842, %parallel_loop3A_1843] {strides = array<i32>} : memref<800x128xf32, #tpu.memory_space<vmem>>, vector<16xf32>,
        %parallel_loop3A_1845 = vector.broadcast %parallel_loop3A_1729 : f32 to vector<16xf32>
        %parallel_loop3A_1846 = arith.mulf %parallel_loop3A_1844, %parallel_loop3A_1845 : vector<16xf32>
        %parallel_loop3A_1847 = arith.index_cast %parallel_loop3A_1841 : i32 to index
        %parallel_loop3A_1848 = arith.constant 112 : index
        %parallel_loop3A_1849 = tpu.vector_load %arg8[%parallel_loop3A_1847, %parallel_loop3A_1848] {strides = array<i32>} : memref<800x128xf32, #tpu.memory_space<vmem>>, vector<16xf32>,
        tpu.vector_store %arg8[%parallel_loop3A_1847, %parallel_loop3A_1848], %parallel_loop3A_1846 {strides = array<i32>} : memref<800x128xf32, #tpu.memory_space<vmem>>, vector<16xf32>,
        %parallel_loop3A_1850 = vector.extract_strided_slice %parallel_loop3A_141 {offsets = [14], sizes = [1], strides = [1]} : vector<16xf32> to vector<1xf32>
        %parallel_loop3A_1851 = vector.extract %parallel_loop3A_1850[0] : f32 from vector<1xf32>
        %parallel_loop3A_1852 = arith.constant 400 : i32
        %parallel_loop3A_1853 = arith.muli %and3A_76, %parallel_loop3A_1852 : i32
        %parallel_loop3A_1854 = arith.constant 16 : i32
        %parallel_loop3A_1855 = arith.muli %parallel_loop3A_133, %parallel_loop3A_1854 : i32
        %parallel_loop3A_1856 = arith.addi %parallel_loop3A_1853, %parallel_loop3A_1855 : i32
        %parallel_loop3A_1857 = arith.constant 14 : i32
        %parallel_loop3A_1858 = arith.addi %parallel_loop3A_1856, %parallel_loop3A_1857 : i32
        %parallel_loop3A_1859 = arith.index_cast %parallel_loop3A_1858 : i32 to index
        %parallel_loop3A_1860 = arith.constant 0 : index
        %parallel_loop3A_1861 = tpu.vector_load %arg8[%parallel_loop3A_1859, %parallel_loop3A_1860] {strides = array<i32>} : memref<800x128xf32, #tpu.memory_space<vmem>>, vector<16xf32>,
        %parallel_loop3A_1862 = vector.broadcast %parallel_loop3A_1851 : f32 to vector<16xf32>
        %parallel_loop3A_1863 = arith.mulf %parallel_loop3A_1861, %parallel_loop3A_1862 : vector<16xf32>
        %parallel_loop3A_1864 = arith.index_cast %parallel_loop3A_1858 : i32 to index
        %parallel_loop3A_1865 = arith.constant 0 : index
        %parallel_loop3A_1866 = tpu.vector_load %arg8[%parallel_loop3A_1864, %parallel_loop3A_1865] {strides = array<i32>} : memref<800x128xf32, #tpu.memory_space<vmem>>, vector<16xf32>,
        tpu.vector_store %arg8[%parallel_loop3A_1864, %parallel_loop3A_1865], %parallel_loop3A_1863 {strides = array<i32>} : memref<800x128xf32, #tpu.memory_space<vmem>>, vector<16xf32>,
        %parallel_loop3A_1867 = arith.constant 400 : i32
        %parallel_loop3A_1868 = arith.muli %and3A_76, %parallel_loop3A_1867 : i32
        %parallel_loop3A_1869 = arith.constant 16 : i32
        %parallel_loop3A_1870 = arith.muli %parallel_loop3A_133, %parallel_loop3A_1869 : i32
        %parallel_loop3A_1871 = arith.addi %parallel_loop3A_1868, %parallel_loop3A_1870 : i32
        %parallel_loop3A_1872 = arith.constant 14 : i32
        %parallel_loop3A_1873 = arith.addi %parallel_loop3A_1871, %parallel_loop3A_1872 : i32
        %parallel_loop3A_1874 = arith.index_cast %parallel_loop3A_1873 : i32 to index
        %parallel_loop3A_1875 = arith.constant 16 : index
        %parallel_loop3A_1876 = tpu.vector_load %arg8[%parallel_loop3A_1874, %parallel_loop3A_1875] {strides = array<i32>} : memref<800x128xf32, #tpu.memory_space<vmem>>, vector<16xf32>,
        %parallel_loop3A_1877 = vector.broadcast %parallel_loop3A_1851 : f32 to vector<16xf32>
        %parallel_loop3A_1878 = arith.mulf %parallel_loop3A_1876, %parallel_loop3A_1877 : vector<16xf32>
        %parallel_loop3A_1879 = arith.index_cast %parallel_loop3A_1873 : i32 to index
        %parallel_loop3A_1880 = arith.constant 16 : index
        %parallel_loop3A_1881 = tpu.vector_load %arg8[%parallel_loop3A_1879, %parallel_loop3A_1880] {strides = array<i32>} : memref<800x128xf32, #tpu.memory_space<vmem>>, vector<16xf32>,
        tpu.vector_store %arg8[%parallel_loop3A_1879, %parallel_loop3A_1880], %parallel_loop3A_1878 {strides = array<i32>} : memref<800x128xf32, #tpu.memory_space<vmem>>, vector<16xf32>,
        %parallel_loop3A_1882 = arith.constant 400 : i32
        %parallel_loop3A_1883 = arith.muli %and3A_76, %parallel_loop3A_1882 : i32
        %parallel_loop3A_1884 = arith.constant 16 : i32
        %parallel_loop3A_1885 = arith.muli %parallel_loop3A_133, %parallel_loop3A_1884 : i32
        %parallel_loop3A_1886 = arith.addi %parallel_loop3A_1883, %parallel_loop3A_1885 : i32
        %parallel_loop3A_1887 = arith.constant 14 : i32
        %parallel_loop3A_1888 = arith.addi %parallel_loop3A_1886, %parallel_loop3A_1887 : i32
        %parallel_loop3A_1889 = arith.index_cast %parallel_loop3A_1888 : i32 to index
        %parallel_loop3A_1890 = arith.constant 32 : index
        %parallel_loop3A_1891 = tpu.vector_load %arg8[%parallel_loop3A_1889, %parallel_loop3A_1890] {strides = array<i32>} : memref<800x128xf32, #tpu.memory_space<vmem>>, vector<16xf32>,
        %parallel_loop3A_1892 = vector.broadcast %parallel_loop3A_1851 : f32 to vector<16xf32>
        %parallel_loop3A_1893 = arith.mulf %parallel_loop3A_1891, %parallel_loop3A_1892 : vector<16xf32>
        %parallel_loop3A_1894 = arith.index_cast %parallel_loop3A_1888 : i32 to index
        %parallel_loop3A_1895 = arith.constant 32 : index
        %parallel_loop3A_1896 = tpu.vector_load %arg8[%parallel_loop3A_1894, %parallel_loop3A_1895] {strides = array<i32>} : memref<800x128xf32, #tpu.memory_space<vmem>>, vector<16xf32>,
        tpu.vector_store %arg8[%parallel_loop3A_1894, %parallel_loop3A_1895], %parallel_loop3A_1893 {strides = array<i32>} : memref<800x128xf32, #tpu.memory_space<vmem>>, vector<16xf32>,
        %parallel_loop3A_1897 = arith.constant 400 : i32
        %parallel_loop3A_1898 = arith.muli %and3A_76, %parallel_loop3A_1897 : i32
        %parallel_loop3A_1899 = arith.constant 16 : i32
        %parallel_loop3A_1900 = arith.muli %parallel_loop3A_133, %parallel_loop3A_1899 : i32
        %parallel_loop3A_1901 = arith.addi %parallel_loop3A_1898, %parallel_loop3A_1900 : i32
        %parallel_loop3A_1902 = arith.constant 14 : i32
        %parallel_loop3A_1903 = arith.addi %parallel_loop3A_1901, %parallel_loop3A_1902 : i32
        %parallel_loop3A_1904 = arith.index_cast %parallel_loop3A_1903 : i32 to index
        %parallel_loop3A_1905 = arith.constant 48 : index
        %parallel_loop3A_1906 = tpu.vector_load %arg8[%parallel_loop3A_1904, %parallel_loop3A_1905] {strides = array<i32>} : memref<800x128xf32, #tpu.memory_space<vmem>>, vector<16xf32>,
        %parallel_loop3A_1907 = vector.broadcast %parallel_loop3A_1851 : f32 to vector<16xf32>
        %parallel_loop3A_1908 = arith.mulf %parallel_loop3A_1906, %parallel_loop3A_1907 : vector<16xf32>
        %parallel_loop3A_1909 = arith.index_cast %parallel_loop3A_1903 : i32 to index
        %parallel_loop3A_1910 = arith.constant 48 : index
        %parallel_loop3A_1911 = tpu.vector_load %arg8[%parallel_loop3A_1909, %parallel_loop3A_1910] {strides = array<i32>} : memref<800x128xf32, #tpu.memory_space<vmem>>, vector<16xf32>,
        tpu.vector_store %arg8[%parallel_loop3A_1909, %parallel_loop3A_1910], %parallel_loop3A_1908 {strides = array<i32>} : memref<800x128xf32, #tpu.memory_space<vmem>>, vector<16xf32>,
        %parallel_loop3A_1912 = arith.constant 400 : i32
        %parallel_loop3A_1913 = arith.muli %and3A_76, %parallel_loop3A_1912 : i32
        %parallel_loop3A_1914 = arith.constant 16 : i32
        %parallel_loop3A_1915 = arith.muli %parallel_loop3A_133, %parallel_loop3A_1914 : i32
        %parallel_loop3A_1916 = arith.addi %parallel_loop3A_1913, %parallel_loop3A_1915 : i32
        %parallel_loop3A_1917 = arith.constant 14 : i32
        %parallel_loop3A_1918 = arith.addi %parallel_loop3A_1916, %parallel_loop3A_1917 : i32
        %parallel_loop3A_1919 = arith.index_cast %parallel_loop3A_1918 : i32 to index
        %parallel_loop3A_1920 = arith.constant 64 : index
        %parallel_loop3A_1921 = tpu.vector_load %arg8[%parallel_loop3A_1919, %parallel_loop3A_1920] {strides = array<i32>} : memref<800x128xf32, #tpu.memory_space<vmem>>, vector<16xf32>,
        %parallel_loop3A_1922 = vector.broadcast %parallel_loop3A_1851 : f32 to vector<16xf32>
        %parallel_loop3A_1923 = arith.mulf %parallel_loop3A_1921, %parallel_loop3A_1922 : vector<16xf32>
        %parallel_loop3A_1924 = arith.index_cast %parallel_loop3A_1918 : i32 to index
        %parallel_loop3A_1925 = arith.constant 64 : index
        %parallel_loop3A_1926 = tpu.vector_load %arg8[%parallel_loop3A_1924, %parallel_loop3A_1925] {strides = array<i32>} : memref<800x128xf32, #tpu.memory_space<vmem>>, vector<16xf32>,
        tpu.vector_store %arg8[%parallel_loop3A_1924, %parallel_loop3A_1925], %parallel_loop3A_1923 {strides = array<i32>} : memref<800x128xf32, #tpu.memory_space<vmem>>, vector<16xf32>,
        %parallel_loop3A_1927 = arith.constant 400 : i32
        %parallel_loop3A_1928 = arith.muli %and3A_76, %parallel_loop3A_1927 : i32
        %parallel_loop3A_1929 = arith.constant 16 : i32
        %parallel_loop3A_1930 = arith.muli %parallel_loop3A_133, %parallel_loop3A_1929 : i32
        %parallel_loop3A_1931 = arith.addi %parallel_loop3A_1928, %parallel_loop3A_1930 : i32
        %parallel_loop3A_1932 = arith.constant 14 : i32
        %parallel_loop3A_1933 = arith.addi %parallel_loop3A_1931, %parallel_loop3A_1932 : i32
        %parallel_loop3A_1934 = arith.index_cast %parallel_loop3A_1933 : i32 to index
        %parallel_loop3A_1935 = arith.constant 80 : index
        %parallel_loop3A_1936 = tpu.vector_load %arg8[%parallel_loop3A_1934, %parallel_loop3A_1935] {strides = array<i32>} : memref<800x128xf32, #tpu.memory_space<vmem>>, vector<16xf32>,
        %parallel_loop3A_1937 = vector.broadcast %parallel_loop3A_1851 : f32 to vector<16xf32>
        %parallel_loop3A_1938 = arith.mulf %parallel_loop3A_1936, %parallel_loop3A_1937 : vector<16xf32>
        %parallel_loop3A_1939 = arith.index_cast %parallel_loop3A_1933 : i32 to index
        %parallel_loop3A_1940 = arith.constant 80 : index
        %parallel_loop3A_1941 = tpu.vector_load %arg8[%parallel_loop3A_1939, %parallel_loop3A_1940] {strides = array<i32>} : memref<800x128xf32, #tpu.memory_space<vmem>>, vector<16xf32>,
        tpu.vector_store %arg8[%parallel_loop3A_1939, %parallel_loop3A_1940], %parallel_loop3A_1938 {strides = array<i32>} : memref<800x128xf32, #tpu.memory_space<vmem>>, vector<16xf32>,
        %parallel_loop3A_1942 = arith.constant 400 : i32
        %parallel_loop3A_1943 = arith.muli %and3A_76, %parallel_loop3A_1942 : i32
        %parallel_loop3A_1944 = arith.constant 16 : i32
        %parallel_loop3A_1945 = arith.muli %parallel_loop3A_133, %parallel_loop3A_1944 : i32
        %parallel_loop3A_1946 = arith.addi %parallel_loop3A_1943, %parallel_loop3A_1945 : i32
        %parallel_loop3A_1947 = arith.constant 14 : i32
        %parallel_loop3A_1948 = arith.addi %parallel_loop3A_1946, %parallel_loop3A_1947 : i32
        %parallel_loop3A_1949 = arith.index_cast %parallel_loop3A_1948 : i32 to index
        %parallel_loop3A_1950 = arith.constant 96 : index
        %parallel_loop3A_1951 = tpu.vector_load %arg8[%parallel_loop3A_1949, %parallel_loop3A_1950] {strides = array<i32>} : memref<800x128xf32, #tpu.memory_space<vmem>>, vector<16xf32>,
        %parallel_loop3A_1952 = vector.broadcast %parallel_loop3A_1851 : f32 to vector<16xf32>
        %parallel_loop3A_1953 = arith.mulf %parallel_loop3A_1951, %parallel_loop3A_1952 : vector<16xf32>
        %parallel_loop3A_1954 = arith.index_cast %parallel_loop3A_1948 : i32 to index
        %parallel_loop3A_1955 = arith.constant 96 : index
        %parallel_loop3A_1956 = tpu.vector_load %arg8[%parallel_loop3A_1954, %parallel_loop3A_1955] {strides = array<i32>} : memref<800x128xf32, #tpu.memory_space<vmem>>, vector<16xf32>,
        tpu.vector_store %arg8[%parallel_loop3A_1954, %parallel_loop3A_1955], %parallel_loop3A_1953 {strides = array<i32>} : memref<800x128xf32, #tpu.memory_space<vmem>>, vector<16xf32>,
        %parallel_loop3A_1957 = arith.constant 400 : i32
        %parallel_loop3A_1958 = arith.muli %and3A_76, %parallel_loop3A_1957 : i32
        %parallel_loop3A_1959 = arith.constant 16 : i32
        %parallel_loop3A_1960 = arith.muli %parallel_loop3A_133, %parallel_loop3A_1959 : i32
        %parallel_loop3A_1961 = arith.addi %parallel_loop3A_1958, %parallel_loop3A_1960 : i32
        %parallel_loop3A_1962 = arith.constant 14 : i32
        %parallel_loop3A_1963 = arith.addi %parallel_loop3A_1961, %parallel_loop3A_1962 : i32
        %parallel_loop3A_1964 = arith.index_cast %parallel_loop3A_1963 : i32 to index
        %parallel_loop3A_1965 = arith.constant 112 : index
        %parallel_loop3A_1966 = tpu.vector_load %arg8[%parallel_loop3A_1964, %parallel_loop3A_1965] {strides = array<i32>} : memref<800x128xf32, #tpu.memory_space<vmem>>, vector<16xf32>,
        %parallel_loop3A_1967 = vector.broadcast %parallel_loop3A_1851 : f32 to vector<16xf32>
        %parallel_loop3A_1968 = arith.mulf %parallel_loop3A_1966, %parallel_loop3A_1967 : vector<16xf32>
        %parallel_loop3A_1969 = arith.index_cast %parallel_loop3A_1963 : i32 to index
        %parallel_loop3A_1970 = arith.constant 112 : index
        %parallel_loop3A_1971 = tpu.vector_load %arg8[%parallel_loop3A_1969, %parallel_loop3A_1970] {strides = array<i32>} : memref<800x128xf32, #tpu.memory_space<vmem>>, vector<16xf32>,
        tpu.vector_store %arg8[%parallel_loop3A_1969, %parallel_loop3A_1970], %parallel_loop3A_1968 {strides = array<i32>} : memref<800x128xf32, #tpu.memory_space<vmem>>, vector<16xf32>,
        %parallel_loop3A_1972 = vector.extract_strided_slice %parallel_loop3A_141 {offsets = [15], sizes = [1], strides = [1]} : vector<16xf32> to vector<1xf32>
        %parallel_loop3A_1973 = vector.extract %parallel_loop3A_1972[0] : f32 from vector<1xf32>
        %parallel_loop3A_1974 = arith.constant 400 : i32
        %parallel_loop3A_1975 = arith.muli %and3A_76, %parallel_loop3A_1974 : i32
        %parallel_loop3A_1976 = arith.constant 16 : i32
        %parallel_loop3A_1977 = arith.muli %parallel_loop3A_133, %parallel_loop3A_1976 : i32
        %parallel_loop3A_1978 = arith.addi %parallel_loop3A_1975, %parallel_loop3A_1977 : i32
        %parallel_loop3A_1979 = arith.constant 15 : i32
        %parallel_loop3A_1980 = arith.addi %parallel_loop3A_1978, %parallel_loop3A_1979 : i32
        %parallel_loop3A_1981 = arith.index_cast %parallel_loop3A_1980 : i32 to index
        %parallel_loop3A_1982 = arith.constant 0 : index
        %parallel_loop3A_1983 = tpu.vector_load %arg8[%parallel_loop3A_1981, %parallel_loop3A_1982] {strides = array<i32>} : memref<800x128xf32, #tpu.memory_space<vmem>>, vector<16xf32>,
        %parallel_loop3A_1984 = vector.broadcast %parallel_loop3A_1973 : f32 to vector<16xf32>
        %parallel_loop3A_1985 = arith.mulf %parallel_loop3A_1983, %parallel_loop3A_1984 : vector<16xf32>
        %parallel_loop3A_1986 = arith.index_cast %parallel_loop3A_1980 : i32 to index
        %parallel_loop3A_1987 = arith.constant 0 : index
        %parallel_loop3A_1988 = tpu.vector_load %arg8[%parallel_loop3A_1986, %parallel_loop3A_1987] {strides = array<i32>} : memref<800x128xf32, #tpu.memory_space<vmem>>, vector<16xf32>,
        tpu.vector_store %arg8[%parallel_loop3A_1986, %parallel_loop3A_1987], %parallel_loop3A_1985 {strides = array<i32>} : memref<800x128xf32, #tpu.memory_space<vmem>>, vector<16xf32>,
        %parallel_loop3A_1989 = arith.constant 400 : i32
        %parallel_loop3A_1990 = arith.muli %and3A_76, %parallel_loop3A_1989 : i32
        %parallel_loop3A_1991 = arith.constant 16 : i32
        %parallel_loop3A_1992 = arith.muli %parallel_loop3A_133, %parallel_loop3A_1991 : i32
        %parallel_loop3A_1993 = arith.addi %parallel_loop3A_1990, %parallel_loop3A_1992 : i32
        %parallel_loop3A_1994 = arith.constant 15 : i32
        %parallel_loop3A_1995 = arith.addi %parallel_loop3A_1993, %parallel_loop3A_1994 : i32
        %parallel_loop3A_1996 = arith.index_cast %parallel_loop3A_1995 : i32 to index
        %parallel_loop3A_1997 = arith.constant 16 : index
        %parallel_loop3A_1998 = tpu.vector_load %arg8[%parallel_loop3A_1996, %parallel_loop3A_1997] {strides = array<i32>} : memref<800x128xf32, #tpu.memory_space<vmem>>, vector<16xf32>,
        %parallel_loop3A_1999 = vector.broadcast %parallel_loop3A_1973 : f32 to vector<16xf32>
        %parallel_loop3A_2000 = arith.mulf %parallel_loop3A_1998, %parallel_loop3A_1999 : vector<16xf32>
        %parallel_loop3A_2001 = arith.index_cast %parallel_loop3A_1995 : i32 to index
        %parallel_loop3A_2002 = arith.constant 16 : index
        %parallel_loop3A_2003 = tpu.vector_load %arg8[%parallel_loop3A_2001, %parallel_loop3A_2002] {strides = array<i32>} : memref<800x128xf32, #tpu.memory_space<vmem>>, vector<16xf32>,
        tpu.vector_store %arg8[%parallel_loop3A_2001, %parallel_loop3A_2002], %parallel_loop3A_2000 {strides = array<i32>} : memref<800x128xf32, #tpu.memory_space<vmem>>, vector<16xf32>,
        %parallel_loop3A_2004 = arith.constant 400 : i32
        %parallel_loop3A_2005 = arith.muli %and3A_76, %parallel_loop3A_2004 : i32
        %parallel_loop3A_2006 = arith.constant 16 : i32
        %parallel_loop3A_2007 = arith.muli %parallel_loop3A_133, %parallel_loop3A_2006 : i32
        %parallel_loop3A_2008 = arith.addi %parallel_loop3A_2005, %parallel_loop3A_2007 : i32
        %parallel_loop3A_2009 = arith.constant 15 : i32
        %parallel_loop3A_2010 = arith.addi %parallel_loop3A_2008, %parallel_loop3A_2009 : i32
        %parallel_loop3A_2011 = arith.index_cast %parallel_loop3A_2010 : i32 to index
        %parallel_loop3A_2012 = arith.constant 32 : index
        %parallel_loop3A_2013 = tpu.vector_load %arg8[%parallel_loop3A_2011, %parallel_loop3A_2012] {strides = array<i32>} : memref<800x128xf32, #tpu.memory_space<vmem>>, vector<16xf32>,
        %parallel_loop3A_2014 = vector.broadcast %parallel_loop3A_1973 : f32 to vector<16xf32>
        %parallel_loop3A_2015 = arith.mulf %parallel_loop3A_2013, %parallel_loop3A_2014 : vector<16xf32>
        %parallel_loop3A_2016 = arith.index_cast %parallel_loop3A_2010 : i32 to index
        %parallel_loop3A_2017 = arith.constant 32 : index
        %parallel_loop3A_2018 = tpu.vector_load %arg8[%parallel_loop3A_2016, %parallel_loop3A_2017] {strides = array<i32>} : memref<800x128xf32, #tpu.memory_space<vmem>>, vector<16xf32>,
        tpu.vector_store %arg8[%parallel_loop3A_2016, %parallel_loop3A_2017], %parallel_loop3A_2015 {strides = array<i32>} : memref<800x128xf32, #tpu.memory_space<vmem>>, vector<16xf32>,
        %parallel_loop3A_2019 = arith.constant 400 : i32
        %parallel_loop3A_2020 = arith.muli %and3A_76, %parallel_loop3A_2019 : i32
        %parallel_loop3A_2021 = arith.constant 16 : i32
        %parallel_loop3A_2022 = arith.muli %parallel_loop3A_133, %parallel_loop3A_2021 : i32
        %parallel_loop3A_2023 = arith.addi %parallel_loop3A_2020, %parallel_loop3A_2022 : i32
        %parallel_loop3A_2024 = arith.constant 15 : i32
        %parallel_loop3A_2025 = arith.addi %parallel_loop3A_2023, %parallel_loop3A_2024 : i32
        %parallel_loop3A_2026 = arith.index_cast %parallel_loop3A_2025 : i32 to index
        %parallel_loop3A_2027 = arith.constant 48 : index
        %parallel_loop3A_2028 = tpu.vector_load %arg8[%parallel_loop3A_2026, %parallel_loop3A_2027] {strides = array<i32>} : memref<800x128xf32, #tpu.memory_space<vmem>>, vector<16xf32>,
        %parallel_loop3A_2029 = vector.broadcast %parallel_loop3A_1973 : f32 to vector<16xf32>
        %parallel_loop3A_2030 = arith.mulf %parallel_loop3A_2028, %parallel_loop3A_2029 : vector<16xf32>
        %parallel_loop3A_2031 = arith.index_cast %parallel_loop3A_2025 : i32 to index
        %parallel_loop3A_2032 = arith.constant 48 : index
        %parallel_loop3A_2033 = tpu.vector_load %arg8[%parallel_loop3A_2031, %parallel_loop3A_2032] {strides = array<i32>} : memref<800x128xf32, #tpu.memory_space<vmem>>, vector<16xf32>,
        tpu.vector_store %arg8[%parallel_loop3A_2031, %parallel_loop3A_2032], %parallel_loop3A_2030 {strides = array<i32>} : memref<800x128xf32, #tpu.memory_space<vmem>>, vector<16xf32>,
        %parallel_loop3A_2034 = arith.constant 400 : i32
        %parallel_loop3A_2035 = arith.muli %and3A_76, %parallel_loop3A_2034 : i32
        %parallel_loop3A_2036 = arith.constant 16 : i32
        %parallel_loop3A_2037 = arith.muli %parallel_loop3A_133, %parallel_loop3A_2036 : i32
        %parallel_loop3A_2038 = arith.addi %parallel_loop3A_2035, %parallel_loop3A_2037 : i32
        %parallel_loop3A_2039 = arith.constant 15 : i32
        %parallel_loop3A_2040 = arith.addi %parallel_loop3A_2038, %parallel_loop3A_2039 : i32
        %parallel_loop3A_2041 = arith.index_cast %parallel_loop3A_2040 : i32 to index
        %parallel_loop3A_2042 = arith.constant 64 : index
        %parallel_loop3A_2043 = tpu.vector_load %arg8[%parallel_loop3A_2041, %parallel_loop3A_2042] {strides = array<i32>} : memref<800x128xf32, #tpu.memory_space<vmem>>, vector<16xf32>,
        %parallel_loop3A_2044 = vector.broadcast %parallel_loop3A_1973 : f32 to vector<16xf32>
        %parallel_loop3A_2045 = arith.mulf %parallel_loop3A_2043, %parallel_loop3A_2044 : vector<16xf32>
        %parallel_loop3A_2046 = arith.index_cast %parallel_loop3A_2040 : i32 to index
        %parallel_loop3A_2047 = arith.constant 64 : index
        %parallel_loop3A_2048 = tpu.vector_load %arg8[%parallel_loop3A_2046, %parallel_loop3A_2047] {strides = array<i32>} : memref<800x128xf32, #tpu.memory_space<vmem>>, vector<16xf32>,
        tpu.vector_store %arg8[%parallel_loop3A_2046, %parallel_loop3A_2047], %parallel_loop3A_2045 {strides = array<i32>} : memref<800x128xf32, #tpu.memory_space<vmem>>, vector<16xf32>,
        %parallel_loop3A_2049 = arith.constant 400 : i32
        %parallel_loop3A_2050 = arith.muli %and3A_76, %parallel_loop3A_2049 : i32
        %parallel_loop3A_2051 = arith.constant 16 : i32
        %parallel_loop3A_2052 = arith.muli %parallel_loop3A_133, %parallel_loop3A_2051 : i32
        %parallel_loop3A_2053 = arith.addi %parallel_loop3A_2050, %parallel_loop3A_2052 : i32
        %parallel_loop3A_2054 = arith.constant 15 : i32
        %parallel_loop3A_2055 = arith.addi %parallel_loop3A_2053, %parallel_loop3A_2054 : i32
        %parallel_loop3A_2056 = arith.index_cast %parallel_loop3A_2055 : i32 to index
        %parallel_loop3A_2057 = arith.constant 80 : index
        %parallel_loop3A_2058 = tpu.vector_load %arg8[%parallel_loop3A_2056, %parallel_loop3A_2057] {strides = array<i32>} : memref<800x128xf32, #tpu.memory_space<vmem>>, vector<16xf32>,
        %parallel_loop3A_2059 = vector.broadcast %parallel_loop3A_1973 : f32 to vector<16xf32>
        %parallel_loop3A_2060 = arith.mulf %parallel_loop3A_2058, %parallel_loop3A_2059 : vector<16xf32>
        %parallel_loop3A_2061 = arith.index_cast %parallel_loop3A_2055 : i32 to index
        %parallel_loop3A_2062 = arith.constant 80 : index
        %parallel_loop3A_2063 = tpu.vector_load %arg8[%parallel_loop3A_2061, %parallel_loop3A_2062] {strides = array<i32>} : memref<800x128xf32, #tpu.memory_space<vmem>>, vector<16xf32>,
        tpu.vector_store %arg8[%parallel_loop3A_2061, %parallel_loop3A_2062], %parallel_loop3A_2060 {strides = array<i32>} : memref<800x128xf32, #tpu.memory_space<vmem>>, vector<16xf32>,
        %parallel_loop3A_2064 = arith.constant 400 : i32
        %parallel_loop3A_2065 = arith.muli %and3A_76, %parallel_loop3A_2064 : i32
        %parallel_loop3A_2066 = arith.constant 16 : i32
        %parallel_loop3A_2067 = arith.muli %parallel_loop3A_133, %parallel_loop3A_2066 : i32
        %parallel_loop3A_2068 = arith.addi %parallel_loop3A_2065, %parallel_loop3A_2067 : i32
        %parallel_loop3A_2069 = arith.constant 15 : i32
        %parallel_loop3A_2070 = arith.addi %parallel_loop3A_2068, %parallel_loop3A_2069 : i32
        %parallel_loop3A_2071 = arith.index_cast %parallel_loop3A_2070 : i32 to index
        %parallel_loop3A_2072 = arith.constant 96 : index
        %parallel_loop3A_2073 = tpu.vector_load %arg8[%parallel_loop3A_2071, %parallel_loop3A_2072] {strides = array<i32>} : memref<800x128xf32, #tpu.memory_space<vmem>>, vector<16xf32>,
        %parallel_loop3A_2074 = vector.broadcast %parallel_loop3A_1973 : f32 to vector<16xf32>
        %parallel_loop3A_2075 = arith.mulf %parallel_loop3A_2073, %parallel_loop3A_2074 : vector<16xf32>
        %parallel_loop3A_2076 = arith.index_cast %parallel_loop3A_2070 : i32 to index
        %parallel_loop3A_2077 = arith.constant 96 : index
        %parallel_loop3A_2078 = tpu.vector_load %arg8[%parallel_loop3A_2076, %parallel_loop3A_2077] {strides = array<i32>} : memref<800x128xf32, #tpu.memory_space<vmem>>, vector<16xf32>,
        tpu.vector_store %arg8[%parallel_loop3A_2076, %parallel_loop3A_2077], %parallel_loop3A_2075 {strides = array<i32>} : memref<800x128xf32, #tpu.memory_space<vmem>>, vector<16xf32>,
        %parallel_loop3A_2079 = arith.constant 400 : i32
        %parallel_loop3A_2080 = arith.muli %and3A_76, %parallel_loop3A_2079 : i32
        %parallel_loop3A_2081 = arith.constant 16 : i32
        %parallel_loop3A_2082 = arith.muli %parallel_loop3A_133, %parallel_loop3A_2081 : i32
        %parallel_loop3A_2083 = arith.addi %parallel_loop3A_2080, %parallel_loop3A_2082 : i32
        %parallel_loop3A_2084 = arith.constant 15 : i32
        %parallel_loop3A_2085 = arith.addi %parallel_loop3A_2083, %parallel_loop3A_2084 : i32
        %parallel_loop3A_2086 = arith.index_cast %parallel_loop3A_2085 : i32 to index
        %parallel_loop3A_2087 = arith.constant 112 : index
        %parallel_loop3A_2088 = tpu.vector_load %arg8[%parallel_loop3A_2086, %parallel_loop3A_2087] {strides = array<i32>} : memref<800x128xf32, #tpu.memory_space<vmem>>, vector<16xf32>,
        %parallel_loop3A_2089 = vector.broadcast %parallel_loop3A_1973 : f32 to vector<16xf32>
        %parallel_loop3A_2090 = arith.mulf %parallel_loop3A_2088, %parallel_loop3A_2089 : vector<16xf32>
        %parallel_loop3A_2091 = arith.index_cast %parallel_loop3A_2085 : i32 to index
        %parallel_loop3A_2092 = arith.constant 112 : index
        %parallel_loop3A_2093 = tpu.vector_load %arg8[%parallel_loop3A_2091, %parallel_loop3A_2092] {strides = array<i32>} : memref<800x128xf32, #tpu.memory_space<vmem>>, vector<16xf32>,
        tpu.vector_store %arg8[%parallel_loop3A_2091, %parallel_loop3A_2092], %parallel_loop3A_2090 {strides = array<i32>} : memref<800x128xf32, #tpu.memory_space<vmem>>, vector<16xf32>,
      } {sc.loop_unroll_factor = 1 : i64, sc.parallel_access}
      %mul3A_115 = arith.constant 400 : i32
      %mul3A_116 = arith.muli %and3A_76, %mul3A_115 : i32
      %mul3A_117 = arith.constant 32 : i32
      %mul3A_118 = arith.muli %while3A_74, %mul3A_117 : i32
      %add3A_119 = arith.addi %mul3A_118, %add3A : i32
      %mul3A_120 = arith.constant 400 : i32
      %mul3A_121 = arith.muli %add3A_119, %mul3A_120 : i32
      %dma_start3A_122 = arith.constant 0 : i32
      %dma_start3A_123 = tpu.memref_slice %arg8[%mul3A_116, %dma_start3A_122] : memref<800x128xf32, #tpu.memory_space<vmem>> -> memref<400x128xf32, #tpu.memory_space<vmem>>
      %dma_start3A_124 = arith.constant 0 : i32
      %dma_start3A_125 = tpu.memref_slice %arg5[%mul3A_121, %dma_start3A_124] : memref<100000x128xf32, #tpu.memory_space<hbm>> -> memref<400x128xf32, #tpu.memory_space<hbm>>
      %dma_start3A_126 = tpu.memref_slice %arg11[%and3A_76] : memref<2x!tpu.dma_semaphore, #tpu.memory_space<semaphore_mem>> -> memref<1x!tpu.dma_semaphore, #tpu.memory_space<semaphore_mem>>
      %dma_start3A_127 = tpu.memref_squeeze %dma_start3A_126 : memref<1x!tpu.dma_semaphore, #tpu.memory_space<semaphore_mem>> -> memref<!tpu.dma_semaphore, #tpu.memory_space<semaphore_mem>>
      %dma_start3A_128 = arith.constant 0 : i32
      %dma_start3A_129 = tpu.memref_slice %arg5[%mul3A_121, %dma_start3A_128] : memref<100000x128xf32, #tpu.memory_space<hbm>> -> memref<400x128xf32, #tpu.memory_space<hbm>>
      %dma_start3A_130 = arith.constant 0 : i32
      %dma_start3A_131 = tpu.memref_slice %arg8[%mul3A_116, %dma_start3A_130] : memref<800x128xf32, #tpu.memory_space<vmem>> -> memref<400x128xf32, #tpu.memory_space<vmem>>
      tpu.enqueue_dma source(%dma_start3A_131 : memref<400x128xf32, #tpu.memory_space<vmem>>) target(%dma_start3A_129 : memref<400x128xf32, #tpu.memory_space<hbm>>) target_semaphore(%dma_start3A_127 : memref<!tpu.dma_semaphore, #tpu.memory_space<semaphore_mem>>)
      %while3A_132 = arith.constant 0 : i32
      scf.yield %while3A_132 : i32
    }
    %dma_wait3A = arith.constant 0 : i32
    %dma_wait3A_45 = arith.constant 0 : i32
    %dma_wait3A_46 = arith.constant 0 : i32
    %dma_wait3A_47 = tpu.memref_slice %arg8[%dma_wait3A_45, %dma_wait3A_46] : memref<800x128xf32, #tpu.memory_space<vmem>> -> memref<400x128xf32, #tpu.memory_space<vmem>>
    %dma_wait3A_48 = arith.constant 0 : i32
    %dma_wait3A_49 = arith.constant 0 : i32
    %dma_wait3A_50 = tpu.memref_slice %arg5[%dma_wait3A_48, %dma_wait3A_49] : memref<100000x128xf32, #tpu.memory_space<hbm>> -> memref<400x128xf32, #tpu.memory_space<hbm>>
    %dma_wait3A_51 = tpu.memref_slice %arg11[%dma_wait3A] : memref<2x!tpu.dma_semaphore, #tpu.memory_space<semaphore_mem>> -> memref<1x!tpu.dma_semaphore, #tpu.memory_space<semaphore_mem>>
    %dma_wait3A_52 = tpu.memref_squeeze %dma_wait3A_51 : memref<1x!tpu.dma_semaphore, #tpu.memory_space<semaphore_mem>> -> memref<!tpu.dma_semaphore, #tpu.memory_space<semaphore_mem>>
    %dma_wait3A_53 = arith.constant 0 : i32
    %dma_wait3A_54 = arith.constant 0 : i32
    %dma_wait3A_55 = tpu.memref_slice %arg5[%dma_wait3A_53, %dma_wait3A_54] : memref<100000x128xf32, #tpu.memory_space<hbm>> -> memref<400x128xf32, #tpu.memory_space<hbm>>
    %dma_wait3A_56 = arith.constant 0 : i32
    %dma_wait3A_57 = arith.constant 0 : i32
    %dma_wait3A_58 = tpu.memref_slice %arg8[%dma_wait3A_56, %dma_wait3A_57] : memref<800x128xf32, #tpu.memory_space<vmem>> -> memref<400x128xf32, #tpu.memory_space<vmem>>
    tpu.wait_dma2 semaphore(%dma_wait3A_52 : memref<!tpu.dma_semaphore, #tpu.memory_space<semaphore_mem>>) src(%dma_wait3A_58 : memref<400x128xf32, #tpu.memory_space<vmem>>) dst(%dma_wait3A_55 : memref<400x128xf32, #tpu.memory_space<hbm>>)
    %dma_wait3A_59 = arith.constant 1 : i32
    %dma_wait3A_60 = arith.constant 400 : i32
    %dma_wait3A_61 = arith.constant 0 : i32
    %dma_wait3A_62 = tpu.memref_slice %arg8[%dma_wait3A_60, %dma_wait3A_61] : memref<800x128xf32, #tpu.memory_space<vmem>> -> memref<400x128xf32, #tpu.memory_space<vmem>>
    %dma_wait3A_63 = arith.constant 0 : i32
    %dma_wait3A_64 = arith.constant 0 : i32
    %dma_wait3A_65 = tpu.memref_slice %arg5[%dma_wait3A_63, %dma_wait3A_64] : memref<100000x128xf32, #tpu.memory_space<hbm>> -> memref<400x128xf32, #tpu.memory_space<hbm>>
    %dma_wait3A_66 = tpu.memref_slice %arg11[%dma_wait3A_59] : memref<2x!tpu.dma_semaphore, #tpu.memory_space<semaphore_mem>> -> memref<1x!tpu.dma_semaphore, #tpu.memory_space<semaphore_mem>>
    %dma_wait3A_67 = tpu.memref_squeeze %dma_wait3A_66 : memref<1x!tpu.dma_semaphore, #tpu.memory_space<semaphore_mem>> -> memref<!tpu.dma_semaphore, #tpu.memory_space<semaphore_mem>>
    %dma_wait3A_68 = arith.constant 0 : i32
    %dma_wait3A_69 = arith.constant 0 : i32
    %dma_wait3A_70 = tpu.memref_slice %arg5[%dma_wait3A_68, %dma_wait3A_69] : memref<100000x128xf32, #tpu.memory_space<hbm>> -> memref<400x128xf32, #tpu.memory_space<hbm>>
    %dma_wait3A_71 = arith.constant 400 : i32
    %dma_wait3A_72 = arith.constant 0 : i32
    %dma_wait3A_73 = tpu.memref_slice %arg8[%dma_wait3A_71, %dma_wait3A_72] : memref<800x128xf32, #tpu.memory_space<vmem>> -> memref<400x128xf32, #tpu.memory_space<vmem>>
    tpu.wait_dma2 semaphore(%dma_wait3A_67 : memref<!tpu.dma_semaphore, #tpu.memory_space<semaphore_mem>>) src(%dma_wait3A_73 : memref<400x128xf32, #tpu.memory_space<vmem>>) dst(%dma_wait3A_70 : memref<400x128xf32, #tpu.memory_space<hbm>>)
    return
  }
}

</mosaic_0001>

<sc_bundles>
// kernel: kernel.3.cloned.1.call-start
scs
__scs_entry_jumppad:
0x0: {  	(pc) =	sbr.rel $0x88, $3  }
0x1: {  	(tag) =	ssettag $0x0;
	lr =	simm.s32 $0x1  }
0x2: {  	[smem:$0x3F9F] =	sst lr;
	_ =	strace $0xD0000000  }
0x3: {  	_ = 	snop  }
0x4: {  	_ = 	snop  }
0x5: {  	_ = 	snop  }
0x6: {  	_ = 	snop  }
0x7: {  	_ = 	snop  }
__scs_overlays_trampoline_lowered:
0x8: {  	[smem:$0x3FAE] =	sst s0  }
0x9: {  	[smem:$0x3FAF] =	sst s1  }
0xa: {  	[smem:$0x3FB0] =	sst s2  }
0xb: {  	[smem:$0x3FB1] =	sst s3  }
0xc: {  	[smem:$0x3FB2] =	sst s4  }
0xd: {  	[smem:$0x3FB3] =	sst s5  }
0xe: {  	[smem:$0x3FB4] =	sst s6  }
0xf: {  	[smem:$0x3FB5] =	sst s7  }
0x10: {  	[smem:$0x3FB6] =	sst s8  }
0x11: {  	[smem:$0x3FB7] =	sst s9;
	s0 =	simm.s32 @!p0 $0x0  }
0x12: {  	s1 =	sld [smem:$0x3F9D];
	s0 =	simm.s32 @p0 $0x1  }
0x13: {  	[smem:$0x3FB8] =	sst s0;
	s0 =	simm.s32 @!p1 $0x0  }
0x14: {  	s2 =	sld [smem:$0x3F9C];
	s0 =	simm.s32 @p1 $0x1  }
0x15: {  	[smem:$0x3FB9] =	sst s0;
	s0 =	simm.s32 @!p2 $0x0  }
0x16: {  	s3 =	sld [smem:$0x3FDB];
	s0 =	simm.s32 @p2 $0x1  }
0x17: {  	s4 =	simm.s32 $0x1BF5;
	[smem:$0x3FBB] =	sst s0  }
0x18: {  	s0 =	sld [smem:$0x3F9E];
	_ =	swait.ge [sflag:s4], $0x0  }
0x19: {  	s7 =	sld [smem:$0x3F9F]  }
0x1a: {  	s8 =	sadd.s32 $0xFFFFE003, lr  }
0x1b: {  	s9 =	sadd.s32 $0xFFFFFEF7, lr;
	s5 =	simm.s32 $0xFFFFFFFF;
	p2 =	slt.u32 s8, $0xFFFFF086  }
0x1c: {  	p1 =	slt.u32 s9, $0xF7A;
	s5 =	simm.s32 @!p2 $0x0  }
0x1d: {  	s5 =	simm.s32 @p1 $0x1;
	p0 =	seq.s32 s7, s2  }
0x1e: {  	s7 =	smul.u32 @!p0 $0xF7A, s2;
	p2 =	seq.s32 @!p0 s5, $0x0  }
0x1f: {  	s9 =	smul.u32 $0xF7A, s1;
	s8 =	simm.s32 @!p0 $0x1BF5;
	p2 =	por !p2, p0  }
0x20: {  	[sflag:s8] =	ssyncset.s32 @!p0 $0xFFFFF086;
	s6 =	sadd.s32 @!p0 s3, s7;
	s7 =	simm.s32 @!p0 $0x108  }
0x21: {  	s3 =	sadd.s32 s3, s9;
	s6 =	sadd.s32 @!p0 $0x88, s6;
	s7 =	simm.s32 @p2 $0x1082  }
0x22: {  	[simem:s7], [sflag:s8] =	dma.local @!p0 [hbm:s6], $0xF7A  }
0x23: {  	s9 =	sor.u32 $0xD0000000, s2;
	s6 =	simm.s32 $0x108;
	_ =	swait.ge @!p0 [sflag:s8], $0x0  }
0x24: {  	s3 =	sadd.s32 $0x88, s3;
	s6 =	simm.s32 @!p1 $0x1082;
	[sflag:s4] =	ssyncset.s32 $0xFFFFF086  }
0x25: {  	[simem:s6], [sflag:s4] =	dma.local [hbm:s3], $0xF7A  }
0x26: {  	[smem:$0x3F9F] =	sst s1;
	(tag) =	ssettag s2;
	_ =	strace s9  }
0x27: {  	s1 =	sld [smem:$0x3FAF]  }
0x28: {  	s2 =	sld [smem:$0x3FB0]  }
0x29: {  	s4 =	sld [smem:$0x3FB2]  }
0x2a: {  	p0 =	seq.s32 s5, $0x0;
	s5 =	sld [smem:$0x3FB3]  }
0x2b: {  	s6 =	sld [smem:$0x3FB4]  }
0x2c: {  	s7 =	sld [smem:$0x3FB5]  }
0x2d: {  	s3 =	simm.s32 $0x108;
	s8 =	sld [smem:$0x3FB6]  }
0x2e: {  	s3 =	simm.s32 @!p0 $0x1082;
	s9 =	sld [smem:$0x3FB7]  }
0x2f: {  	lr =	sadd.s32 s0, s3;
	s0 =	sld [smem:$0x3FAE]  }
0x30: {  	s3 =	sld [smem:$0x3FB1]  }
0x31: {  	[smem:$0x3FBA] =	sst s10  }
0x32: {  	s10 =	sld [smem:$0x3FB8];
	_ =	sdelay $0x3  }
0x33: {  	p0 =	seq.s32 s10, $0x1;
	s10 =	sld [smem:$0x3FBA];
	_ =	sdelay $0x3  }
0x34: {  	[smem:$0x3FBA] =	sst s10  }
0x35: {  	s10 =	sld [smem:$0x3FB9];
	_ =	sdelay $0x3  }
0x36: {  	p1 =	seq.s32 s10, $0x1;
	s10 =	sld [smem:$0x3FBA];
	_ =	sdelay $0x3  }
0x37: {  	[smem:$0x3FBA] =	sst s10  }
0x38: {  	s10 =	sld [smem:$0x3FBB]  }
0x39: {  	_ = 	snop;
	(pc) =	sbr.ind lr, $3  }
0x3a: {  	_ = 	snop  }
0x3b: {  	_ = 	snop  }
0x3c: {  	p2 =	seq.s32 s10, $0x1;
	s10 =	sld [smem:$0x3FBA]  }
0x3d: {  	_ =	shalt  }
0x3e: {  	_ =	shalt  }
0x3f: {  	_ =	shalt  }
0x40: {  	_ =	shalt  }
0x41: {  	_ =	shalt  }
0x42: {  	_ =	shalt  }
0x43: {  	_ =	shalt  }
0x44: {  	_ =	shalt  }
0x45: {  	_ =	shalt  }
0x46: {  	_ =	shalt  }
0x47: {  	_ =	shalt  }
0x48: {  	_ =	shalt  }
0x49: {  	_ =	shalt  }
0x4a: {  	_ =	shalt  }
0x4b: {  	_ =	shalt  }
0x4c: {  	_ =	shalt  }
0x4d: {  	_ =	shalt  }
0x4e: {  	_ =	shalt  }
0x4f: {  	_ =	shalt  }
0x50: {  	_ =	shalt  }
0x51: {  	_ =	shalt  }
0x52: {  	_ =	shalt  }
0x53: {  	_ =	shalt  }
0x54: {  	_ =	shalt  }
0x55: {  	_ =	shalt  }
0x56: {  	_ =	shalt  }
0x57: {  	_ =	shalt  }
0x58: {  	_ =	shalt  }
0x59: {  	_ =	shalt  }
0x5a: {  	_ =	shalt  }
0x5b: {  	_ =	shalt  }
0x5c: {  	_ =	shalt  }
0x5d: {  	_ =	shalt  }
0x5e: {  	_ =	shalt  }
0x5f: {  	_ =	shalt  }
0x60: {  	_ =	shalt  }
0x61: {  	_ =	shalt  }
0x62: {  	_ =	shalt  }
0x63: {  	_ =	shalt  }
0x64: {  	_ =	shalt  }
0x65: {  	_ =	shalt  }
0x66: {  	_ =	shalt  }
0x67: {  	_ =	shalt  }
0x68: {  	_ =	shalt  }
0x69: {  	_ =	shalt  }
0x6a: {  	_ =	shalt  }
0x6b: {  	_ =	shalt  }
0x6c: {  	_ =	shalt  }
0x6d: {  	_ =	shalt  }
0x6e: {  	_ =	shalt  }
0x6f: {  	_ =	shalt  }
0x70: {  	_ =	shalt  }
0x71: {  	_ =	shalt  }
0x72: {  	_ =	shalt  }
0x73: {  	_ =	shalt  }
0x74: {  	_ =	shalt  }
0x75: {  	_ =	shalt  }
0x76: {  	_ =	shalt  }
0x77: {  	_ =	shalt  }
0x78: {  	_ =	shalt  }
0x79: {  	_ =	shalt  }
0x7a: {  	_ =	shalt  }
0x7b: {  	_ =	shalt  }
0x7c: {  	_ =	shalt  }
0x7d: {  	_ =	shalt  }
0x7e: {  	_ =	shalt  }
0x7f: {  	_ =	shalt  }
0x80: {  	_ =	shalt  }
0x81: {  	_ =	shalt  }
0x82: {  	_ =	shalt  }
0x83: {  	_ =	shalt  }
0x84: {  	_ =	shalt  }
0x85: {  	_ =	shalt  }
0x86: {  	_ =	shalt  }
0x87: {  	_ =	shalt  }
.Lfunc_end0:
.L_simem_size_0:
called_computation_lowered:
.L_overlay_start_0:
0x88: {  	s2 =	sld [smem:$0x3FD9]  }
0x89: {  	s3 =	sld [smem:$0x3FFE];
	_ =	sdelay $0x1  }
0x8a: {  	s1 =	srdreg.scid  }
0x8b: {  	s0 =	sand.u32 $0x1, s1  }
0x8c: {  	s17 =	sshll.u32 s0, $0xA;
	s2 =	sadd.s32 s3, s2  }
0x8d: {  	s2 =	sadd.s32 s2, s17  }
0x8e: {  	[smem:$0x3FC6] =	sst s2  }
0x8f: {  	_ = 	snop  }
0x90: {  	s2 =	sld [smem:$0x3FC9]  }
0x91: {  	s18 =	sld [smem:$0x3FC8]  }
0x92: {  	s4 =	sld [smem:$0x3FD0];
	(tm) =	ssettm $0x1  }
0x93: {  	s5 =	sld [smem:$0x3FFB];
	_ =	sdelay $0x3  }
0x94: {  	_ =	strace s5  }
0x95: {  	s5 =	sld [smem:$0x3FFC];
	_ =	sdelay $0x3  }
0x96: {  	_ =	strace s5  }
0x97: {  	s5 =	sld [smem:$0x3FFD];
	_ =	sdelay $0x3  }
0x98: {  	_ =	strace s5  }
0x99: {  	_ =	strace $0x8FFFFFFF  }
0x9a: {  	s19 =	sld [smem:$0x3FDB];
	_ =	sdelay $0x1  }
0x9b: {  	s6 =	simm.s32 $_scs_section_size  }
0x9c: {  	s7 =	simm.s32 $_size__tile_overlayer_lowered;
	s8 =	simm.s32 $_tile_overlayer_lowered  }
0x9d: {  	s22 =	simm.s32 $0x1BFF;
	s21 =	sshll.u32 s8, $0x1;
	s5 =	sadd.s32 s6, s19  }
0x9e: {  	s9 =	simm.s32 $0x0;
	s20 =	sshll.u32 s7, $0x1;
	s7 =	sadd.s32 s21, s5  }
0x9f: {  	[timem:s9], [sflag:s22] =	dma.local [hbm:s7], s20  }
0xa0: {  	_ =	swait.ge [sflag:s22], s20  }
0xa1: {  	s6 =	ssub.s32 $0x0, s20;
	[sflag:s22] =	ssyncset.done $0x0  }
0xa2: {  	[sflag:s22] =	ssyncadd.s32 s6;
	_ =	sdelay $0x1  }
0xa3: {  	s23 =	simm.s32 $0x1B8B  }
0xa4: {  	_ =	swait.ge [sflag:s23], $0x1  }
0xa5: {  	[sflag:s23] =	ssyncset.done $0x0  }
0xa6: {  	s25 =	simm.s32 $0x1B8E;
	s24 =	sld [smem:$0x3FFE];
	[sflag:s23] =	ssyncadd.s32 $0xFFFFFFFF  }
0xa7: {  	s26 =	simm.s32 $execute0_lowered;
	[smem:$0x3FD2] =	sst s25  }
0xa8: {  	s7 =	sshll.u32 s26, $0x1;
	_ =	strace $0x80000046;
	[dreg:$0x1] =	wrdreg $0xFFFFFFFF  }
0xa9: {  	s28 =	simm.s32 $_size_execute0_lowered;
	s5 =	sadd.s32 s5, s7;
	[dreg:$0x0] =	wrdreg $0x0  }
0xaa: {  	s7 =	sshll.u32 s28, $0x1;
	[dreg:$0x2] =	wrdreg s5  }
0xab: {  	[dreg:$0x3] =	wrdreg s7  }
0xac: {  	[dreg:$0x4] =	wrdreg $0xC0  }
0xad: {  	_ =	task [dreg:s9], $0x5FFFF  }
0xae: {  	[dreg:$0x1] =	wrdreg $0xFFFFFFFF  }
0xaf: {  	[dreg:$0x0] =	wrdreg $0x60  }
0xb0: {  	[dreg:$0x2] =	wrdreg s2  }
0xb1: {  	[dreg:$0x3] =	wrdreg s18  }
0xb2: {  	[dreg:$0x4] =	wrdreg s24  }
0xb3: {  	[dreg:$0x5] =	wrdreg s4  }
0xb4: {  	[dreg:$0x6] =	wrdreg $0x9  }
0xb5: {  	_ =	task.clear_ibuf [dreg:s9], $0x7FFFF;
	_ =	strace $0x90000046  }
0xb6: {  	s29 =	simm.s32 $0x9;
	_ =	strace $0x80000048  }
0xb7: {  	_ =	swait.ge [sflag:s29], $0x1  }
0xb8: {  	[sflag:s29] =	ssyncadd.s32 $0xFFFFFFFF  }
0xb9: {  	_ =	strace $0x90000048  }
0xba: {  	_ =	sfence  }
0xbb: {  	s30 =	sld [smem:$0x0];
	_ =	sdelay $0x2  }
0xbc: {  	s31 =	sshll.u32 s1, $0xD;
	s1 =	sshrl.u32 s1, $0x2  }
0xbd: {  	s3 =	sand.u32 $0x4000, s31;
	s1 =	sadd.s32 s1, s30  }
0xbe: {  	s0 =	sor.u32 s3, s0;
	s1 =	sshll.u32 s1, $0x11  }
0xbf: {  	s0 =	sor.u32 s1, s0  }
0xc0: {  	s0 =	sadd.s32 $0x8F2B, s0  }
0xc1: {  	[sflag:s0] =	ssyncadd.remote.s32 $0x1  }
0xc2: {  	_ =	sfence.sel $0xFFFF  }
0xc3: {  	[dreg:$0x0] =	wrdreg $0xFFFFFFFF;
	(pc) =	sbr.abs _section_cstart, $3  }
0xc4: {  	[dreg:$0x1] =	wrdreg $0xFFFFFFFF  }
0xc5: {  	_ =	task.clear_ibuf [dreg:s9], $0x2FFFF;
	_ =	strace $0x9FFFFFFF  }
0xc6: {  	(tm) =	ssettm $0x7FFFFFFF  }
0xc7: {  	_ =	shalt  }
tec
execute0_lowered:
.L_overlay_start_1:
0x0: {  	(tag) =	ssettag $0x1  }
0x1: {  	s1 =	rddreg [dreg:$0x0]  }
0x2: {  	s2 =	rddreg [dreg:$0x1]  }
0x3: {  	s8 =	rddreg [dreg:$0x2]  }
0x4: {  	s4 =	rddreg [dreg:$0x3]  }
0x5: {  	s0 =	rddreg [dreg:$0x4]  }
0x6: {  	s6 =	srdreg.scid;
	s3 =	stileid.u32  }
0x7: {  	s5 =	simm.s32 $0x0;
	s14 =	simm.s32 $0x400;
	s15 =	simm.s32 $0x5  }
0x8: {  	s16 =	simm.s32 $0x6;
	s6 =	sand.u32 $0x1, s6;
	s7 =	sshll.u32 s3, $0x1  }
0x9: {  	s17 =	simm.s32 $0x0;
	s9 =	ssub.s32 $0x2, s6;
	s6 =	sor.u32 s6, s7  }
0xa: {  	[smem:$0x7FF] =	sst s5;
	p0 =	slt.u32 s3, $0xD;
	s11 =	smul.u32 $0x1900, s6  }
0xb: {  	s8 =	sadd.s32 $0x400, s8;
	s7 =	simm.s32 $0x8;
	s12 =	smul.u32 $0x32, s6  }
0xc: {  	_ =	strace $0x80000047;
	s10 =	sshrl.u32 s9, $0x1;
	s7 =	simm.s32 @!p0 $0x7  }
0xd: {  	s13 =	ssub.s32 s9, s10;
	s9 =	sadd.s32 s1, s11;
	s10 =	sadd.s32 s2, s12  }
0xe: {  	s11 =	smax.u32 s13, $0x1;
	s12 =	simm.s32 $0x7;
	s13 =	simm.s32 $0x780  }
.LBB2_1:
0xf: {  	[tilespmem:s5], [sflag:$0x7] =	stream.linear.gather [hbm4b:s8+s5], $0x400, $0x38;
	[tilespmem:$0x19780] =	vst v63  }
0x10: {  	_ =	swait.ge [sflag:s12], $0x400  }
0x11: {  	[sflag:s12] =	ssyncset.done $0x0  }
0x12: {  	[sflag:s12] =	ssyncadd.s32 $0xFFFFFC00  }
0x13: {  	[tilespmem:s13], [sflag:$0x1] =	stream.linear.gather [hbm4b:s9+s5], $0xC800, $0x38;
	[tilespmem:$0x19780] =	vst v63  }
0x14: {  	s20 =	simm.s32 $0x0  }
0x15: {  	[tilespmem:s14], [sflag:$0x3] =	stream.linear.gather [hbm4b:s10+s5], $0x190, $0x38;
	[tilespmem:$0x19780] =	vst v63  }
.LBB2_2:
0x16: {  	s18 =	sand.u32 $0x1, s20  }
0x17: {  	s19 =	sadd.s32 $0x1, s18  }
0x18: {  	_ =	swait.ge [sflag:s19], $0xC800  }
0x19: {  	p0 =	seq.s32 s20, $0x0;
	[sflag:s19] =	ssyncset.done $0x0  }
0x1a: {  	s21 =	sadd.s32 $0x3, s18;
	[sflag:s19] =	ssyncadd.s32 $0xFFFF3800;
	s19 =	sadd.s32 $0x1, s20  }
0x1b: {  	_ =	swait.ge [sflag:s21], $0x190;
	p1 =	sge.u32 @!p0 s19, s7  }
0x1c: {  	[sflag:s21] =	ssyncset.done $0x0;
	p1 =	por p1, p0  }
0x1d: {  	p0 =	sge.u32 s19, s7;
	[sflag:s21] =	ssyncadd.s32 $0xFFFFFE70;
	s21 =	sxor.u32 @!p1 $0x1, s18  }
0x1e: {  	s22 =	sxor.u32 @!p0 $0x1, s18;
	s23 =	sshll.u32 @!p0 s19, $0x5;
	s21 =	sadd.s32 @!p1 $0x5, s21  }
0x1f: {  	s24 =	smul.u32 @!p0 $0x32000, s22;
	s25 =	sor.u32 @!p0 s6, s23;
	_ =	swait.ge @!p1 [sflag:s21], $0xC800  }
0x20: {  	s28 =	simm.s32 @!p0 $0x0;
	s26 =	smul.u32 @!p0 $0x1900, s25;
	[sflag:s21] =	ssyncset.done @!p1 $0x0  }
0x21: {  	s23 =	smul.u32 $0x190, s18;
	s24 =	sshrl.u32 @!p0 s24, $0x2;
	[sflag:s21] =	ssyncadd.s32 @!p1 $0xFFFF3800  }
0x22: {  	s21 =	sor.u32 @!p0 $0x780, s24;
	s24 =	sadd.s32 @!p0 $0x1, s22;
	s26 =	sadd.s32 @!p0 s1, s26  }
0x23: {  	[tilespmem:s21], [sflag:s24] =	stream.linear.gather @!p0 [hbm4b:s26+s28], $0xC800, $0x38;
	[tilespmem:$0x19780] =	vst v63  }
0x24: {  	s21 =	smul.u32 @!p0 $0x640, s22  }
0x25: {  	s24 =	smul.u32 @!p0 $0x32, s25  }
0x26: {  	v1 =	vmov s23;
	s21 =	sshrl.u32 @!p0 s21, $0x2  }
0x27: {  	s22 =	sadd.s32 @!p0 $0x3, s22;
	s24 =	sadd.s32 @!p0 s2, s24;
	s21 =	sor.u32 @!p0 $0x400, s21  }
0x28: {  	[tilespmem:s21], [sflag:s22] =	stream.linear.gather @!p0 [hbm4b:s24+s28], $0x190, $0x38;
	[tilespmem:$0x19780] =	vst v63  }
0x29: {  	s28 =	sadd.s32 $0x0, s23  }
0x2a: {  	s26 =	simm.s32 $0x0;
	s21 =	sshll.u32 s28, $0x7  }
0x2b: {  	v0 =	vld.idx.msk [tilespmem:v1+s26+$0x400 ss:$0x1], $0xffff;
	s22 =	sand.u32 $0x3FFFFF80, s21  }
0x2c: {  	v4 =	vld [tilespmem:s22+$0x780]  }
0x2d: {  	v5 =	vld [tilespmem:s22+$0x790]  }
0x2e: {  	v6 =	vld [tilespmem:s22+$0x7A0]  }
0x2f: {  	v7 =	vld [tilespmem:s22+$0x7B0]  }
0x30: {  	v8 =	vld [tilespmem:s22+$0x7C0]  }
0x31: {  	v9 =	vld [tilespmem:s22+$0x7D0]  }
0x32: {  	v10 =	vld [tilespmem:s22+$0x7E0]  }
0x33: {  	v12 =	vld [tilespmem:s22+$0x800]  }
0x34: {  	v3 =	vld.idx.msk [tilespmem:v0+s5+$0x0], $0xffff  }
0x35: {  	v13 =	vld [tilespmem:s22+$0x810]  }
0x36: {  	v0 =	vld [tilespmem:s22+$0xF70]  }
0x37: {  	v14 =	vld [tilespmem:s22+$0x820]  }
0x38: {  	v15 =	vld [tilespmem:s22+$0x830]  }
0x39: {  	v25 =	vld [tilespmem:s22+$0x950];
	v2 =	vbroadcast v3, $0xF  }
0x3a: {  	v30 =	vld [tilespmem:s22+$0x960];
	v11 =	vbroadcast v3, $0x0  }
0x3b: {  	v52 =	vld [tilespmem:s22+$0x980];
	v0 =	vmul.f32 v0, v2  }
0x3c: {  	v53 =	vld [tilespmem:s22+$0x990];
	v4 =	vmul.f32 v11, v4  }
0x3d: {  	v55 =	vld [tilespmem:s22+$0x9B0];
	v5 =	vmul.f32 v5, v11;
	[tilespmem:s22+$0xF70] =	vst v0  }
0x3e: {  	v6 =	vmul.f32 v6, v11;
	v0 =	vld [tilespmem:s22+$0x7F0];
	[tilespmem:s22+$0x780] =	vst v4  }
0x3f: {  	v56 =	vld [tilespmem:s22+$0x9C0];
	v7 =	vmul.f32 v7, v11;
	[tilespmem:s22+$0x790] =	vst v5  }
0x40: {  	v59 =	vld [tilespmem:s22+$0x9F0];
	v8 =	vmul.f32 v8, v11;
	[tilespmem:s22+$0x7A0] =	vst v6  }
0x41: {  	v61 =	vld [tilespmem:s22+$0xA00];
	v9 =	vmul.f32 v9, v11;
	[tilespmem:s22+$0x7B0] =	vst v7  }
0x42: {  	v33 =	vld [tilespmem:s22+$0xA10];
	v54 =	vbroadcast v3, $0x3;
	v10 =	vmul.f32 v10, v11;
	[tilespmem:s22+$0x7C0] =	vst v8  }
0x43: {  	v16 =	vbroadcast v3, $0x1;
	v4 =	vld [tilespmem:s22+$0x840];
	[tilespmem:s22+$0x7D0] =	vst v9;
	v0 =	vmul.f32 v0, v11  }
0x44: {  	v25 =	vmul.f32 v25, v54;
	v5 =	vld [tilespmem:s22+$0x850];
	[tilespmem:s22+$0x7E0] =	vst v10  }
0x45: {  	v6 =	vld [tilespmem:s22+$0x860];
	[tilespmem:s22+$0x7F0] =	vst v0;
	v0 =	vmul.f32 v13, v16  }
0x46: {  	v62 =	vmul.f32 v30, v54;
	v7 =	vld [tilespmem:s22+$0x870];
	[tilespmem:s22+$0x950] =	vst v25  }
0x47: {  	v9 =	vld [tilespmem:s22+$0x890];
	[tilespmem:s22+$0x810] =	vst v0;
	v0 =	vmul.f32 v15, v16  }
0x48: {  	v8 =	vld [tilespmem:s22+$0x880];
	[tilespmem:s22+$0x960] =	vst v62;
	v11 =	vmul.f32 v12, v16  }
0x49: {  	v10 =	vld [tilespmem:s22+$0x8A0];
	[tilespmem:s22+$0x830] =	vst v0;
	v0 =	vmul.f32 v5, v16  }
0x4a: {  	s29 =	simm.s32 $0x10;
	v17 =	vbroadcast v3, $0x2;
	v12 =	vld [tilespmem:s22+$0x8B0];
	v4 =	vmul.f32 v4, v16;
	[tilespmem:s22+$0x800] =	vst v11  }
0x4b: {  	v7 =	vmul.f32 v7, v16;
	[tilespmem:s22+$0x850] =	vst v0;
	v0 =	vld.idx.msk [tilespmem:v1+s29+$0x400 ss:$0x1], $0xffff  }
0x4c: {  	v9 =	vmul.f32 v9, v17;
	v11 =	vld [tilespmem:s22+$0x8C0];
	[tilespmem:s22+$0x840] =	vst v4  }
0x4d: {  	v13 =	vmul.f32 v14, v16;
	v14 =	vld [tilespmem:s22+$0x8D0];
	[tilespmem:s22+$0x870] =	vst v7  }
0x4e: {  	v4 =	vmul.f32 v6, v16;
	v6 =	vld [tilespmem:s22+$0x910];
	[tilespmem:s22+$0x890] =	vst v9  }
0x4f: {  	v10 =	vmul.f32 v10, v17;
	v7 =	vld [tilespmem:s22+$0x930];
	[tilespmem:s22+$0x820] =	vst v13  }
0x50: {  	v13 =	vld [tilespmem:s22+$0x8E0];
	[tilespmem:s22+$0x860] =	vst v4;
	v4 =	vmul.f32 v8, v17  }
0x51: {  	[tilespmem:s22+$0x8A0] =	vst v10;
	v15 =	vld [tilespmem:s22+$0x8F0];
	v12 =	vmul.f32 v12, v17  }
0x52: {  	s30 =	sadd.s32 $0x10, s23;
	v8 =	vld [tilespmem:s22+$0x940];
	[tilespmem:s22+$0x880] =	vst v4;
	v11 =	vmul.f32 v11, v17  }
0x53: {  	s21 =	sshll.u32 s30, $0x7;
	[tilespmem:s22+$0x8B0] =	vst v12;
	v14 =	vmul.f32 v14, v17;
	v4 =	vld.idx.msk [tilespmem:v0+s5+$0x0], $0xffff  }
0x54: {  	s21 =	sand.u32 $0x3FFFFF80, s21;
	v5 =	vld [tilespmem:s22+$0x900];
	v6 =	vmul.f32 v6, v54;
	[tilespmem:s22+$0x8C0] =	vst v11  }
0x55: {  	v18 =	vld [tilespmem:s21+$0xF70];
	v7 =	vmul.f32 v7, v54;
	[tilespmem:s22+$0x8D0] =	vst v14  }
0x56: {  	v19 =	vld [tilespmem:s21+$0x780];
	v13 =	vmul.f32 v13, v17;
	[tilespmem:s22+$0x910] =	vst v6  }
0x57: {  	v20 =	vld [tilespmem:s21+$0x790];
	v15 =	vmul.f32 v15, v17;
	[tilespmem:s22+$0x930] =	vst v7  }
0x58: {  	v21 =	vld [tilespmem:s21+$0x7A0];
	v8 =	vmul.f32 v8, v54;
	[tilespmem:s22+$0x8E0] =	vst v13;
	v0 =	vbroadcast v4, $0xF  }
0x59: {  	v22 =	vld [tilespmem:s21+$0x7B0];
	v5 =	vmul.f32 v5, v54;
	[tilespmem:s22+$0x8F0] =	vst v15;
	v26 =	vbroadcast v4, $0x0  }
0x5a: {  	v23 =	vld [tilespmem:s21+$0x7C0];
	[tilespmem:s22+$0x940] =	vst v8;
	v18 =	vmul.f32 v18, v0  }
0x5b: {  	v24 =	vld [tilespmem:s21+$0x7D0];
	[tilespmem:s22+$0x900] =	vst v5;
	v19 =	vmul.f32 v26, v19  }
0x5c: {  	v9 =	vld [tilespmem:s21+$0x7E0];
	v20 =	vmul.f32 v20, v26;
	[tilespmem:s21+$0xF70] =	vst v18  }
0x5d: {  	v27 =	vld [tilespmem:s21+$0x800];
	v21 =	vmul.f32 v21, v26;
	[tilespmem:s21+$0x780] =	vst v19  }
0x5e: {  	v28 =	vld [tilespmem:s21+$0x810];
	v22 =	vmul.f32 v22, v26;
	[tilespmem:s21+$0x790] =	vst v20  }
0x5f: {  	v29 =	vld [tilespmem:s21+$0x820];
	v23 =	vmul.f32 v23, v26;
	[tilespmem:s21+$0x7A0] =	vst v21  }
0x60: {  	v10 =	vld [tilespmem:s21+$0x830];
	v31 =	vbroadcast v4, $0x1;
	v24 =	vmul.f32 v24, v26;
	[tilespmem:s21+$0x7B0] =	vst v22  }
0x61: {  	v12 =	vld [tilespmem:s21+$0x840];
	v9 =	vmul.f32 v9, v26;
	[tilespmem:s21+$0x7C0] =	vst v23  }
0x62: {  	v11 =	vld [tilespmem:s21+$0x850];
	v57 =	vmul.f32 v27, v31;
	[tilespmem:s21+$0x7D0] =	vst v24  }
0x63: {  	v14 =	vld [tilespmem:s21+$0x860];
	v58 =	vmul.f32 v28, v31;
	[tilespmem:s21+$0x7E0] =	vst v9  }
0x64: {  	v13 =	vld [tilespmem:s21+$0x870];
	v60 =	vmul.f32 v29, v31;
	[tilespmem:s21+$0x800] =	vst v57  }
0x65: {  	v15 =	vld [tilespmem:s21+$0x880];
	v10 =	vmul.f32 v10, v31;
	[tilespmem:s21+$0x810] =	vst v58  }
0x66: {  	v5 =	vld [tilespmem:s21+$0x890];
	v12 =	vmul.f32 v12, v31;
	[tilespmem:s21+$0x820] =	vst v60  }
0x67: {  	v6 =	vld [tilespmem:s21+$0x8A0];
	v11 =	vmul.f32 v11, v31;
	[tilespmem:s21+$0x830] =	vst v10  }
0x68: {  	v7 =	vld [tilespmem:s21+$0x8C0];
	v38 =	vbroadcast v4, $0x2;
	v14 =	vmul.f32 v14, v31;
	[tilespmem:s21+$0x840] =	vst v12  }
0x69: {  	v8 =	vld [tilespmem:s21+$0x8D0];
	v13 =	vmul.f32 v13, v31;
	[tilespmem:s21+$0x850] =	vst v11  }
0x6a: {  	v63 =	vld [tilespmem:s21+$0x8E0];
	v15 =	vmul.f32 v15, v38;
	[tilespmem:s21+$0x860] =	vst v14  }
0x6b: {  	v16 =	vld [tilespmem:s22+$0x920];
	v5 =	vmul.f32 v5, v38;
	[tilespmem:s21+$0x870] =	vst v13  }
0x6c: {  	v34 =	vld [tilespmem:s21+$0x8F0];
	v6 =	vmul.f32 v6, v38;
	[tilespmem:s21+$0x880] =	vst v15  }
0x6d: {  	v35 =	vld [tilespmem:s22+$0xA20];
	v7 =	vmul.f32 v7, v38;
	[tilespmem:s21+$0x890] =	vst v5  }
0x6e: {  	v36 =	vld [tilespmem:s22+$0xA30];
	v8 =	vmul.f32 v8, v38;
	[tilespmem:s21+$0x8A0] =	vst v6  }
0x6f: {  	v17 =	vld [tilespmem:s22+$0x9A0];
	v25 =	vmul.f32 v63, v38;
	[tilespmem:s21+$0x8C0] =	vst v7  }
0x70: {  	v37 =	vld [tilespmem:s22+$0xA40];
	v9 =	vmul.f32 v16, v54;
	v10 =	vbroadcast v3, $0x4;
	[tilespmem:s21+$0x8D0] =	vst v8  }
0x71: {  	v39 =	vld [tilespmem:s22+$0xA60];
	v22 =	vmul.f32 v34, v38;
	[tilespmem:s21+$0x8E0] =	vst v25  }
0x72: {  	v47 =	vld [tilespmem:s21+$0x9B0];
	[tilespmem:s22+$0x920] =	vst v9;
	v12 =	vmul.f32 v52, v10  }
0x73: {  	v18 =	vld [tilespmem:s21+$0x7F0];
	v11 =	vmul.f32 v53, v10;
	[tilespmem:s21+$0x8F0] =	vst v22  }
0x74: {  	v19 =	vld [tilespmem:s22+$0x970];
	v14 =	vmul.f32 v17, v10;
	[tilespmem:s22+$0x980] =	vst v12  }
0x75: {  	v16 =	vld [tilespmem:s22+$0x9D0];
	v13 =	vmul.f32 v55, v10;
	v53 =	vbroadcast v4, $0x4;
	[tilespmem:s22+$0x990] =	vst v11  }
0x76: {  	v9 =	vld [tilespmem:s21+$0x8B0];
	v15 =	vmul.f32 v56, v10;
	[tilespmem:s22+$0x9A0] =	vst v14  }
0x77: {  	v12 =	vld [tilespmem:s21+$0x910];
	[tilespmem:s22+$0x9B0] =	vst v13;
	v22 =	vmul.f32 v47, v53  }
0x78: {  	v11 =	vld [tilespmem:s21+$0x920];
	[tilespmem:s22+$0x9C0] =	vst v15;
	v18 =	vmul.f32 v18, v26  }
0x79: {  	v14 =	vld [tilespmem:s21+$0x930];
	v19 =	vmul.f32 v19, v54;
	[tilespmem:s21+$0x9B0] =	vst v22  }
0x7a: {  	v44 =	vbroadcast v4, $0x3;
	v13 =	vld [tilespmem:s21+$0x940];
	v5 =	vmul.f32 v16, v10;
	[tilespmem:s21+$0x7F0] =	vst v18  }
0x7b: {  	v15 =	vld [tilespmem:s21+$0x950];
	[tilespmem:s22+$0x970] =	vst v19;
	v9 =	vmul.f32 v9, v38  }
0x7c: {  	v40 =	vld [tilespmem:s22+$0xA70];
	[tilespmem:s22+$0x9D0] =	vst v5;
	v12 =	vmul.f32 v12, v44  }
0x7d: {  	v41 =	vld [tilespmem:s22+$0xAA0];
	[tilespmem:s21+$0x8B0] =	vst v9;
	v11 =	vmul.f32 v11, v44  }
0x7e: {  	v42 =	vld [tilespmem:s22+$0xAB0];
	v14 =	vmul.f32 v14, v44;
	[tilespmem:s21+$0x910] =	vst v12  }
0x7f: {  	v43 =	vld [tilespmem:s22+$0xAC0];
	v9 =	vbroadcast v3, $0x5;
	v13 =	vmul.f32 v13, v44;
	[tilespmem:s21+$0x920] =	vst v11  }
0x80: {  	v17 =	vld [tilespmem:s22+$0xA50];
	v15 =	vmul.f32 v15, v44;
	[tilespmem:s21+$0x930] =	vst v14  }
0x81: {  	v46 =	vld [tilespmem:s22+$0xAD0];
	v7 =	vmul.f32 v61, v9;
	[tilespmem:s21+$0x940] =	vst v13  }
0x82: {  	v18 =	vld [tilespmem:s22+$0x9E0];
	v8 =	vmul.f32 v33, v9;
	[tilespmem:s21+$0x950] =	vst v15  }
0x83: {  	v48 =	vld [tilespmem:s22+$0xAE0];
	v45 =	vmul.f32 v35, v9;
	[tilespmem:s22+$0xA00] =	vst v7  }
0x84: {  	v19 =	vld [tilespmem:s21+$0x900];
	v20 =	vmul.f32 v36, v9;
	[tilespmem:s22+$0xA10] =	vst v8  }
0x85: {  	v5 =	vld [tilespmem:s21+$0x960];
	v12 =	vmul.f32 v17, v9;
	[tilespmem:s22+$0xA20] =	vst v45  }
0x86: {  	v16 =	vld [tilespmem:s22+$0xA80];
	v11 =	vmul.f32 v39, v9;
	[tilespmem:s22+$0xA30] =	vst v20  }
0x87: {  	v49 =	vld [tilespmem:s21+$0x9C0];
	v6 =	vmul.f32 v18, v10;
	[tilespmem:s22+$0xA50] =	vst v12  }
0x88: {  	v50 =	vld [tilespmem:s22+$0xAF0];
	v10 =	vmul.f32 v59, v10;
	[tilespmem:s22+$0xA60] =	vst v11  }
0x89: {  	v51 =	vld [tilespmem:s22+$0xB10];
	v14 =	vbroadcast v3, $0x6;
	v19 =	vmul.f32 v19, v44;
	[tilespmem:s22+$0x9E0] =	vst v6  }
0x8a: {  	v62 =	vld [tilespmem:s22+$0xBC0];
	v5 =	vmul.f32 v5, v44;
	[tilespmem:s22+$0x9F0] =	vst v10  }
0x8b: {  	v56 =	vld [tilespmem:s22+$0xB70];
	v13 =	vmul.f32 v16, v14;
	[tilespmem:s21+$0x900] =	vst v19  }
0x8c: {  	v17 =	vld [tilespmem:s21+$0x9D0];
	v20 =	vmul.f32 v49, v53;
	[tilespmem:s21+$0x960] =	vst v5  }
0x8d: {  	v18 =	vld [tilespmem:s22+$0xA90];
	v19 =	vmul.f32 v37, v9;
	[tilespmem:s22+$0xA80] =	vst v13  }
0x8e: {  	v59 =	vbroadcast v3, $0x7;
	v7 =	vld [tilespmem:s21+$0x990];
	v9 =	vmul.f32 v40, v9;
	[tilespmem:s21+$0x9C0] =	vst v20  }
0x8f: {  	v8 =	vld [tilespmem:s21+$0x9A0];
	v5 =	vmul.f32 v41, v14;
	[tilespmem:s22+$0xA40] =	vst v19  }
0x90: {  	v12 =	vld [tilespmem:s21+$0x9E0];
	v22 =	vmul.f32 v56, v59;
	[tilespmem:s22+$0xA70] =	vst v9  }
0x91: {  	v57 =	vld [tilespmem:s22+$0xB80];
	[tilespmem:s22+$0xAA0] =	vst v5;
	v17 =	vmul.f32 v17, v53  }
0x92: {  	v11 =	vld [tilespmem:s21+$0x9F0];
	[tilespmem:s22+$0xB70] =	vst v22;
	v15 =	vmul.f32 v18, v14  }
0x93: {  	v6 =	vld [tilespmem:s21+$0x970];
	v7 =	vmul.f32 v7, v53;
	[tilespmem:s21+$0x9D0] =	vst v17  }
0x94: {  	v10 =	vld [tilespmem:s21+$0x980];
	v8 =	vmul.f32 v8, v53;
	[tilespmem:s22+$0xA90] =	vst v15  }
0x95: {  	v37 =	vld [tilespmem:s21+$0xB00];
	v12 =	vmul.f32 v12, v53;
	[tilespmem:s21+$0x990] =	vst v7  }
0x96: {  	v58 =	vld [tilespmem:s22+$0xB90];
	v17 =	vmul.f32 v51, v59;
	[tilespmem:s21+$0x9A0] =	vst v8  }
0x97: {  	v60 =	vld [tilespmem:s22+$0xBA0];
	v11 =	vmul.f32 v11, v53;
	[tilespmem:s21+$0x9E0] =	vst v12  }
0x98: {  	v52 =	vld [tilespmem:s22+$0xB20];
	v47 =	vbroadcast v4, $0x7;
	v6 =	vmul.f32 v6, v44;
	[tilespmem:s22+$0xB10] =	vst v17  }
0x99: {  	v16 =	vld [tilespmem:s22+$0xB30];
	v10 =	vmul.f32 v10, v53;
	[tilespmem:s21+$0x9F0] =	vst v11  }
0x9a: {  	v13 =	vld [tilespmem:s21+$0xA10];
	v22 =	vmul.f32 v37, v47;
	[tilespmem:s21+$0x970] =	vst v6  }
0x9b: {  	v34 =	vld [tilespmem:s22+$0xC00];
	v7 =	vmul.f32 v46, v14;
	[tilespmem:s21+$0x980] =	vst v10  }
0x9c: {  	v55 =	vld [tilespmem:s22+$0xB60];
	v8 =	vmul.f32 v48, v14;
	[tilespmem:s21+$0xB00] =	vst v22  }
0x9d: {  	v63 =	vbroadcast v4, $0x5;
	v54 =	vld [tilespmem:s22+$0xB50];
	v12 =	vmul.f32 v52, v59;
	[tilespmem:s22+$0xAD0] =	vst v7  }
0x9e: {  	v19 =	vld [tilespmem:s22+$0xB00];
	v11 =	vmul.f32 v16, v59;
	[tilespmem:s22+$0xAE0] =	vst v8  }
0x9f: {  	v9 =	vld [tilespmem:s21+$0xA00];
	v13 =	vmul.f32 v13, v63;
	[tilespmem:s22+$0xB20] =	vst v12  }
0xa0: {  	v5 =	vld [tilespmem:s21+$0xA30];
	v6 =	vmul.f32 v42, v14;
	[tilespmem:s22+$0xB30] =	vst v11  }
0xa1: {  	v38 =	vld [tilespmem:s22+$0xC30];
	v10 =	vmul.f32 v43, v14;
	[tilespmem:s21+$0xA10] =	vst v13  }
0xa2: {  	v18 =	vld [tilespmem:s22+$0xB40];
	v14 =	vmul.f32 v50, v14;
	[tilespmem:s22+$0xAB0] =	vst v6  }
0xa3: {  	v15 =	vld [tilespmem:s21+$0xA20];
	v19 =	vmul.f32 v19, v59;
	[tilespmem:s22+$0xAC0] =	vst v10  }
0xa4: {  	v17 =	vld [tilespmem:s21+$0xAA0];
	v9 =	vmul.f32 v9, v63;
	[tilespmem:s22+$0xAF0] =	vst v14  }
0xa5: {  	v16 =	vld [tilespmem:s22+$0xBE0];
	v5 =	vmul.f32 v5, v63;
	[tilespmem:s22+$0xB00] =	vst v19  }
0xa6: {  	v61 =	vld [tilespmem:s22+$0xBB0];
	v13 =	vmul.f32 v54, v59;
	[tilespmem:s21+$0xA00] =	vst v9  }
0xa7: {  	v40 =	vbroadcast v4, $0x6;
	v7 =	vld [tilespmem:s21+$0xA60];
	v9 =	vmul.f32 v18, v59;
	[tilespmem:s21+$0xA30] =	vst v5  }
0xa8: {  	v8 =	vld [tilespmem:s21+$0xA70];
	v5 =	vbroadcast v3, $0x8;
	v15 =	vmul.f32 v15, v63;
	[tilespmem:s22+$0xB50] =	vst v13  }
0xa9: {  	v12 =	vld [tilespmem:s21+$0xAB0];
	[tilespmem:s22+$0xB40] =	vst v9;
	v17 =	vmul.f32 v17, v40  }
0xaa: {  	v11 =	vld [tilespmem:s21+$0xAC0];
	v16 =	vmul.f32 v16, v5;
	[tilespmem:s21+$0xA20] =	vst v15  }
0xab: {  	v6 =	vld [tilespmem:s21+$0xA40];
	v15 =	vmul.f32 v55, v59;
	[tilespmem:s21+$0xAA0] =	vst v17  }
0xac: {  	v10 =	vld [tilespmem:s21+$0xA50];
	v7 =	vmul.f32 v7, v63;
	[tilespmem:s22+$0xBE0] =	vst v16  }
0xad: {  	v14 =	vld [tilespmem:s21+$0xA80];
	v8 =	vmul.f32 v8, v63;
	[tilespmem:s22+$0xB60] =	vst v15  }
0xae: {  	v19 =	vld [tilespmem:s21+$0xA90];
	v12 =	vmul.f32 v12, v40;
	[tilespmem:s21+$0xA60] =	vst v7  }
0xaf: {  	v33 =	vld [tilespmem:s22+$0xBD0];
	v11 =	vmul.f32 v11, v40;
	[tilespmem:s21+$0xA70] =	vst v8  }
0xb0: {  	v35 =	vld [tilespmem:s22+$0xC10];
	v6 =	vmul.f32 v6, v63;
	[tilespmem:s21+$0xAB0] =	vst v12  }
0xb1: {  	v13 =	vld [tilespmem:s21+$0xAE0];
	v10 =	vmul.f32 v10, v63;
	[tilespmem:s21+$0xAC0] =	vst v11  }
0xb2: {  	v36 =	vld [tilespmem:s22+$0xC20];
	v14 =	vmul.f32 v14, v40;
	[tilespmem:s21+$0xA40] =	vst v6  }
0xb3: {  	v39 =	vld [tilespmem:s22+$0xC40];
	v19 =	vmul.f32 v19, v40;
	[tilespmem:s21+$0xA50] =	vst v10  }
0xb4: {  	v45 =	vld [tilespmem:s22+$0xCB0];
	v7 =	vmul.f32 v60, v5;
	[tilespmem:s21+$0xA80] =	vst v14  }
0xb5: {  	v49 =	vld [tilespmem:s22+$0xCE0];
	v8 =	vmul.f32 v61, v5;
	[tilespmem:s21+$0xA90] =	vst v19  }
0xb6: {  	v18 =	vld [tilespmem:s22+$0xBF0];
	v13 =	vmul.f32 v13, v40;
	[tilespmem:s22+$0xBA0] =	vst v7  }
0xb7: {  	v9 =	vld [tilespmem:s21+$0xAD0];
	v6 =	vmul.f32 v57, v5;
	[tilespmem:s22+$0xBB0] =	vst v8  }
0xb8: {  	v41 =	vld [tilespmem:s22+$0xC50];
	v10 =	vmul.f32 v58, v5;
	[tilespmem:s21+$0xAE0] =	vst v13  }
0xb9: {  	v56 =	vld [tilespmem:s22+$0xD30];
	v14 =	vmul.f32 v62, v5;
	[tilespmem:s22+$0xB80] =	vst v6  }
0xba: {  	v51 =	vld [tilespmem:s22+$0xCF0];
	v19 =	vmul.f32 v33, v5;
	[tilespmem:s22+$0xB90] =	vst v10  }
0xbb: {  	v44 =	vld [tilespmem:s22+$0xC80];
	v12 =	vbroadcast v3, $0x9;
	v5 =	vmul.f32 v18, v5;
	[tilespmem:s22+$0xBC0] =	vst v14  }
0xbc: {  	v17 =	vld [tilespmem:s21+$0xB60];
	v9 =	vmul.f32 v9, v40;
	[tilespmem:s22+$0xBD0] =	vst v19  }
0xbd: {  	v16 =	vld [tilespmem:s21+$0xB70];
	v11 =	vmul.f32 v34, v12;
	[tilespmem:s22+$0xBF0] =	vst v5  }
0xbe: {  	v15 =	vld [tilespmem:s21+$0xAF0];
	v13 =	vmul.f32 v36, v12;
	[tilespmem:s21+$0xAD0] =	vst v9  }
0xbf: {  	v52 =	vld [tilespmem:s21+$0xBD0];
	v50 =	vmul.f32 v39, v12;
	[tilespmem:s22+$0xC00] =	vst v11  }
0xc0: {  	v53 =	vld [tilespmem:s22+$0xD00];
	v9 =	vmul.f32 v35, v12;
	[tilespmem:s22+$0xC20] =	vst v13  }
0xc1: {  	v7 =	vld [tilespmem:s21+$0xB30];
	v17 =	vmul.f32 v17, v47;
	[tilespmem:s22+$0xC40] =	vst v50  }
0xc2: {  	v57 =	vbroadcast v4, $0x8;
	v8 =	vld [tilespmem:s21+$0xB40];
	v16 =	vmul.f32 v16, v47;
	[tilespmem:s22+$0xC10] =	vst v9  }
0xc3: {  	v6 =	vld [tilespmem:s21+$0xB10];
	v15 =	vmul.f32 v15, v40;
	[tilespmem:s21+$0xB60] =	vst v17  }
0xc4: {  	v10 =	vld [tilespmem:s21+$0xB20];
	v21 =	vmul.f32 v52, v57;
	[tilespmem:s21+$0xB70] =	vst v16  }
0xc5: {  	v14 =	vld [tilespmem:s21+$0xB50];
	[tilespmem:s21+$0xAF0] =	vst v15;
	v15 =	vmul.f32 v38, v12  }
0xc6: {  	v5 =	vld [tilespmem:s21+$0xB80];
	[tilespmem:s21+$0xBD0] =	vst v21;
	v7 =	vmul.f32 v7, v47  }
0xc7: {  	v11 =	vld [tilespmem:s21+$0xB90];
	v8 =	vmul.f32 v8, v47;
	[tilespmem:s22+$0xC30] =	vst v15  }
0xc8: {  	v13 =	vld [tilespmem:s21+$0xBB0];
	v6 =	vmul.f32 v6, v47;
	[tilespmem:s21+$0xB30] =	vst v7  }
0xc9: {  	v46 =	vld [tilespmem:s22+$0xCC0];
	v10 =	vmul.f32 v10, v47;
	[tilespmem:s21+$0xB40] =	vst v8  }
0xca: {  	v42 =	vld [tilespmem:s22+$0xC60];
	v14 =	vmul.f32 v14, v47;
	[tilespmem:s21+$0xB10] =	vst v6  }
0xcb: {  	v43 =	vld [tilespmem:s22+$0xC70];
	v5 =	vmul.f32 v5, v57;
	[tilespmem:s21+$0xB20] =	vst v10  }
0xcc: {  	v9 =	vld [tilespmem:s21+$0xBA0];
	v11 =	vmul.f32 v11, v57;
	[tilespmem:s21+$0xB50] =	vst v14  }
0xcd: {  	v48 =	vld [tilespmem:s22+$0xCD0];
	v13 =	vmul.f32 v13, v57;
	[tilespmem:s21+$0xB80] =	vst v5  }
0xce: {  	v19 =	vld [tilespmem:s22+$0xC90];
	v6 =	vmul.f32 v41, v12;
	[tilespmem:s21+$0xB90] =	vst v11  }
0xcf: {  	v18 =	vld [tilespmem:s22+$0xCA0];
	v10 =	vmul.f32 v42, v12;
	[tilespmem:s21+$0xBB0] =	vst v13  }
0xd0: {  	v37 =	vld [tilespmem:s22+$0xDE0];
	v7 =	vbroadcast v3, $0xA;
	v12 =	vmul.f32 v43, v12;
	[tilespmem:s22+$0xC50] =	vst v6  }
0xd1: {  	v54 =	vld [tilespmem:s22+$0xD10];
	v9 =	vmul.f32 v9, v57;
	[tilespmem:s22+$0xC60] =	vst v10  }
0xd2: {  	v55 =	vld [tilespmem:s22+$0xD20];
	v8 =	vmul.f32 v44, v7;
	[tilespmem:s22+$0xC70] =	vst v12  }
0xd3: {  	v59 =	vld [tilespmem:s22+$0xD70];
	v14 =	vmul.f32 v19, v7;
	[tilespmem:s21+$0xBA0] =	vst v9  }
0xd4: {  	v63 =	vld [tilespmem:s22+$0xDB0];
	v17 =	vmul.f32 v18, v7;
	[tilespmem:s22+$0xC80] =	vst v8  }
0xd5: {  	v15 =	vld [tilespmem:s21+$0xBC0];
	v16 =	vmul.f32 v45, v7;
	[tilespmem:s22+$0xC90] =	vst v14  }
0xd6: {  	v60 =	vld [tilespmem:s22+$0xD80];
	v5 =	vmul.f32 v46, v7;
	[tilespmem:s22+$0xCA0] =	vst v17  }
0xd7: {  	v61 =	vld [tilespmem:s22+$0xD90];
	v11 =	vmul.f32 v48, v7;
	[tilespmem:s22+$0xCB0] =	vst v16  }
0xd8: {  	v35 =	vld [tilespmem:s21+$0xCA0];
	v9 =	vmul.f32 v49, v7;
	[tilespmem:s22+$0xCC0] =	vst v5  }
0xd9: {  	v13 =	vbroadcast v3, $0xB;
	v6 =	vld [tilespmem:s21+$0xBE0];
	v7 =	vmul.f32 v51, v7;
	[tilespmem:s22+$0xCD0] =	vst v11  }
0xda: {  	v10 =	vld [tilespmem:s21+$0xBF0];
	v15 =	vmul.f32 v15, v57;
	[tilespmem:s22+$0xCE0] =	vst v9  }
0xdb: {  	v42 =	vbroadcast v4, $0xA;
	v12 =	vld [tilespmem:s21+$0xC00];
	v20 =	vmul.f32 v54, v13;
	[tilespmem:s22+$0xCF0] =	vst v7  }
0xdc: {  	v8 =	vld [tilespmem:s21+$0xC10];
	[tilespmem:s21+$0xBC0] =	vst v15;
	v15 =	vmul.f32 v53, v13  }
0xdd: {  	v14 =	vld [tilespmem:s21+$0xC20];
	[tilespmem:s22+$0xD10] =	vst v20;
	v20 =	vmul.f32 v35, v42  }
0xde: {  	v34 =	vbroadcast v4, $0x9;
	v17 =	vld [tilespmem:s21+$0xC30];
	v6 =	vmul.f32 v6, v57;
	[tilespmem:s22+$0xD00] =	vst v15  }
0xdf: {  	v16 =	vld [tilespmem:s21+$0xC40];
	v10 =	vmul.f32 v10, v57;
	[tilespmem:s21+$0xCA0] =	vst v20  }
0xe0: {  	v5 =	vld [tilespmem:s21+$0xC50];
	v12 =	vmul.f32 v12, v34;
	[tilespmem:s21+$0xBE0] =	vst v6  }
0xe1: {  	v11 =	vld [tilespmem:s21+$0xC60];
	v8 =	vmul.f32 v8, v34;
	[tilespmem:s21+$0xBF0] =	vst v10  }
0xe2: {  	v58 =	vld [tilespmem:s22+$0xD60];
	v14 =	vmul.f32 v14, v34;
	[tilespmem:s21+$0xC00] =	vst v12  }
0xe3: {  	v62 =	vld [tilespmem:s22+$0xDA0];
	v17 =	vmul.f32 v17, v34;
	[tilespmem:s21+$0xC10] =	vst v8  }
0xe4: {  	v19 =	vld [tilespmem:s22+$0xD40];
	v16 =	vmul.f32 v16, v34;
	[tilespmem:s21+$0xC20] =	vst v14  }
0xe5: {  	v9 =	vld [tilespmem:s21+$0xC70];
	v5 =	vmul.f32 v5, v34;
	[tilespmem:s21+$0xC30] =	vst v17  }
0xe6: {  	v7 =	vld [tilespmem:s21+$0xC80];
	v11 =	vmul.f32 v11, v34;
	[tilespmem:s21+$0xC40] =	vst v16  }
0xe7: {  	v18 =	vld [tilespmem:s22+$0xD50];
	v6 =	vmul.f32 v55, v13;
	[tilespmem:s21+$0xC50] =	vst v5  }
0xe8: {  	v33 =	vld [tilespmem:s22+$0xDC0];
	v10 =	vmul.f32 v56, v13;
	[tilespmem:s21+$0xC60] =	vst v11  }
0xe9: {  	v36 =	vld [tilespmem:s22+$0xDD0];
	v12 =	vmul.f32 v19, v13;
	[tilespmem:s22+$0xD20] =	vst v6  }
0xea: {  	v39 =	vld [tilespmem:s22+$0xE20];
	v9 =	vmul.f32 v9, v34;
	[tilespmem:s22+$0xD30] =	vst v10  }
0xeb: {  	v40 =	vld [tilespmem:s22+$0xE30];
	v7 =	vmul.f32 v7, v42;
	[tilespmem:s22+$0xD40] =	vst v12  }
0xec: {  	v50 =	vld [tilespmem:s22+$0xEC0];
	v8 =	vmul.f32 v18, v13;
	[tilespmem:s21+$0xC70] =	vst v9  }
0xed: {  	v52 =	vld [tilespmem:s22+$0xED0];
	v14 =	vmul.f32 v58, v13;
	v17 =	vbroadcast v3, $0xC;
	[tilespmem:s21+$0xC80] =	vst v7  }
0xee: {  	v15 =	vld [tilespmem:s21+$0xC90];
	v13 =	vmul.f32 v59, v13;
	[tilespmem:s22+$0xD50] =	vst v8  }
0xef: {  	v38 =	vld [tilespmem:s22+$0xE10];
	[tilespmem:s22+$0xD60] =	vst v14;
	v16 =	vmul.f32 v60, v17  }
0xf0: {  	v41 =	vld [tilespmem:s22+$0xE40];
	[tilespmem:s22+$0xD70] =	vst v13;
	v5 =	vmul.f32 v61, v17  }
0xf1: {  	v43 =	vld [tilespmem:s22+$0xE50];
	v11 =	vmul.f32 v62, v17;
	[tilespmem:s22+$0xD80] =	vst v16  }
0xf2: {  	v19 =	vld [tilespmem:s22+$0xDF0];
	v9 =	vmul.f32 v63, v17;
	[tilespmem:s22+$0xD90] =	vst v5  }
0xf3: {  	v6 =	vld [tilespmem:s21+$0xCB0];
	v15 =	vmul.f32 v15, v42;
	[tilespmem:s22+$0xDA0] =	vst v11  }
0xf4: {  	v10 =	vld [tilespmem:s21+$0xCC0];
	v7 =	vmul.f32 v33, v17;
	[tilespmem:s22+$0xDB0] =	vst v9  }
0xf5: {  	v12 =	vld [tilespmem:s21+$0xCD0];
	v47 =	vmul.f32 v37, v17;
	[tilespmem:s21+$0xC90] =	vst v15  }
0xf6: {  	v8 =	vld [tilespmem:s21+$0xCE0];
	v15 =	vmul.f32 v36, v17;
	[tilespmem:s22+$0xDC0] =	vst v7  }
0xf7: {  	v14 =	vld [tilespmem:s21+$0xCF0];
	v17 =	vmul.f32 v19, v17;
	[tilespmem:s22+$0xDE0] =	vst v47  }
0xf8: {  	v13 =	vld [tilespmem:s21+$0xD00];
	v6 =	vmul.f32 v6, v42;
	[tilespmem:s22+$0xDD0] =	vst v15  }
0xf9: {  	v16 =	vld [tilespmem:s21+$0xD10];
	v10 =	vmul.f32 v10, v42;
	[tilespmem:s22+$0xDF0] =	vst v17  }
0xfa: {  	v5 =	vld [tilespmem:s21+$0xD20];
	v12 =	vmul.f32 v12, v42;
	[tilespmem:s21+$0xCB0] =	vst v6  }
0xfb: {  	v51 =	vbroadcast v4, $0xB;
	v11 =	vld [tilespmem:s21+$0xD30];
	v8 =	vmul.f32 v8, v42;
	[tilespmem:s21+$0xCC0] =	vst v10  }
0xfc: {  	v9 =	vld [tilespmem:s21+$0xD40];
	v14 =	vmul.f32 v14, v42;
	[tilespmem:s21+$0xCD0] =	vst v12  }
0xfd: {  	v7 =	vld [tilespmem:s21+$0xD50];
	v13 =	vmul.f32 v13, v51;
	[tilespmem:s21+$0xCE0] =	vst v8  }
0xfe: {  	v19 =	vld [tilespmem:s21+$0xD70];
	[tilespmem:s21+$0xCF0] =	vst v14;
	v16 =	vmul.f32 v16, v51  }
0xff: {  	v18 =	vld [tilespmem:s22+$0xE00];
	[tilespmem:s21+$0xD00] =	vst v13;
	v5 =	vmul.f32 v5, v51  }
0x100: {  	v44 =	vld [tilespmem:s22+$0xE60];
	v11 =	vmul.f32 v11, v51;
	[tilespmem:s21+$0xD10] =	vst v16  }
0x101: {  	v45 =	vld [tilespmem:s22+$0xE70];
	v9 =	vmul.f32 v9, v51;
	[tilespmem:s21+$0xD20] =	vst v5  }
0x102: {  	v46 =	vld [tilespmem:s22+$0xE80];
	v6 =	vbroadcast v3, $0xD;
	v7 =	vmul.f32 v7, v51;
	[tilespmem:s21+$0xD30] =	vst v11  }
0x103: {  	v48 =	vld [tilespmem:s22+$0xE90];
	v19 =	vmul.f32 v19, v51;
	[tilespmem:s21+$0xD40] =	vst v9  }
0x104: {  	v49 =	vld [tilespmem:s22+$0xEA0];
	v10 =	vmul.f32 v18, v6;
	[tilespmem:s21+$0xD50] =	vst v7  }
0x105: {  	v54 =	vld [tilespmem:s22+$0xEF0];
	v12 =	vmul.f32 v38, v6;
	[tilespmem:s21+$0xD70] =	vst v19  }
0x106: {  	v53 =	vld [tilespmem:s22+$0xEE0];
	v8 =	vmul.f32 v39, v6;
	[tilespmem:s22+$0xE00] =	vst v10  }
0x107: {  	v57 =	vld [tilespmem:s22+$0xF30];
	v14 =	vmul.f32 v40, v6;
	[tilespmem:s22+$0xE10] =	vst v12  }
0x108: {  	v15 =	vld [tilespmem:s21+$0xD60];
	v13 =	vmul.f32 v41, v6;
	[tilespmem:s22+$0xE20] =	vst v8  }
0x109: {  	v55 =	vld [tilespmem:s22+$0xF00];
	v16 =	vmul.f32 v43, v6;
	[tilespmem:s22+$0xE30] =	vst v14  }
0x10a: {  	v17 =	vld [tilespmem:s21+$0xD80];
	v3 =	vbroadcast v3, $0xE;
	v5 =	vmul.f32 v44, v6;
	[tilespmem:s22+$0xE40] =	vst v13  }
0x10b: {  	v56 =	vld [tilespmem:s21+$0xE00];
	v6 =	vmul.f32 v45, v6;
	[tilespmem:s22+$0xE50] =	vst v16  }
0x10c: {  	v59 =	vld [tilespmem:s21+$0xE20];
	v9 =	vmul.f32 v46, v3;
	[tilespmem:s22+$0xE60] =	vst v5  }
0x10d: {  	v58 =	vbroadcast v4, $0xC;
	v18 =	vld [tilespmem:s22+$0xEB0];
	v15 =	vmul.f32 v15, v51;
	[tilespmem:s22+$0xE70] =	vst v6  }
0x10e: {  	v7 =	vmul.f32 v48, v3;
	v10 =	vld [tilespmem:s21+$0xD90];
	[tilespmem:s22+$0xE80] =	vst v9  }
0x10f: {  	v17 =	vmul.f32 v17, v58;
	v12 =	vld [tilespmem:s21+$0xDA0];
	[tilespmem:s21+$0xD60] =	vst v15  }
0x110: {  	v8 =	vld [tilespmem:s21+$0xDB0];
	v15 =	vmul.f32 v49, v3;
	[tilespmem:s22+$0xE90] =	vst v7  }
0x111: {  	v5 =	vld [tilespmem:s21+$0xDF0];
	[tilespmem:s21+$0xD80] =	vst v17;
	v17 =	vmul.f32 v50, v3  }
0x112: {  	v7 =	vld [tilespmem:s22+$0xF40];
	v18 =	vmul.f32 v18, v3;
	[tilespmem:s22+$0xEA0] =	vst v15  }
0x113: {  	v60 =	vld [tilespmem:s22+$0xF60];
	[tilespmem:s22+$0xEC0] =	vst v17;
	v10 =	vmul.f32 v10, v58  }
0x114: {  	v61 =	vld [tilespmem:s21+$0xE60];
	[tilespmem:s22+$0xEB0] =	vst v18;
	v12 =	vmul.f32 v12, v58  }
0x115: {  	v11 =	vld [tilespmem:s22+$0xF10];
	v8 =	vmul.f32 v8, v58;
	[tilespmem:s21+$0xD90] =	vst v10  }
0x116: {  	v13 =	vld [tilespmem:s21+$0xDD0];
	v5 =	vmul.f32 v5, v58;
	[tilespmem:s21+$0xDA0] =	vst v12  }
0x117: {  	v14 =	vld [tilespmem:s21+$0xDC0];
	v63 =	vmul.f32 v7, v2;
	[tilespmem:s21+$0xDB0] =	vst v8  }
0x118: {  	v16 =	vld [tilespmem:s21+$0xDE0];
	v10 =	vmul.f32 v52, v3;
	[tilespmem:s21+$0xDF0] =	vst v5  }
0x119: {  	v6 =	vld [tilespmem:s22+$0xF20];
	v12 =	vmul.f32 v53, v3;
	[tilespmem:s22+$0xF40] =	vst v63  }
0x11a: {  	v62 =	vld [tilespmem:s21+$0xE80];
	v3 =	vmul.f32 v54, v3;
	[tilespmem:s22+$0xED0] =	vst v10  }
0x11b: {  	v19 =	vld [tilespmem:s22+$0xF50];
	v8 =	vmul.f32 v13, v58;
	[tilespmem:s22+$0xEE0] =	vst v12  }
0x11c: {  	v9 =	vld [tilespmem:s21+$0xE10];
	v10 =	vmul.f32 v14, v58;
	[tilespmem:s22+$0xEF0] =	vst v3  }
0x11d: {  	v17 =	vld [tilespmem:s21+$0xE50];
	v3 =	vmul.f32 v16, v58;
	[tilespmem:s21+$0xDD0] =	vst v8;
	v8 =	vmul.f32 v11, v2  }
0x11e: {  	v15 =	vld [tilespmem:s21+$0xE30];
	v11 =	vmul.f32 v6, v2;
	v16 =	vbroadcast v4, $0xD;
	[tilespmem:s21+$0xDC0] =	vst v10  }
0x11f: {  	v14 =	vld [tilespmem:s21+$0xE70];
	v4 =	vbroadcast v4, $0xE;
	v10 =	vmul.f32 v55, v2;
	[tilespmem:s21+$0xDE0] =	vst v3  }
0x120: {  	v18 =	vld [tilespmem:s21+$0xE40];
	[tilespmem:s22+$0xF10] =	vst v8;
	v12 =	vmul.f32 v56, v16;
	v3 =	vmul.f32 v19, v2  }
0x121: {  	v6 =	vld [tilespmem:s21+$0xE90];
	[tilespmem:s22+$0xF20] =	vst v11;
	v19 =	vmul.f32 v9, v16;
	v9 =	vmul.f32 v59, v16  }
0x122: {  	s31 =	smul.u32 $0x32000, s18;
	v7 =	vld [tilespmem:s21+$0xEA0];
	v13 =	vmul.f32 v17, v16;
	v11 =	vmul.f32 v61, v16;
	[tilespmem:s22+$0xF00] =	vst v10  }
0x123: {  	v8 =	vld [tilespmem:s21+$0xEB0];
	v10 =	vmul.f32 v57, v2;
	v2 =	vmul.f32 v60, v2;
	[tilespmem:s21+$0xE00] =	vst v12  }
0x124: {  	s24 =	sshrl.u32 s31, $0x2;
	v5 =	vld [tilespmem:s21+$0xEC0];
	v12 =	vmul.f32 v15, v16;
	[tilespmem:s21+$0xE10] =	vst v19;
	v15 =	vmul.f32 v14, v16  }
0x125: {  	s25 =	simm.s32 $0x3;
	s24 =	sor.u32 $0x780, s24;
	s26 =	simm.s32 $0x20;
	v14 =	vld [tilespmem:s21+$0xED0];
	[tilespmem:s22+$0xF30] =	vst v10;
	v10 =	vmul.f32 v18, v16;
	v16 =	vmul.f32 v62, v4  }
.LBB2_3:
0x126: {  	p0 =	sne.s32 s25, $0x18;
	v17 =	vld.idx.msk [tilespmem:v1+s26+$0x400 ss:$0x1], $0xffff;
	[tilespmem:s21+$0xE20] =	vst v9;
	v6 =	vmul.f32 v6, v4  }
0x127: {  	[tilespmem:s21+$0xE30] =	vst v12;
	v7 =	vmul.f32 v7, v4;
	v9 =	vld [tilespmem:s21+$0xEE0]  }
0x128: {  	[tilespmem:s21+$0xE40] =	vst v10;
	v8 =	vmul.f32 v8, v4;
	v10 =	vld [tilespmem:s21+$0xEF0]  }
0x129: {  	[tilespmem:s21+$0xE50] =	vst v13;
	v5 =	vmul.f32 v5, v4;
	v12 =	vld [tilespmem:s21+$0xF00]  }
0x12a: {  	[tilespmem:s21+$0xE60] =	vst v11;
	v11 =	vmul.f32 v14, v4;
	v13 =	vld [tilespmem:s21+$0xF10]  }
0x12b: {  	[tilespmem:s21+$0xE70] =	vst v15;
	v14 =	vld [tilespmem:s21+$0xF20]  }
0x12c: {  	[tilespmem:s21+$0xE80] =	vst v16;
	v9 =	vmul.f32 v9, v4;
	v15 =	vld [tilespmem:s21+$0xF30]  }
0x12d: {  	[tilespmem:s21+$0xE90] =	vst v6;
	v4 =	vmul.f32 v10, v4;
	v6 =	vld [tilespmem:s21+$0xF40]  }
0x12e: {  	s26 =	sadd.s32 s23, s26;
	v16 =	vld.idx.msk [tilespmem:v17+s5+$0x0], $0xffff;
	[tilespmem:s21+$0xEA0] =	vst v7;
	v7 =	vmul.f32 v12, v0  }
0x12f: {  	s26 =	sshll.u32 s26, $0x7;
	[tilespmem:s21+$0xEB0] =	vst v8;
	v8 =	vmul.f32 v13, v0;
	v17 =	vld [tilespmem:s21+$0xF50]  }
0x130: {  	s26 =	sand.u32 $0x3FFFFF80, s26;
	[tilespmem:s21+$0xEC0] =	vst v5;
	v5 =	vmul.f32 v14, v0;
	v18 =	vld [tilespmem:s21+$0xF60]  }
0x131: {  	v10 =	vld [tilespmem:s26+$0xF70];
	[tilespmem:s21+$0xED0] =	vst v11;
	v11 =	vmul.f32 v15, v0  }
0x132: {  	v19 =	vld [tilespmem:s26+$0x780];
	[tilespmem:s21+$0xEE0] =	vst v9;
	v6 =	vmul.f32 v6, v0  }
0x133: {  	v20 =	vld [tilespmem:s26+$0x790];
	[tilespmem:s21+$0xEF0] =	vst v4  }
0x134: {  	v21 =	vbroadcast v16, $0x0;
	v23 =	vbroadcast v16, $0xF;
	v22 =	vld [tilespmem:s26+$0x7A0];
	[tilespmem:s21+$0xF00] =	vst v7  }
0x135: {  	v25 =	vbroadcast v16, $0x1;
	v26 =	vbroadcast v16, $0x2;
	v24 =	vld [tilespmem:s26+$0x7B0];
	[tilespmem:s21+$0xF10] =	vst v8  }
0x136: {  	v15 =	vbroadcast v16, $0x3;
	v27 =	vld [tilespmem:s26+$0x7C0];
	v4 =	vmul.f32 v10, v23;
	[tilespmem:s21+$0xF20] =	vst v5  }
0x137: {  	v14 =	vbroadcast v16, $0x4;
	v13 =	vbroadcast v16, $0x5;
	v28 =	vld [tilespmem:s26+$0x7D0];
	[tilespmem:s21+$0xF30] =	vst v11  }
0x138: {  	v12 =	vbroadcast v16, $0x6;
	v11 =	vbroadcast v16, $0x7;
	v29 =	vld [tilespmem:s26+$0x7E0];
	[tilespmem:s26+$0xF70] =	vst v4  }
0x139: {  	v9 =	vbroadcast v16, $0x9;
	v10 =	vbroadcast v16, $0x8;
	v30 =	vld [tilespmem:s26+$0x7F0];
	[tilespmem:s21+$0xF40] =	vst v6  }
0x13a: {  	v7 =	vbroadcast v16, $0xB;
	v8 =	vbroadcast v16, $0xA;
	v31 =	vld [tilespmem:s26+$0x800];
	[tilespmem:s22+$0xF50] =	vst v3  }
0x13b: {  	v5 =	vbroadcast v16, $0xD;
	v6 =	vbroadcast v16, $0xC;
	v3 =	vld [tilespmem:s26+$0x810];
	[tilespmem:s22+$0xF60] =	vst v2;
	s22 =	smov.u32 s21;
	s21 =	smov.u32 s26  }
0x13c: {  	v4 =	vbroadcast v16, $0xE;
	v2 =	vmul.f32 v21, v19;
	v19 =	vld [tilespmem:s21+$0x820]  }
0x13d: {  	v16 =	vmul.f32 v20, v21;
	v20 =	vmul.f32 v22, v21;
	v22 =	vld [tilespmem:s21+$0x830]  }
0x13e: {  	[tilespmem:s21+$0x780] =	vst v2;
	v2 =	vmul.f32 v24, v21;
	v24 =	vmul.f32 v27, v21;
	v27 =	vld [tilespmem:s21+$0x840]  }
0x13f: {  	[tilespmem:s21+$0x790] =	vst v16;
	v16 =	vmul.f32 v28, v21;
	v28 =	vmul.f32 v29, v21;
	v29 =	vld [tilespmem:s21+$0x850]  }
0x140: {  	[tilespmem:s21+$0x7A0] =	vst v20;
	v20 =	vmul.f32 v30, v21;
	v21 =	vmul.f32 v31, v25;
	v30 =	vld [tilespmem:s21+$0x860]  }
0x141: {  	v31 =	vmul.f32 v3, v25;
	[tilespmem:s21+$0x7B0] =	vst v2;
	v19 =	vmul.f32 v19, v25;
	v32 =	vld [tilespmem:s21+$0x870]  }
0x142: {  	v3 =	vmul.f32 v17, v0;
	[tilespmem:s21+$0x7C0] =	vst v24;
	v22 =	vmul.f32 v22, v25;
	v24 =	vld [tilespmem:s21+$0x880]  }
0x143: {  	v2 =	vmul.f32 v18, v0;
	v0 =	vmov v23;
	[tilespmem:s21+$0x7D0] =	vst v16;
	v16 =	vmul.f32 v27, v25;
	v17 =	vld [tilespmem:s21+$0x890]  }
0x144: {  	[tilespmem:s21+$0x7E0] =	vst v28;
	v18 =	vmul.f32 v29, v25;
	v23 =	vld [tilespmem:s21+$0x8A0]  }
0x145: {  	[tilespmem:s21+$0x7F0] =	vst v20;
	v20 =	vmul.f32 v30, v25;
	v27 =	vld [tilespmem:s21+$0x8B0]  }
0x146: {  	[tilespmem:s21+$0x800] =	vst v21;
	v21 =	vmul.f32 v32, v25;
	v25 =	vld [tilespmem:s21+$0x8C0]  }
0x147: {  	[tilespmem:s21+$0x810] =	vst v31;
	v24 =	vmul.f32 v24, v26;
	v28 =	vld [tilespmem:s21+$0x8D0]  }
0x148: {  	[tilespmem:s21+$0x820] =	vst v19;
	v17 =	vmul.f32 v17, v26;
	v19 =	vld [tilespmem:s21+$0x8E0]  }
0x149: {  	[tilespmem:s21+$0x830] =	vst v22;
	v22 =	vmul.f32 v23, v26;
	v23 =	vld [tilespmem:s21+$0x8F0]  }
0x14a: {  	[tilespmem:s21+$0x840] =	vst v16;
	v16 =	vmul.f32 v27, v26;
	v27 =	vld [tilespmem:s21+$0x900]  }
0x14b: {  	[tilespmem:s21+$0x850] =	vst v18;
	v18 =	vmul.f32 v25, v26;
	v25 =	vld [tilespmem:s21+$0x910]  }
0x14c: {  	[tilespmem:s21+$0x860] =	vst v20;
	v20 =	vmul.f32 v28, v26;
	v28 =	vld [tilespmem:s21+$0x920]  }
0x14d: {  	[tilespmem:s21+$0x870] =	vst v21;
	v19 =	vmul.f32 v19, v26;
	v21 =	vld [tilespmem:s21+$0x930]  }
0x14e: {  	[tilespmem:s21+$0x880] =	vst v24;
	v23 =	vmul.f32 v23, v26;
	v24 =	vld [tilespmem:s21+$0x940]  }
0x14f: {  	[tilespmem:s21+$0x890] =	vst v17;
	v17 =	vmul.f32 v27, v15;
	v26 =	vld [tilespmem:s21+$0x950]  }
0x150: {  	[tilespmem:s21+$0x8A0] =	vst v22;
	v22 =	vmul.f32 v25, v15;
	v25 =	vld [tilespmem:s21+$0x960]  }
0x151: {  	[tilespmem:s21+$0x8B0] =	vst v16;
	v16 =	vmul.f32 v28, v15;
	v27 =	vld [tilespmem:s21+$0x970]  }
0x152: {  	[tilespmem:s21+$0x8C0] =	vst v18;
	v18 =	vmul.f32 v21, v15;
	v21 =	vld [tilespmem:s21+$0x980]  }
0x153: {  	[tilespmem:s21+$0x8D0] =	vst v20;
	v20 =	vmul.f32 v24, v15;
	v24 =	vld [tilespmem:s21+$0x990]  }
0x154: {  	[tilespmem:s21+$0x8E0] =	vst v19;
	v19 =	vmul.f32 v26, v15;
	v26 =	vld [tilespmem:s21+$0x9A0]  }
0x155: {  	[tilespmem:s21+$0x8F0] =	vst v23;
	v23 =	vmul.f32 v25, v15;
	v25 =	vld [tilespmem:s21+$0x9B0]  }
0x156: {  	[tilespmem:s21+$0x900] =	vst v17;
	v15 =	vmul.f32 v27, v15;
	v17 =	vld [tilespmem:s21+$0x9C0]  }
0x157: {  	[tilespmem:s21+$0x910] =	vst v22;
	v21 =	vmul.f32 v21, v14;
	v22 =	vld [tilespmem:s21+$0x9D0]  }
0x158: {  	[tilespmem:s21+$0x920] =	vst v16;
	v16 =	vmul.f32 v24, v14;
	v24 =	vld [tilespmem:s21+$0x9E0]  }
0x159: {  	[tilespmem:s21+$0x930] =	vst v18;
	v18 =	vmul.f32 v26, v14;
	v26 =	vld [tilespmem:s21+$0x9F0]  }
0x15a: {  	[tilespmem:s21+$0x940] =	vst v20;
	v20 =	vmul.f32 v25, v14;
	v25 =	vld [tilespmem:s21+$0xA00]  }
0x15b: {  	[tilespmem:s21+$0x950] =	vst v19;
	v17 =	vmul.f32 v17, v14;
	v19 =	vld [tilespmem:s21+$0xA10]  }
0x15c: {  	[tilespmem:s21+$0x960] =	vst v23;
	v22 =	vmul.f32 v22, v14;
	v23 =	vld [tilespmem:s21+$0xA20]  }
0x15d: {  	[tilespmem:s21+$0x970] =	vst v15;
	v15 =	vmul.f32 v24, v14;
	v24 =	vld [tilespmem:s21+$0xA30]  }
0x15e: {  	[tilespmem:s21+$0x980] =	vst v21;
	v14 =	vmul.f32 v26, v14;
	v21 =	vld [tilespmem:s21+$0xA40]  }
0x15f: {  	[tilespmem:s21+$0x990] =	vst v16;
	v16 =	vmul.f32 v25, v13;
	v25 =	vld [tilespmem:s21+$0xA50]  }
0x160: {  	[tilespmem:s21+$0x9A0] =	vst v18;
	v18 =	vmul.f32 v19, v13;
	v19 =	vld [tilespmem:s21+$0xA60]  }
0x161: {  	[tilespmem:s21+$0x9B0] =	vst v20;
	v20 =	vmul.f32 v23, v13;
	v23 =	vld [tilespmem:s21+$0xA70]  }
0x162: {  	[tilespmem:s21+$0x9C0] =	vst v17;
	v17 =	vmul.f32 v24, v13;
	v24 =	vld [tilespmem:s21+$0xA80]  }
0x163: {  	[tilespmem:s21+$0x9D0] =	vst v22;
	v21 =	vmul.f32 v21, v13;
	v22 =	vld [tilespmem:s21+$0xA90]  }
0x164: {  	[tilespmem:s21+$0x9E0] =	vst v15;
	v15 =	vmul.f32 v25, v13;
	v25 =	vld [tilespmem:s21+$0xAA0]  }
0x165: {  	[tilespmem:s21+$0x9F0] =	vst v14;
	v14 =	vmul.f32 v19, v13;
	v19 =	vld [tilespmem:s21+$0xAB0]  }
0x166: {  	[tilespmem:s21+$0xA00] =	vst v16;
	v13 =	vmul.f32 v23, v13;
	v16 =	vld [tilespmem:s21+$0xAC0]  }
0x167: {  	[tilespmem:s21+$0xA10] =	vst v18;
	v18 =	vmul.f32 v24, v12;
	v23 =	vld [tilespmem:s21+$0xAD0]  }
0x168: {  	[tilespmem:s21+$0xA20] =	vst v20;
	v20 =	vmul.f32 v22, v12;
	v22 =	vld [tilespmem:s21+$0xAE0]  }
0x169: {  	[tilespmem:s21+$0xA30] =	vst v17;
	v17 =	vmul.f32 v25, v12;
	v24 =	vld [tilespmem:s21+$0xAF0]  }
0x16a: {  	[tilespmem:s21+$0xA40] =	vst v21;
	v19 =	vmul.f32 v19, v12;
	v21 =	vld [tilespmem:s21+$0xB00]  }
0x16b: {  	[tilespmem:s21+$0xA50] =	vst v15;
	v15 =	vmul.f32 v16, v12;
	v16 =	vld [tilespmem:s21+$0xB10]  }
0x16c: {  	[tilespmem:s21+$0xA60] =	vst v14;
	v14 =	vmul.f32 v23, v12;
	v23 =	vld [tilespmem:s21+$0xB20]  }
0x16d: {  	[tilespmem:s21+$0xA70] =	vst v13;
	v13 =	vmul.f32 v22, v12;
	v22 =	vld [tilespmem:s21+$0xB30]  }
0x16e: {  	[tilespmem:s21+$0xA80] =	vst v18;
	v12 =	vmul.f32 v24, v12;
	v18 =	vld [tilespmem:s21+$0xB40]  }
0x16f: {  	[tilespmem:s21+$0xA90] =	vst v20;
	v20 =	vmul.f32 v21, v11;
	v21 =	vld [tilespmem:s21+$0xB50]  }
0x170: {  	[tilespmem:s21+$0xAA0] =	vst v17;
	v16 =	vmul.f32 v16, v11;
	v17 =	vld [tilespmem:s21+$0xB60]  }
0x171: {  	[tilespmem:s21+$0xAB0] =	vst v19;
	v19 =	vmul.f32 v23, v11;
	v23 =	vld [tilespmem:s21+$0xB70]  }
0x172: {  	[tilespmem:s21+$0xAC0] =	vst v15;
	v15 =	vmul.f32 v22, v11;
	v22 =	vld [tilespmem:s21+$0xB80]  }
0x173: {  	[tilespmem:s21+$0xAD0] =	vst v14;
	v14 =	vmul.f32 v18, v11;
	v18 =	vld [tilespmem:s21+$0xB90]  }
0x174: {  	[tilespmem:s21+$0xAE0] =	vst v13;
	v13 =	vmul.f32 v21, v11;
	v21 =	vld [tilespmem:s21+$0xBA0]  }
0x175: {  	[tilespmem:s21+$0xAF0] =	vst v12;
	v12 =	vmul.f32 v17, v11;
	v17 =	vld [tilespmem:s21+$0xBB0]  }
0x176: {  	[tilespmem:s21+$0xB00] =	vst v20;
	v11 =	vmul.f32 v23, v11;
	v20 =	vld [tilespmem:s21+$0xBC0]  }
0x177: {  	[tilespmem:s21+$0xB10] =	vst v16;
	v16 =	vmul.f32 v22, v10;
	v22 =	vld [tilespmem:s21+$0xBD0]  }
0x178: {  	[tilespmem:s21+$0xB20] =	vst v19;
	v18 =	vmul.f32 v18, v10;
	v19 =	vld [tilespmem:s21+$0xBE0]  }
0x179: {  	[tilespmem:s21+$0xB30] =	vst v15;
	v15 =	vmul.f32 v21, v10;
	v21 =	vld [tilespmem:s21+$0xBF0]  }
0x17a: {  	[tilespmem:s21+$0xB40] =	vst v14;
	v14 =	vmul.f32 v17, v10;
	v17 =	vld [tilespmem:s21+$0xC00]  }
0x17b: {  	[tilespmem:s21+$0xB50] =	vst v13;
	v13 =	vmul.f32 v20, v10;
	v20 =	vld [tilespmem:s21+$0xC10]  }
0x17c: {  	[tilespmem:s21+$0xB60] =	vst v12;
	v12 =	vmul.f32 v22, v10;
	v22 =	vld [tilespmem:s21+$0xC20]  }
0x17d: {  	[tilespmem:s21+$0xB70] =	vst v11;
	v11 =	vmul.f32 v19, v10;
	v19 =	vld [tilespmem:s21+$0xC30]  }
0x17e: {  	[tilespmem:s21+$0xB80] =	vst v16;
	v10 =	vmul.f32 v21, v10;
	v16 =	vld [tilespmem:s21+$0xC40]  }
0x17f: {  	[tilespmem:s21+$0xB90] =	vst v18;
	v17 =	vmul.f32 v17, v9;
	v18 =	vld [tilespmem:s21+$0xC50]  }
0x180: {  	[tilespmem:s21+$0xBA0] =	vst v15;
	v15 =	vmul.f32 v20, v9;
	v20 =	vld [tilespmem:s21+$0xC60]  }
0x181: {  	[tilespmem:s21+$0xBB0] =	vst v14;
	v14 =	vmul.f32 v22, v9;
	v21 =	vld [tilespmem:s21+$0xC70]  }
0x182: {  	[tilespmem:s21+$0xBC0] =	vst v13;
	v13 =	vmul.f32 v19, v9;
	v19 =	vld [tilespmem:s21+$0xC80]  }
0x183: {  	[tilespmem:s21+$0xBD0] =	vst v12;
	v12 =	vmul.f32 v16, v9;
	v16 =	vld [tilespmem:s21+$0xC90]  }
0x184: {  	[tilespmem:s21+$0xBE0] =	vst v11;
	v11 =	vmul.f32 v18, v9;
	v18 =	vld [tilespmem:s21+$0xCA0]  }
0x185: {  	[tilespmem:s21+$0xBF0] =	vst v10;
	v10 =	vmul.f32 v20, v9;
	v20 =	vld [tilespmem:s21+$0xCB0]  }
0x186: {  	[tilespmem:s21+$0xC00] =	vst v17;
	v9 =	vmul.f32 v21, v9;
	v17 =	vld [tilespmem:s21+$0xCC0]  }
0x187: {  	[tilespmem:s21+$0xC10] =	vst v15;
	v15 =	vmul.f32 v19, v8;
	v19 =	vld [tilespmem:s21+$0xCD0]  }
0x188: {  	[tilespmem:s21+$0xC20] =	vst v14;
	v14 =	vmul.f32 v16, v8;
	v16 =	vld [tilespmem:s21+$0xCE0]  }
0x189: {  	[tilespmem:s21+$0xC30] =	vst v13;
	v13 =	vmul.f32 v18, v8;
	v18 =	vld [tilespmem:s21+$0xCF0]  }
0x18a: {  	[tilespmem:s21+$0xC40] =	vst v12;
	v12 =	vmul.f32 v20, v8;
	v20 =	vld [tilespmem:s21+$0xD00]  }
0x18b: {  	[tilespmem:s21+$0xC50] =	vst v11;
	v11 =	vmul.f32 v17, v8;
	v17 =	vld [tilespmem:s21+$0xD10]  }
0x18c: {  	[tilespmem:s21+$0xC60] =	vst v10;
	v10 =	vmul.f32 v19, v8;
	v19 =	vld [tilespmem:s21+$0xD20]  }
0x18d: {  	[tilespmem:s21+$0xC70] =	vst v9;
	v9 =	vmul.f32 v16, v8;
	v16 =	vld [tilespmem:s21+$0xD30]  }
0x18e: {  	[tilespmem:s21+$0xC80] =	vst v15;
	v8 =	vmul.f32 v18, v8;
	v15 =	vld [tilespmem:s21+$0xD40]  }
0x18f: {  	[tilespmem:s21+$0xC90] =	vst v14;
	v14 =	vmul.f32 v20, v7;
	v18 =	vld [tilespmem:s21+$0xD50]  }
0x190: {  	[tilespmem:s21+$0xCA0] =	vst v13;
	v13 =	vmul.f32 v17, v7;
	v17 =	vld [tilespmem:s21+$0xD60]  }
0x191: {  	[tilespmem:s21+$0xCB0] =	vst v12;
	v12 =	vmul.f32 v19, v7;
	v19 =	vld [tilespmem:s21+$0xD70]  }
0x192: {  	[tilespmem:s21+$0xCC0] =	vst v11;
	v11 =	vmul.f32 v16, v7;
	v16 =	vld [tilespmem:s21+$0xD80]  }
0x193: {  	[tilespmem:s21+$0xCD0] =	vst v10;
	v10 =	vmul.f32 v15, v7;
	v15 =	vld [tilespmem:s21+$0xD90]  }
0x194: {  	[tilespmem:s21+$0xCE0] =	vst v9;
	v9 =	vmul.f32 v18, v7;
	v18 =	vld [tilespmem:s21+$0xDA0]  }
0x195: {  	[tilespmem:s21+$0xCF0] =	vst v8;
	v8 =	vmul.f32 v17, v7;
	v17 =	vld [tilespmem:s21+$0xDB0]  }
0x196: {  	[tilespmem:s21+$0xD00] =	vst v14;
	v7 =	vmul.f32 v19, v7;
	v14 =	vld [tilespmem:s21+$0xDC0]  }
0x197: {  	[tilespmem:s21+$0xD10] =	vst v13;
	v13 =	vmul.f32 v16, v6;
	v16 =	vld [tilespmem:s21+$0xDD0]  }
0x198: {  	[tilespmem:s21+$0xD20] =	vst v12;
	v12 =	vmul.f32 v15, v6;
	v15 =	vld [tilespmem:s21+$0xDE0]  }
0x199: {  	[tilespmem:s21+$0xD30] =	vst v11;
	v11 =	vmul.f32 v18, v6;
	v18 =	vld [tilespmem:s21+$0xDF0]  }
0x19a: {  	[tilespmem:s21+$0xD40] =	vst v10;
	v10 =	vmul.f32 v17, v6;
	v17 =	vld [tilespmem:s21+$0xE00]  }
0x19b: {  	[tilespmem:s21+$0xD50] =	vst v9;
	v14 =	vmul.f32 v14, v6;
	v9 =	vld [tilespmem:s21+$0xE10]  }
0x19c: {  	[tilespmem:s21+$0xD60] =	vst v8;
	v8 =	vmul.f32 v16, v6;
	v16 =	vld [tilespmem:s21+$0xE20]  }
0x19d: {  	[tilespmem:s21+$0xD70] =	vst v7;
	v7 =	vmul.f32 v15, v6;
	v15 =	vld [tilespmem:s21+$0xE30]  }
0x19e: {  	[tilespmem:s21+$0xD80] =	vst v13;
	v18 =	vmul.f32 v18, v6;
	v6 =	vld [tilespmem:s21+$0xE40]  }
0x19f: {  	[tilespmem:s21+$0xD90] =	vst v12;
	v17 =	vmul.f32 v17, v5;
	v13 =	vld [tilespmem:s21+$0xE50]  }
0x1a0: {  	[tilespmem:s21+$0xDA0] =	vst v11;
	v19 =	vmul.f32 v9, v5;
	v11 =	vld [tilespmem:s21+$0xE60]  }
0x1a1: {  	[tilespmem:s21+$0xDB0] =	vst v10;
	v9 =	vmul.f32 v16, v5;
	v16 =	vld [tilespmem:s21+$0xE70]  }
0x1a2: {  	[tilespmem:s21+$0xDC0] =	vst v14;
	v12 =	vmul.f32 v15, v5;
	v14 =	vld [tilespmem:s21+$0xE80]  }
.Ltmp0:
0x1a3: {  	[tilespmem:s21+$0xDD0] =	vst v8;
	v10 =	vmul.f32 v6, v5;
	v6 =	vld [tilespmem:s21+$0xE90];
	(pc) =	sbr.rel @p0 .LBB2_3-.Ltmp0, $4  }
0x1a4: {  	[tilespmem:s21+$0xDE0] =	vst v7;
	v13 =	vmul.f32 v13, v5;
	v7 =	vld [tilespmem:s21+$0xEA0]  }
0x1a5: {  	[tilespmem:s21+$0xDF0] =	vst v18;
	v11 =	vmul.f32 v11, v5;
	v8 =	vld [tilespmem:s21+$0xEB0]  }
0x1a6: {  	[tilespmem:s21+$0xE00] =	vst v17;
	v15 =	vmul.f32 v16, v5;
	v5 =	vld [tilespmem:s21+$0xEC0]  }
0x1a7: {  	s26 =	sshll.u32 s25, $0x4;
	s25 =	sadd.s32 $0x1, s25;
	[tilespmem:s21+$0xE10] =	vst v19;
	v16 =	vmul.f32 v14, v4;
	v14 =	vld [tilespmem:s21+$0xED0]  }
0x1a8: {  	[tilespmem:s21+$0xE20] =	vst v9  }
0x1a9: {  	[tilespmem:s21+$0xE30] =	vst v12  }
0x1aa: {  	[tilespmem:s21+$0xE40] =	vst v10  }
0x1ab: {  	[tilespmem:s21+$0xE50] =	vst v13  }
0x1ac: {  	v24 =	vld [tilespmem:s21+$0xEE0];
	[tilespmem:s21+$0xE60] =	vst v11  }
0x1ad: {  	v28 =	vld.idx.msk [tilespmem:v1+s26+$0x400 ss:$0x1], $0xffff;
	[tilespmem:s21+$0xE70] =	vst v15  }
0x1ae: {  	v25 =	vld [tilespmem:s21+$0xEF0];
	[tilespmem:s22+$0xF50] =	vst v3  }
0x1af: {  	v26 =	vld [tilespmem:s21+$0xF00];
	v30 =	vmul.f32 v6, v4;
	[tilespmem:s22+$0xF60] =	vst v2  }
0x1b0: {  	v27 =	vld [tilespmem:s21+$0xF10];
	[tilespmem:s21+$0xE80] =	vst v16;
	v32 =	vmul.f32 v7, v4  }
0x1b1: {  	v29 =	vld [tilespmem:s21+$0xF20];
	[tilespmem:s21+$0xE90] =	vst v30;
	v33 =	vmul.f32 v8, v4  }
0x1b2: {  	v31 =	vld [tilespmem:s21+$0xF30];
	[tilespmem:s21+$0xEA0] =	vst v32;
	v5 =	vmul.f32 v5, v4  }
0x1b3: {  	v34 =	vld [tilespmem:s21+$0xF40];
	s23 =	sadd.s32 s23, s26;
	[tilespmem:s21+$0xEB0] =	vst v33;
	v35 =	vmul.f32 v14, v4  }
0x1b4: {  	v1 =	vld [tilespmem:s21+$0xF50];
	s23 =	sshll.u32 s23, $0x7;
	[tilespmem:s21+$0xEC0] =	vst v5;
	v9 =	vmul.f32 v24, v4  }
0x1b5: {  	s23 =	sand.u32 $0x3FFFFF80, s23;
	v36 =	vmul.f32 v25, v4;
	[tilespmem:s21+$0xED0] =	vst v35;
	v6 =	vld.idx.msk [tilespmem:v28+s5+$0x0], $0xffff  }
0x1b6: {  	v37 =	vld [tilespmem:s23+$0xF70];
	v38 =	vmul.f32 v26, v0;
	[tilespmem:s21+$0xEE0] =	vst v9  }
0x1b7: {  	v42 =	vld [tilespmem:s23+$0x780];
	v39 =	vmul.f32 v27, v0;
	[tilespmem:s21+$0xEF0] =	vst v36  }
0x1b8: {  	v43 =	vld [tilespmem:s23+$0x790];
	v40 =	vmul.f32 v29, v0;
	[tilespmem:s21+$0xF00] =	vst v38  }
0x1b9: {  	v44 =	vld [tilespmem:s23+$0x7A0];
	v41 =	vmul.f32 v31, v0;
	[tilespmem:s21+$0xF10] =	vst v39  }
0x1ba: {  	v46 =	vld [tilespmem:s23+$0x7B0];
	v7 =	vmul.f32 v34, v0;
	[tilespmem:s21+$0xF20] =	vst v40;
	v4 =	vbroadcast v6, $0xF  }
0x1bb: {  	v48 =	vld [tilespmem:s23+$0x7D0];
	v1 =	vmul.f32 v1, v0;
	[tilespmem:s21+$0xF30] =	vst v41;
	v45 =	vbroadcast v6, $0x0  }
0x1bc: {  	v50 =	vld [tilespmem:s23+$0x7E0];
	[tilespmem:s21+$0xF40] =	vst v7;
	v10 =	vmul.f32 v37, v4  }
0x1bd: {  	v5 =	vld [tilespmem:s21+$0xF60];
	[tilespmem:s21+$0xF50] =	vst v1;
	v49 =	vmul.f32 v45, v42  }
0x1be: {  	v52 =	vld [tilespmem:s23+$0x7F0];
	v51 =	vmul.f32 v43, v45;
	[tilespmem:s23+$0xF70] =	vst v10  }
0x1bf: {  	v53 =	vld [tilespmem:s23+$0x800];
	v11 =	vmul.f32 v44, v45;
	[tilespmem:s23+$0x780] =	vst v49  }
0x1c0: {  	v54 =	vld [tilespmem:s23+$0x810];
	v13 =	vmul.f32 v46, v45;
	[tilespmem:s23+$0x790] =	vst v51  }
0x1c1: {  	v55 =	vld [tilespmem:s23+$0x820];
	v7 =	vmul.f32 v48, v45;
	[tilespmem:s23+$0x7A0] =	vst v11  }
0x1c2: {  	v57 =	vld [tilespmem:s23+$0x830];
	v56 =	vbroadcast v6, $0x1;
	v12 =	vmul.f32 v50, v45;
	[tilespmem:s23+$0x7B0] =	vst v13  }
0x1c3: {  	v58 =	vld [tilespmem:s23+$0x840];
	v8 =	vmul.f32 v52, v45;
	[tilespmem:s23+$0x7D0] =	vst v7  }
0x1c4: {  	v60 =	vld [tilespmem:s23+$0x860];
	v3 =	vmul.f32 v53, v56;
	[tilespmem:s23+$0x7E0] =	vst v12  }
0x1c5: {  	v62 =	vld [tilespmem:s23+$0x870];
	v2 =	vmul.f32 v54, v56;
	[tilespmem:s23+$0x7F0] =	vst v8  }
0x1c6: {  	v16 =	vld [tilespmem:s23+$0x880];
	v61 =	vmul.f32 v55, v56;
	[tilespmem:s23+$0x800] =	vst v3  }
0x1c7: {  	v18 =	vld [tilespmem:s23+$0x890];
	v63 =	vmul.f32 v57, v56;
	[tilespmem:s23+$0x810] =	vst v2  }
0x1c8: {  	v19 =	vld [tilespmem:s23+$0x8A0];
	v17 =	vmul.f32 v58, v56;
	[tilespmem:s23+$0x820] =	vst v61  }
0x1c9: {  	v21 =	vld [tilespmem:s23+$0x8B0];
	v20 =	vbroadcast v6, $0x2;
	v9 =	vmul.f32 v60, v56;
	[tilespmem:s23+$0x830] =	vst v63  }
0x1ca: {  	v23 =	vld [tilespmem:s23+$0x8C0];
	v22 =	vmul.f32 v62, v56;
	[tilespmem:s23+$0x840] =	vst v17  }
0x1cb: {  	v25 =	vld [tilespmem:s23+$0x8D0];
	v24 =	vmul.f32 v16, v20;
	[tilespmem:s23+$0x860] =	vst v9  }
0x1cc: {  	v31 =	vld [tilespmem:s23+$0x900];
	v26 =	vmul.f32 v18, v20;
	[tilespmem:s23+$0x870] =	vst v22  }
0x1cd: {  	v33 =	vld [tilespmem:s23+$0x910];
	v28 =	vmul.f32 v19, v20;
	[tilespmem:s23+$0x880] =	vst v24  }
0x1ce: {  	v35 =	vld [tilespmem:s23+$0x920];
	v30 =	vmul.f32 v21, v20;
	[tilespmem:s23+$0x890] =	vst v26  }
0x1cf: {  	v40 =	vld [tilespmem:s23+$0x950];
	v36 =	vbroadcast v6, $0x3;
	v32 =	vmul.f32 v23, v20;
	[tilespmem:s23+$0x8A0] =	vst v28  }
0x1d0: {  	v47 =	vld [tilespmem:s23+$0x7C0];
	v34 =	vmul.f32 v25, v20;
	[tilespmem:s23+$0x8B0] =	vst v30  }
0x1d1: {  	v59 =	vld [tilespmem:s23+$0x850];
	v39 =	vmul.f32 v31, v36;
	[tilespmem:s23+$0x8C0] =	vst v32  }
0x1d2: {  	v29 =	vld [tilespmem:s23+$0x8F0];
	v41 =	vmul.f32 v33, v36;
	[tilespmem:s23+$0x8D0] =	vst v34  }
0x1d3: {  	v38 =	vld [tilespmem:s23+$0x940];
	v43 =	vmul.f32 v35, v36;
	[tilespmem:s23+$0x900] =	vst v39  }
0x1d4: {  	v27 =	vld [tilespmem:s23+$0x8E0];
	v48 =	vmul.f32 v40, v36;
	[tilespmem:s23+$0x910] =	vst v41  }
0x1d5: {  	v37 =	vld [tilespmem:s23+$0x930];
	v10 =	vmul.f32 v47, v45;
	[tilespmem:s23+$0x920] =	vst v43  }
0x1d6: {  	v42 =	vld [tilespmem:s23+$0x960];
	v7 =	vmul.f32 v59, v56;
	[tilespmem:s23+$0x950] =	vst v48  }
0x1d7: {  	v44 =	vld [tilespmem:s23+$0x970];
	v3 =	vmul.f32 v29, v20;
	[tilespmem:s23+$0x7C0] =	vst v10  }
0x1d8: {  	v46 =	vld [tilespmem:s23+$0x980];
	v8 =	vmul.f32 v38, v36;
	[tilespmem:s23+$0x850] =	vst v7  }
0x1d9: {  	v52 =	vld [tilespmem:s23+$0x9C0];
	v10 =	vmul.f32 v27, v20;
	[tilespmem:s23+$0x8F0] =	vst v3  }
0x1da: {  	v54 =	vld [tilespmem:s23+$0x9D0];
	[tilespmem:s23+$0x940] =	vst v8;
	v45 =	vmul.f32 v37, v36  }
0x1db: {  	v50 =	vbroadcast v6, $0x4;
	v57 =	vld [tilespmem:s23+$0x9F0];
	v11 =	vmul.f32 v42, v36;
	[tilespmem:s23+$0x8E0] =	vst v10  }
0x1dc: {  	v62 =	vld [tilespmem:s23+$0xA20];
	v7 =	vmul.f32 v44, v36;
	[tilespmem:s23+$0x930] =	vst v45  }
0x1dd: {  	v16 =	vld [tilespmem:s23+$0xA30];
	v53 =	vmul.f32 v46, v50;
	[tilespmem:s23+$0x960] =	vst v11  }
0x1de: {  	v19 =	vld [tilespmem:s23+$0xA50];
	v8 =	vmul.f32 v52, v50;
	[tilespmem:s23+$0x970] =	vst v7  }
0x1df: {  	v47 =	vld [tilespmem:s23+$0x990];
	v63 =	vbroadcast v6, $0x5;
	v61 =	vmul.f32 v54, v50;
	[tilespmem:s23+$0x980] =	vst v53  }
0x1e0: {  	v49 =	vld [tilespmem:s23+$0x9A0];
	v2 =	vmul.f32 v57, v50;
	[tilespmem:s23+$0x9C0] =	vst v8  }
0x1e1: {  	v51 =	vld [tilespmem:s23+$0x9B0];
	v21 =	vmul.f32 v62, v63;
	[tilespmem:s23+$0x9D0] =	vst v61  }
0x1e2: {  	v55 =	vld [tilespmem:s23+$0x9E0];
	v23 =	vmul.f32 v16, v63;
	[tilespmem:s23+$0x9F0] =	vst v2  }
0x1e3: {  	v59 =	vld [tilespmem:s23+$0xA00];
	v26 =	vmul.f32 v19, v63;
	[tilespmem:s23+$0xA20] =	vst v21  }
0x1e4: {  	v17 =	vld [tilespmem:s23+$0xA40];
	v10 =	vmul.f32 v47, v50;
	[tilespmem:s23+$0xA30] =	vst v23  }
0x1e5: {  	v22 =	vld [tilespmem:s23+$0xA70];
	v56 =	vmul.f32 v49, v50;
	[tilespmem:s23+$0xA50] =	vst v26  }
0x1e6: {  	v24 =	vld [tilespmem:s23+$0xA80];
	v58 =	vmul.f32 v51, v50;
	[tilespmem:s23+$0x990] =	vst v10  }
0x1e7: {  	v29 =	vld [tilespmem:s23+$0xAB0];
	v11 =	vmul.f32 v55, v50;
	[tilespmem:s23+$0x9A0] =	vst v56  }
0x1e8: {  	v32 =	vld [tilespmem:s23+$0xAD0];
	v18 =	vmul.f32 v59, v63;
	[tilespmem:s23+$0x9B0] =	vst v58  }
0x1e9: {  	v35 =	vld [tilespmem:s23+$0xAF0];
	v28 =	vbroadcast v6, $0x6;
	v8 =	vmul.f32 v17, v63;
	[tilespmem:s23+$0x9E0] =	vst v11  }
0x1ea: {  	v40 =	vld [tilespmem:s23+$0xB20];
	v3 =	vmul.f32 v22, v63;
	[tilespmem:s23+$0xA00] =	vst v18  }
0x1eb: {  	v48 =	vld [tilespmem:s23+$0xB70];
	v31 =	vmul.f32 v24, v28;
	[tilespmem:s23+$0xA40] =	vst v8  }
0x1ec: {  	v60 =	vld [tilespmem:s23+$0xA10];
	v36 =	vmul.f32 v29, v28;
	[tilespmem:s23+$0xA70] =	vst v3  }
0x1ed: {  	v41 =	vbroadcast v6, $0x7;
	v20 =	vld [tilespmem:s23+$0xA60];
	v39 =	vmul.f32 v32, v28;
	[tilespmem:s23+$0xA80] =	vst v31  }
0x1ee: {  	v27 =	vld [tilespmem:s23+$0xAA0];
	v7 =	vmul.f32 v35, v28;
	[tilespmem:s23+$0xAB0] =	vst v36  }
0x1ef: {  	v30 =	vld [tilespmem:s23+$0xAC0];
	v47 =	vmul.f32 v40, v41;
	[tilespmem:s23+$0xAD0] =	vst v39  }
0x1f0: {  	v37 =	vld [tilespmem:s23+$0xB00];
	v2 =	vmul.f32 v48, v41;
	[tilespmem:s23+$0xAF0] =	vst v7  }
0x1f1: {  	v42 =	vld [tilespmem:s23+$0xB30];
	v10 =	vmul.f32 v60, v63;
	[tilespmem:s23+$0xB20] =	vst v47  }
0x1f2: {  	v25 =	vld [tilespmem:s23+$0xA90];
	v11 =	vmul.f32 v20, v63;
	[tilespmem:s23+$0xB70] =	vst v2  }
0x1f3: {  	v33 =	vld [tilespmem:s23+$0xAE0];
	v34 =	vmul.f32 v27, v28;
	[tilespmem:s23+$0xA10] =	vst v10  }
0x1f4: {  	v43 =	vld [tilespmem:s23+$0xB40];
	v8 =	vmul.f32 v30, v28;
	[tilespmem:s23+$0xA60] =	vst v11  }
0x1f5: {  	v45 =	vld [tilespmem:s23+$0xB50];
	v44 =	vmul.f32 v37, v41;
	[tilespmem:s23+$0xAA0] =	vst v34  }
0x1f6: {  	v50 =	vld [tilespmem:s23+$0xB80];
	v49 =	vmul.f32 v42, v41;
	[tilespmem:s23+$0xAC0] =	vst v8  }
0x1f7: {  	v53 =	vld [tilespmem:s23+$0xBA0];
	v10 =	vmul.f32 v25, v28;
	[tilespmem:s23+$0xB00] =	vst v44  }
0x1f8: {  	v55 =	vld [tilespmem:s23+$0xBB0];
	v11 =	vmul.f32 v33, v28;
	[tilespmem:s23+$0xB30] =	vst v49  }
0x1f9: {  	v54 =	vbroadcast v6, $0x8;
	v61 =	vld [tilespmem:s23+$0xBF0];
	v8 =	vmul.f32 v43, v41;
	[tilespmem:s23+$0xA90] =	vst v10  }
0x1fa: {  	v23 =	vld [tilespmem:s23+$0xC50];
	v52 =	vmul.f32 v45, v41;
	[tilespmem:s23+$0xAE0] =	vst v11  }
0x1fb: {  	v26 =	vld [tilespmem:s23+$0xC70];
	v57 =	vmul.f32 v50, v54;
	[tilespmem:s23+$0xB40] =	vst v8  }
0x1fc: {  	v38 =	vld [tilespmem:s23+$0xB10];
	v60 =	vmul.f32 v53, v54;
	[tilespmem:s23+$0xB50] =	vst v52  }
0x1fd: {  	v46 =	vld [tilespmem:s23+$0xB60];
	v19 =	vbroadcast v6, $0x9;
	v62 =	vmul.f32 v55, v54;
	[tilespmem:s23+$0xB80] =	vst v57  }
0x1fe: {  	v56 =	vld [tilespmem:s23+$0xBC0];
	v3 =	vmul.f32 v61, v54;
	[tilespmem:s23+$0xBA0] =	vst v60  }
0x1ff: {  	v58 =	vld [tilespmem:s23+$0xBD0];
	v30 =	vmul.f32 v23, v19;
	[tilespmem:s23+$0xBB0] =	vst v62  }
0x200: {  	v63 =	vld [tilespmem:s23+$0xC00];
	v7 =	vmul.f32 v26, v19;
	[tilespmem:s23+$0xBF0] =	vst v3  }
0x201: {  	v18 =	vld [tilespmem:s23+$0xC20];
	v10 =	vmul.f32 v38, v41;
	[tilespmem:s23+$0xC50] =	vst v30  }
0x202: {  	v20 =	vld [tilespmem:s23+$0xC30];
	v11 =	vmul.f32 v46, v41;
	[tilespmem:s23+$0xC70] =	vst v7  }
0x203: {  	v31 =	vld [tilespmem:s23+$0xCA0];
	v8 =	vmul.f32 v56, v54;
	[tilespmem:s23+$0xB10] =	vst v10  }
0x204: {  	v36 =	vld [tilespmem:s23+$0xCD0];
	v17 =	vmul.f32 v58, v54;
	[tilespmem:s23+$0xB60] =	vst v11  }
0x205: {  	v39 =	vld [tilespmem:s23+$0xCF0];
	v22 =	vmul.f32 v63, v19;
	[tilespmem:s23+$0xBC0] =	vst v8  }
0x206: {  	v51 =	vld [tilespmem:s23+$0xB90];
	v32 =	vbroadcast v6, $0xA;
	v25 =	vmul.f32 v18, v19;
	[tilespmem:s23+$0xBD0] =	vst v17  }
0x207: {  	v59 =	vld [tilespmem:s23+$0xBE0];
	v27 =	vmul.f32 v20, v19;
	[tilespmem:s23+$0xC00] =	vst v22  }
0x208: {  	v21 =	vld [tilespmem:s23+$0xC40];
	v38 =	vmul.f32 v31, v32;
	[tilespmem:s23+$0xC20] =	vst v25  }
0x209: {  	v28 =	vld [tilespmem:s23+$0xC80];
	v43 =	vmul.f32 v36, v32;
	[tilespmem:s23+$0xC30] =	vst v27  }
0x20a: {  	v33 =	vld [tilespmem:s23+$0xCB0];
	v2 =	vmul.f32 v39, v32;
	[tilespmem:s23+$0xCA0] =	vst v38  }
0x20b: {  	v16 =	vld [tilespmem:s23+$0xC10];
	v10 =	vmul.f32 v51, v54;
	[tilespmem:s23+$0xCD0] =	vst v43  }
0x20c: {  	v24 =	vld [tilespmem:s23+$0xC60];
	v11 =	vmul.f32 v59, v54;
	[tilespmem:s23+$0xCF0] =	vst v2  }
0x20d: {  	v44 =	vld [tilespmem:s23+$0xD20];
	v8 =	vmul.f32 v21, v19;
	[tilespmem:s23+$0xB90] =	vst v10  }
0x20e: {  	v49 =	vld [tilespmem:s23+$0xD50];
	v35 =	vmul.f32 v28, v32;
	[tilespmem:s23+$0xBE0] =	vst v11  }
0x20f: {  	v34 =	vld [tilespmem:s23+$0xCC0];
	v40 =	vmul.f32 v33, v32;
	[tilespmem:s23+$0xC40] =	vst v8  }
0x210: {  	v45 =	vbroadcast v6, $0xB;
	v41 =	vld [tilespmem:s23+$0xD00];
	v10 =	vmul.f32 v16, v19;
	[tilespmem:s23+$0xC80] =	vst v35  }
0x211: {  	v46 =	vld [tilespmem:s23+$0xD30];
	v11 =	vmul.f32 v24, v19;
	[tilespmem:s23+$0xCB0] =	vst v40  }
0x212: {  	v29 =	vld [tilespmem:s23+$0xC90];
	v51 =	vmul.f32 v44, v45;
	[tilespmem:s23+$0xC10] =	vst v10  }
0x213: {  	v37 =	vld [tilespmem:s23+$0xCE0];
	v56 =	vmul.f32 v49, v45;
	[tilespmem:s23+$0xC60] =	vst v11  }
0x214: {  	v52 =	vld [tilespmem:s23+$0xD70];
	v8 =	vmul.f32 v34, v32;
	[tilespmem:s23+$0xD20] =	vst v51  }
0x215: {  	v57 =	vld [tilespmem:s23+$0xDA0];
	v48 =	vmul.f32 v41, v45;
	[tilespmem:s23+$0xD50] =	vst v56  }
0x216: {  	v62 =	vld [tilespmem:s23+$0xDD0];
	v53 =	vmul.f32 v46, v45;
	[tilespmem:s23+$0xCC0] =	vst v8  }
0x217: {  	v30 =	vld [tilespmem:s23+$0xE70];
	v10 =	vmul.f32 v29, v32;
	[tilespmem:s23+$0xD00] =	vst v48  }
0x218: {  	v47 =	vld [tilespmem:s23+$0xD40];
	v58 =	vbroadcast v6, $0xC;
	v11 =	vmul.f32 v37, v32;
	[tilespmem:s23+$0xD30] =	vst v53  }
0x219: {  	v54 =	vld [tilespmem:s23+$0xD80];
	v3 =	vmul.f32 v52, v45;
	[tilespmem:s23+$0xC90] =	vst v10  }
0x21a: {  	v23 =	vbroadcast v6, $0xD;
	v59 =	vld [tilespmem:s23+$0xDB0];
	v16 =	vmul.f32 v57, v58;
	[tilespmem:s23+$0xCE0] =	vst v11  }
0x21b: {  	v39 =	vld [tilespmem:s23+$0xEC0];
	v21 =	vmul.f32 v62, v58;
	[tilespmem:s23+$0xD70] =	vst v3  }
0x21c: {  	v42 =	vld [tilespmem:s23+$0xD10];
	v2 =	vmul.f32 v30, v23;
	[tilespmem:s23+$0xDA0] =	vst v16  }
0x21d: {  	v50 =	vld [tilespmem:s23+$0xD60];
	v8 =	vmul.f32 v47, v45;
	[tilespmem:s23+$0xDD0] =	vst v21  }
0x21e: {  	v36 =	vbroadcast v6, $0xE;
	v17 =	vld [tilespmem:s23+$0xDF0];
	v61 =	vmul.f32 v54, v58;
	[tilespmem:s23+$0xE70] =	vst v2  }
0x21f: {  	v22 =	vld [tilespmem:s23+$0xE20];
	v18 =	vmul.f32 v59, v58;
	[tilespmem:s23+$0xD40] =	vst v8  }
0x220: {  	v27 =	vld [tilespmem:s23+$0xE50];
	v48 =	vmul.f32 v39, v36;
	[tilespmem:s23+$0xD80] =	vst v61  }
0x221: {  	v28 =	vld [tilespmem:s23+$0xE60];
	v10 =	vmul.f32 v42, v45;
	[tilespmem:s23+$0xDB0] =	vst v18  }
0x222: {  	v33 =	vld [tilespmem:s23+$0xE90];
	v11 =	vmul.f32 v50, v45;
	[tilespmem:s23+$0xEC0] =	vst v48  }
0x223: {  	v38 =	vld [tilespmem:s23+$0xEB0];
	v7 =	vmul.f32 v17, v58;
	[tilespmem:s23+$0xD10] =	vst v10  }
0x224: {  	v43 =	vld [tilespmem:s23+$0xEE0];
	v29 =	vmul.f32 v22, v23;
	[tilespmem:s23+$0xD60] =	vst v11  }
0x225: {  	v60 =	vld [tilespmem:s23+$0xDC0];
	v34 =	vmul.f32 v27, v23;
	[tilespmem:s23+$0xDF0] =	vst v7  }
0x226: {  	v19 =	vld [tilespmem:s23+$0xE00];
	v37 =	vmul.f32 v28, v23;
	[tilespmem:s23+$0xE20] =	vst v29  }
0x227: {  	v24 =	vld [tilespmem:s23+$0xE30];
	v42 =	vmul.f32 v33, v36;
	[tilespmem:s23+$0xE50] =	vst v34  }
0x228: {  	v49 =	vld [tilespmem:s23+$0xF10];
	v46 =	vmul.f32 v38, v36;
	[tilespmem:s23+$0xE60] =	vst v37  }
0x229: {  	v52 =	vmul.f32 v43, v36;
	[tilespmem:s23+$0xE90] =	vst v42  }
0x22a: {  	v55 =	vld [tilespmem:s23+$0xD90];
	v8 =	vmul.f32 v60, v58;
	[tilespmem:s23+$0xEB0] =	vst v46  }
0x22b: {  	v63 =	vld [tilespmem:s23+$0xDE0];
	v26 =	vmul.f32 v19, v23;
	[tilespmem:s23+$0xEE0] =	vst v52  }
0x22c: {  	v35 =	vld [tilespmem:s23+$0xEA0];
	v31 =	vmul.f32 v24, v23;
	[tilespmem:s23+$0xDC0] =	vst v8  }
0x22d: {  	v41 =	vld [tilespmem:s23+$0xED0];
	v56 =	vmul.f32 v49, v4;
	[tilespmem:s23+$0xE00] =	vst v26  }
0x22e: {  	v25 =	vld [tilespmem:s23+$0xE40];
	v61 =	vmul.f32 v5, v0;
	[tilespmem:s23+$0xE30] =	vst v31  }
0x22f: {  	v32 =	vld [tilespmem:s23+$0xE80];
	v10 =	vmul.f32 v55, v58;
	[tilespmem:s23+$0xF10] =	vst v56  }
0x230: {  	v51 =	vld [tilespmem:s23+$0xF20];
	v11 =	vmul.f32 v63, v58;
	[tilespmem:s21+$0xF60] =	vst v61  }
0x231: {  	v57 =	vld [tilespmem:s23+$0xF50];
	v44 =	vmul.f32 v35, v36;
	[tilespmem:s23+$0xD90] =	vst v10  }
0x232: {  	v20 =	vld [tilespmem:s23+$0xE10];
	v50 =	vmul.f32 v41, v36;
	[tilespmem:s23+$0xDE0] =	vst v11  }
0x233: {  	v47 =	vld [tilespmem:s23+$0xF00];
	v8 =	vmul.f32 v25, v23;
	[tilespmem:s23+$0xEA0] =	vst v44  }
0x234: {  	v53 =	vld [tilespmem:s23+$0xF30];
	v40 =	vmul.f32 v32, v36;
	[tilespmem:s23+$0xED0] =	vst v50  }
0x235: {  	v54 =	vld [tilespmem:s23+$0xF40];
	v58 =	vmul.f32 v51, v4;
	[tilespmem:s23+$0xE40] =	vst v8  }
0x236: {  	v59 =	vld [tilespmem:s23+$0xF60];
	v62 =	vmul.f32 v57, v4;
	[tilespmem:s23+$0xE80] =	vst v40  }
0x237: {  	v45 =	vld [tilespmem:s23+$0xEF0];
	v10 =	vmul.f32 v20, v23;
	[tilespmem:s23+$0xF20] =	vst v58  }
0x238: {  	v55 =	vmul.f32 v47, v4;
	[tilespmem:s23+$0xF50] =	vst v62  }
0x239: {  	s20 =	sshll.u32 s20, $0x5;
	v60 =	vmul.f32 v53, v4;
	[tilespmem:s23+$0xE10] =	vst v10  }
0x23a: {  	s20 =	sor.u32 s6, s20;
	v6 =	vmul.f32 v54, v4;
	[tilespmem:s23+$0xF00] =	vst v55  }
0x23b: {  	p0 =	sne.s32 s19, s7;
	s20 =	smul.u32 $0xC800, s20;
	v63 =	vmul.f32 v59, v4;
	[tilespmem:s23+$0xF30] =	vst v60  }
.Ltmp1:
0x23c: {  	v3 =	vmul.f32 v45, v36;
	[tilespmem:s23+$0xF40] =	vst v6;
	(pc) =	sbr.rel @p0 .LBB2_2-.Ltmp1, $4  }
0x23d: {  	s20 =	sshrl.u32 s20, $0x3;
	[tilespmem:s23+$0xF60] =	vst v63  }
0x23e: {  	s18 =	sadd.s32 $0x5, s18;
	s20 =	sadd.s32 s4, s20;
	[tilespmem:s23+$0xEF0] =	vst v3  }
0x23f: {  	[hbm4b:s20+s5] =	stream.linear.scatter [tilespmem:s24], [sflag:s18], $0xC800, $0x38;
	[tilespmem:$0x19780] =	vst v63  }
0x240: {  	s20 =	smov.u32 s19  }
0x241: {  	s17 =	sadd.s32 $0x1, s17  }
0x242: {  	_ =	swait.ge [sflag:s15], $0xC800;
	p0 =	sne.s32 s17, s11  }
.Ltmp2:
0x243: {  	[sflag:s15] =	ssyncset.done $0x0;
	(pc) =	sbr.rel @p0 .LBB2_1-.Ltmp2, $4  }
0x244: {  	[sflag:s15] =	ssyncadd.s32 $0xFFFF3800  }
0x245: {  	_ =	swait.ge [sflag:s16], $0xC800  }
0x246: {  	[sflag:s16] =	ssyncset.done $0x0  }
0x247: {  	[sflag:s16] =	ssyncadd.s32 $0xFFFF3800  }
0x248: {  	_ =	sfence.sel $0x180000  }
0x249: {  	[bflag:$0x0] =	sbarrier.arrive $0xFFFF  }
0x24a: {  	p0 =	sne.s32 s3, $0x0;
	_ =	strace $0x90000047  }
0x24b: {  	s0 =	sadd.s32 @!p0 $0x100000, s0;
	[bflag:$0x2] =	sbarrier.arrive $0xFFFF  }
0x24c: {  	[sflag:s0] =	ssyncadd.tile.s32 @!p0 $0x1;
	_ =	shalt  }
.Lfunc_end2:
_tile_overlayer_lowered:
.L_overlay_start_2:
0x24d: {  	(tag) =	ssettag $0x2  }
0x24e: {  	s0 =	rddreg [dreg:$0x0];
	s2 =	stileid.u32  }
0x24f: {  	s1 =	rddreg [dreg:$0x1];
	p0 =	sne.s32 s2, $0x0  }
0x250: {  	s3 =	rddreg [dreg:$0x2];
	[bflag:$0x3] =	sbarrier.arrive $0xFFFF;
	s2 =	simm.s32 @!p0 $0x1C07  }
0x251: {  	[timem:s3], [sflag:s2] =	dma.local @!p0 [hbm:s0], s1  }
0x252: {  	s0 =	simm.s32 @!p0 $0x7  }
0x253: {  	_ =	swait.ge @!p0 [sflag:s0], s1  }
0x254: {  	s1 =	ssub.s32 @!p0 $0x0, s1;
	[sflag:s0] =	ssyncset.done @!p0 $0x0  }
0x255: {  	[sflag:s0] =	ssyncadd.s32 @!p0 s1  }
0x256: {  	[bflag:$0x3] =	sbarrier.arrive $0xFFFF  }
0x257: {  	_ =	shalt  }

</sc_bundles>
